<compile_context>
chip_gen: v7x
topology: tpu7x:2x2x1
jax: 0.10.2.dev20260603
libtpu: 0.0.44.dev20260713+nightly
codegen_flags: <defaults>
</compile_context>

<pallas_src>
import jax
import jax.numpy as jnp
from jax import lax
from jax.experimental import pallas as pl
from jax.experimental.pallas import tpu as pltpu
from jax.experimental.pallas import tpu_sc as plsc

N_NODES = 10000
D = 128
E = 320000
NC = 2
NS = 16
NW = NC * NS
CH = 128
NCHUNK = E // CH
N_PAD = 10240
ROWS_PT = N_PAD // NS
DEGW = 128
N_PAIRS = 16384
P_TOT = 2 * N_PAIRS
PCH = 128
PNCH = P_TOT // (NW * PCH)


G_FULL = (NCHUNK // NW) // 2 * 2
G_ITERS = G_FULL // 2
G_LEFT = NCHUNK - G_FULL * NW


def _make_agg_body(with_deg):
  def body(h_hbm, src_hbm, dst_hbm, agg_out, *rest):
    if with_deg:
      (deg_out, sa0, sa1, da0, da1, sb0, sb1, db0, db1, rows0, rows1,
       ones1, agg_sh, deg_sh, gsem0, gsem1, ssem0, ssem1, isem0, isem1,
       dsem0, dsem1) = rest
      dsem = (dsem0, dsem1)
    else:
      (sa0, sa1, da0, da1, sb0, sb1, db0, db1, rows0, rows1, agg_sh,
       gsem0, gsem1, ssem0, ssem1, isem0, isem1) = rest
    c = lax.axis_index("c")
    s = lax.axis_index("s")
    t = s * NC + c
    zero16 = jnp.zeros((16,), jnp.float32)
    set_a = ((sa0, sa1), (da0, da1))
    set_b = ((sb0, sb1), (db0, db1))
    rows = (rows0, rows1)
    gsem = (gsem0, gsem1)
    ssem = (ssem0, ssem1)
    isem = (isem0, isem1)

    def zb(i, carry):
      rows0[i // 8, pl.ds((i % 8) * 16, 16)] = zero16
      return carry
    lax.fori_loop(0, CH * 8, zb, 0)

    zcps = []
    for i in range(ROWS_PT // CH):
      zcps.append(pltpu.async_copy(
          rows0, agg_sh.at[pl.ds(s * ROWS_PT + i * CH, CH)], gsem0))
    if with_deg:
      def zo(i, carry):
        ones1[pl.ds(i * 16, 16)] = zero16
        return carry
      lax.fori_loop(0, CH // 16, zo, 0)

      for i in range(ROWS_PT // CH):
        zcps.append(pltpu.async_copy(
            ones1, deg_sh.at[pl.ds(s * ROWS_PT + i * CH, CH)], gsem1))
    for cp in zcps:
      cp.wait()
    if with_deg:
      one16 = jnp.full((16,), 1.0, jnp.float32)

      def fo(i, carry):
        ones1[pl.ds(i * 16, 16)] = one16
        return carry
      lax.fori_loop(0, CH // 16, fo, 0)

    plsc.subcore_barrier()

    for b in range(2):
      base = (t + b * NW) * CH
      pltpu.sync_copy(src_hbm.at[pl.ds(base, CH)], set_a[0][b])
      pltpu.sync_copy(dst_hbm.at[pl.ds(base, CH)], set_a[1][b])
      pltpu.async_copy(h_hbm.at[set_a[0][b]], rows[b], gsem[b])

    def half(g, cur, nxt):
      cur_s, cur_d = cur
      nxt_s, nxt_d = nxt
      for b in range(2):
        pltpu.make_async_copy(h_hbm.at[pl.ds(0, CH)], rows[b], gsem[b]).wait()
        pltpu.async_copy(rows[b], agg_sh.at[cur_d[b]], ssem[b], add=True)
        if with_deg:
          pltpu.async_copy(ones1, deg_sh.at[cur_d[b]], dsem[b], add=True)
      for b in range(2):
        i_n = (g + 1) * 2 + b

        @pl.when(i_n < G_FULL)
        def _ld():
          base = (t + i_n * NW) * CH
          pltpu.async_copy(src_hbm.at[pl.ds(base, CH)], nxt_s[b], isem[b])
          pltpu.async_copy(dst_hbm.at[pl.ds(base, CH)], nxt_d[b], isem[b])
      for b in range(2):
        pltpu.make_async_copy(rows[b], agg_sh.at[cur_d[b]], ssem[b]).wait()
        if with_deg:
          pltpu.make_async_copy(ones1, deg_sh.at[cur_d[b]], dsem[b]).wait()
        i_n = (g + 1) * 2 + b

        @pl.when(i_n < G_FULL)
        def _gather():
          pltpu.make_async_copy(src_hbm.at[pl.ds(0, CH)], nxt_s[b], isem[b]).wait()
          pltpu.make_async_copy(dst_hbm.at[pl.ds(0, CH)], nxt_d[b], isem[b]).wait()
          pltpu.async_copy(h_hbm.at[nxt_s[b]], rows[b], gsem[b])

    def ring(g, carry):
      @pl.when(g % 2 == 0)
      def _even():
        half(g, set_a, set_b)

      @pl.when(g % 2 == 1)
      def _odd():
        half(g, set_b, set_a)
      return carry
    lax.fori_loop(0, G_ITERS, ring, 0)

    @pl.when(t < G_LEFT)
    def _tail():
      base = (t + G_FULL * NW) * CH
      pltpu.sync_copy(src_hbm.at[pl.ds(base, CH)], sa0)
      pltpu.sync_copy(dst_hbm.at[pl.ds(base, CH)], da0)
      pltpu.async_copy(h_hbm.at[sa0], rows0, gsem0).wait()
      pltpu.sync_copy(rows0, agg_sh.at[da0], add=True)
      if with_deg:
        pltpu.sync_copy(ones1, deg_sh.at[da0], add=True)

    plsc.subcore_barrier()

    n_co = ROWS_PT // CH

    def rslice(i):
      return agg_sh.at[pl.ds(s * ROWS_PT + i * CH, CH)]

    def wslice(i):
      return agg_out.at[pl.ds(c * N_PAD + s * ROWS_PT + i * CH, CH)]

    rcp = [None, None]
    wcp = [None, None]
    rcp[0] = pltpu.async_copy(rslice(0), rows0, gsem0)
    robuf = (rows0, rows1)
    for i in range(n_co):
      b = i % 2
      nb = 1 - b
      rcp[b].wait()
      wcp[b] = pltpu.async_copy(robuf[b], wslice(i), ssem[b])
      if i + 1 < n_co:
        if wcp[nb] is not None:
          wcp[nb].wait()
        rcp[nb] = pltpu.async_copy(rslice(i + 1), robuf[nb], gsem[nb])
    wcp[(n_co - 1) % 2].wait()
    if n_co > 1:
      wcp[(n_co - 2) % 2].wait()

    if with_deg:
      def cd(i, carry):
        r0 = s * ROWS_PT + i * CH
        pltpu.sync_copy(deg_sh.at[pl.ds(r0, CH)], ones1)
        pltpu.sync_copy(ones1, deg_out.at[pl.ds(c * N_PAD + r0, CH)])
        return carry
      lax.fori_loop(0, ROWS_PT // CH, cd, 0)

  return body


def _make_agg(with_deg):
  out_type = [jax.ShapeDtypeStruct((NC * N_PAD, D), jnp.float32)]
  scratch = (
      [pltpu.VMEM((CH,), jnp.int32) for _ in range(8)]
      + [pltpu.VMEM((CH, D), jnp.float32) for _ in range(2)]
  )
  if with_deg:
    out_type.append(jax.ShapeDtypeStruct((NC * N_PAD,), jnp.float32))
    scratch = scratch + [pltpu.VMEM((CH,), jnp.float32)]
  scratch = scratch + [pltpu.VMEM_SHARED((N_PAD, D), jnp.float32)]
  if with_deg:
    scratch = scratch + [pltpu.VMEM_SHARED((N_PAD,), jnp.float32)]
  scratch = scratch + [pltpu.SemaphoreType.DMA
                       for _ in range(8 if with_deg else 6)]
  return pl.kernel(
      _make_agg_body(with_deg),
      out_type=out_type,
      mesh=plsc.VectorSubcoreMesh(core_axis_name="c", subcore_axis_name="s"),
      scratch_types=scratch,
  )


_agg = _make_agg(False)
_agg_deg = _make_agg(True)


_pairs_mesh = plsc.VectorSubcoreMesh(core_axis_name="c", subcore_axis_name="s")


def _pairs_body(h_hbm, a_hbm, b_hbm, a_out, b_out,
                aidx0, aidx1, bidx0, bidx1, ra0, ra1, rb0, rb1,
                gsem0, gsem1, osem0, osem1):
  c = lax.axis_index("c")
  s = lax.axis_index("s")
  t = s * NC + c
  aidx = (aidx0, aidx1)
  bidx = (bidx0, bidx1)
  ra = (ra0, ra1)
  rb = (rb0, rb1)
  gsem = (gsem0, gsem1)
  osem = (osem0, osem1)

  def chunk_pair(g, carry):
    for b in range(2):
      i = g * 2 + b
      base = (t * PNCH + i) * PCH

      @pl.when(g > 0)
      def _drain():
        pltpu.make_async_copy(ra[b], a_out.at[pl.ds(0, PCH)], osem[b]).wait()
        pltpu.make_async_copy(rb[b], b_out.at[pl.ds(0, PCH)], osem[b]).wait()

      pltpu.sync_copy(a_hbm.at[pl.ds(base, PCH)], aidx[b])
      pltpu.sync_copy(b_hbm.at[pl.ds(base, PCH)], bidx[b])
      pltpu.async_copy(h_hbm.at[aidx[b]], ra[b], gsem[b])
      pltpu.async_copy(h_hbm.at[bidx[b]], rb[b], gsem[b])
    for b in range(2):
      i = g * 2 + b
      base = (t * PNCH + i) * PCH
      pltpu.make_async_copy(h_hbm.at[pl.ds(0, PCH)], ra[b], gsem[b]).wait()
      pltpu.make_async_copy(h_hbm.at[pl.ds(0, PCH)], rb[b], gsem[b]).wait()
      pltpu.async_copy(ra[b], a_out.at[pl.ds(base, PCH)], osem[b])
      pltpu.async_copy(rb[b], b_out.at[pl.ds(base, PCH)], osem[b])
    return carry
  lax.fori_loop(0, PNCH // 2, chunk_pair, 0)

  for b in range(2):
    pltpu.make_async_copy(ra[b], a_out.at[pl.ds(0, PCH)], osem[b]).wait()
    pltpu.make_async_copy(rb[b], b_out.at[pl.ds(0, PCH)], osem[b]).wait()


_pairs = pl.kernel(
    _pairs_body,
    out_type=[jax.ShapeDtypeStruct((P_TOT, D), jnp.float32),
              jax.ShapeDtypeStruct((P_TOT, D), jnp.float32)],
    mesh=_pairs_mesh,
    scratch_types=(
        [pltpu.VMEM((PCH,), jnp.int32) for _ in range(4)]
        + [pltpu.VMEM((PCH, D), jnp.float32) for _ in range(4)]
        + [pltpu.SemaphoreType.DMA for _ in range(4)]
    ),
)


def _layer_tc(h, parts, deg2, Ws, Wn, b, relu):
  n = h.shape[0]
  bm = 1000

  def body(h_ref, p_ref, d_ref, ws_ref, wn_ref, b_ref, o_ref):
    dcol = d_ref[0] + d_ref[1]
    hn = (p_ref[0] + p_ref[1]) / jnp.maximum(dcol, 1.0)
    acc = jnp.dot(h_ref[...], ws_ref[...], preferred_element_type=jnp.float32)
    acc = acc + jnp.dot(hn, wn_ref[...], preferred_element_type=jnp.float32)
    acc = acc + b_ref[...]
    if relu:
      acc = jnp.maximum(acc, 0.0)
    o_ref[...] = acc

  return pl.pallas_call(
      body,
      grid=(n // bm,),
      in_specs=[
          pl.BlockSpec((bm, D), lambda i: (i, 0)),
          pl.BlockSpec((NC, bm, D), lambda i: (0, i, 0)),
          pl.BlockSpec((NC, bm, 1), lambda i: (0, i, 0)),
          pl.BlockSpec((D, D), lambda i: (0, 0)),
          pl.BlockSpec((D, D), lambda i: (0, 0)),
          pl.BlockSpec((1, D), lambda i: (0, 0)),
      ],
      out_specs=pl.BlockSpec((bm, D), lambda i: (i, 0)),
      out_shape=jax.ShapeDtypeStruct((n, D), jnp.float32),
  )(h, parts, deg2, Ws, Wn, b)


def _pred_tc(arows, brows, W1, c1, W2, c2, W3p, c3p):
  m = arows.shape[0]
  bm = 4096

  def body(a_ref, b_ref, w1, b1, w2, b2, w3, b3, o_ref):
    x = a_ref[...] * b_ref[...]
    h1 = jnp.dot(x, w1[...], preferred_element_type=jnp.float32)
    h1 = jnp.maximum(h1 + b1[...], 0.0)
    h2 = jnp.dot(h1, w2[...], preferred_element_type=jnp.float32)
    h2 = jnp.maximum(h2 + b2[...], 0.0)
    o_ref[...] = jnp.dot(h2, w3[...], preferred_element_type=jnp.float32) + b3[...]

  return pl.pallas_call(
      body,
      grid=(m // bm,),
      in_specs=[
          pl.BlockSpec((bm, D), lambda i: (i, 0)),
          pl.BlockSpec((bm, D), lambda i: (i, 0)),
          pl.BlockSpec((D, D), lambda i: (0, 0)),
          pl.BlockSpec((1, D), lambda i: (0, 0)),
          pl.BlockSpec((D, D), lambda i: (0, 0)),
          pl.BlockSpec((1, D), lambda i: (0, 0)),
          pl.BlockSpec((D, 8), lambda i: (0, 0)),
          pl.BlockSpec((1, 8), lambda i: (0, 0)),
      ],
      out_specs=pl.BlockSpec((bm, 8), lambda i: (i, 0)),
      out_shape=jax.ShapeDtypeStruct((m, 8), jnp.float32),
  )(arows, brows, W1, c1, W2, c2, W3p, c3p)


def kernel(x, edge_index, pos_edge_index, neg_edge_index,
           W_self1, W_neigh1, b1, W_self2, W_neigh2, b2,
           W_self3, W_neigh3, b3,
           P1_W, P1_b, P2_W, P2_b, P3_W, P3_b):
  src = edge_index[0].astype(jnp.int32)
  dst = edge_index[1].astype(jnp.int32)

  parts1, deg1d = _agg_deg(x, src, dst)
  parts1 = parts1.reshape(NC, N_PAD, D)
  deg2 = deg1d.reshape(NC, N_PAD, 1)
  h1 = _layer_tc(x, parts1, deg2, W_self1, W_neigh1,
                 b1.reshape(1, D), relu=True)
  parts2, = _agg(h1, src, dst)
  parts2 = parts2.reshape(NC, N_PAD, D)
  h2 = _layer_tc(h1, parts2, deg2, W_self2, W_neigh2,
                 b2.reshape(1, D), relu=True)
  parts3, = _agg(h2, src, dst)
  parts3 = parts3.reshape(NC, N_PAD, D)
  h3 = _layer_tc(h2, parts3, deg2, W_self3, W_neigh3,
                 b3.reshape(1, D), relu=False)

  pair = jnp.concatenate([pos_edge_index, neg_edge_index], axis=1)
  a_idx = pair[0].astype(jnp.int32)
  b_idx = pair[1].astype(jnp.int32)
  arows, brows = _pairs(h3, a_idx, b_idx)

  W3p = jnp.pad(P3_W, ((0, 0), (0, 7)))
  c3p = jnp.pad(P3_b, (0, 7)).reshape(1, 8)
  out = _pred_tc(arows, brows, P1_W, P1_b.reshape(1, D),
                 P2_W, P2_b.reshape(1, D), W3p, c3p)
  col = out[:, 0:1]
  return (col[:N_PAIRS], col[N_PAIRS:])

# --- scband reference (transcript-rebuilt; emitter-appended) ---
"""Pipeline reference for scband-sage-3590592659701 (READ-ONLY COPY).

The authoritative reference and input builder live on the scoring server;
editing this copy changes nothing except your own understanding.
"""

import jax, jax.numpy as jnp
import numpy as np

N_NODES = 10000
N_EDGES = 320000
D_IN = 128
D_HID = 128
N_PAIRS = 16384


def _sage_layer(h, src, dst, W_self, W_neigh, b, num_nodes):
    msg = h[src]
    agg = jax.ops.segment_sum(msg, dst, num_segments=num_nodes)
    deg = jax.ops.segment_sum(jnp.ones((src.shape[0],), h.dtype), dst, num_segments=num_nodes)
    h_neigh = agg / jnp.maximum(deg, 1.0)[:, None]
    return h @ W_self + h_neigh @ W_neigh + b


def _predictor(h, P1_W, P1_b, P2_W, P2_b, P3_W, P3_b):
    h = jax.nn.relu(h @ P1_W + P1_b)
    h = jax.nn.relu(h @ P2_W + P2_b)
    return h @ P3_W + P3_b


def setup_inputs(seed: int = 0) -> dict:
    key = jax.random.key(seed)
    ks = jax.random.split(key, 24)
    inp = {}
    inp['x'] = jax.random.normal(ks[0], (N_NODES, D_IN), dtype=jnp.float32)
    inp['edge_index'] = jax.random.randint(ks[1], (2, N_EDGES), 0, N_NODES, dtype=jnp.int64)
    inp['pos_edge_index'] = jax.random.randint(ks[2], (2, N_PAIRS), 0, N_NODES, dtype=jnp.int64)
    inp['neg_edge_index'] = jax.random.randint(ks[3], (2, N_PAIRS), 0, N_NODES, dtype=jnp.int64)
    dims = [(D_IN, D_HID), (D_HID, D_HID), (D_HID, D_HID)]
    for l, (di, do) in enumerate(dims, start=1):
        inp['W_self%d' % l] = jax.random.normal(ks[3 + 3 * l], (di, do), dtype=jnp.float32) * 0.05
        inp['W_neigh%d' % l] = jax.random.normal(ks[4 + 3 * l], (di, do), dtype=jnp.float32) * 0.05
        inp['b%d' % l] = jnp.zeros((do,), dtype=jnp.float32)
    inp['P1_W'] = jax.random.normal(ks[16], (D_HID, D_HID), dtype=jnp.float32) * 0.05
    inp['P1_b'] = jnp.zeros((D_HID,), dtype=jnp.float32)
    inp['P2_W'] = jax.random.normal(ks[17], (D_HID, D_HID), dtype=jnp.float32) * 0.05
    inp['P2_b'] = jnp.zeros((D_HID,), dtype=jnp.float32)
    inp['P3_W'] = jax.random.normal(ks[18], (D_HID, 1), dtype=jnp.float32) * 0.05
    inp['P3_b'] = jnp.zeros((1,), dtype=jnp.float32)
    return inp


def reference(x, edge_index, pos_edge_index, neg_edge_index,
              W_self1, W_neigh1, b1, W_self2, W_neigh2, b2, W_self3, W_neigh3, b3,
              P1_W, P1_b, P2_W, P2_b, P3_W, P3_b):
    num_nodes = x.shape[0]
    src, dst = edge_index[0], edge_index[1]
    h = _sage_layer(x, src, dst, W_self1, W_neigh1, b1, num_nodes)
    h = jax.nn.relu(h)
    h = _sage_layer(h, src, dst, W_self2, W_neigh2, b2, num_nodes)
    h = jax.nn.relu(h)
    h = _sage_layer(h, src, dst, W_self3, W_neigh3, b3, num_nodes)
    h_pos = _predictor(h[pos_edge_index[0]] * h[pos_edge_index[1]], P1_W, P1_b, P2_W, P2_b, P3_W, P3_b)
    h_neg = _predictor(h[neg_edge_index[0]] * h[neg_edge_index[1]], P1_W, P1_b, P2_W, P2_b, P3_W, P3_b)
    return (h_pos, h_neg)

if __name__ == "__main__":
    import jax
    _d = setup_inputs()
    print(jax.jit(kernel)(*tuple(_d.values())))

</pallas_src>

<mosaic_0001>
#map = affine_map<(d0, d1) -> (0, 0)>
#map1 = affine_map<(d0, d1) -> (0)>
module attributes {stable_mosaic.version = 14 : i64} {
  func.func @body(%arg0: i32, %arg1: i32, %arg2: memref<10000x128xf32, #tpu.memory_space<hbm>>, %arg3: memref<320000xi32, #tpu.memory_space<hbm>>, %arg4: memref<320000xi32, #tpu.memory_space<hbm>>, %arg5: memref<20480x128xf32, #tpu.memory_space<hbm>>, %arg6: memref<20480xf32, #tpu.memory_space<hbm>>, %arg7: memref<128xi32, #tpu.memory_space<vmem>>, %arg8: memref<128xi32, #tpu.memory_space<vmem>>, %arg9: memref<128xi32, #tpu.memory_space<vmem>>, %arg10: memref<128xi32, #tpu.memory_space<vmem>>, %arg11: memref<128xi32, #tpu.memory_space<vmem>>, %arg12: memref<128xi32, #tpu.memory_space<vmem>>, %arg13: memref<128xi32, #tpu.memory_space<vmem>>, %arg14: memref<128xi32, #tpu.memory_space<vmem>>, %arg15: memref<128x128xf32, #tpu.memory_space<vmem>>, %arg16: memref<128x128xf32, #tpu.memory_space<vmem>>, %arg17: memref<128xf32, #tpu.memory_space<vmem>>, %arg18: memref<10240x128xf32, #tpu.memory_space<vmem_shared>>, %arg19: memref<10240xf32, #tpu.memory_space<vmem_shared>>, %arg20: memref<!tpu.dma_semaphore, #tpu.memory_space<semaphore_mem>>, %arg21: memref<!tpu.dma_semaphore, #tpu.memory_space<semaphore_mem>>, %arg22: memref<!tpu.dma_semaphore, #tpu.memory_space<semaphore_mem>>, %arg23: memref<!tpu.dma_semaphore, #tpu.memory_space<semaphore_mem>>, %arg24: memref<!tpu.dma_semaphore, #tpu.memory_space<semaphore_mem>>, %arg25: memref<!tpu.dma_semaphore, #tpu.memory_space<semaphore_mem>>, %arg26: memref<!tpu.dma_semaphore, #tpu.memory_space<semaphore_mem>>, %arg27: memref<!tpu.dma_semaphore, #tpu.memory_space<semaphore_mem>>) attributes {dimension_semantics = [#tpu.dimension_semantics<core_parallel>, #tpu.dimension_semantics<subcore_parallel>], iteration_bounds = array<i64: 2, 16>, scalar_prefetch = 0 : i64, scratch_operands = 21 : i64, tpu.core_type = #tpu.core_type<sc_vector_subcore>, window_params = [{transform_indices = #map}, {transform_indices = #map1}, {transform_indices = #map1}, {transform_indices = #map}, {transform_indices = #map1}]} {
    %mul3A = arith.constant 2 : i32
    %mul3A_0 = arith.muli %arg1, %mul3A : i32
    %add3A = arith.addi %mul3A_0, %arg0 : i32
    %broadcast_in_dim3A = arith.constant 0.000000e+00 : f32
    %broadcast_in_dim3A_1 = vector.broadcast %broadcast_in_dim3A : f32 to vector<16xf32>
    %scan3A = arith.constant 0 : i32
    %scan3A_2 = arith.constant 0 : i32
    %scan3A_3 = arith.constant 1024 : i32
    %scan3A_4 = arith.addi %scan3A_2, %scan3A_3 : i32
    %scan3A_5 = arith.constant 1 : i32
    scf.for %scan3A_283 = %scan3A_2 to %scan3A_4 step %scan3A_5  : i32 {
      %jit3A = arith.constant 8 : i32
      %div3A = arith.divsi %scan3A_283, %jit3A : i32
      %sign3A = arith.constant 0 : i32
      %sign3A_284 = arith.cmpi sgt, %scan3A_283, %sign3A : i32
      %sign3A_285 = arith.extui %sign3A_284 : i1 to i32
      %sign3A_286 = arith.constant 0 : i32
      %sign3A_287 = arith.cmpi slt, %scan3A_283, %sign3A_286 : i32
      %sign3A_288 = arith.extui %sign3A_287 : i1 to i32
      %sign3A_289 = arith.subi %sign3A_285, %sign3A_288 : i32
      %sign3A_290 = arith.constant 0 : i32
      %sign3A_291 = arith.cmpi sgt, %jit3A, %sign3A_290 : i32
      %sign3A_292 = arith.extui %sign3A_291 : i1 to i32
      %sign3A_293 = arith.constant 0 : i32
      %sign3A_294 = arith.cmpi slt, %jit3A, %sign3A_293 : i32
      %sign3A_295 = arith.extui %sign3A_294 : i1 to i32
      %sign3A_296 = arith.subi %sign3A_292, %sign3A_295 : i32
      %ne3A = arith.cmpi ne, %sign3A_289, %sign3A_296 : i32
      %rem3A = arith.remsi %scan3A_283, %jit3A : i32
      %ne3A_297 = arith.constant 0 : i32
      %ne3A_298 = arith.cmpi ne, %rem3A, %ne3A_297 : i32
      %and3A = arith.andi %ne3A, %ne3A_298 : i1
      %sub3A = arith.constant 1 : i32
      %sub3A_299 = arith.subi %div3A, %sub3A : i32
      %select_n3A = arith.select %and3A, %sub3A_299, %div3A : i32
      %jit3A_300 = arith.constant 8 : i32
      %eq3A = arith.constant 0 : i32
      %eq3A_301 = arith.cmpi eq, %jit3A_300, %eq3A : i32
      %jit3A_302 = arith.constant 1 : i32
      %select_n3A_303 = arith.select %eq3A_301, %jit3A_302, %jit3A_300 : i32
      %rem3A_304 = arith.remsi %scan3A_283, %select_n3A_303 : i32
      %ne3A_305 = arith.constant 0 : i32
      %ne3A_306 = arith.cmpi ne, %rem3A_304, %ne3A_305 : i32
      %lt3A_307 = arith.constant 0 : i32
      %lt3A_308 = arith.cmpi slt, %rem3A_304, %lt3A_307 : i32
      %lt3A_309 = arith.constant 0 : i32
      %lt3A_310 = arith.cmpi slt, %select_n3A_303, %lt3A_309 : i32
      %ne3A_311 = arith.xori %lt3A_308, %lt3A_310 : i1
      %and3A_312 = arith.andi %ne3A_311, %ne3A_306 : i1
      %add3A_313 = arith.addi %rem3A_304, %select_n3A_303 : i32
      %select_n3A_314 = arith.select %and3A_312, %add3A_313, %rem3A_304 : i32
      %mul3A_315 = arith.constant 16 : i32
      %mul3A_316 = arith.muli %select_n3A_314, %mul3A_315 : i32
      %swap3A = arith.index_cast %select_n3A : i32 to index
      %swap3A_317 = arith.index_cast %mul3A_316 : i32 to index
      %swap3A_318 = tpu.vector_load %arg15[%swap3A, %swap3A_317] {strides = array<i32>} : memref<128x128xf32, #tpu.memory_space<vmem>>, vector<1x16xf32>,
      %swap3A_319 = vector.shape_cast %swap3A_318 : vector<1x16xf32> to vector<16xf32>
      %swap3A_320 = vector.shape_cast %broadcast_in_dim3A_1 : vector<16xf32> to vector<1x16xf32>
      tpu.vector_store %arg15[%swap3A, %swap3A_317], %swap3A_320 {strides = array<i32>} : memref<128x128xf32, #tpu.memory_space<vmem>>, vector<1x16xf32>,
    }
    %scan3A_6 = arith.constant 1024 : i32
    %mul3A_7 = arith.constant 640 : i32
    %mul3A_8 = arith.muli %arg1, %mul3A_7 : i32
    %add3A_9 = arith.constant 0 : i32
    %add3A_10 = arith.addi %mul3A_8, %add3A_9 : i32
    %dma_start3A = arith.constant 0 : i32
    %dma_start3A_11 = tpu.memref_slice %arg18[%add3A_10, %dma_start3A] : memref<10240x128xf32, #tpu.memory_space<vmem_shared>> -> memref<128x128xf32, #tpu.memory_space<vmem_shared>>
    %dma_start3A_12 = arith.constant 0 : i32
    %dma_start3A_13 = tpu.memref_slice %arg18[%add3A_10, %dma_start3A_12] : memref<10240x128xf32, #tpu.memory_space<vmem_shared>> -> memref<128x128xf32, #tpu.memory_space<vmem_shared>>
    tpu.enqueue_dma source(%arg15 : memref<128x128xf32, #tpu.memory_space<vmem>>) target(%dma_start3A_13 : memref<128x128xf32, #tpu.memory_space<vmem_shared>>) target_semaphore(%arg20 : memref<!tpu.dma_semaphore, #tpu.memory_space<semaphore_mem>>)
    %mul3A_14 = arith.constant 640 : i32
    %mul3A_15 = arith.muli %arg1, %mul3A_14 : i32
    %add3A_16 = arith.constant 128 : i32
    %add3A_17 = arith.addi %mul3A_15, %add3A_16 : i32
    %dma_start3A_18 = arith.constant 0 : i32
    %dma_start3A_19 = tpu.memref_slice %arg18[%add3A_17, %dma_start3A_18] : memref<10240x128xf32, #tpu.memory_space<vmem_shared>> -> memref<128x128xf32, #tpu.memory_space<vmem_shared>>
    %dma_start3A_20 = arith.constant 0 : i32
    %dma_start3A_21 = tpu.memref_slice %arg18[%add3A_17, %dma_start3A_20] : memref<10240x128xf32, #tpu.memory_space<vmem_shared>> -> memref<128x128xf32, #tpu.memory_space<vmem_shared>>
    tpu.enqueue_dma source(%arg15 : memref<128x128xf32, #tpu.memory_space<vmem>>) target(%dma_start3A_21 : memref<128x128xf32, #tpu.memory_space<vmem_shared>>) target_semaphore(%arg20 : memref<!tpu.dma_semaphore, #tpu.memory_space<semaphore_mem>>)
    %mul3A_22 = arith.constant 640 : i32
    %mul3A_23 = arith.muli %arg1, %mul3A_22 : i32
    %add3A_24 = arith.constant 256 : i32
    %add3A_25 = arith.addi %mul3A_23, %add3A_24 : i32
    %dma_start3A_26 = arith.constant 0 : i32
    %dma_start3A_27 = tpu.memref_slice %arg18[%add3A_25, %dma_start3A_26] : memref<10240x128xf32, #tpu.memory_space<vmem_shared>> -> memref<128x128xf32, #tpu.memory_space<vmem_shared>>
    %dma_start3A_28 = arith.constant 0 : i32
    %dma_start3A_29 = tpu.memref_slice %arg18[%add3A_25, %dma_start3A_28] : memref<10240x128xf32, #tpu.memory_space<vmem_shared>> -> memref<128x128xf32, #tpu.memory_space<vmem_shared>>
    tpu.enqueue_dma source(%arg15 : memref<128x128xf32, #tpu.memory_space<vmem>>) target(%dma_start3A_29 : memref<128x128xf32, #tpu.memory_space<vmem_shared>>) target_semaphore(%arg20 : memref<!tpu.dma_semaphore, #tpu.memory_space<semaphore_mem>>)
    %mul3A_30 = arith.constant 640 : i32
    %mul3A_31 = arith.muli %arg1, %mul3A_30 : i32
    %add3A_32 = arith.constant 384 : i32
    %add3A_33 = arith.addi %mul3A_31, %add3A_32 : i32
    %dma_start3A_34 = arith.constant 0 : i32
    %dma_start3A_35 = tpu.memref_slice %arg18[%add3A_33, %dma_start3A_34] : memref<10240x128xf32, #tpu.memory_space<vmem_shared>> -> memref<128x128xf32, #tpu.memory_space<vmem_shared>>
    %dma_start3A_36 = arith.constant 0 : i32
    %dma_start3A_37 = tpu.memref_slice %arg18[%add3A_33, %dma_start3A_36] : memref<10240x128xf32, #tpu.memory_space<vmem_shared>> -> memref<128x128xf32, #tpu.memory_space<vmem_shared>>
    tpu.enqueue_dma source(%arg15 : memref<128x128xf32, #tpu.memory_space<vmem>>) target(%dma_start3A_37 : memref<128x128xf32, #tpu.memory_space<vmem_shared>>) target_semaphore(%arg20 : memref<!tpu.dma_semaphore, #tpu.memory_space<semaphore_mem>>)
    %mul3A_38 = arith.constant 640 : i32
    %mul3A_39 = arith.muli %arg1, %mul3A_38 : i32
    %add3A_40 = arith.constant 512 : i32
    %add3A_41 = arith.addi %mul3A_39, %add3A_40 : i32
    %dma_start3A_42 = arith.constant 0 : i32
    %dma_start3A_43 = tpu.memref_slice %arg18[%add3A_41, %dma_start3A_42] : memref<10240x128xf32, #tpu.memory_space<vmem_shared>> -> memref<128x128xf32, #tpu.memory_space<vmem_shared>>
    %dma_start3A_44 = arith.constant 0 : i32
    %dma_start3A_45 = tpu.memref_slice %arg18[%add3A_41, %dma_start3A_44] : memref<10240x128xf32, #tpu.memory_space<vmem_shared>> -> memref<128x128xf32, #tpu.memory_space<vmem_shared>>
    tpu.enqueue_dma source(%arg15 : memref<128x128xf32, #tpu.memory_space<vmem>>) target(%dma_start3A_45 : memref<128x128xf32, #tpu.memory_space<vmem_shared>>) target_semaphore(%arg20 : memref<!tpu.dma_semaphore, #tpu.memory_space<semaphore_mem>>)
    %scan3A_46 = arith.constant 0 : i32
    %scan3A_47 = arith.constant 0 : i32
    %scan3A_48 = arith.constant 8 : i32
    %scan3A_49 = arith.addi %scan3A_47, %scan3A_48 : i32
    %scan3A_50 = arith.constant 1 : i32
    scf.for %scan3A_283 = %scan3A_47 to %scan3A_49 step %scan3A_50  : i32 {
      %mul3A_284 = arith.constant 16 : i32
      %mul3A_285 = arith.muli %scan3A_283, %mul3A_284 : i32
      %swap3A = arith.index_cast %mul3A_285 : i32 to index
      %swap3A_286 = tpu.vector_load %arg17[%swap3A] {strides = array<i32>} : memref<128xf32, #tpu.memory_space<vmem>>, vector<16xf32>,
      %swap3A_287 = vector.shape_cast %swap3A_286 : vector<16xf32> to vector<16xf32>
      %swap3A_288 = vector.shape_cast %broadcast_in_dim3A_1 : vector<16xf32> to vector<16xf32>
      tpu.vector_store %arg17[%swap3A], %swap3A_288 {strides = array<i32>} : memref<128xf32, #tpu.memory_space<vmem>>, vector<16xf32>,
    }
    %scan3A_51 = arith.constant 8 : i32
    %mul3A_52 = arith.constant 640 : i32
    %mul3A_53 = arith.muli %arg1, %mul3A_52 : i32
    %add3A_54 = arith.constant 0 : i32
    %add3A_55 = arith.addi %mul3A_53, %add3A_54 : i32
    %dma_start3A_56 = tpu.memref_slice %arg19[%add3A_55] : memref<10240xf32, #tpu.memory_space<vmem_shared>> -> memref<128xf32, #tpu.memory_space<vmem_shared>>
    %dma_start3A_57 = tpu.memref_slice %arg19[%add3A_55] : memref<10240xf32, #tpu.memory_space<vmem_shared>> -> memref<128xf32, #tpu.memory_space<vmem_shared>>
    tpu.enqueue_dma source(%arg17 : memref<128xf32, #tpu.memory_space<vmem>>) target(%dma_start3A_57 : memref<128xf32, #tpu.memory_space<vmem_shared>>) target_semaphore(%arg21 : memref<!tpu.dma_semaphore, #tpu.memory_space<semaphore_mem>>)
    %mul3A_58 = arith.constant 640 : i32
    %mul3A_59 = arith.muli %arg1, %mul3A_58 : i32
    %add3A_60 = arith.constant 128 : i32
    %add3A_61 = arith.addi %mul3A_59, %add3A_60 : i32
    %dma_start3A_62 = tpu.memref_slice %arg19[%add3A_61] : memref<10240xf32, #tpu.memory_space<vmem_shared>> -> memref<128xf32, #tpu.memory_space<vmem_shared>>
    %dma_start3A_63 = tpu.memref_slice %arg19[%add3A_61] : memref<10240xf32, #tpu.memory_space<vmem_shared>> -> memref<128xf32, #tpu.memory_space<vmem_shared>>
    tpu.enqueue_dma source(%arg17 : memref<128xf32, #tpu.memory_space<vmem>>) target(%dma_start3A_63 : memref<128xf32, #tpu.memory_space<vmem_shared>>) target_semaphore(%arg21 : memref<!tpu.dma_semaphore, #tpu.memory_space<semaphore_mem>>)
    %mul3A_64 = arith.constant 640 : i32
    %mul3A_65 = arith.muli %arg1, %mul3A_64 : i32
    %add3A_66 = arith.constant 256 : i32
    %add3A_67 = arith.addi %mul3A_65, %add3A_66 : i32
    %dma_start3A_68 = tpu.memref_slice %arg19[%add3A_67] : memref<10240xf32, #tpu.memory_space<vmem_shared>> -> memref<128xf32, #tpu.memory_space<vmem_shared>>
    %dma_start3A_69 = tpu.memref_slice %arg19[%add3A_67] : memref<10240xf32, #tpu.memory_space<vmem_shared>> -> memref<128xf32, #tpu.memory_space<vmem_shared>>
    tpu.enqueue_dma source(%arg17 : memref<128xf32, #tpu.memory_space<vmem>>) target(%dma_start3A_69 : memref<128xf32, #tpu.memory_space<vmem_shared>>) target_semaphore(%arg21 : memref<!tpu.dma_semaphore, #tpu.memory_space<semaphore_mem>>)
    %mul3A_70 = arith.constant 640 : i32
    %mul3A_71 = arith.muli %arg1, %mul3A_70 : i32
    %add3A_72 = arith.constant 384 : i32
    %add3A_73 = arith.addi %mul3A_71, %add3A_72 : i32
    %dma_start3A_74 = tpu.memref_slice %arg19[%add3A_73] : memref<10240xf32, #tpu.memory_space<vmem_shared>> -> memref<128xf32, #tpu.memory_space<vmem_shared>>
    %dma_start3A_75 = tpu.memref_slice %arg19[%add3A_73] : memref<10240xf32, #tpu.memory_space<vmem_shared>> -> memref<128xf32, #tpu.memory_space<vmem_shared>>
    tpu.enqueue_dma source(%arg17 : memref<128xf32, #tpu.memory_space<vmem>>) target(%dma_start3A_75 : memref<128xf32, #tpu.memory_space<vmem_shared>>) target_semaphore(%arg21 : memref<!tpu.dma_semaphore, #tpu.memory_space<semaphore_mem>>)
    %mul3A_76 = arith.constant 640 : i32
    %mul3A_77 = arith.muli %arg1, %mul3A_76 : i32
    %add3A_78 = arith.constant 512 : i32
    %add3A_79 = arith.addi %mul3A_77, %add3A_78 : i32
    %dma_start3A_80 = tpu.memref_slice %arg19[%add3A_79] : memref<10240xf32, #tpu.memory_space<vmem_shared>> -> memref<128xf32, #tpu.memory_space<vmem_shared>>
    %dma_start3A_81 = tpu.memref_slice %arg19[%add3A_79] : memref<10240xf32, #tpu.memory_space<vmem_shared>> -> memref<128xf32, #tpu.memory_space<vmem_shared>>
    tpu.enqueue_dma source(%arg17 : memref<128xf32, #tpu.memory_space<vmem>>) target(%dma_start3A_81 : memref<128xf32, #tpu.memory_space<vmem_shared>>) target_semaphore(%arg21 : memref<!tpu.dma_semaphore, #tpu.memory_space<semaphore_mem>>)
    %dma_wait3A = arith.constant 0 : i32
    %dma_wait3A_82 = tpu.memref_slice %arg18[%add3A_10, %dma_wait3A] : memref<10240x128xf32, #tpu.memory_space<vmem_shared>> -> memref<128x128xf32, #tpu.memory_space<vmem_shared>>
    %dma_wait3A_83 = arith.constant 0 : i32
    %dma_wait3A_84 = tpu.memref_slice %arg18[%add3A_10, %dma_wait3A_83] : memref<10240x128xf32, #tpu.memory_space<vmem_shared>> -> memref<128x128xf32, #tpu.memory_space<vmem_shared>>
    tpu.wait_dma2 semaphore(%arg20 : memref<!tpu.dma_semaphore, #tpu.memory_space<semaphore_mem>>) src(%arg15 : memref<128x128xf32, #tpu.memory_space<vmem>>) dst(%dma_wait3A_84 : memref<128x128xf32, #tpu.memory_space<vmem_shared>>)
    %dma_wait3A_85 = arith.constant 0 : i32
    %dma_wait3A_86 = tpu.memref_slice %arg18[%add3A_17, %dma_wait3A_85] : memref<10240x128xf32, #tpu.memory_space<vmem_shared>> -> memref<128x128xf32, #tpu.memory_space<vmem_shared>>
    %dma_wait3A_87 = arith.constant 0 : i32
    %dma_wait3A_88 = tpu.memref_slice %arg18[%add3A_17, %dma_wait3A_87] : memref<10240x128xf32, #tpu.memory_space<vmem_shared>> -> memref<128x128xf32, #tpu.memory_space<vmem_shared>>
    tpu.wait_dma2 semaphore(%arg20 : memref<!tpu.dma_semaphore, #tpu.memory_space<semaphore_mem>>) src(%arg15 : memref<128x128xf32, #tpu.memory_space<vmem>>) dst(%dma_wait3A_88 : memref<128x128xf32, #tpu.memory_space<vmem_shared>>)
    %dma_wait3A_89 = arith.constant 0 : i32
    %dma_wait3A_90 = tpu.memref_slice %arg18[%add3A_25, %dma_wait3A_89] : memref<10240x128xf32, #tpu.memory_space<vmem_shared>> -> memref<128x128xf32, #tpu.memory_space<vmem_shared>>
    %dma_wait3A_91 = arith.constant 0 : i32
    %dma_wait3A_92 = tpu.memref_slice %arg18[%add3A_25, %dma_wait3A_91] : memref<10240x128xf32, #tpu.memory_space<vmem_shared>> -> memref<128x128xf32, #tpu.memory_space<vmem_shared>>
    tpu.wait_dma2 semaphore(%arg20 : memref<!tpu.dma_semaphore, #tpu.memory_space<semaphore_mem>>) src(%arg15 : memref<128x128xf32, #tpu.memory_space<vmem>>) dst(%dma_wait3A_92 : memref<128x128xf32, #tpu.memory_space<vmem_shared>>)
    %dma_wait3A_93 = arith.constant 0 : i32
    %dma_wait3A_94 = tpu.memref_slice %arg18[%add3A_33, %dma_wait3A_93] : memref<10240x128xf32, #tpu.memory_space<vmem_shared>> -> memref<128x128xf32, #tpu.memory_space<vmem_shared>>
    %dma_wait3A_95 = arith.constant 0 : i32
    %dma_wait3A_96 = tpu.memref_slice %arg18[%add3A_33, %dma_wait3A_95] : memref<10240x128xf32, #tpu.memory_space<vmem_shared>> -> memref<128x128xf32, #tpu.memory_space<vmem_shared>>
    tpu.wait_dma2 semaphore(%arg20 : memref<!tpu.dma_semaphore, #tpu.memory_space<semaphore_mem>>) src(%arg15 : memref<128x128xf32, #tpu.memory_space<vmem>>) dst(%dma_wait3A_96 : memref<128x128xf32, #tpu.memory_space<vmem_shared>>)
    %dma_wait3A_97 = arith.constant 0 : i32
    %dma_wait3A_98 = tpu.memref_slice %arg18[%add3A_41, %dma_wait3A_97] : memref<10240x128xf32, #tpu.memory_space<vmem_shared>> -> memref<128x128xf32, #tpu.memory_space<vmem_shared>>
    %dma_wait3A_99 = arith.constant 0 : i32
    %dma_wait3A_100 = tpu.memref_slice %arg18[%add3A_41, %dma_wait3A_99] : memref<10240x128xf32, #tpu.memory_space<vmem_shared>> -> memref<128x128xf32, #tpu.memory_space<vmem_shared>>
    tpu.wait_dma2 semaphore(%arg20 : memref<!tpu.dma_semaphore, #tpu.memory_space<semaphore_mem>>) src(%arg15 : memref<128x128xf32, #tpu.memory_space<vmem>>) dst(%dma_wait3A_100 : memref<128x128xf32, #tpu.memory_space<vmem_shared>>)
    %dma_wait3A_101 = tpu.memref_slice %arg19[%add3A_55] : memref<10240xf32, #tpu.memory_space<vmem_shared>> -> memref<128xf32, #tpu.memory_space<vmem_shared>>
    %dma_wait3A_102 = tpu.memref_slice %arg19[%add3A_55] : memref<10240xf32, #tpu.memory_space<vmem_shared>> -> memref<128xf32, #tpu.memory_space<vmem_shared>>
    tpu.wait_dma2 semaphore(%arg21 : memref<!tpu.dma_semaphore, #tpu.memory_space<semaphore_mem>>) src(%arg17 : memref<128xf32, #tpu.memory_space<vmem>>) dst(%dma_wait3A_102 : memref<128xf32, #tpu.memory_space<vmem_shared>>)
    %dma_wait3A_103 = tpu.memref_slice %arg19[%add3A_61] : memref<10240xf32, #tpu.memory_space<vmem_shared>> -> memref<128xf32, #tpu.memory_space<vmem_shared>>
    %dma_wait3A_104 = tpu.memref_slice %arg19[%add3A_61] : memref<10240xf32, #tpu.memory_space<vmem_shared>> -> memref<128xf32, #tpu.memory_space<vmem_shared>>
    tpu.wait_dma2 semaphore(%arg21 : memref<!tpu.dma_semaphore, #tpu.memory_space<semaphore_mem>>) src(%arg17 : memref<128xf32, #tpu.memory_space<vmem>>) dst(%dma_wait3A_104 : memref<128xf32, #tpu.memory_space<vmem_shared>>)
    %dma_wait3A_105 = tpu.memref_slice %arg19[%add3A_67] : memref<10240xf32, #tpu.memory_space<vmem_shared>> -> memref<128xf32, #tpu.memory_space<vmem_shared>>
    %dma_wait3A_106 = tpu.memref_slice %arg19[%add3A_67] : memref<10240xf32, #tpu.memory_space<vmem_shared>> -> memref<128xf32, #tpu.memory_space<vmem_shared>>
    tpu.wait_dma2 semaphore(%arg21 : memref<!tpu.dma_semaphore, #tpu.memory_space<semaphore_mem>>) src(%arg17 : memref<128xf32, #tpu.memory_space<vmem>>) dst(%dma_wait3A_106 : memref<128xf32, #tpu.memory_space<vmem_shared>>)
    %dma_wait3A_107 = tpu.memref_slice %arg19[%add3A_73] : memref<10240xf32, #tpu.memory_space<vmem_shared>> -> memref<128xf32, #tpu.memory_space<vmem_shared>>
    %dma_wait3A_108 = tpu.memref_slice %arg19[%add3A_73] : memref<10240xf32, #tpu.memory_space<vmem_shared>> -> memref<128xf32, #tpu.memory_space<vmem_shared>>
    tpu.wait_dma2 semaphore(%arg21 : memref<!tpu.dma_semaphore, #tpu.memory_space<semaphore_mem>>) src(%arg17 : memref<128xf32, #tpu.memory_space<vmem>>) dst(%dma_wait3A_108 : memref<128xf32, #tpu.memory_space<vmem_shared>>)
    %dma_wait3A_109 = tpu.memref_slice %arg19[%add3A_79] : memref<10240xf32, #tpu.memory_space<vmem_shared>> -> memref<128xf32, #tpu.memory_space<vmem_shared>>
    %dma_wait3A_110 = tpu.memref_slice %arg19[%add3A_79] : memref<10240xf32, #tpu.memory_space<vmem_shared>> -> memref<128xf32, #tpu.memory_space<vmem_shared>>
    tpu.wait_dma2 semaphore(%arg21 : memref<!tpu.dma_semaphore, #tpu.memory_space<semaphore_mem>>) src(%arg17 : memref<128xf32, #tpu.memory_space<vmem>>) dst(%dma_wait3A_110 : memref<128xf32, #tpu.memory_space<vmem_shared>>)
    %broadcast_in_dim3A_111 = arith.constant 1.000000e+00 : f32
    %broadcast_in_dim3A_112 = vector.broadcast %broadcast_in_dim3A_111 : f32 to vector<16xf32>
    %scan3A_113 = arith.constant 0 : i32
    %scan3A_114 = arith.constant 0 : i32
    %scan3A_115 = arith.constant 8 : i32
    %scan3A_116 = arith.addi %scan3A_114, %scan3A_115 : i32
    %scan3A_117 = arith.constant 1 : i32
    scf.for %scan3A_283 = %scan3A_114 to %scan3A_116 step %scan3A_117  : i32 {
      %mul3A_284 = arith.constant 16 : i32
      %mul3A_285 = arith.muli %scan3A_283, %mul3A_284 : i32
      %swap3A = arith.index_cast %mul3A_285 : i32 to index
      %swap3A_286 = tpu.vector_load %arg17[%swap3A] {strides = array<i32>} : memref<128xf32, #tpu.memory_space<vmem>>, vector<16xf32>,
      %swap3A_287 = vector.shape_cast %swap3A_286 : vector<16xf32> to vector<16xf32>
      %swap3A_288 = vector.shape_cast %broadcast_in_dim3A_112 : vector<16xf32> to vector<16xf32>
      tpu.vector_store %arg17[%swap3A], %swap3A_288 {strides = array<i32>} : memref<128xf32, #tpu.memory_space<vmem>>, vector<16xf32>,
    }
    %scan3A_118 = arith.constant 8 : i32
    %barrier3A = arith.constant 0 : index
    tpu.barrier barrier_id(%barrier3A)
    %add3A_119 = arith.constant 0 : i32
    %add3A_120 = arith.addi %add3A, %add3A_119 : i32
    %mul3A_121 = arith.constant 128 : i32
    %mul3A_122 = arith.muli %add3A_120, %mul3A_121 : i32
    "tpu.region"() ({
      %run_scoped3A = tpu.sem_alloc : memref<!tpu.dma_semaphore, #tpu.memory_space<semaphore_mem>>
      %dma_start3A_283 = tpu.memref_slice %arg3[%mul3A_122] : memref<320000xi32, #tpu.memory_space<hbm>> -> memref<128xi32, #tpu.memory_space<hbm>>
      %dma_start3A_284 = tpu.memref_slice %arg3[%mul3A_122] : memref<320000xi32, #tpu.memory_space<hbm>> -> memref<128xi32, #tpu.memory_space<hbm>>
      tpu.enqueue_dma source(%dma_start3A_284 : memref<128xi32, #tpu.memory_space<hbm>>) target(%arg7 : memref<128xi32, #tpu.memory_space<vmem>>) target_semaphore(%run_scoped3A : memref<!tpu.dma_semaphore, #tpu.memory_space<semaphore_mem>>)
      %dma_wait3A_285 = tpu.memref_slice %arg3[%mul3A_122] : memref<320000xi32, #tpu.memory_space<hbm>> -> memref<128xi32, #tpu.memory_space<hbm>>
      %dma_wait3A_286 = tpu.memref_slice %arg3[%mul3A_122] : memref<320000xi32, #tpu.memory_space<hbm>> -> memref<128xi32, #tpu.memory_space<hbm>>
      tpu.wait_dma2 semaphore(%run_scoped3A : memref<!tpu.dma_semaphore, #tpu.memory_space<semaphore_mem>>) src(%dma_wait3A_286 : memref<128xi32, #tpu.memory_space<hbm>>) dst(%arg7 : memref<128xi32, #tpu.memory_space<vmem>>)
      tpu.yield
    }) : () -> ()
    "tpu.region"() ({
      %run_scoped3A = tpu.sem_alloc : memref<!tpu.dma_semaphore, #tpu.memory_space<semaphore_mem>>
      %dma_start3A_283 = tpu.memref_slice %arg4[%mul3A_122] : memref<320000xi32, #tpu.memory_space<hbm>> -> memref<128xi32, #tpu.memory_space<hbm>>
      %dma_start3A_284 = tpu.memref_slice %arg4[%mul3A_122] : memref<320000xi32, #tpu.memory_space<hbm>> -> memref<128xi32, #tpu.memory_space<hbm>>
      tpu.enqueue_dma source(%dma_start3A_284 : memref<128xi32, #tpu.memory_space<hbm>>) target(%arg9 : memref<128xi32, #tpu.memory_space<vmem>>) target_semaphore(%run_scoped3A : memref<!tpu.dma_semaphore, #tpu.memory_space<semaphore_mem>>)
      %dma_wait3A_285 = tpu.memref_slice %arg4[%mul3A_122] : memref<320000xi32, #tpu.memory_space<hbm>> -> memref<128xi32, #tpu.memory_space<hbm>>
      %dma_wait3A_286 = tpu.memref_slice %arg4[%mul3A_122] : memref<320000xi32, #tpu.memory_space<hbm>> -> memref<128xi32, #tpu.memory_space<hbm>>
      tpu.wait_dma2 semaphore(%run_scoped3A : memref<!tpu.dma_semaphore, #tpu.memory_space<semaphore_mem>>) src(%dma_wait3A_286 : memref<128xi32, #tpu.memory_space<hbm>>) dst(%arg9 : memref<128xi32, #tpu.memory_space<vmem>>)
      tpu.yield
    }) : () -> ()
    %dma_start3A_123 = arith.constant 0 : i32
    %dma_start3A_124 = arith.constant 0 : i32
    %dma_start3A_125 = tpu.memref_slice %arg2[%dma_start3A_123, %dma_start3A_124] : memref<10000x128xf32, #tpu.memory_space<hbm>> -> memref<10000x128xf32, #tpu.memory_space<hbm>>
    tpu.enqueue_indirect_dma source(%dma_start3A_125 : memref<10000x128xf32, #tpu.memory_space<hbm>>) target(%arg15 : memref<128x128xf32, #tpu.memory_space<vmem>>) offsets(%arg7 : memref<128xi32, #tpu.memory_space<vmem>>) semaphore(%arg20 : memref<!tpu.dma_semaphore, #tpu.memory_space<semaphore_mem>>)
    %add3A_126 = arith.constant 32 : i32
    %add3A_127 = arith.addi %add3A, %add3A_126 : i32
    %mul3A_128 = arith.constant 128 : i32
    %mul3A_129 = arith.muli %add3A_127, %mul3A_128 : i32
    "tpu.region"() ({
      %run_scoped3A = tpu.sem_alloc : memref<!tpu.dma_semaphore, #tpu.memory_space<semaphore_mem>>
      %dma_start3A_283 = tpu.memref_slice %arg3[%mul3A_129] : memref<320000xi32, #tpu.memory_space<hbm>> -> memref<128xi32, #tpu.memory_space<hbm>>
      %dma_start3A_284 = tpu.memref_slice %arg3[%mul3A_129] : memref<320000xi32, #tpu.memory_space<hbm>> -> memref<128xi32, #tpu.memory_space<hbm>>
      tpu.enqueue_dma source(%dma_start3A_284 : memref<128xi32, #tpu.memory_space<hbm>>) target(%arg8 : memref<128xi32, #tpu.memory_space<vmem>>) target_semaphore(%run_scoped3A : memref<!tpu.dma_semaphore, #tpu.memory_space<semaphore_mem>>)
      %dma_wait3A_285 = tpu.memref_slice %arg3[%mul3A_129] : memref<320000xi32, #tpu.memory_space<hbm>> -> memref<128xi32, #tpu.memory_space<hbm>>
      %dma_wait3A_286 = tpu.memref_slice %arg3[%mul3A_129] : memref<320000xi32, #tpu.memory_space<hbm>> -> memref<128xi32, #tpu.memory_space<hbm>>
      tpu.wait_dma2 semaphore(%run_scoped3A : memref<!tpu.dma_semaphore, #tpu.memory_space<semaphore_mem>>) src(%dma_wait3A_286 : memref<128xi32, #tpu.memory_space<hbm>>) dst(%arg8 : memref<128xi32, #tpu.memory_space<vmem>>)
      tpu.yield
    }) : () -> ()
    "tpu.region"() ({
      %run_scoped3A = tpu.sem_alloc : memref<!tpu.dma_semaphore, #tpu.memory_space<semaphore_mem>>
      %dma_start3A_283 = tpu.memref_slice %arg4[%mul3A_129] : memref<320000xi32, #tpu.memory_space<hbm>> -> memref<128xi32, #tpu.memory_space<hbm>>
      %dma_start3A_284 = tpu.memref_slice %arg4[%mul3A_129] : memref<320000xi32, #tpu.memory_space<hbm>> -> memref<128xi32, #tpu.memory_space<hbm>>
      tpu.enqueue_dma source(%dma_start3A_284 : memref<128xi32, #tpu.memory_space<hbm>>) target(%arg10 : memref<128xi32, #tpu.memory_space<vmem>>) target_semaphore(%run_scoped3A : memref<!tpu.dma_semaphore, #tpu.memory_space<semaphore_mem>>)
      %dma_wait3A_285 = tpu.memref_slice %arg4[%mul3A_129] : memref<320000xi32, #tpu.memory_space<hbm>> -> memref<128xi32, #tpu.memory_space<hbm>>
      %dma_wait3A_286 = tpu.memref_slice %arg4[%mul3A_129] : memref<320000xi32, #tpu.memory_space<hbm>> -> memref<128xi32, #tpu.memory_space<hbm>>
      tpu.wait_dma2 semaphore(%run_scoped3A : memref<!tpu.dma_semaphore, #tpu.memory_space<semaphore_mem>>) src(%dma_wait3A_286 : memref<128xi32, #tpu.memory_space<hbm>>) dst(%arg10 : memref<128xi32, #tpu.memory_space<vmem>>)
      tpu.yield
    }) : () -> ()
    %dma_start3A_130 = arith.constant 0 : i32
    %dma_start3A_131 = arith.constant 0 : i32
    %dma_start3A_132 = tpu.memref_slice %arg2[%dma_start3A_130, %dma_start3A_131] : memref<10000x128xf32, #tpu.memory_space<hbm>> -> memref<10000x128xf32, #tpu.memory_space<hbm>>
    tpu.enqueue_indirect_dma source(%dma_start3A_132 : memref<10000x128xf32, #tpu.memory_space<hbm>>) target(%arg16 : memref<128x128xf32, #tpu.memory_space<vmem>>) offsets(%arg8 : memref<128xi32, #tpu.memory_space<vmem>>) semaphore(%arg21 : memref<!tpu.dma_semaphore, #tpu.memory_space<semaphore_mem>>)
    %scan3A_133 = arith.constant 0 : i32
    %scan3A_134 = arith.constant 0 : i32
    %scan3A_135 = arith.constant 39 : i32
    %scan3A_136 = arith.addi %scan3A_134, %scan3A_135 : i32
    %scan3A_137 = arith.constant 1 : i32
    scf.for %scan3A_283 = %scan3A_134 to %scan3A_136 step %scan3A_137  : i32 {
      %jit3A = arith.constant 2 : i32
      %eq3A = arith.constant 0 : i32
      %eq3A_284 = arith.cmpi eq, %jit3A, %eq3A : i32
      %jit3A_285 = arith.constant 1 : i32
      %select_n3A = arith.select %eq3A_284, %jit3A_285, %jit3A : i32
      %rem3A = arith.remsi %scan3A_283, %select_n3A : i32
      %ne3A = arith.constant 0 : i32
      %ne3A_286 = arith.cmpi ne, %rem3A, %ne3A : i32
      %lt3A_287 = arith.constant 0 : i32
      %lt3A_288 = arith.cmpi slt, %rem3A, %lt3A_287 : i32
      %lt3A_289 = arith.constant 0 : i32
      %lt3A_290 = arith.cmpi slt, %select_n3A, %lt3A_289 : i32
      %ne3A_291 = arith.xori %lt3A_288, %lt3A_290 : i1
      %and3A = arith.andi %ne3A_291, %ne3A_286 : i1
      %add3A_292 = arith.addi %rem3A, %select_n3A : i32
      %select_n3A_293 = arith.select %and3A, %add3A_292, %rem3A : i32
      %eq3A_294 = arith.constant 0 : i32
      %eq3A_295 = arith.cmpi eq, %select_n3A_293, %eq3A_294 : i32
      %convert_element_type3A_296 = arith.extui %eq3A_295 : i1 to i32
      %cond3A_297 = arith.constant 0 : i32
      %cond3A_298 = arith.cmpi ne, %convert_element_type3A_296, %cond3A_297 : i32
      scf.if %cond3A_298 {
        %dma_wait3A_320 = arith.constant 0 : i32
        %dma_wait3A_321 = arith.constant 0 : i32
        %dma_wait3A_322 = tpu.memref_slice %arg2[%dma_wait3A_320, %dma_wait3A_321] : memref<10000x128xf32, #tpu.memory_space<hbm>> -> memref<128x128xf32, #tpu.memory_space<hbm>>
        %dma_wait3A_323 = arith.constant 0 : i32
        %dma_wait3A_324 = arith.constant 0 : i32
        %dma_wait3A_325 = tpu.memref_slice %arg2[%dma_wait3A_323, %dma_wait3A_324] : memref<10000x128xf32, #tpu.memory_space<hbm>> -> memref<128x128xf32, #tpu.memory_space<hbm>>
        tpu.wait_dma2 semaphore(%arg20 : memref<!tpu.dma_semaphore, #tpu.memory_space<semaphore_mem>>) src(%dma_wait3A_325 : memref<128x128xf32, #tpu.memory_space<hbm>>) dst(%arg15 : memref<128x128xf32, #tpu.memory_space<vmem>>)
        %dma_start3A_326 = arith.constant 0 : i32
        %dma_start3A_327 = arith.constant 0 : i32
        %dma_start3A_328 = tpu.memref_slice %arg18[%dma_start3A_326, %dma_start3A_327] : memref<10240x128xf32, #tpu.memory_space<vmem_shared>> -> memref<10240x128xf32, #tpu.memory_space<vmem_shared>>
        tpu.enqueue_indirect_dma source(%arg15 : memref<128x128xf32, #tpu.memory_space<vmem>>) target(%dma_start3A_328 : memref<10240x128xf32, #tpu.memory_space<vmem_shared>>) offsets(%arg9 : memref<128xi32, #tpu.memory_space<vmem>>) semaphore(%arg22 : memref<!tpu.dma_semaphore, #tpu.memory_space<semaphore_mem>>) {add = true}
        %dma_start3A_329 = arith.constant 0 : i32
        %dma_start3A_330 = tpu.memref_slice %arg19[%dma_start3A_329] : memref<10240xf32, #tpu.memory_space<vmem_shared>> -> memref<10240xf32, #tpu.memory_space<vmem_shared>>
        tpu.enqueue_indirect_dma source(%arg17 : memref<128xf32, #tpu.memory_space<vmem>>) target(%dma_start3A_330 : memref<10240xf32, #tpu.memory_space<vmem_shared>>) offsets(%arg9 : memref<128xi32, #tpu.memory_space<vmem>>) semaphore(%arg26 : memref<!tpu.dma_semaphore, #tpu.memory_space<semaphore_mem>>) {add = true}
        %dma_wait3A_331 = arith.constant 0 : i32
        %dma_wait3A_332 = arith.constant 0 : i32
        %dma_wait3A_333 = tpu.memref_slice %arg2[%dma_wait3A_331, %dma_wait3A_332] : memref<10000x128xf32, #tpu.memory_space<hbm>> -> memref<128x128xf32, #tpu.memory_space<hbm>>
        %dma_wait3A_334 = arith.constant 0 : i32
        %dma_wait3A_335 = arith.constant 0 : i32
        %dma_wait3A_336 = tpu.memref_slice %arg2[%dma_wait3A_334, %dma_wait3A_335] : memref<10000x128xf32, #tpu.memory_space<hbm>> -> memref<128x128xf32, #tpu.memory_space<hbm>>
        tpu.wait_dma2 semaphore(%arg21 : memref<!tpu.dma_semaphore, #tpu.memory_space<semaphore_mem>>) src(%dma_wait3A_336 : memref<128x128xf32, #tpu.memory_space<hbm>>) dst(%arg16 : memref<128x128xf32, #tpu.memory_space<vmem>>)
        %dma_start3A_337 = arith.constant 0 : i32
        %dma_start3A_338 = arith.constant 0 : i32
        %dma_start3A_339 = tpu.memref_slice %arg18[%dma_start3A_337, %dma_start3A_338] : memref<10240x128xf32, #tpu.memory_space<vmem_shared>> -> memref<10240x128xf32, #tpu.memory_space<vmem_shared>>
        tpu.enqueue_indirect_dma source(%arg16 : memref<128x128xf32, #tpu.memory_space<vmem>>) target(%dma_start3A_339 : memref<10240x128xf32, #tpu.memory_space<vmem_shared>>) offsets(%arg10 : memref<128xi32, #tpu.memory_space<vmem>>) semaphore(%arg23 : memref<!tpu.dma_semaphore, #tpu.memory_space<semaphore_mem>>) {add = true}
        %dma_start3A_340 = arith.constant 0 : i32
        %dma_start3A_341 = tpu.memref_slice %arg19[%dma_start3A_340] : memref<10240xf32, #tpu.memory_space<vmem_shared>> -> memref<10240xf32, #tpu.memory_space<vmem_shared>>
        tpu.enqueue_indirect_dma source(%arg17 : memref<128xf32, #tpu.memory_space<vmem>>) target(%dma_start3A_341 : memref<10240xf32, #tpu.memory_space<vmem_shared>>) offsets(%arg10 : memref<128xi32, #tpu.memory_space<vmem>>) semaphore(%arg27 : memref<!tpu.dma_semaphore, #tpu.memory_space<semaphore_mem>>) {add = true}
        %add3A_342 = arith.constant 1 : i32
        %add3A_343 = arith.addi %scan3A_283, %add3A_342 : i32
        %mul3A_344 = arith.constant 2 : i32
        %mul3A_345 = arith.muli %add3A_343, %mul3A_344 : i32
        %add3A_346 = arith.constant 0 : i32
        %add3A_347 = arith.addi %mul3A_345, %add3A_346 : i32
        %lt3A_348 = arith.constant 78 : i32
        %lt3A_349 = arith.cmpi slt, %add3A_347, %lt3A_348 : i32
        %convert_element_type3A_350 = arith.extui %lt3A_349 : i1 to i32
        %cond3A_351 = arith.constant 0 : i32
        %cond3A_352 = arith.cmpi ne, %convert_element_type3A_350, %cond3A_351 : i32
        scf.if %cond3A_352 {
          %mul3A_396 = arith.constant 32 : i32
          %mul3A_397 = arith.muli %add3A_347, %mul3A_396 : i32
          %add3A_398 = arith.addi %add3A, %mul3A_397 : i32
          %mul3A_399 = arith.constant 128 : i32
          %mul3A_400 = arith.muli %add3A_398, %mul3A_399 : i32
          %dma_start3A_401 = tpu.memref_slice %arg3[%mul3A_400] : memref<320000xi32, #tpu.memory_space<hbm>> -> memref<128xi32, #tpu.memory_space<hbm>>
          %dma_start3A_402 = tpu.memref_slice %arg3[%mul3A_400] : memref<320000xi32, #tpu.memory_space<hbm>> -> memref<128xi32, #tpu.memory_space<hbm>>
          tpu.enqueue_dma source(%dma_start3A_402 : memref<128xi32, #tpu.memory_space<hbm>>) target(%arg11 : memref<128xi32, #tpu.memory_space<vmem>>) target_semaphore(%arg24 : memref<!tpu.dma_semaphore, #tpu.memory_space<semaphore_mem>>)
          %dma_start3A_403 = tpu.memref_slice %arg4[%mul3A_400] : memref<320000xi32, #tpu.memory_space<hbm>> -> memref<128xi32, #tpu.memory_space<hbm>>
          %dma_start3A_404 = tpu.memref_slice %arg4[%mul3A_400] : memref<320000xi32, #tpu.memory_space<hbm>> -> memref<128xi32, #tpu.memory_space<hbm>>
          tpu.enqueue_dma source(%dma_start3A_404 : memref<128xi32, #tpu.memory_space<hbm>>) target(%arg13 : memref<128xi32, #tpu.memory_space<vmem>>) target_semaphore(%arg24 : memref<!tpu.dma_semaphore, #tpu.memory_space<semaphore_mem>>)
        } else {
        }
        %add3A_353 = arith.constant 1 : i32
        %add3A_354 = arith.addi %scan3A_283, %add3A_353 : i32
        %mul3A_355 = arith.constant 2 : i32
        %mul3A_356 = arith.muli %add3A_354, %mul3A_355 : i32
        %add3A_357 = arith.constant 1 : i32
        %add3A_358 = arith.addi %mul3A_356, %add3A_357 : i32
        %lt3A_359 = arith.constant 78 : i32
        %lt3A_360 = arith.cmpi slt, %add3A_358, %lt3A_359 : i32
        %convert_element_type3A_361 = arith.extui %lt3A_360 : i1 to i32
        %cond3A_362 = arith.constant 0 : i32
        %cond3A_363 = arith.cmpi ne, %convert_element_type3A_361, %cond3A_362 : i32
        scf.if %cond3A_363 {
          %mul3A_396 = arith.constant 32 : i32
          %mul3A_397 = arith.muli %add3A_358, %mul3A_396 : i32
          %add3A_398 = arith.addi %add3A, %mul3A_397 : i32
          %mul3A_399 = arith.constant 128 : i32
          %mul3A_400 = arith.muli %add3A_398, %mul3A_399 : i32
          %dma_start3A_401 = tpu.memref_slice %arg3[%mul3A_400] : memref<320000xi32, #tpu.memory_space<hbm>> -> memref<128xi32, #tpu.memory_space<hbm>>
          %dma_start3A_402 = tpu.memref_slice %arg3[%mul3A_400] : memref<320000xi32, #tpu.memory_space<hbm>> -> memref<128xi32, #tpu.memory_space<hbm>>
          tpu.enqueue_dma source(%dma_start3A_402 : memref<128xi32, #tpu.memory_space<hbm>>) target(%arg12 : memref<128xi32, #tpu.memory_space<vmem>>) target_semaphore(%arg25 : memref<!tpu.dma_semaphore, #tpu.memory_space<semaphore_mem>>)
          %dma_start3A_403 = tpu.memref_slice %arg4[%mul3A_400] : memref<320000xi32, #tpu.memory_space<hbm>> -> memref<128xi32, #tpu.memory_space<hbm>>
          %dma_start3A_404 = tpu.memref_slice %arg4[%mul3A_400] : memref<320000xi32, #tpu.memory_space<hbm>> -> memref<128xi32, #tpu.memory_space<hbm>>
          tpu.enqueue_dma source(%dma_start3A_404 : memref<128xi32, #tpu.memory_space<hbm>>) target(%arg14 : memref<128xi32, #tpu.memory_space<vmem>>) target_semaphore(%arg25 : memref<!tpu.dma_semaphore, #tpu.memory_space<semaphore_mem>>)
        } else {
        }
        %dma_wait3A_364 = arith.constant 0 : i32
        %dma_wait3A_365 = arith.constant 0 : i32
        %dma_wait3A_366 = tpu.memref_slice %arg18[%dma_wait3A_364, %dma_wait3A_365] : memref<10240x128xf32, #tpu.memory_space<vmem_shared>> -> memref<10240x128xf32, #tpu.memory_space<vmem_shared>>
        tpu.wait_indirect_dma semaphore(%arg22 : memref<!tpu.dma_semaphore, #tpu.memory_space<semaphore_mem>>) src(%arg15 : memref<128x128xf32, #tpu.memory_space<vmem>>) dst(%dma_wait3A_366 : memref<10240x128xf32, #tpu.memory_space<vmem_shared>>)
        %dma_wait3A_367 = arith.constant 0 : i32
        %dma_wait3A_368 = tpu.memref_slice %arg19[%dma_wait3A_367] : memref<10240xf32, #tpu.memory_space<vmem_shared>> -> memref<10240xf32, #tpu.memory_space<vmem_shared>>
        tpu.wait_indirect_dma semaphore(%arg26 : memref<!tpu.dma_semaphore, #tpu.memory_space<semaphore_mem>>) src(%arg17 : memref<128xf32, #tpu.memory_space<vmem>>) dst(%dma_wait3A_368 : memref<10240xf32, #tpu.memory_space<vmem_shared>>)
        %add3A_369 = arith.constant 1 : i32
        %add3A_370 = arith.addi %scan3A_283, %add3A_369 : i32
        %mul3A_371 = arith.constant 2 : i32
        %mul3A_372 = arith.muli %add3A_370, %mul3A_371 : i32
        %add3A_373 = arith.constant 0 : i32
        %add3A_374 = arith.addi %mul3A_372, %add3A_373 : i32
        %lt3A_375 = arith.constant 78 : i32
        %lt3A_376 = arith.cmpi slt, %add3A_374, %lt3A_375 : i32
        %convert_element_type3A_377 = arith.extui %lt3A_376 : i1 to i32
        %cond3A_378 = arith.constant 0 : i32
        %cond3A_379 = arith.cmpi ne, %convert_element_type3A_377, %cond3A_378 : i32
        scf.if %cond3A_379 {
          %dma_wait3A_396 = arith.constant 0 : i32
          %dma_wait3A_397 = tpu.memref_slice %arg3[%dma_wait3A_396] : memref<320000xi32, #tpu.memory_space<hbm>> -> memref<128xi32, #tpu.memory_space<hbm>>
          %dma_wait3A_398 = arith.constant 0 : i32
          %dma_wait3A_399 = tpu.memref_slice %arg3[%dma_wait3A_398] : memref<320000xi32, #tpu.memory_space<hbm>> -> memref<128xi32, #tpu.memory_space<hbm>>
          tpu.wait_dma2 semaphore(%arg24 : memref<!tpu.dma_semaphore, #tpu.memory_space<semaphore_mem>>) src(%dma_wait3A_399 : memref<128xi32, #tpu.memory_space<hbm>>) dst(%arg11 : memref<128xi32, #tpu.memory_space<vmem>>)
          %dma_wait3A_400 = arith.constant 0 : i32
          %dma_wait3A_401 = tpu.memref_slice %arg4[%dma_wait3A_400] : memref<320000xi32, #tpu.memory_space<hbm>> -> memref<128xi32, #tpu.memory_space<hbm>>
          %dma_wait3A_402 = arith.constant 0 : i32
          %dma_wait3A_403 = tpu.memref_slice %arg4[%dma_wait3A_402] : memref<320000xi32, #tpu.memory_space<hbm>> -> memref<128xi32, #tpu.memory_space<hbm>>
          tpu.wait_dma2 semaphore(%arg24 : memref<!tpu.dma_semaphore, #tpu.memory_space<semaphore_mem>>) src(%dma_wait3A_403 : memref<128xi32, #tpu.memory_space<hbm>>) dst(%arg13 : memref<128xi32, #tpu.memory_space<vmem>>)
          %dma_start3A_404 = arith.constant 0 : i32
          %dma_start3A_405 = arith.constant 0 : i32
          %dma_start3A_406 = tpu.memref_slice %arg2[%dma_start3A_404, %dma_start3A_405] : memref<10000x128xf32, #tpu.memory_space<hbm>> -> memref<10000x128xf32, #tpu.memory_space<hbm>>
          tpu.enqueue_indirect_dma source(%dma_start3A_406 : memref<10000x128xf32, #tpu.memory_space<hbm>>) target(%arg15 : memref<128x128xf32, #tpu.memory_space<vmem>>) offsets(%arg11 : memref<128xi32, #tpu.memory_space<vmem>>) semaphore(%arg20 : memref<!tpu.dma_semaphore, #tpu.memory_space<semaphore_mem>>)
        } else {
        }
        %dma_wait3A_380 = arith.constant 0 : i32
        %dma_wait3A_381 = arith.constant 0 : i32
        %dma_wait3A_382 = tpu.memref_slice %arg18[%dma_wait3A_380, %dma_wait3A_381] : memref<10240x128xf32, #tpu.memory_space<vmem_shared>> -> memref<10240x128xf32, #tpu.memory_space<vmem_shared>>
        tpu.wait_indirect_dma semaphore(%arg23 : memref<!tpu.dma_semaphore, #tpu.memory_space<semaphore_mem>>) src(%arg16 : memref<128x128xf32, #tpu.memory_space<vmem>>) dst(%dma_wait3A_382 : memref<10240x128xf32, #tpu.memory_space<vmem_shared>>)
        %dma_wait3A_383 = arith.constant 0 : i32
        %dma_wait3A_384 = tpu.memref_slice %arg19[%dma_wait3A_383] : memref<10240xf32, #tpu.memory_space<vmem_shared>> -> memref<10240xf32, #tpu.memory_space<vmem_shared>>
        tpu.wait_indirect_dma semaphore(%arg27 : memref<!tpu.dma_semaphore, #tpu.memory_space<semaphore_mem>>) src(%arg17 : memref<128xf32, #tpu.memory_space<vmem>>) dst(%dma_wait3A_384 : memref<10240xf32, #tpu.memory_space<vmem_shared>>)
        %add3A_385 = arith.constant 1 : i32
        %add3A_386 = arith.addi %scan3A_283, %add3A_385 : i32
        %mul3A_387 = arith.constant 2 : i32
        %mul3A_388 = arith.muli %add3A_386, %mul3A_387 : i32
        %add3A_389 = arith.constant 1 : i32
        %add3A_390 = arith.addi %mul3A_388, %add3A_389 : i32
        %lt3A_391 = arith.constant 78 : i32
        %lt3A_392 = arith.cmpi slt, %add3A_390, %lt3A_391 : i32
        %convert_element_type3A_393 = arith.extui %lt3A_392 : i1 to i32
        %cond3A_394 = arith.constant 0 : i32
        %cond3A_395 = arith.cmpi ne, %convert_element_type3A_393, %cond3A_394 : i32
        scf.if %cond3A_395 {
          %dma_wait3A_396 = arith.constant 0 : i32
          %dma_wait3A_397 = tpu.memref_slice %arg3[%dma_wait3A_396] : memref<320000xi32, #tpu.memory_space<hbm>> -> memref<128xi32, #tpu.memory_space<hbm>>
          %dma_wait3A_398 = arith.constant 0 : i32
          %dma_wait3A_399 = tpu.memref_slice %arg3[%dma_wait3A_398] : memref<320000xi32, #tpu.memory_space<hbm>> -> memref<128xi32, #tpu.memory_space<hbm>>
          tpu.wait_dma2 semaphore(%arg25 : memref<!tpu.dma_semaphore, #tpu.memory_space<semaphore_mem>>) src(%dma_wait3A_399 : memref<128xi32, #tpu.memory_space<hbm>>) dst(%arg12 : memref<128xi32, #tpu.memory_space<vmem>>)
          %dma_wait3A_400 = arith.constant 0 : i32
          %dma_wait3A_401 = tpu.memref_slice %arg4[%dma_wait3A_400] : memref<320000xi32, #tpu.memory_space<hbm>> -> memref<128xi32, #tpu.memory_space<hbm>>
          %dma_wait3A_402 = arith.constant 0 : i32
          %dma_wait3A_403 = tpu.memref_slice %arg4[%dma_wait3A_402] : memref<320000xi32, #tpu.memory_space<hbm>> -> memref<128xi32, #tpu.memory_space<hbm>>
          tpu.wait_dma2 semaphore(%arg25 : memref<!tpu.dma_semaphore, #tpu.memory_space<semaphore_mem>>) src(%dma_wait3A_403 : memref<128xi32, #tpu.memory_space<hbm>>) dst(%arg14 : memref<128xi32, #tpu.memory_space<vmem>>)
          %dma_start3A_404 = arith.constant 0 : i32
          %dma_start3A_405 = arith.constant 0 : i32
          %dma_start3A_406 = tpu.memref_slice %arg2[%dma_start3A_404, %dma_start3A_405] : memref<10000x128xf32, #tpu.memory_space<hbm>> -> memref<10000x128xf32, #tpu.memory_space<hbm>>
          tpu.enqueue_indirect_dma source(%dma_start3A_406 : memref<10000x128xf32, #tpu.memory_space<hbm>>) target(%arg16 : memref<128x128xf32, #tpu.memory_space<vmem>>) offsets(%arg12 : memref<128xi32, #tpu.memory_space<vmem>>) semaphore(%arg21 : memref<!tpu.dma_semaphore, #tpu.memory_space<semaphore_mem>>)
        } else {
        }
      } else {
      }
      %jit3A_299 = arith.constant 2 : i32
      %eq3A_300 = arith.constant 0 : i32
      %eq3A_301 = arith.cmpi eq, %jit3A_299, %eq3A_300 : i32
      %jit3A_302 = arith.constant 1 : i32
      %select_n3A_303 = arith.select %eq3A_301, %jit3A_302, %jit3A_299 : i32
      %rem3A_304 = arith.remsi %scan3A_283, %select_n3A_303 : i32
      %ne3A_305 = arith.constant 0 : i32
      %ne3A_306 = arith.cmpi ne, %rem3A_304, %ne3A_305 : i32
      %lt3A_307 = arith.constant 0 : i32
      %lt3A_308 = arith.cmpi slt, %rem3A_304, %lt3A_307 : i32
      %lt3A_309 = arith.constant 0 : i32
      %lt3A_310 = arith.cmpi slt, %select_n3A_303, %lt3A_309 : i32
      %ne3A_311 = arith.xori %lt3A_308, %lt3A_310 : i1
      %and3A_312 = arith.andi %ne3A_311, %ne3A_306 : i1
      %add3A_313 = arith.addi %rem3A_304, %select_n3A_303 : i32
      %select_n3A_314 = arith.select %and3A_312, %add3A_313, %rem3A_304 : i32
      %eq3A_315 = arith.constant 1 : i32
      %eq3A_316 = arith.cmpi eq, %select_n3A_314, %eq3A_315 : i32
      %convert_element_type3A_317 = arith.extui %eq3A_316 : i1 to i32
      %cond3A_318 = arith.constant 0 : i32
      %cond3A_319 = arith.cmpi ne, %convert_element_type3A_317, %cond3A_318 : i32
      scf.if %cond3A_319 {
        %dma_wait3A_320 = arith.constant 0 : i32
        %dma_wait3A_321 = arith.constant 0 : i32
        %dma_wait3A_322 = tpu.memref_slice %arg2[%dma_wait3A_320, %dma_wait3A_321] : memref<10000x128xf32, #tpu.memory_space<hbm>> -> memref<128x128xf32, #tpu.memory_space<hbm>>
        %dma_wait3A_323 = arith.constant 0 : i32
        %dma_wait3A_324 = arith.constant 0 : i32
        %dma_wait3A_325 = tpu.memref_slice %arg2[%dma_wait3A_323, %dma_wait3A_324] : memref<10000x128xf32, #tpu.memory_space<hbm>> -> memref<128x128xf32, #tpu.memory_space<hbm>>
        tpu.wait_dma2 semaphore(%arg20 : memref<!tpu.dma_semaphore, #tpu.memory_space<semaphore_mem>>) src(%dma_wait3A_325 : memref<128x128xf32, #tpu.memory_space<hbm>>) dst(%arg15 : memref<128x128xf32, #tpu.memory_space<vmem>>)
        %dma_start3A_326 = arith.constant 0 : i32
        %dma_start3A_327 = arith.constant 0 : i32
        %dma_start3A_328 = tpu.memref_slice %arg18[%dma_start3A_326, %dma_start3A_327] : memref<10240x128xf32, #tpu.memory_space<vmem_shared>> -> memref<10240x128xf32, #tpu.memory_space<vmem_shared>>
        tpu.enqueue_indirect_dma source(%arg15 : memref<128x128xf32, #tpu.memory_space<vmem>>) target(%dma_start3A_328 : memref<10240x128xf32, #tpu.memory_space<vmem_shared>>) offsets(%arg13 : memref<128xi32, #tpu.memory_space<vmem>>) semaphore(%arg22 : memref<!tpu.dma_semaphore, #tpu.memory_space<semaphore_mem>>) {add = true}
        %dma_start3A_329 = arith.constant 0 : i32
        %dma_start3A_330 = tpu.memref_slice %arg19[%dma_start3A_329] : memref<10240xf32, #tpu.memory_space<vmem_shared>> -> memref<10240xf32, #tpu.memory_space<vmem_shared>>
        tpu.enqueue_indirect_dma source(%arg17 : memref<128xf32, #tpu.memory_space<vmem>>) target(%dma_start3A_330 : memref<10240xf32, #tpu.memory_space<vmem_shared>>) offsets(%arg13 : memref<128xi32, #tpu.memory_space<vmem>>) semaphore(%arg26 : memref<!tpu.dma_semaphore, #tpu.memory_space<semaphore_mem>>) {add = true}
        %dma_wait3A_331 = arith.constant 0 : i32
        %dma_wait3A_332 = arith.constant 0 : i32
        %dma_wait3A_333 = tpu.memref_slice %arg2[%dma_wait3A_331, %dma_wait3A_332] : memref<10000x128xf32, #tpu.memory_space<hbm>> -> memref<128x128xf32, #tpu.memory_space<hbm>>
        %dma_wait3A_334 = arith.constant 0 : i32
        %dma_wait3A_335 = arith.constant 0 : i32
        %dma_wait3A_336 = tpu.memref_slice %arg2[%dma_wait3A_334, %dma_wait3A_335] : memref<10000x128xf32, #tpu.memory_space<hbm>> -> memref<128x128xf32, #tpu.memory_space<hbm>>
        tpu.wait_dma2 semaphore(%arg21 : memref<!tpu.dma_semaphore, #tpu.memory_space<semaphore_mem>>) src(%dma_wait3A_336 : memref<128x128xf32, #tpu.memory_space<hbm>>) dst(%arg16 : memref<128x128xf32, #tpu.memory_space<vmem>>)
        %dma_start3A_337 = arith.constant 0 : i32
        %dma_start3A_338 = arith.constant 0 : i32
        %dma_start3A_339 = tpu.memref_slice %arg18[%dma_start3A_337, %dma_start3A_338] : memref<10240x128xf32, #tpu.memory_space<vmem_shared>> -> memref<10240x128xf32, #tpu.memory_space<vmem_shared>>
        tpu.enqueue_indirect_dma source(%arg16 : memref<128x128xf32, #tpu.memory_space<vmem>>) target(%dma_start3A_339 : memref<10240x128xf32, #tpu.memory_space<vmem_shared>>) offsets(%arg14 : memref<128xi32, #tpu.memory_space<vmem>>) semaphore(%arg23 : memref<!tpu.dma_semaphore, #tpu.memory_space<semaphore_mem>>) {add = true}
        %dma_start3A_340 = arith.constant 0 : i32
        %dma_start3A_341 = tpu.memref_slice %arg19[%dma_start3A_340] : memref<10240xf32, #tpu.memory_space<vmem_shared>> -> memref<10240xf32, #tpu.memory_space<vmem_shared>>
        tpu.enqueue_indirect_dma source(%arg17 : memref<128xf32, #tpu.memory_space<vmem>>) target(%dma_start3A_341 : memref<10240xf32, #tpu.memory_space<vmem_shared>>) offsets(%arg14 : memref<128xi32, #tpu.memory_space<vmem>>) semaphore(%arg27 : memref<!tpu.dma_semaphore, #tpu.memory_space<semaphore_mem>>) {add = true}
        %add3A_342 = arith.constant 1 : i32
        %add3A_343 = arith.addi %scan3A_283, %add3A_342 : i32
        %mul3A_344 = arith.constant 2 : i32
        %mul3A_345 = arith.muli %add3A_343, %mul3A_344 : i32
        %add3A_346 = arith.constant 0 : i32
        %add3A_347 = arith.addi %mul3A_345, %add3A_346 : i32
        %lt3A_348 = arith.constant 78 : i32
        %lt3A_349 = arith.cmpi slt, %add3A_347, %lt3A_348 : i32
        %convert_element_type3A_350 = arith.extui %lt3A_349 : i1 to i32
        %cond3A_351 = arith.constant 0 : i32
        %cond3A_352 = arith.cmpi ne, %convert_element_type3A_350, %cond3A_351 : i32
        scf.if %cond3A_352 {
          %mul3A_396 = arith.constant 32 : i32
          %mul3A_397 = arith.muli %add3A_347, %mul3A_396 : i32
          %add3A_398 = arith.addi %add3A, %mul3A_397 : i32
          %mul3A_399 = arith.constant 128 : i32
          %mul3A_400 = arith.muli %add3A_398, %mul3A_399 : i32
          %dma_start3A_401 = tpu.memref_slice %arg3[%mul3A_400] : memref<320000xi32, #tpu.memory_space<hbm>> -> memref<128xi32, #tpu.memory_space<hbm>>
          %dma_start3A_402 = tpu.memref_slice %arg3[%mul3A_400] : memref<320000xi32, #tpu.memory_space<hbm>> -> memref<128xi32, #tpu.memory_space<hbm>>
          tpu.enqueue_dma source(%dma_start3A_402 : memref<128xi32, #tpu.memory_space<hbm>>) target(%arg7 : memref<128xi32, #tpu.memory_space<vmem>>) target_semaphore(%arg24 : memref<!tpu.dma_semaphore, #tpu.memory_space<semaphore_mem>>)
          %dma_start3A_403 = tpu.memref_slice %arg4[%mul3A_400] : memref<320000xi32, #tpu.memory_space<hbm>> -> memref<128xi32, #tpu.memory_space<hbm>>
          %dma_start3A_404 = tpu.memref_slice %arg4[%mul3A_400] : memref<320000xi32, #tpu.memory_space<hbm>> -> memref<128xi32, #tpu.memory_space<hbm>>
          tpu.enqueue_dma source(%dma_start3A_404 : memref<128xi32, #tpu.memory_space<hbm>>) target(%arg9 : memref<128xi32, #tpu.memory_space<vmem>>) target_semaphore(%arg24 : memref<!tpu.dma_semaphore, #tpu.memory_space<semaphore_mem>>)
        } else {
        }
        %add3A_353 = arith.constant 1 : i32
        %add3A_354 = arith.addi %scan3A_283, %add3A_353 : i32
        %mul3A_355 = arith.constant 2 : i32
        %mul3A_356 = arith.muli %add3A_354, %mul3A_355 : i32
        %add3A_357 = arith.constant 1 : i32
        %add3A_358 = arith.addi %mul3A_356, %add3A_357 : i32
        %lt3A_359 = arith.constant 78 : i32
        %lt3A_360 = arith.cmpi slt, %add3A_358, %lt3A_359 : i32
        %convert_element_type3A_361 = arith.extui %lt3A_360 : i1 to i32
        %cond3A_362 = arith.constant 0 : i32
        %cond3A_363 = arith.cmpi ne, %convert_element_type3A_361, %cond3A_362 : i32
        scf.if %cond3A_363 {
          %mul3A_396 = arith.constant 32 : i32
          %mul3A_397 = arith.muli %add3A_358, %mul3A_396 : i32
          %add3A_398 = arith.addi %add3A, %mul3A_397 : i32
          %mul3A_399 = arith.constant 128 : i32
          %mul3A_400 = arith.muli %add3A_398, %mul3A_399 : i32
          %dma_start3A_401 = tpu.memref_slice %arg3[%mul3A_400] : memref<320000xi32, #tpu.memory_space<hbm>> -> memref<128xi32, #tpu.memory_space<hbm>>
          %dma_start3A_402 = tpu.memref_slice %arg3[%mul3A_400] : memref<320000xi32, #tpu.memory_space<hbm>> -> memref<128xi32, #tpu.memory_space<hbm>>
          tpu.enqueue_dma source(%dma_start3A_402 : memref<128xi32, #tpu.memory_space<hbm>>) target(%arg8 : memref<128xi32, #tpu.memory_space<vmem>>) target_semaphore(%arg25 : memref<!tpu.dma_semaphore, #tpu.memory_space<semaphore_mem>>)
          %dma_start3A_403 = tpu.memref_slice %arg4[%mul3A_400] : memref<320000xi32, #tpu.memory_space<hbm>> -> memref<128xi32, #tpu.memory_space<hbm>>
          %dma_start3A_404 = tpu.memref_slice %arg4[%mul3A_400] : memref<320000xi32, #tpu.memory_space<hbm>> -> memref<128xi32, #tpu.memory_space<hbm>>
          tpu.enqueue_dma source(%dma_start3A_404 : memref<128xi32, #tpu.memory_space<hbm>>) target(%arg10 : memref<128xi32, #tpu.memory_space<vmem>>) target_semaphore(%arg25 : memref<!tpu.dma_semaphore, #tpu.memory_space<semaphore_mem>>)
        } else {
        }
        %dma_wait3A_364 = arith.constant 0 : i32
        %dma_wait3A_365 = arith.constant 0 : i32
        %dma_wait3A_366 = tpu.memref_slice %arg18[%dma_wait3A_364, %dma_wait3A_365] : memref<10240x128xf32, #tpu.memory_space<vmem_shared>> -> memref<10240x128xf32, #tpu.memory_space<vmem_shared>>
        tpu.wait_indirect_dma semaphore(%arg22 : memref<!tpu.dma_semaphore, #tpu.memory_space<semaphore_mem>>) src(%arg15 : memref<128x128xf32, #tpu.memory_space<vmem>>) dst(%dma_wait3A_366 : memref<10240x128xf32, #tpu.memory_space<vmem_shared>>)
        %dma_wait3A_367 = arith.constant 0 : i32
        %dma_wait3A_368 = tpu.memref_slice %arg19[%dma_wait3A_367] : memref<10240xf32, #tpu.memory_space<vmem_shared>> -> memref<10240xf32, #tpu.memory_space<vmem_shared>>
        tpu.wait_indirect_dma semaphore(%arg26 : memref<!tpu.dma_semaphore, #tpu.memory_space<semaphore_mem>>) src(%arg17 : memref<128xf32, #tpu.memory_space<vmem>>) dst(%dma_wait3A_368 : memref<10240xf32, #tpu.memory_space<vmem_shared>>)
        %add3A_369 = arith.constant 1 : i32
        %add3A_370 = arith.addi %scan3A_283, %add3A_369 : i32
        %mul3A_371 = arith.constant 2 : i32
        %mul3A_372 = arith.muli %add3A_370, %mul3A_371 : i32
        %add3A_373 = arith.constant 0 : i32
        %add3A_374 = arith.addi %mul3A_372, %add3A_373 : i32
        %lt3A_375 = arith.constant 78 : i32
        %lt3A_376 = arith.cmpi slt, %add3A_374, %lt3A_375 : i32
        %convert_element_type3A_377 = arith.extui %lt3A_376 : i1 to i32
        %cond3A_378 = arith.constant 0 : i32
        %cond3A_379 = arith.cmpi ne, %convert_element_type3A_377, %cond3A_378 : i32
        scf.if %cond3A_379 {
          %dma_wait3A_396 = arith.constant 0 : i32
          %dma_wait3A_397 = tpu.memref_slice %arg3[%dma_wait3A_396] : memref<320000xi32, #tpu.memory_space<hbm>> -> memref<128xi32, #tpu.memory_space<hbm>>
          %dma_wait3A_398 = arith.constant 0 : i32
          %dma_wait3A_399 = tpu.memref_slice %arg3[%dma_wait3A_398] : memref<320000xi32, #tpu.memory_space<hbm>> -> memref<128xi32, #tpu.memory_space<hbm>>
          tpu.wait_dma2 semaphore(%arg24 : memref<!tpu.dma_semaphore, #tpu.memory_space<semaphore_mem>>) src(%dma_wait3A_399 : memref<128xi32, #tpu.memory_space<hbm>>) dst(%arg7 : memref<128xi32, #tpu.memory_space<vmem>>)
          %dma_wait3A_400 = arith.constant 0 : i32
          %dma_wait3A_401 = tpu.memref_slice %arg4[%dma_wait3A_400] : memref<320000xi32, #tpu.memory_space<hbm>> -> memref<128xi32, #tpu.memory_space<hbm>>
          %dma_wait3A_402 = arith.constant 0 : i32
          %dma_wait3A_403 = tpu.memref_slice %arg4[%dma_wait3A_402] : memref<320000xi32, #tpu.memory_space<hbm>> -> memref<128xi32, #tpu.memory_space<hbm>>
          tpu.wait_dma2 semaphore(%arg24 : memref<!tpu.dma_semaphore, #tpu.memory_space<semaphore_mem>>) src(%dma_wait3A_403 : memref<128xi32, #tpu.memory_space<hbm>>) dst(%arg9 : memref<128xi32, #tpu.memory_space<vmem>>)
          %dma_start3A_404 = arith.constant 0 : i32
          %dma_start3A_405 = arith.constant 0 : i32
          %dma_start3A_406 = tpu.memref_slice %arg2[%dma_start3A_404, %dma_start3A_405] : memref<10000x128xf32, #tpu.memory_space<hbm>> -> memref<10000x128xf32, #tpu.memory_space<hbm>>
          tpu.enqueue_indirect_dma source(%dma_start3A_406 : memref<10000x128xf32, #tpu.memory_space<hbm>>) target(%arg15 : memref<128x128xf32, #tpu.memory_space<vmem>>) offsets(%arg7 : memref<128xi32, #tpu.memory_space<vmem>>) semaphore(%arg20 : memref<!tpu.dma_semaphore, #tpu.memory_space<semaphore_mem>>)
        } else {
        }
        %dma_wait3A_380 = arith.constant 0 : i32
        %dma_wait3A_381 = arith.constant 0 : i32
        %dma_wait3A_382 = tpu.memref_slice %arg18[%dma_wait3A_380, %dma_wait3A_381] : memref<10240x128xf32, #tpu.memory_space<vmem_shared>> -> memref<10240x128xf32, #tpu.memory_space<vmem_shared>>
        tpu.wait_indirect_dma semaphore(%arg23 : memref<!tpu.dma_semaphore, #tpu.memory_space<semaphore_mem>>) src(%arg16 : memref<128x128xf32, #tpu.memory_space<vmem>>) dst(%dma_wait3A_382 : memref<10240x128xf32, #tpu.memory_space<vmem_shared>>)
        %dma_wait3A_383 = arith.constant 0 : i32
        %dma_wait3A_384 = tpu.memref_slice %arg19[%dma_wait3A_383] : memref<10240xf32, #tpu.memory_space<vmem_shared>> -> memref<10240xf32, #tpu.memory_space<vmem_shared>>
        tpu.wait_indirect_dma semaphore(%arg27 : memref<!tpu.dma_semaphore, #tpu.memory_space<semaphore_mem>>) src(%arg17 : memref<128xf32, #tpu.memory_space<vmem>>) dst(%dma_wait3A_384 : memref<10240xf32, #tpu.memory_space<vmem_shared>>)
        %add3A_385 = arith.constant 1 : i32
        %add3A_386 = arith.addi %scan3A_283, %add3A_385 : i32
        %mul3A_387 = arith.constant 2 : i32
        %mul3A_388 = arith.muli %add3A_386, %mul3A_387 : i32
        %add3A_389 = arith.constant 1 : i32
        %add3A_390 = arith.addi %mul3A_388, %add3A_389 : i32
        %lt3A_391 = arith.constant 78 : i32
        %lt3A_392 = arith.cmpi slt, %add3A_390, %lt3A_391 : i32
        %convert_element_type3A_393 = arith.extui %lt3A_392 : i1 to i32
        %cond3A_394 = arith.constant 0 : i32
        %cond3A_395 = arith.cmpi ne, %convert_element_type3A_393, %cond3A_394 : i32
        scf.if %cond3A_395 {
          %dma_wait3A_396 = arith.constant 0 : i32
          %dma_wait3A_397 = tpu.memref_slice %arg3[%dma_wait3A_396] : memref<320000xi32, #tpu.memory_space<hbm>> -> memref<128xi32, #tpu.memory_space<hbm>>
          %dma_wait3A_398 = arith.constant 0 : i32
          %dma_wait3A_399 = tpu.memref_slice %arg3[%dma_wait3A_398] : memref<320000xi32, #tpu.memory_space<hbm>> -> memref<128xi32, #tpu.memory_space<hbm>>
          tpu.wait_dma2 semaphore(%arg25 : memref<!tpu.dma_semaphore, #tpu.memory_space<semaphore_mem>>) src(%dma_wait3A_399 : memref<128xi32, #tpu.memory_space<hbm>>) dst(%arg8 : memref<128xi32, #tpu.memory_space<vmem>>)
          %dma_wait3A_400 = arith.constant 0 : i32
          %dma_wait3A_401 = tpu.memref_slice %arg4[%dma_wait3A_400] : memref<320000xi32, #tpu.memory_space<hbm>> -> memref<128xi32, #tpu.memory_space<hbm>>
          %dma_wait3A_402 = arith.constant 0 : i32
          %dma_wait3A_403 = tpu.memref_slice %arg4[%dma_wait3A_402] : memref<320000xi32, #tpu.memory_space<hbm>> -> memref<128xi32, #tpu.memory_space<hbm>>
          tpu.wait_dma2 semaphore(%arg25 : memref<!tpu.dma_semaphore, #tpu.memory_space<semaphore_mem>>) src(%dma_wait3A_403 : memref<128xi32, #tpu.memory_space<hbm>>) dst(%arg10 : memref<128xi32, #tpu.memory_space<vmem>>)
          %dma_start3A_404 = arith.constant 0 : i32
          %dma_start3A_405 = arith.constant 0 : i32
          %dma_start3A_406 = tpu.memref_slice %arg2[%dma_start3A_404, %dma_start3A_405] : memref<10000x128xf32, #tpu.memory_space<hbm>> -> memref<10000x128xf32, #tpu.memory_space<hbm>>
          tpu.enqueue_indirect_dma source(%dma_start3A_406 : memref<10000x128xf32, #tpu.memory_space<hbm>>) target(%arg16 : memref<128x128xf32, #tpu.memory_space<vmem>>) offsets(%arg8 : memref<128xi32, #tpu.memory_space<vmem>>) semaphore(%arg21 : memref<!tpu.dma_semaphore, #tpu.memory_space<semaphore_mem>>)
        } else {
        }
      } else {
      }
    }
    %scan3A_138 = arith.constant 39 : i32
    %lt3A = arith.constant 4 : i32
    %lt3A_139 = arith.cmpi slt, %add3A, %lt3A : i32
    %convert_element_type3A = arith.extui %lt3A_139 : i1 to i32
    %cond3A = arith.constant 0 : i32
    %cond3A_140 = arith.cmpi ne, %convert_element_type3A, %cond3A : i32
    scf.if %cond3A_140 {
      %add3A_283 = arith.constant 2496 : i32
      %add3A_284 = arith.addi %add3A, %add3A_283 : i32
      %mul3A_285 = arith.constant 128 : i32
      %mul3A_286 = arith.muli %add3A_284, %mul3A_285 : i32
      "tpu.region"() ({
        %run_scoped3A = tpu.sem_alloc : memref<!tpu.dma_semaphore, #tpu.memory_space<semaphore_mem>>
        %dma_start3A_293 = tpu.memref_slice %arg3[%mul3A_286] : memref<320000xi32, #tpu.memory_space<hbm>> -> memref<128xi32, #tpu.memory_space<hbm>>
        %dma_start3A_294 = tpu.memref_slice %arg3[%mul3A_286] : memref<320000xi32, #tpu.memory_space<hbm>> -> memref<128xi32, #tpu.memory_space<hbm>>
        tpu.enqueue_dma source(%dma_start3A_294 : memref<128xi32, #tpu.memory_space<hbm>>) target(%arg7 : memref<128xi32, #tpu.memory_space<vmem>>) target_semaphore(%run_scoped3A : memref<!tpu.dma_semaphore, #tpu.memory_space<semaphore_mem>>)
        %dma_wait3A_295 = tpu.memref_slice %arg3[%mul3A_286] : memref<320000xi32, #tpu.memory_space<hbm>> -> memref<128xi32, #tpu.memory_space<hbm>>
        %dma_wait3A_296 = tpu.memref_slice %arg3[%mul3A_286] : memref<320000xi32, #tpu.memory_space<hbm>> -> memref<128xi32, #tpu.memory_space<hbm>>
        tpu.wait_dma2 semaphore(%run_scoped3A : memref<!tpu.dma_semaphore, #tpu.memory_space<semaphore_mem>>) src(%dma_wait3A_296 : memref<128xi32, #tpu.memory_space<hbm>>) dst(%arg7 : memref<128xi32, #tpu.memory_space<vmem>>)
        tpu.yield
      }) : () -> ()
      "tpu.region"() ({
        %run_scoped3A = tpu.sem_alloc : memref<!tpu.dma_semaphore, #tpu.memory_space<semaphore_mem>>
        %dma_start3A_293 = tpu.memref_slice %arg4[%mul3A_286] : memref<320000xi32, #tpu.memory_space<hbm>> -> memref<128xi32, #tpu.memory_space<hbm>>
        %dma_start3A_294 = tpu.memref_slice %arg4[%mul3A_286] : memref<320000xi32, #tpu.memory_space<hbm>> -> memref<128xi32, #tpu.memory_space<hbm>>
        tpu.enqueue_dma source(%dma_start3A_294 : memref<128xi32, #tpu.memory_space<hbm>>) target(%arg9 : memref<128xi32, #tpu.memory_space<vmem>>) target_semaphore(%run_scoped3A : memref<!tpu.dma_semaphore, #tpu.memory_space<semaphore_mem>>)
        %dma_wait3A_295 = tpu.memref_slice %arg4[%mul3A_286] : memref<320000xi32, #tpu.memory_space<hbm>> -> memref<128xi32, #tpu.memory_space<hbm>>
        %dma_wait3A_296 = tpu.memref_slice %arg4[%mul3A_286] : memref<320000xi32, #tpu.memory_space<hbm>> -> memref<128xi32, #tpu.memory_space<hbm>>
        tpu.wait_dma2 semaphore(%run_scoped3A : memref<!tpu.dma_semaphore, #tpu.memory_space<semaphore_mem>>) src(%dma_wait3A_296 : memref<128xi32, #tpu.memory_space<hbm>>) dst(%arg9 : memref<128xi32, #tpu.memory_space<vmem>>)
        tpu.yield
      }) : () -> ()
      %dma_start3A_287 = arith.constant 0 : i32
      %dma_start3A_288 = arith.constant 0 : i32
      %dma_start3A_289 = tpu.memref_slice %arg2[%dma_start3A_287, %dma_start3A_288] : memref<10000x128xf32, #tpu.memory_space<hbm>> -> memref<10000x128xf32, #tpu.memory_space<hbm>>
      tpu.enqueue_indirect_dma source(%dma_start3A_289 : memref<10000x128xf32, #tpu.memory_space<hbm>>) target(%arg15 : memref<128x128xf32, #tpu.memory_space<vmem>>) offsets(%arg7 : memref<128xi32, #tpu.memory_space<vmem>>) semaphore(%arg20 : memref<!tpu.dma_semaphore, #tpu.memory_space<semaphore_mem>>)
      %dma_wait3A_290 = arith.constant 0 : i32
      %dma_wait3A_291 = arith.constant 0 : i32
      %dma_wait3A_292 = tpu.memref_slice %arg2[%dma_wait3A_290, %dma_wait3A_291] : memref<10000x128xf32, #tpu.memory_space<hbm>> -> memref<10000x128xf32, #tpu.memory_space<hbm>>
      tpu.wait_indirect_dma semaphore(%arg20 : memref<!tpu.dma_semaphore, #tpu.memory_space<semaphore_mem>>) src(%dma_wait3A_292 : memref<10000x128xf32, #tpu.memory_space<hbm>>) dst(%arg15 : memref<128x128xf32, #tpu.memory_space<vmem>>)
      "tpu.region"() ({
        %run_scoped3A = tpu.sem_alloc : memref<!tpu.dma_semaphore, #tpu.memory_space<semaphore_mem>>
        %dma_start3A_293 = arith.constant 0 : i32
        %dma_start3A_294 = arith.constant 0 : i32
        %dma_start3A_295 = tpu.memref_slice %arg18[%dma_start3A_293, %dma_start3A_294] : memref<10240x128xf32, #tpu.memory_space<vmem_shared>> -> memref<10240x128xf32, #tpu.memory_space<vmem_shared>>
        tpu.enqueue_indirect_dma source(%arg15 : memref<128x128xf32, #tpu.memory_space<vmem>>) target(%dma_start3A_295 : memref<10240x128xf32, #tpu.memory_space<vmem_shared>>) offsets(%arg9 : memref<128xi32, #tpu.memory_space<vmem>>) semaphore(%run_scoped3A : memref<!tpu.dma_semaphore, #tpu.memory_space<semaphore_mem>>) {add = true}
        %dma_wait3A_296 = arith.constant 0 : i32
        %dma_wait3A_297 = arith.constant 0 : i32
        %dma_wait3A_298 = tpu.memref_slice %arg18[%dma_wait3A_296, %dma_wait3A_297] : memref<10240x128xf32, #tpu.memory_space<vmem_shared>> -> memref<10240x128xf32, #tpu.memory_space<vmem_shared>>
        tpu.wait_indirect_dma semaphore(%run_scoped3A : memref<!tpu.dma_semaphore, #tpu.memory_space<semaphore_mem>>) src(%arg15 : memref<128x128xf32, #tpu.memory_space<vmem>>) dst(%dma_wait3A_298 : memref<10240x128xf32, #tpu.memory_space<vmem_shared>>)
        tpu.yield
      }) : () -> ()
      "tpu.region"() ({
        %run_scoped3A = tpu.sem_alloc : memref<!tpu.dma_semaphore, #tpu.memory_space<semaphore_mem>>
        %dma_start3A_293 = arith.constant 0 : i32
        %dma_start3A_294 = tpu.memref_slice %arg19[%dma_start3A_293] : memref<10240xf32, #tpu.memory_space<vmem_shared>> -> memref<10240xf32, #tpu.memory_space<vmem_shared>>
        tpu.enqueue_indirect_dma source(%arg17 : memref<128xf32, #tpu.memory_space<vmem>>) target(%dma_start3A_294 : memref<10240xf32, #tpu.memory_space<vmem_shared>>) offsets(%arg9 : memref<128xi32, #tpu.memory_space<vmem>>) semaphore(%run_scoped3A : memref<!tpu.dma_semaphore, #tpu.memory_space<semaphore_mem>>) {add = true}
        %dma_wait3A_295 = arith.constant 0 : i32
        %dma_wait3A_296 = tpu.memref_slice %arg19[%dma_wait3A_295] : memref<10240xf32, #tpu.memory_space<vmem_shared>> -> memref<10240xf32, #tpu.memory_space<vmem_shared>>
        tpu.wait_indirect_dma semaphore(%run_scoped3A : memref<!tpu.dma_semaphore, #tpu.memory_space<semaphore_mem>>) src(%arg17 : memref<128xf32, #tpu.memory_space<vmem>>) dst(%dma_wait3A_296 : memref<10240xf32, #tpu.memory_space<vmem_shared>>)
        tpu.yield
      }) : () -> ()
    } else {
    }
    %barrier3A_141 = arith.constant 0 : index
    tpu.barrier barrier_id(%barrier3A_141)
    %mul3A_142 = arith.constant 640 : i32
    %mul3A_143 = arith.muli %arg1, %mul3A_142 : i32
    %add3A_144 = arith.constant 0 : i32
    %add3A_145 = arith.addi %mul3A_143, %add3A_144 : i32
    %dma_start3A_146 = arith.constant 0 : i32
    %dma_start3A_147 = tpu.memref_slice %arg18[%add3A_145, %dma_start3A_146] : memref<10240x128xf32, #tpu.memory_space<vmem_shared>> -> memref<128x128xf32, #tpu.memory_space<vmem_shared>>
    %dma_start3A_148 = arith.constant 0 : i32
    %dma_start3A_149 = tpu.memref_slice %arg18[%add3A_145, %dma_start3A_148] : memref<10240x128xf32, #tpu.memory_space<vmem_shared>> -> memref<128x128xf32, #tpu.memory_space<vmem_shared>>
    tpu.enqueue_dma source(%dma_start3A_149 : memref<128x128xf32, #tpu.memory_space<vmem_shared>>) target(%arg15 : memref<128x128xf32, #tpu.memory_space<vmem>>) target_semaphore(%arg20 : memref<!tpu.dma_semaphore, #tpu.memory_space<semaphore_mem>>)
    %dma_wait3A_150 = arith.constant 0 : i32
    %dma_wait3A_151 = tpu.memref_slice %arg18[%add3A_145, %dma_wait3A_150] : memref<10240x128xf32, #tpu.memory_space<vmem_shared>> -> memref<128x128xf32, #tpu.memory_space<vmem_shared>>
    %dma_wait3A_152 = arith.constant 0 : i32
    %dma_wait3A_153 = tpu.memref_slice %arg18[%add3A_145, %dma_wait3A_152] : memref<10240x128xf32, #tpu.memory_space<vmem_shared>> -> memref<128x128xf32, #tpu.memory_space<vmem_shared>>
    tpu.wait_dma2 semaphore(%arg20 : memref<!tpu.dma_semaphore, #tpu.memory_space<semaphore_mem>>) src(%dma_wait3A_153 : memref<128x128xf32, #tpu.memory_space<vmem_shared>>) dst(%arg15 : memref<128x128xf32, #tpu.memory_space<vmem>>)
    %mul3A_154 = arith.constant 10240 : i32
    %mul3A_155 = arith.muli %arg0, %mul3A_154 : i32
    %mul3A_156 = arith.constant 640 : i32
    %mul3A_157 = arith.muli %arg1, %mul3A_156 : i32
    %add3A_158 = arith.addi %mul3A_155, %mul3A_157 : i32
    %add3A_159 = arith.constant 0 : i32
    %add3A_160 = arith.addi %add3A_158, %add3A_159 : i32
    %dma_start3A_161 = arith.constant 0 : i32
    %dma_start3A_162 = tpu.memref_slice %arg5[%add3A_160, %dma_start3A_161] : memref<20480x128xf32, #tpu.memory_space<hbm>> -> memref<128x128xf32, #tpu.memory_space<hbm>>
    %dma_start3A_163 = arith.constant 0 : i32
    %dma_start3A_164 = tpu.memref_slice %arg5[%add3A_160, %dma_start3A_163] : memref<20480x128xf32, #tpu.memory_space<hbm>> -> memref<128x128xf32, #tpu.memory_space<hbm>>
    tpu.enqueue_dma source(%arg15 : memref<128x128xf32, #tpu.memory_space<vmem>>) target(%dma_start3A_164 : memref<128x128xf32, #tpu.memory_space<hbm>>) target_semaphore(%arg22 : memref<!tpu.dma_semaphore, #tpu.memory_space<semaphore_mem>>)
    %mul3A_165 = arith.constant 640 : i32
    %mul3A_166 = arith.muli %arg1, %mul3A_165 : i32
    %add3A_167 = arith.constant 128 : i32
    %add3A_168 = arith.addi %mul3A_166, %add3A_167 : i32
    %dma_start3A_169 = arith.constant 0 : i32
    %dma_start3A_170 = tpu.memref_slice %arg18[%add3A_168, %dma_start3A_169] : memref<10240x128xf32, #tpu.memory_space<vmem_shared>> -> memref<128x128xf32, #tpu.memory_space<vmem_shared>>
    %dma_start3A_171 = arith.constant 0 : i32
    %dma_start3A_172 = tpu.memref_slice %arg18[%add3A_168, %dma_start3A_171] : memref<10240x128xf32, #tpu.memory_space<vmem_shared>> -> memref<128x128xf32, #tpu.memory_space<vmem_shared>>
    tpu.enqueue_dma source(%dma_start3A_172 : memref<128x128xf32, #tpu.memory_space<vmem_shared>>) target(%arg16 : memref<128x128xf32, #tpu.memory_space<vmem>>) target_semaphore(%arg21 : memref<!tpu.dma_semaphore, #tpu.memory_space<semaphore_mem>>)
    %dma_wait3A_173 = arith.constant 0 : i32
    %dma_wait3A_174 = tpu.memref_slice %arg18[%add3A_168, %dma_wait3A_173] : memref<10240x128xf32, #tpu.memory_space<vmem_shared>> -> memref<128x128xf32, #tpu.memory_space<vmem_shared>>
    %dma_wait3A_175 = arith.constant 0 : i32
    %dma_wait3A_176 = tpu.memref_slice %arg18[%add3A_168, %dma_wait3A_175] : memref<10240x128xf32, #tpu.memory_space<vmem_shared>> -> memref<128x128xf32, #tpu.memory_space<vmem_shared>>
    tpu.wait_dma2 semaphore(%arg21 : memref<!tpu.dma_semaphore, #tpu.memory_space<semaphore_mem>>) src(%dma_wait3A_176 : memref<128x128xf32, #tpu.memory_space<vmem_shared>>) dst(%arg16 : memref<128x128xf32, #tpu.memory_space<vmem>>)
    %mul3A_177 = arith.constant 10240 : i32
    %mul3A_178 = arith.muli %arg0, %mul3A_177 : i32
    %mul3A_179 = arith.constant 640 : i32
    %mul3A_180 = arith.muli %arg1, %mul3A_179 : i32
    %add3A_181 = arith.addi %mul3A_178, %mul3A_180 : i32
    %add3A_182 = arith.constant 128 : i32
    %add3A_183 = arith.addi %add3A_181, %add3A_182 : i32
    %dma_start3A_184 = arith.constant 0 : i32
    %dma_start3A_185 = tpu.memref_slice %arg5[%add3A_183, %dma_start3A_184] : memref<20480x128xf32, #tpu.memory_space<hbm>> -> memref<128x128xf32, #tpu.memory_space<hbm>>
    %dma_start3A_186 = arith.constant 0 : i32
    %dma_start3A_187 = tpu.memref_slice %arg5[%add3A_183, %dma_start3A_186] : memref<20480x128xf32, #tpu.memory_space<hbm>> -> memref<128x128xf32, #tpu.memory_space<hbm>>
    tpu.enqueue_dma source(%arg16 : memref<128x128xf32, #tpu.memory_space<vmem>>) target(%dma_start3A_187 : memref<128x128xf32, #tpu.memory_space<hbm>>) target_semaphore(%arg23 : memref<!tpu.dma_semaphore, #tpu.memory_space<semaphore_mem>>)
    %dma_wait3A_188 = arith.constant 0 : i32
    %dma_wait3A_189 = tpu.memref_slice %arg5[%add3A_160, %dma_wait3A_188] : memref<20480x128xf32, #tpu.memory_space<hbm>> -> memref<128x128xf32, #tpu.memory_space<hbm>>
    %dma_wait3A_190 = arith.constant 0 : i32
    %dma_wait3A_191 = tpu.memref_slice %arg5[%add3A_160, %dma_wait3A_190] : memref<20480x128xf32, #tpu.memory_space<hbm>> -> memref<128x128xf32, #tpu.memory_space<hbm>>
    tpu.wait_dma2 semaphore(%arg22 : memref<!tpu.dma_semaphore, #tpu.memory_space<semaphore_mem>>) src(%arg15 : memref<128x128xf32, #tpu.memory_space<vmem>>) dst(%dma_wait3A_191 : memref<128x128xf32, #tpu.memory_space<hbm>>)
    %mul3A_192 = arith.constant 640 : i32
    %mul3A_193 = arith.muli %arg1, %mul3A_192 : i32
    %add3A_194 = arith.constant 256 : i32
    %add3A_195 = arith.addi %mul3A_193, %add3A_194 : i32
    %dma_start3A_196 = arith.constant 0 : i32
    %dma_start3A_197 = tpu.memref_slice %arg18[%add3A_195, %dma_start3A_196] : memref<10240x128xf32, #tpu.memory_space<vmem_shared>> -> memref<128x128xf32, #tpu.memory_space<vmem_shared>>
    %dma_start3A_198 = arith.constant 0 : i32
    %dma_start3A_199 = tpu.memref_slice %arg18[%add3A_195, %dma_start3A_198] : memref<10240x128xf32, #tpu.memory_space<vmem_shared>> -> memref<128x128xf32, #tpu.memory_space<vmem_shared>>
    tpu.enqueue_dma source(%dma_start3A_199 : memref<128x128xf32, #tpu.memory_space<vmem_shared>>) target(%arg15 : memref<128x128xf32, #tpu.memory_space<vmem>>) target_semaphore(%arg20 : memref<!tpu.dma_semaphore, #tpu.memory_space<semaphore_mem>>)
    %dma_wait3A_200 = arith.constant 0 : i32
    %dma_wait3A_201 = tpu.memref_slice %arg18[%add3A_195, %dma_wait3A_200] : memref<10240x128xf32, #tpu.memory_space<vmem_shared>> -> memref<128x128xf32, #tpu.memory_space<vmem_shared>>
    %dma_wait3A_202 = arith.constant 0 : i32
    %dma_wait3A_203 = tpu.memref_slice %arg18[%add3A_195, %dma_wait3A_202] : memref<10240x128xf32, #tpu.memory_space<vmem_shared>> -> memref<128x128xf32, #tpu.memory_space<vmem_shared>>
    tpu.wait_dma2 semaphore(%arg20 : memref<!tpu.dma_semaphore, #tpu.memory_space<semaphore_mem>>) src(%dma_wait3A_203 : memref<128x128xf32, #tpu.memory_space<vmem_shared>>) dst(%arg15 : memref<128x128xf32, #tpu.memory_space<vmem>>)
    %mul3A_204 = arith.constant 10240 : i32
    %mul3A_205 = arith.muli %arg0, %mul3A_204 : i32
    %mul3A_206 = arith.constant 640 : i32
    %mul3A_207 = arith.muli %arg1, %mul3A_206 : i32
    %add3A_208 = arith.addi %mul3A_205, %mul3A_207 : i32
    %add3A_209 = arith.constant 256 : i32
    %add3A_210 = arith.addi %add3A_208, %add3A_209 : i32
    %dma_start3A_211 = arith.constant 0 : i32
    %dma_start3A_212 = tpu.memref_slice %arg5[%add3A_210, %dma_start3A_211] : memref<20480x128xf32, #tpu.memory_space<hbm>> -> memref<128x128xf32, #tpu.memory_space<hbm>>
    %dma_start3A_213 = arith.constant 0 : i32
    %dma_start3A_214 = tpu.memref_slice %arg5[%add3A_210, %dma_start3A_213] : memref<20480x128xf32, #tpu.memory_space<hbm>> -> memref<128x128xf32, #tpu.memory_space<hbm>>
    tpu.enqueue_dma source(%arg15 : memref<128x128xf32, #tpu.memory_space<vmem>>) target(%dma_start3A_214 : memref<128x128xf32, #tpu.memory_space<hbm>>) target_semaphore(%arg22 : memref<!tpu.dma_semaphore, #tpu.memory_space<semaphore_mem>>)
    %dma_wait3A_215 = arith.constant 0 : i32
    %dma_wait3A_216 = tpu.memref_slice %arg5[%add3A_183, %dma_wait3A_215] : memref<20480x128xf32, #tpu.memory_space<hbm>> -> memref<128x128xf32, #tpu.memory_space<hbm>>
    %dma_wait3A_217 = arith.constant 0 : i32
    %dma_wait3A_218 = tpu.memref_slice %arg5[%add3A_183, %dma_wait3A_217] : memref<20480x128xf32, #tpu.memory_space<hbm>> -> memref<128x128xf32, #tpu.memory_space<hbm>>
    tpu.wait_dma2 semaphore(%arg23 : memref<!tpu.dma_semaphore, #tpu.memory_space<semaphore_mem>>) src(%arg16 : memref<128x128xf32, #tpu.memory_space<vmem>>) dst(%dma_wait3A_218 : memref<128x128xf32, #tpu.memory_space<hbm>>)
    %mul3A_219 = arith.constant 640 : i32
    %mul3A_220 = arith.muli %arg1, %mul3A_219 : i32
    %add3A_221 = arith.constant 384 : i32
    %add3A_222 = arith.addi %mul3A_220, %add3A_221 : i32
    %dma_start3A_223 = arith.constant 0 : i32
    %dma_start3A_224 = tpu.memref_slice %arg18[%add3A_222, %dma_start3A_223] : memref<10240x128xf32, #tpu.memory_space<vmem_shared>> -> memref<128x128xf32, #tpu.memory_space<vmem_shared>>
    %dma_start3A_225 = arith.constant 0 : i32
    %dma_start3A_226 = tpu.memref_slice %arg18[%add3A_222, %dma_start3A_225] : memref<10240x128xf32, #tpu.memory_space<vmem_shared>> -> memref<128x128xf32, #tpu.memory_space<vmem_shared>>
    tpu.enqueue_dma source(%dma_start3A_226 : memref<128x128xf32, #tpu.memory_space<vmem_shared>>) target(%arg16 : memref<128x128xf32, #tpu.memory_space<vmem>>) target_semaphore(%arg21 : memref<!tpu.dma_semaphore, #tpu.memory_space<semaphore_mem>>)
    %dma_wait3A_227 = arith.constant 0 : i32
    %dma_wait3A_228 = tpu.memref_slice %arg18[%add3A_222, %dma_wait3A_227] : memref<10240x128xf32, #tpu.memory_space<vmem_shared>> -> memref<128x128xf32, #tpu.memory_space<vmem_shared>>
    %dma_wait3A_229 = arith.constant 0 : i32
    %dma_wait3A_230 = tpu.memref_slice %arg18[%add3A_222, %dma_wait3A_229] : memref<10240x128xf32, #tpu.memory_space<vmem_shared>> -> memref<128x128xf32, #tpu.memory_space<vmem_shared>>
    tpu.wait_dma2 semaphore(%arg21 : memref<!tpu.dma_semaphore, #tpu.memory_space<semaphore_mem>>) src(%dma_wait3A_230 : memref<128x128xf32, #tpu.memory_space<vmem_shared>>) dst(%arg16 : memref<128x128xf32, #tpu.memory_space<vmem>>)
    %mul3A_231 = arith.constant 10240 : i32
    %mul3A_232 = arith.muli %arg0, %mul3A_231 : i32
    %mul3A_233 = arith.constant 640 : i32
    %mul3A_234 = arith.muli %arg1, %mul3A_233 : i32
    %add3A_235 = arith.addi %mul3A_232, %mul3A_234 : i32
    %add3A_236 = arith.constant 384 : i32
    %add3A_237 = arith.addi %add3A_235, %add3A_236 : i32
    %dma_start3A_238 = arith.constant 0 : i32
    %dma_start3A_239 = tpu.memref_slice %arg5[%add3A_237, %dma_start3A_238] : memref<20480x128xf32, #tpu.memory_space<hbm>> -> memref<128x128xf32, #tpu.memory_space<hbm>>
    %dma_start3A_240 = arith.constant 0 : i32
    %dma_start3A_241 = tpu.memref_slice %arg5[%add3A_237, %dma_start3A_240] : memref<20480x128xf32, #tpu.memory_space<hbm>> -> memref<128x128xf32, #tpu.memory_space<hbm>>
    tpu.enqueue_dma source(%arg16 : memref<128x128xf32, #tpu.memory_space<vmem>>) target(%dma_start3A_241 : memref<128x128xf32, #tpu.memory_space<hbm>>) target_semaphore(%arg23 : memref<!tpu.dma_semaphore, #tpu.memory_space<semaphore_mem>>)
    %dma_wait3A_242 = arith.constant 0 : i32
    %dma_wait3A_243 = tpu.memref_slice %arg5[%add3A_210, %dma_wait3A_242] : memref<20480x128xf32, #tpu.memory_space<hbm>> -> memref<128x128xf32, #tpu.memory_space<hbm>>
    %dma_wait3A_244 = arith.constant 0 : i32
    %dma_wait3A_245 = tpu.memref_slice %arg5[%add3A_210, %dma_wait3A_244] : memref<20480x128xf32, #tpu.memory_space<hbm>> -> memref<128x128xf32, #tpu.memory_space<hbm>>
    tpu.wait_dma2 semaphore(%arg22 : memref<!tpu.dma_semaphore, #tpu.memory_space<semaphore_mem>>) src(%arg15 : memref<128x128xf32, #tpu.memory_space<vmem>>) dst(%dma_wait3A_245 : memref<128x128xf32, #tpu.memory_space<hbm>>)
    %mul3A_246 = arith.constant 640 : i32
    %mul3A_247 = arith.muli %arg1, %mul3A_246 : i32
    %add3A_248 = arith.constant 512 : i32
    %add3A_249 = arith.addi %mul3A_247, %add3A_248 : i32
    %dma_start3A_250 = arith.constant 0 : i32
    %dma_start3A_251 = tpu.memref_slice %arg18[%add3A_249, %dma_start3A_250] : memref<10240x128xf32, #tpu.memory_space<vmem_shared>> -> memref<128x128xf32, #tpu.memory_space<vmem_shared>>
    %dma_start3A_252 = arith.constant 0 : i32
    %dma_start3A_253 = tpu.memref_slice %arg18[%add3A_249, %dma_start3A_252] : memref<10240x128xf32, #tpu.memory_space<vmem_shared>> -> memref<128x128xf32, #tpu.memory_space<vmem_shared>>
    tpu.enqueue_dma source(%dma_start3A_253 : memref<128x128xf32, #tpu.memory_space<vmem_shared>>) target(%arg15 : memref<128x128xf32, #tpu.memory_space<vmem>>) target_semaphore(%arg20 : memref<!tpu.dma_semaphore, #tpu.memory_space<semaphore_mem>>)
    %dma_wait3A_254 = arith.constant 0 : i32
    %dma_wait3A_255 = tpu.memref_slice %arg18[%add3A_249, %dma_wait3A_254] : memref<10240x128xf32, #tpu.memory_space<vmem_shared>> -> memref<128x128xf32, #tpu.memory_space<vmem_shared>>
    %dma_wait3A_256 = arith.constant 0 : i32
    %dma_wait3A_257 = tpu.memref_slice %arg18[%add3A_249, %dma_wait3A_256] : memref<10240x128xf32, #tpu.memory_space<vmem_shared>> -> memref<128x128xf32, #tpu.memory_space<vmem_shared>>
    tpu.wait_dma2 semaphore(%arg20 : memref<!tpu.dma_semaphore, #tpu.memory_space<semaphore_mem>>) src(%dma_wait3A_257 : memref<128x128xf32, #tpu.memory_space<vmem_shared>>) dst(%arg15 : memref<128x128xf32, #tpu.memory_space<vmem>>)
    %mul3A_258 = arith.constant 10240 : i32
    %mul3A_259 = arith.muli %arg0, %mul3A_258 : i32
    %mul3A_260 = arith.constant 640 : i32
    %mul3A_261 = arith.muli %arg1, %mul3A_260 : i32
    %add3A_262 = arith.addi %mul3A_259, %mul3A_261 : i32
    %add3A_263 = arith.constant 512 : i32
    %add3A_264 = arith.addi %add3A_262, %add3A_263 : i32
    %dma_start3A_265 = arith.constant 0 : i32
    %dma_start3A_266 = tpu.memref_slice %arg5[%add3A_264, %dma_start3A_265] : memref<20480x128xf32, #tpu.memory_space<hbm>> -> memref<128x128xf32, #tpu.memory_space<hbm>>
    %dma_start3A_267 = arith.constant 0 : i32
    %dma_start3A_268 = tpu.memref_slice %arg5[%add3A_264, %dma_start3A_267] : memref<20480x128xf32, #tpu.memory_space<hbm>> -> memref<128x128xf32, #tpu.memory_space<hbm>>
    tpu.enqueue_dma source(%arg15 : memref<128x128xf32, #tpu.memory_space<vmem>>) target(%dma_start3A_268 : memref<128x128xf32, #tpu.memory_space<hbm>>) target_semaphore(%arg22 : memref<!tpu.dma_semaphore, #tpu.memory_space<semaphore_mem>>)
    %dma_wait3A_269 = arith.constant 0 : i32
    %dma_wait3A_270 = tpu.memref_slice %arg5[%add3A_264, %dma_wait3A_269] : memref<20480x128xf32, #tpu.memory_space<hbm>> -> memref<128x128xf32, #tpu.memory_space<hbm>>
    %dma_wait3A_271 = arith.constant 0 : i32
    %dma_wait3A_272 = tpu.memref_slice %arg5[%add3A_264, %dma_wait3A_271] : memref<20480x128xf32, #tpu.memory_space<hbm>> -> memref<128x128xf32, #tpu.memory_space<hbm>>
    tpu.wait_dma2 semaphore(%arg22 : memref<!tpu.dma_semaphore, #tpu.memory_space<semaphore_mem>>) src(%arg15 : memref<128x128xf32, #tpu.memory_space<vmem>>) dst(%dma_wait3A_272 : memref<128x128xf32, #tpu.memory_space<hbm>>)
    %dma_wait3A_273 = arith.constant 0 : i32
    %dma_wait3A_274 = tpu.memref_slice %arg5[%add3A_237, %dma_wait3A_273] : memref<20480x128xf32, #tpu.memory_space<hbm>> -> memref<128x128xf32, #tpu.memory_space<hbm>>
    %dma_wait3A_275 = arith.constant 0 : i32
    %dma_wait3A_276 = tpu.memref_slice %arg5[%add3A_237, %dma_wait3A_275] : memref<20480x128xf32, #tpu.memory_space<hbm>> -> memref<128x128xf32, #tpu.memory_space<hbm>>
    tpu.wait_dma2 semaphore(%arg23 : memref<!tpu.dma_semaphore, #tpu.memory_space<semaphore_mem>>) src(%arg16 : memref<128x128xf32, #tpu.memory_space<vmem>>) dst(%dma_wait3A_276 : memref<128x128xf32, #tpu.memory_space<hbm>>)
    %scan3A_277 = arith.constant 0 : i32
    %scan3A_278 = arith.constant 0 : i32
    %scan3A_279 = arith.constant 5 : i32
    %scan3A_280 = arith.addi %scan3A_278, %scan3A_279 : i32
    %scan3A_281 = arith.constant 1 : i32
    scf.for %scan3A_283 = %scan3A_278 to %scan3A_280 step %scan3A_281  : i32 {
      %mul3A_284 = arith.constant 640 : i32
      %mul3A_285 = arith.muli %arg1, %mul3A_284 : i32
      %mul3A_286 = arith.constant 128 : i32
      %mul3A_287 = arith.muli %scan3A_283, %mul3A_286 : i32
      %add3A_288 = arith.addi %mul3A_285, %mul3A_287 : i32
      "tpu.region"() ({
        %run_scoped3A = tpu.sem_alloc : memref<!tpu.dma_semaphore, #tpu.memory_space<semaphore_mem>>
        %dma_start3A_292 = tpu.memref_slice %arg19[%add3A_288] : memref<10240xf32, #tpu.memory_space<vmem_shared>> -> memref<128xf32, #tpu.memory_space<vmem_shared>>
        %dma_start3A_293 = tpu.memref_slice %arg19[%add3A_288] : memref<10240xf32, #tpu.memory_space<vmem_shared>> -> memref<128xf32, #tpu.memory_space<vmem_shared>>
        tpu.enqueue_dma source(%dma_start3A_293 : memref<128xf32, #tpu.memory_space<vmem_shared>>) target(%arg17 : memref<128xf32, #tpu.memory_space<vmem>>) target_semaphore(%run_scoped3A : memref<!tpu.dma_semaphore, #tpu.memory_space<semaphore_mem>>)
        %dma_wait3A_294 = tpu.memref_slice %arg19[%add3A_288] : memref<10240xf32, #tpu.memory_space<vmem_shared>> -> memref<128xf32, #tpu.memory_space<vmem_shared>>
        %dma_wait3A_295 = tpu.memref_slice %arg19[%add3A_288] : memref<10240xf32, #tpu.memory_space<vmem_shared>> -> memref<128xf32, #tpu.memory_space<vmem_shared>>
        tpu.wait_dma2 semaphore(%run_scoped3A : memref<!tpu.dma_semaphore, #tpu.memory_space<semaphore_mem>>) src(%dma_wait3A_295 : memref<128xf32, #tpu.memory_space<vmem_shared>>) dst(%arg17 : memref<128xf32, #tpu.memory_space<vmem>>)
        tpu.yield
      }) : () -> ()
      %mul3A_289 = arith.constant 10240 : i32
      %mul3A_290 = arith.muli %arg0, %mul3A_289 : i32
      %add3A_291 = arith.addi %mul3A_290, %add3A_288 : i32
      "tpu.region"() ({
        %run_scoped3A = tpu.sem_alloc : memref<!tpu.dma_semaphore, #tpu.memory_space<semaphore_mem>>
        %dma_start3A_292 = tpu.memref_slice %arg6[%add3A_291] : memref<20480xf32, #tpu.memory_space<hbm>> -> memref<128xf32, #tpu.memory_space<hbm>>
        %dma_start3A_293 = tpu.memref_slice %arg6[%add3A_291] : memref<20480xf32, #tpu.memory_space<hbm>> -> memref<128xf32, #tpu.memory_space<hbm>>
        tpu.enqueue_dma source(%arg17 : memref<128xf32, #tpu.memory_space<vmem>>) target(%dma_start3A_293 : memref<128xf32, #tpu.memory_space<hbm>>) target_semaphore(%run_scoped3A : memref<!tpu.dma_semaphore, #tpu.memory_space<semaphore_mem>>)
        %dma_wait3A_294 = tpu.memref_slice %arg6[%add3A_291] : memref<20480xf32, #tpu.memory_space<hbm>> -> memref<128xf32, #tpu.memory_space<hbm>>
        %dma_wait3A_295 = tpu.memref_slice %arg6[%add3A_291] : memref<20480xf32, #tpu.memory_space<hbm>> -> memref<128xf32, #tpu.memory_space<hbm>>
        tpu.wait_dma2 semaphore(%run_scoped3A : memref<!tpu.dma_semaphore, #tpu.memory_space<semaphore_mem>>) src(%arg17 : memref<128xf32, #tpu.memory_space<vmem>>) dst(%dma_wait3A_295 : memref<128xf32, #tpu.memory_space<hbm>>)
        tpu.yield
      }) : () -> ()
    }
    %scan3A_282 = arith.constant 5 : i32
    return
  }
}

#map = affine_map<(d0, d1) -> (0, 0)>
#map1 = affine_map<(d0, d1) -> (0)>
module attributes {stable_mosaic.version = 14 : i64} {
  func.func @body(%arg0: i32, %arg1: i32, %arg2: memref<10000x128xf32, #tpu.memory_space<hbm>>, %arg3: memref<320000xi32, #tpu.memory_space<hbm>>, %arg4: memref<320000xi32, #tpu.memory_space<hbm>>, %arg5: memref<20480x128xf32, #tpu.memory_space<hbm>>, %arg6: memref<128xi32, #tpu.memory_space<vmem>>, %arg7: memref<128xi32, #tpu.memory_space<vmem>>, %arg8: memref<128xi32, #tpu.memory_space<vmem>>, %arg9: memref<128xi32, #tpu.memory_space<vmem>>, %arg10: memref<128xi32, #tpu.memory_space<vmem>>, %arg11: memref<128xi32, #tpu.memory_space<vmem>>, %arg12: memref<128xi32, #tpu.memory_space<vmem>>, %arg13: memref<128xi32, #tpu.memory_space<vmem>>, %arg14: memref<128x128xf32, #tpu.memory_space<vmem>>, %arg15: memref<128x128xf32, #tpu.memory_space<vmem>>, %arg16: memref<10240x128xf32, #tpu.memory_space<vmem_shared>>, %arg17: memref<!tpu.dma_semaphore, #tpu.memory_space<semaphore_mem>>, %arg18: memref<!tpu.dma_semaphore, #tpu.memory_space<semaphore_mem>>, %arg19: memref<!tpu.dma_semaphore, #tpu.memory_space<semaphore_mem>>, %arg20: memref<!tpu.dma_semaphore, #tpu.memory_space<semaphore_mem>>, %arg21: memref<!tpu.dma_semaphore, #tpu.memory_space<semaphore_mem>>, %arg22: memref<!tpu.dma_semaphore, #tpu.memory_space<semaphore_mem>>) attributes {dimension_semantics = [#tpu.dimension_semantics<core_parallel>, #tpu.dimension_semantics<subcore_parallel>], iteration_bounds = array<i64: 2, 16>, scalar_prefetch = 0 : i64, scratch_operands = 17 : i64, tpu.core_type = #tpu.core_type<sc_vector_subcore>, window_params = [{transform_indices = #map}, {transform_indices = #map1}, {transform_indices = #map1}, {transform_indices = #map}]} {
    %mul3A = arith.constant 2 : i32
    %mul3A_0 = arith.muli %arg1, %mul3A : i32
    %add3A = arith.addi %mul3A_0, %arg0 : i32
    %broadcast_in_dim3A = arith.constant 0.000000e+00 : f32
    %broadcast_in_dim3A_1 = vector.broadcast %broadcast_in_dim3A : f32 to vector<16xf32>
    %scan3A = arith.constant 0 : i32
    %scan3A_2 = arith.constant 0 : i32
    %scan3A_3 = arith.constant 1024 : i32
    %scan3A_4 = arith.addi %scan3A_2, %scan3A_3 : i32
    %scan3A_5 = arith.constant 1 : i32
    scf.for %scan3A_223 = %scan3A_2 to %scan3A_4 step %scan3A_5  : i32 {
      %jit3A = arith.constant 8 : i32
      %div3A = arith.divsi %scan3A_223, %jit3A : i32
      %sign3A = arith.constant 0 : i32
      %sign3A_224 = arith.cmpi sgt, %scan3A_223, %sign3A : i32
      %sign3A_225 = arith.extui %sign3A_224 : i1 to i32
      %sign3A_226 = arith.constant 0 : i32
      %sign3A_227 = arith.cmpi slt, %scan3A_223, %sign3A_226 : i32
      %sign3A_228 = arith.extui %sign3A_227 : i1 to i32
      %sign3A_229 = arith.subi %sign3A_225, %sign3A_228 : i32
      %sign3A_230 = arith.constant 0 : i32
      %sign3A_231 = arith.cmpi sgt, %jit3A, %sign3A_230 : i32
      %sign3A_232 = arith.extui %sign3A_231 : i1 to i32
      %sign3A_233 = arith.constant 0 : i32
      %sign3A_234 = arith.cmpi slt, %jit3A, %sign3A_233 : i32
      %sign3A_235 = arith.extui %sign3A_234 : i1 to i32
      %sign3A_236 = arith.subi %sign3A_232, %sign3A_235 : i32
      %ne3A = arith.cmpi ne, %sign3A_229, %sign3A_236 : i32
      %rem3A = arith.remsi %scan3A_223, %jit3A : i32
      %ne3A_237 = arith.constant 0 : i32
      %ne3A_238 = arith.cmpi ne, %rem3A, %ne3A_237 : i32
      %and3A = arith.andi %ne3A, %ne3A_238 : i1
      %sub3A = arith.constant 1 : i32
      %sub3A_239 = arith.subi %div3A, %sub3A : i32
      %select_n3A = arith.select %and3A, %sub3A_239, %div3A : i32
      %jit3A_240 = arith.constant 8 : i32
      %eq3A = arith.constant 0 : i32
      %eq3A_241 = arith.cmpi eq, %jit3A_240, %eq3A : i32
      %jit3A_242 = arith.constant 1 : i32
      %select_n3A_243 = arith.select %eq3A_241, %jit3A_242, %jit3A_240 : i32
      %rem3A_244 = arith.remsi %scan3A_223, %select_n3A_243 : i32
      %ne3A_245 = arith.constant 0 : i32
      %ne3A_246 = arith.cmpi ne, %rem3A_244, %ne3A_245 : i32
      %lt3A_247 = arith.constant 0 : i32
      %lt3A_248 = arith.cmpi slt, %rem3A_244, %lt3A_247 : i32
      %lt3A_249 = arith.constant 0 : i32
      %lt3A_250 = arith.cmpi slt, %select_n3A_243, %lt3A_249 : i32
      %ne3A_251 = arith.xori %lt3A_248, %lt3A_250 : i1
      %and3A_252 = arith.andi %ne3A_251, %ne3A_246 : i1
      %add3A_253 = arith.addi %rem3A_244, %select_n3A_243 : i32
      %select_n3A_254 = arith.select %and3A_252, %add3A_253, %rem3A_244 : i32
      %mul3A_255 = arith.constant 16 : i32
      %mul3A_256 = arith.muli %select_n3A_254, %mul3A_255 : i32
      %swap3A = arith.index_cast %select_n3A : i32 to index
      %swap3A_257 = arith.index_cast %mul3A_256 : i32 to index
      %swap3A_258 = tpu.vector_load %arg14[%swap3A, %swap3A_257] {strides = array<i32>} : memref<128x128xf32, #tpu.memory_space<vmem>>, vector<1x16xf32>,
      %swap3A_259 = vector.shape_cast %swap3A_258 : vector<1x16xf32> to vector<16xf32>
      %swap3A_260 = vector.shape_cast %broadcast_in_dim3A_1 : vector<16xf32> to vector<1x16xf32>
      tpu.vector_store %arg14[%swap3A, %swap3A_257], %swap3A_260 {strides = array<i32>} : memref<128x128xf32, #tpu.memory_space<vmem>>, vector<1x16xf32>,
    }
    %scan3A_6 = arith.constant 1024 : i32
    %mul3A_7 = arith.constant 640 : i32
    %mul3A_8 = arith.muli %arg1, %mul3A_7 : i32
    %add3A_9 = arith.constant 0 : i32
    %add3A_10 = arith.addi %mul3A_8, %add3A_9 : i32
    %dma_start3A = arith.constant 0 : i32
    %dma_start3A_11 = tpu.memref_slice %arg16[%add3A_10, %dma_start3A] : memref<10240x128xf32, #tpu.memory_space<vmem_shared>> -> memref<128x128xf32, #tpu.memory_space<vmem_shared>>
    %dma_start3A_12 = arith.constant 0 : i32
    %dma_start3A_13 = tpu.memref_slice %arg16[%add3A_10, %dma_start3A_12] : memref<10240x128xf32, #tpu.memory_space<vmem_shared>> -> memref<128x128xf32, #tpu.memory_space<vmem_shared>>
    tpu.enqueue_dma source(%arg14 : memref<128x128xf32, #tpu.memory_space<vmem>>) target(%dma_start3A_13 : memref<128x128xf32, #tpu.memory_space<vmem_shared>>) target_semaphore(%arg17 : memref<!tpu.dma_semaphore, #tpu.memory_space<semaphore_mem>>)
    %mul3A_14 = arith.constant 640 : i32
    %mul3A_15 = arith.muli %arg1, %mul3A_14 : i32
    %add3A_16 = arith.constant 128 : i32
    %add3A_17 = arith.addi %mul3A_15, %add3A_16 : i32
    %dma_start3A_18 = arith.constant 0 : i32
    %dma_start3A_19 = tpu.memref_slice %arg16[%add3A_17, %dma_start3A_18] : memref<10240x128xf32, #tpu.memory_space<vmem_shared>> -> memref<128x128xf32, #tpu.memory_space<vmem_shared>>
    %dma_start3A_20 = arith.constant 0 : i32
    %dma_start3A_21 = tpu.memref_slice %arg16[%add3A_17, %dma_start3A_20] : memref<10240x128xf32, #tpu.memory_space<vmem_shared>> -> memref<128x128xf32, #tpu.memory_space<vmem_shared>>
    tpu.enqueue_dma source(%arg14 : memref<128x128xf32, #tpu.memory_space<vmem>>) target(%dma_start3A_21 : memref<128x128xf32, #tpu.memory_space<vmem_shared>>) target_semaphore(%arg17 : memref<!tpu.dma_semaphore, #tpu.memory_space<semaphore_mem>>)
    %mul3A_22 = arith.constant 640 : i32
    %mul3A_23 = arith.muli %arg1, %mul3A_22 : i32
    %add3A_24 = arith.constant 256 : i32
    %add3A_25 = arith.addi %mul3A_23, %add3A_24 : i32
    %dma_start3A_26 = arith.constant 0 : i32
    %dma_start3A_27 = tpu.memref_slice %arg16[%add3A_25, %dma_start3A_26] : memref<10240x128xf32, #tpu.memory_space<vmem_shared>> -> memref<128x128xf32, #tpu.memory_space<vmem_shared>>
    %dma_start3A_28 = arith.constant 0 : i32
    %dma_start3A_29 = tpu.memref_slice %arg16[%add3A_25, %dma_start3A_28] : memref<10240x128xf32, #tpu.memory_space<vmem_shared>> -> memref<128x128xf32, #tpu.memory_space<vmem_shared>>
    tpu.enqueue_dma source(%arg14 : memref<128x128xf32, #tpu.memory_space<vmem>>) target(%dma_start3A_29 : memref<128x128xf32, #tpu.memory_space<vmem_shared>>) target_semaphore(%arg17 : memref<!tpu.dma_semaphore, #tpu.memory_space<semaphore_mem>>)
    %mul3A_30 = arith.constant 640 : i32
    %mul3A_31 = arith.muli %arg1, %mul3A_30 : i32
    %add3A_32 = arith.constant 384 : i32
    %add3A_33 = arith.addi %mul3A_31, %add3A_32 : i32
    %dma_start3A_34 = arith.constant 0 : i32
    %dma_start3A_35 = tpu.memref_slice %arg16[%add3A_33, %dma_start3A_34] : memref<10240x128xf32, #tpu.memory_space<vmem_shared>> -> memref<128x128xf32, #tpu.memory_space<vmem_shared>>
    %dma_start3A_36 = arith.constant 0 : i32
    %dma_start3A_37 = tpu.memref_slice %arg16[%add3A_33, %dma_start3A_36] : memref<10240x128xf32, #tpu.memory_space<vmem_shared>> -> memref<128x128xf32, #tpu.memory_space<vmem_shared>>
    tpu.enqueue_dma source(%arg14 : memref<128x128xf32, #tpu.memory_space<vmem>>) target(%dma_start3A_37 : memref<128x128xf32, #tpu.memory_space<vmem_shared>>) target_semaphore(%arg17 : memref<!tpu.dma_semaphore, #tpu.memory_space<semaphore_mem>>)
    %mul3A_38 = arith.constant 640 : i32
    %mul3A_39 = arith.muli %arg1, %mul3A_38 : i32
    %add3A_40 = arith.constant 512 : i32
    %add3A_41 = arith.addi %mul3A_39, %add3A_40 : i32
    %dma_start3A_42 = arith.constant 0 : i32
    %dma_start3A_43 = tpu.memref_slice %arg16[%add3A_41, %dma_start3A_42] : memref<10240x128xf32, #tpu.memory_space<vmem_shared>> -> memref<128x128xf32, #tpu.memory_space<vmem_shared>>
    %dma_start3A_44 = arith.constant 0 : i32
    %dma_start3A_45 = tpu.memref_slice %arg16[%add3A_41, %dma_start3A_44] : memref<10240x128xf32, #tpu.memory_space<vmem_shared>> -> memref<128x128xf32, #tpu.memory_space<vmem_shared>>
    tpu.enqueue_dma source(%arg14 : memref<128x128xf32, #tpu.memory_space<vmem>>) target(%dma_start3A_45 : memref<128x128xf32, #tpu.memory_space<vmem_shared>>) target_semaphore(%arg17 : memref<!tpu.dma_semaphore, #tpu.memory_space<semaphore_mem>>)
    %dma_wait3A = arith.constant 0 : i32
    %dma_wait3A_46 = tpu.memref_slice %arg16[%add3A_10, %dma_wait3A] : memref<10240x128xf32, #tpu.memory_space<vmem_shared>> -> memref<128x128xf32, #tpu.memory_space<vmem_shared>>
    %dma_wait3A_47 = arith.constant 0 : i32
    %dma_wait3A_48 = tpu.memref_slice %arg16[%add3A_10, %dma_wait3A_47] : memref<10240x128xf32, #tpu.memory_space<vmem_shared>> -> memref<128x128xf32, #tpu.memory_space<vmem_shared>>
    tpu.wait_dma2 semaphore(%arg17 : memref<!tpu.dma_semaphore, #tpu.memory_space<semaphore_mem>>) src(%arg14 : memref<128x128xf32, #tpu.memory_space<vmem>>) dst(%dma_wait3A_48 : memref<128x128xf32, #tpu.memory_space<vmem_shared>>)
    %dma_wait3A_49 = arith.constant 0 : i32
    %dma_wait3A_50 = tpu.memref_slice %arg16[%add3A_17, %dma_wait3A_49] : memref<10240x128xf32, #tpu.memory_space<vmem_shared>> -> memref<128x128xf32, #tpu.memory_space<vmem_shared>>
    %dma_wait3A_51 = arith.constant 0 : i32
    %dma_wait3A_52 = tpu.memref_slice %arg16[%add3A_17, %dma_wait3A_51] : memref<10240x128xf32, #tpu.memory_space<vmem_shared>> -> memref<128x128xf32, #tpu.memory_space<vmem_shared>>
    tpu.wait_dma2 semaphore(%arg17 : memref<!tpu.dma_semaphore, #tpu.memory_space<semaphore_mem>>) src(%arg14 : memref<128x128xf32, #tpu.memory_space<vmem>>) dst(%dma_wait3A_52 : memref<128x128xf32, #tpu.memory_space<vmem_shared>>)
    %dma_wait3A_53 = arith.constant 0 : i32
    %dma_wait3A_54 = tpu.memref_slice %arg16[%add3A_25, %dma_wait3A_53] : memref<10240x128xf32, #tpu.memory_space<vmem_shared>> -> memref<128x128xf32, #tpu.memory_space<vmem_shared>>
    %dma_wait3A_55 = arith.constant 0 : i32
    %dma_wait3A_56 = tpu.memref_slice %arg16[%add3A_25, %dma_wait3A_55] : memref<10240x128xf32, #tpu.memory_space<vmem_shared>> -> memref<128x128xf32, #tpu.memory_space<vmem_shared>>
    tpu.wait_dma2 semaphore(%arg17 : memref<!tpu.dma_semaphore, #tpu.memory_space<semaphore_mem>>) src(%arg14 : memref<128x128xf32, #tpu.memory_space<vmem>>) dst(%dma_wait3A_56 : memref<128x128xf32, #tpu.memory_space<vmem_shared>>)
    %dma_wait3A_57 = arith.constant 0 : i32
    %dma_wait3A_58 = tpu.memref_slice %arg16[%add3A_33, %dma_wait3A_57] : memref<10240x128xf32, #tpu.memory_space<vmem_shared>> -> memref<128x128xf32, #tpu.memory_space<vmem_shared>>
    %dma_wait3A_59 = arith.constant 0 : i32
    %dma_wait3A_60 = tpu.memref_slice %arg16[%add3A_33, %dma_wait3A_59] : memref<10240x128xf32, #tpu.memory_space<vmem_shared>> -> memref<128x128xf32, #tpu.memory_space<vmem_shared>>
    tpu.wait_dma2 semaphore(%arg17 : memref<!tpu.dma_semaphore, #tpu.memory_space<semaphore_mem>>) src(%arg14 : memref<128x128xf32, #tpu.memory_space<vmem>>) dst(%dma_wait3A_60 : memref<128x128xf32, #tpu.memory_space<vmem_shared>>)
    %dma_wait3A_61 = arith.constant 0 : i32
    %dma_wait3A_62 = tpu.memref_slice %arg16[%add3A_41, %dma_wait3A_61] : memref<10240x128xf32, #tpu.memory_space<vmem_shared>> -> memref<128x128xf32, #tpu.memory_space<vmem_shared>>
    %dma_wait3A_63 = arith.constant 0 : i32
    %dma_wait3A_64 = tpu.memref_slice %arg16[%add3A_41, %dma_wait3A_63] : memref<10240x128xf32, #tpu.memory_space<vmem_shared>> -> memref<128x128xf32, #tpu.memory_space<vmem_shared>>
    tpu.wait_dma2 semaphore(%arg17 : memref<!tpu.dma_semaphore, #tpu.memory_space<semaphore_mem>>) src(%arg14 : memref<128x128xf32, #tpu.memory_space<vmem>>) dst(%dma_wait3A_64 : memref<128x128xf32, #tpu.memory_space<vmem_shared>>)
    %barrier3A = arith.constant 0 : index
    tpu.barrier barrier_id(%barrier3A)
    %add3A_65 = arith.constant 0 : i32
    %add3A_66 = arith.addi %add3A, %add3A_65 : i32
    %mul3A_67 = arith.constant 128 : i32
    %mul3A_68 = arith.muli %add3A_66, %mul3A_67 : i32
    "tpu.region"() ({
      %run_scoped3A = tpu.sem_alloc : memref<!tpu.dma_semaphore, #tpu.memory_space<semaphore_mem>>
      %dma_start3A_223 = tpu.memref_slice %arg3[%mul3A_68] : memref<320000xi32, #tpu.memory_space<hbm>> -> memref<128xi32, #tpu.memory_space<hbm>>
      %dma_start3A_224 = tpu.memref_slice %arg3[%mul3A_68] : memref<320000xi32, #tpu.memory_space<hbm>> -> memref<128xi32, #tpu.memory_space<hbm>>
      tpu.enqueue_dma source(%dma_start3A_224 : memref<128xi32, #tpu.memory_space<hbm>>) target(%arg6 : memref<128xi32, #tpu.memory_space<vmem>>) target_semaphore(%run_scoped3A : memref<!tpu.dma_semaphore, #tpu.memory_space<semaphore_mem>>)
      %dma_wait3A_225 = tpu.memref_slice %arg3[%mul3A_68] : memref<320000xi32, #tpu.memory_space<hbm>> -> memref<128xi32, #tpu.memory_space<hbm>>
      %dma_wait3A_226 = tpu.memref_slice %arg3[%mul3A_68] : memref<320000xi32, #tpu.memory_space<hbm>> -> memref<128xi32, #tpu.memory_space<hbm>>
      tpu.wait_dma2 semaphore(%run_scoped3A : memref<!tpu.dma_semaphore, #tpu.memory_space<semaphore_mem>>) src(%dma_wait3A_226 : memref<128xi32, #tpu.memory_space<hbm>>) dst(%arg6 : memref<128xi32, #tpu.memory_space<vmem>>)
      tpu.yield
    }) : () -> ()
    "tpu.region"() ({
      %run_scoped3A = tpu.sem_alloc : memref<!tpu.dma_semaphore, #tpu.memory_space<semaphore_mem>>
      %dma_start3A_223 = tpu.memref_slice %arg4[%mul3A_68] : memref<320000xi32, #tpu.memory_space<hbm>> -> memref<128xi32, #tpu.memory_space<hbm>>
      %dma_start3A_224 = tpu.memref_slice %arg4[%mul3A_68] : memref<320000xi32, #tpu.memory_space<hbm>> -> memref<128xi32, #tpu.memory_space<hbm>>
      tpu.enqueue_dma source(%dma_start3A_224 : memref<128xi32, #tpu.memory_space<hbm>>) target(%arg8 : memref<128xi32, #tpu.memory_space<vmem>>) target_semaphore(%run_scoped3A : memref<!tpu.dma_semaphore, #tpu.memory_space<semaphore_mem>>)
      %dma_wait3A_225 = tpu.memref_slice %arg4[%mul3A_68] : memref<320000xi32, #tpu.memory_space<hbm>> -> memref<128xi32, #tpu.memory_space<hbm>>
      %dma_wait3A_226 = tpu.memref_slice %arg4[%mul3A_68] : memref<320000xi32, #tpu.memory_space<hbm>> -> memref<128xi32, #tpu.memory_space<hbm>>
      tpu.wait_dma2 semaphore(%run_scoped3A : memref<!tpu.dma_semaphore, #tpu.memory_space<semaphore_mem>>) src(%dma_wait3A_226 : memref<128xi32, #tpu.memory_space<hbm>>) dst(%arg8 : memref<128xi32, #tpu.memory_space<vmem>>)
      tpu.yield
    }) : () -> ()
    %dma_start3A_69 = arith.constant 0 : i32
    %dma_start3A_70 = arith.constant 0 : i32
    %dma_start3A_71 = tpu.memref_slice %arg2[%dma_start3A_69, %dma_start3A_70] : memref<10000x128xf32, #tpu.memory_space<hbm>> -> memref<10000x128xf32, #tpu.memory_space<hbm>>
    tpu.enqueue_indirect_dma source(%dma_start3A_71 : memref<10000x128xf32, #tpu.memory_space<hbm>>) target(%arg14 : memref<128x128xf32, #tpu.memory_space<vmem>>) offsets(%arg6 : memref<128xi32, #tpu.memory_space<vmem>>) semaphore(%arg17 : memref<!tpu.dma_semaphore, #tpu.memory_space<semaphore_mem>>)
    %add3A_72 = arith.constant 32 : i32
    %add3A_73 = arith.addi %add3A, %add3A_72 : i32
    %mul3A_74 = arith.constant 128 : i32
    %mul3A_75 = arith.muli %add3A_73, %mul3A_74 : i32
    "tpu.region"() ({
      %run_scoped3A = tpu.sem_alloc : memref<!tpu.dma_semaphore, #tpu.memory_space<semaphore_mem>>
      %dma_start3A_223 = tpu.memref_slice %arg3[%mul3A_75] : memref<320000xi32, #tpu.memory_space<hbm>> -> memref<128xi32, #tpu.memory_space<hbm>>
      %dma_start3A_224 = tpu.memref_slice %arg3[%mul3A_75] : memref<320000xi32, #tpu.memory_space<hbm>> -> memref<128xi32, #tpu.memory_space<hbm>>
      tpu.enqueue_dma source(%dma_start3A_224 : memref<128xi32, #tpu.memory_space<hbm>>) target(%arg7 : memref<128xi32, #tpu.memory_space<vmem>>) target_semaphore(%run_scoped3A : memref<!tpu.dma_semaphore, #tpu.memory_space<semaphore_mem>>)
      %dma_wait3A_225 = tpu.memref_slice %arg3[%mul3A_75] : memref<320000xi32, #tpu.memory_space<hbm>> -> memref<128xi32, #tpu.memory_space<hbm>>
      %dma_wait3A_226 = tpu.memref_slice %arg3[%mul3A_75] : memref<320000xi32, #tpu.memory_space<hbm>> -> memref<128xi32, #tpu.memory_space<hbm>>
      tpu.wait_dma2 semaphore(%run_scoped3A : memref<!tpu.dma_semaphore, #tpu.memory_space<semaphore_mem>>) src(%dma_wait3A_226 : memref<128xi32, #tpu.memory_space<hbm>>) dst(%arg7 : memref<128xi32, #tpu.memory_space<vmem>>)
      tpu.yield
    }) : () -> ()
    "tpu.region"() ({
      %run_scoped3A = tpu.sem_alloc : memref<!tpu.dma_semaphore, #tpu.memory_space<semaphore_mem>>
      %dma_start3A_223 = tpu.memref_slice %arg4[%mul3A_75] : memref<320000xi32, #tpu.memory_space<hbm>> -> memref<128xi32, #tpu.memory_space<hbm>>
      %dma_start3A_224 = tpu.memref_slice %arg4[%mul3A_75] : memref<320000xi32, #tpu.memory_space<hbm>> -> memref<128xi32, #tpu.memory_space<hbm>>
      tpu.enqueue_dma source(%dma_start3A_224 : memref<128xi32, #tpu.memory_space<hbm>>) target(%arg9 : memref<128xi32, #tpu.memory_space<vmem>>) target_semaphore(%run_scoped3A : memref<!tpu.dma_semaphore, #tpu.memory_space<semaphore_mem>>)
      %dma_wait3A_225 = tpu.memref_slice %arg4[%mul3A_75] : memref<320000xi32, #tpu.memory_space<hbm>> -> memref<128xi32, #tpu.memory_space<hbm>>
      %dma_wait3A_226 = tpu.memref_slice %arg4[%mul3A_75] : memref<320000xi32, #tpu.memory_space<hbm>> -> memref<128xi32, #tpu.memory_space<hbm>>
      tpu.wait_dma2 semaphore(%run_scoped3A : memref<!tpu.dma_semaphore, #tpu.memory_space<semaphore_mem>>) src(%dma_wait3A_226 : memref<128xi32, #tpu.memory_space<hbm>>) dst(%arg9 : memref<128xi32, #tpu.memory_space<vmem>>)
      tpu.yield
    }) : () -> ()
    %dma_start3A_76 = arith.constant 0 : i32
    %dma_start3A_77 = arith.constant 0 : i32
    %dma_start3A_78 = tpu.memref_slice %arg2[%dma_start3A_76, %dma_start3A_77] : memref<10000x128xf32, #tpu.memory_space<hbm>> -> memref<10000x128xf32, #tpu.memory_space<hbm>>
    tpu.enqueue_indirect_dma source(%dma_start3A_78 : memref<10000x128xf32, #tpu.memory_space<hbm>>) target(%arg15 : memref<128x128xf32, #tpu.memory_space<vmem>>) offsets(%arg7 : memref<128xi32, #tpu.memory_space<vmem>>) semaphore(%arg18 : memref<!tpu.dma_semaphore, #tpu.memory_space<semaphore_mem>>)
    %scan3A_79 = arith.constant 0 : i32
    %scan3A_80 = arith.constant 0 : i32
    %scan3A_81 = arith.constant 39 : i32
    %scan3A_82 = arith.addi %scan3A_80, %scan3A_81 : i32
    %scan3A_83 = arith.constant 1 : i32
    scf.for %scan3A_223 = %scan3A_80 to %scan3A_82 step %scan3A_83  : i32 {
      %jit3A = arith.constant 2 : i32
      %eq3A = arith.constant 0 : i32
      %eq3A_224 = arith.cmpi eq, %jit3A, %eq3A : i32
      %jit3A_225 = arith.constant 1 : i32
      %select_n3A = arith.select %eq3A_224, %jit3A_225, %jit3A : i32
      %rem3A = arith.remsi %scan3A_223, %select_n3A : i32
      %ne3A = arith.constant 0 : i32
      %ne3A_226 = arith.cmpi ne, %rem3A, %ne3A : i32
      %lt3A_227 = arith.constant 0 : i32
      %lt3A_228 = arith.cmpi slt, %rem3A, %lt3A_227 : i32
      %lt3A_229 = arith.constant 0 : i32
      %lt3A_230 = arith.cmpi slt, %select_n3A, %lt3A_229 : i32
      %ne3A_231 = arith.xori %lt3A_228, %lt3A_230 : i1
      %and3A = arith.andi %ne3A_231, %ne3A_226 : i1
      %add3A_232 = arith.addi %rem3A, %select_n3A : i32
      %select_n3A_233 = arith.select %and3A, %add3A_232, %rem3A : i32
      %eq3A_234 = arith.constant 0 : i32
      %eq3A_235 = arith.cmpi eq, %select_n3A_233, %eq3A_234 : i32
      %convert_element_type3A_236 = arith.extui %eq3A_235 : i1 to i32
      %cond3A_237 = arith.constant 0 : i32
      %cond3A_238 = arith.cmpi ne, %convert_element_type3A_236, %cond3A_237 : i32
      scf.if %cond3A_238 {
        %dma_wait3A_260 = arith.constant 0 : i32
        %dma_wait3A_261 = arith.constant 0 : i32
        %dma_wait3A_262 = tpu.memref_slice %arg2[%dma_wait3A_260, %dma_wait3A_261] : memref<10000x128xf32, #tpu.memory_space<hbm>> -> memref<128x128xf32, #tpu.memory_space<hbm>>
        %dma_wait3A_263 = arith.constant 0 : i32
        %dma_wait3A_264 = arith.constant 0 : i32
        %dma_wait3A_265 = tpu.memref_slice %arg2[%dma_wait3A_263, %dma_wait3A_264] : memref<10000x128xf32, #tpu.memory_space<hbm>> -> memref<128x128xf32, #tpu.memory_space<hbm>>
        tpu.wait_dma2 semaphore(%arg17 : memref<!tpu.dma_semaphore, #tpu.memory_space<semaphore_mem>>) src(%dma_wait3A_265 : memref<128x128xf32, #tpu.memory_space<hbm>>) dst(%arg14 : memref<128x128xf32, #tpu.memory_space<vmem>>)
        %dma_start3A_266 = arith.constant 0 : i32
        %dma_start3A_267 = arith.constant 0 : i32
        %dma_start3A_268 = tpu.memref_slice %arg16[%dma_start3A_266, %dma_start3A_267] : memref<10240x128xf32, #tpu.memory_space<vmem_shared>> -> memref<10240x128xf32, #tpu.memory_space<vmem_shared>>
        tpu.enqueue_indirect_dma source(%arg14 : memref<128x128xf32, #tpu.memory_space<vmem>>) target(%dma_start3A_268 : memref<10240x128xf32, #tpu.memory_space<vmem_shared>>) offsets(%arg8 : memref<128xi32, #tpu.memory_space<vmem>>) semaphore(%arg19 : memref<!tpu.dma_semaphore, #tpu.memory_space<semaphore_mem>>) {add = true}
        %dma_wait3A_269 = arith.constant 0 : i32
        %dma_wait3A_270 = arith.constant 0 : i32
        %dma_wait3A_271 = tpu.memref_slice %arg2[%dma_wait3A_269, %dma_wait3A_270] : memref<10000x128xf32, #tpu.memory_space<hbm>> -> memref<128x128xf32, #tpu.memory_space<hbm>>
        %dma_wait3A_272 = arith.constant 0 : i32
        %dma_wait3A_273 = arith.constant 0 : i32
        %dma_wait3A_274 = tpu.memref_slice %arg2[%dma_wait3A_272, %dma_wait3A_273] : memref<10000x128xf32, #tpu.memory_space<hbm>> -> memref<128x128xf32, #tpu.memory_space<hbm>>
        tpu.wait_dma2 semaphore(%arg18 : memref<!tpu.dma_semaphore, #tpu.memory_space<semaphore_mem>>) src(%dma_wait3A_274 : memref<128x128xf32, #tpu.memory_space<hbm>>) dst(%arg15 : memref<128x128xf32, #tpu.memory_space<vmem>>)
        %dma_start3A_275 = arith.constant 0 : i32
        %dma_start3A_276 = arith.constant 0 : i32
        %dma_start3A_277 = tpu.memref_slice %arg16[%dma_start3A_275, %dma_start3A_276] : memref<10240x128xf32, #tpu.memory_space<vmem_shared>> -> memref<10240x128xf32, #tpu.memory_space<vmem_shared>>
        tpu.enqueue_indirect_dma source(%arg15 : memref<128x128xf32, #tpu.memory_space<vmem>>) target(%dma_start3A_277 : memref<10240x128xf32, #tpu.memory_space<vmem_shared>>) offsets(%arg9 : memref<128xi32, #tpu.memory_space<vmem>>) semaphore(%arg20 : memref<!tpu.dma_semaphore, #tpu.memory_space<semaphore_mem>>) {add = true}
        %add3A_278 = arith.constant 1 : i32
        %add3A_279 = arith.addi %scan3A_223, %add3A_278 : i32
        %mul3A_280 = arith.constant 2 : i32
        %mul3A_281 = arith.muli %add3A_279, %mul3A_280 : i32
        %add3A_282 = arith.constant 0 : i32
        %add3A_283 = arith.addi %mul3A_281, %add3A_282 : i32
        %lt3A_284 = arith.constant 78 : i32
        %lt3A_285 = arith.cmpi slt, %add3A_283, %lt3A_284 : i32
        %convert_element_type3A_286 = arith.extui %lt3A_285 : i1 to i32
        %cond3A_287 = arith.constant 0 : i32
        %cond3A_288 = arith.cmpi ne, %convert_element_type3A_286, %cond3A_287 : i32
        scf.if %cond3A_288 {
          %mul3A_328 = arith.constant 32 : i32
          %mul3A_329 = arith.muli %add3A_283, %mul3A_328 : i32
          %add3A_330 = arith.addi %add3A, %mul3A_329 : i32
          %mul3A_331 = arith.constant 128 : i32
          %mul3A_332 = arith.muli %add3A_330, %mul3A_331 : i32
          %dma_start3A_333 = tpu.memref_slice %arg3[%mul3A_332] : memref<320000xi32, #tpu.memory_space<hbm>> -> memref<128xi32, #tpu.memory_space<hbm>>
          %dma_start3A_334 = tpu.memref_slice %arg3[%mul3A_332] : memref<320000xi32, #tpu.memory_space<hbm>> -> memref<128xi32, #tpu.memory_space<hbm>>
          tpu.enqueue_dma source(%dma_start3A_334 : memref<128xi32, #tpu.memory_space<hbm>>) target(%arg10 : memref<128xi32, #tpu.memory_space<vmem>>) target_semaphore(%arg21 : memref<!tpu.dma_semaphore, #tpu.memory_space<semaphore_mem>>)
          %dma_start3A_335 = tpu.memref_slice %arg4[%mul3A_332] : memref<320000xi32, #tpu.memory_space<hbm>> -> memref<128xi32, #tpu.memory_space<hbm>>
          %dma_start3A_336 = tpu.memref_slice %arg4[%mul3A_332] : memref<320000xi32, #tpu.memory_space<hbm>> -> memref<128xi32, #tpu.memory_space<hbm>>
          tpu.enqueue_dma source(%dma_start3A_336 : memref<128xi32, #tpu.memory_space<hbm>>) target(%arg12 : memref<128xi32, #tpu.memory_space<vmem>>) target_semaphore(%arg21 : memref<!tpu.dma_semaphore, #tpu.memory_space<semaphore_mem>>)
        } else {
        }
        %add3A_289 = arith.constant 1 : i32
        %add3A_290 = arith.addi %scan3A_223, %add3A_289 : i32
        %mul3A_291 = arith.constant 2 : i32
        %mul3A_292 = arith.muli %add3A_290, %mul3A_291 : i32
        %add3A_293 = arith.constant 1 : i32
        %add3A_294 = arith.addi %mul3A_292, %add3A_293 : i32
        %lt3A_295 = arith.constant 78 : i32
        %lt3A_296 = arith.cmpi slt, %add3A_294, %lt3A_295 : i32
        %convert_element_type3A_297 = arith.extui %lt3A_296 : i1 to i32
        %cond3A_298 = arith.constant 0 : i32
        %cond3A_299 = arith.cmpi ne, %convert_element_type3A_297, %cond3A_298 : i32
        scf.if %cond3A_299 {
          %mul3A_328 = arith.constant 32 : i32
          %mul3A_329 = arith.muli %add3A_294, %mul3A_328 : i32
          %add3A_330 = arith.addi %add3A, %mul3A_329 : i32
          %mul3A_331 = arith.constant 128 : i32
          %mul3A_332 = arith.muli %add3A_330, %mul3A_331 : i32
          %dma_start3A_333 = tpu.memref_slice %arg3[%mul3A_332] : memref<320000xi32, #tpu.memory_space<hbm>> -> memref<128xi32, #tpu.memory_space<hbm>>
          %dma_start3A_334 = tpu.memref_slice %arg3[%mul3A_332] : memref<320000xi32, #tpu.memory_space<hbm>> -> memref<128xi32, #tpu.memory_space<hbm>>
          tpu.enqueue_dma source(%dma_start3A_334 : memref<128xi32, #tpu.memory_space<hbm>>) target(%arg11 : memref<128xi32, #tpu.memory_space<vmem>>) target_semaphore(%arg22 : memref<!tpu.dma_semaphore, #tpu.memory_space<semaphore_mem>>)
          %dma_start3A_335 = tpu.memref_slice %arg4[%mul3A_332] : memref<320000xi32, #tpu.memory_space<hbm>> -> memref<128xi32, #tpu.memory_space<hbm>>
          %dma_start3A_336 = tpu.memref_slice %arg4[%mul3A_332] : memref<320000xi32, #tpu.memory_space<hbm>> -> memref<128xi32, #tpu.memory_space<hbm>>
          tpu.enqueue_dma source(%dma_start3A_336 : memref<128xi32, #tpu.memory_space<hbm>>) target(%arg13 : memref<128xi32, #tpu.memory_space<vmem>>) target_semaphore(%arg22 : memref<!tpu.dma_semaphore, #tpu.memory_space<semaphore_mem>>)
        } else {
        }
        %dma_wait3A_300 = arith.constant 0 : i32
        %dma_wait3A_301 = arith.constant 0 : i32
        %dma_wait3A_302 = tpu.memref_slice %arg16[%dma_wait3A_300, %dma_wait3A_301] : memref<10240x128xf32, #tpu.memory_space<vmem_shared>> -> memref<10240x128xf32, #tpu.memory_space<vmem_shared>>
        tpu.wait_indirect_dma semaphore(%arg19 : memref<!tpu.dma_semaphore, #tpu.memory_space<semaphore_mem>>) src(%arg14 : memref<128x128xf32, #tpu.memory_space<vmem>>) dst(%dma_wait3A_302 : memref<10240x128xf32, #tpu.memory_space<vmem_shared>>)
        %add3A_303 = arith.constant 1 : i32
        %add3A_304 = arith.addi %scan3A_223, %add3A_303 : i32
        %mul3A_305 = arith.constant 2 : i32
        %mul3A_306 = arith.muli %add3A_304, %mul3A_305 : i32
        %add3A_307 = arith.constant 0 : i32
        %add3A_308 = arith.addi %mul3A_306, %add3A_307 : i32
        %lt3A_309 = arith.constant 78 : i32
        %lt3A_310 = arith.cmpi slt, %add3A_308, %lt3A_309 : i32
        %convert_element_type3A_311 = arith.extui %lt3A_310 : i1 to i32
        %cond3A_312 = arith.constant 0 : i32
        %cond3A_313 = arith.cmpi ne, %convert_element_type3A_311, %cond3A_312 : i32
        scf.if %cond3A_313 {
          %dma_wait3A_328 = arith.constant 0 : i32
          %dma_wait3A_329 = tpu.memref_slice %arg3[%dma_wait3A_328] : memref<320000xi32, #tpu.memory_space<hbm>> -> memref<128xi32, #tpu.memory_space<hbm>>
          %dma_wait3A_330 = arith.constant 0 : i32
          %dma_wait3A_331 = tpu.memref_slice %arg3[%dma_wait3A_330] : memref<320000xi32, #tpu.memory_space<hbm>> -> memref<128xi32, #tpu.memory_space<hbm>>
          tpu.wait_dma2 semaphore(%arg21 : memref<!tpu.dma_semaphore, #tpu.memory_space<semaphore_mem>>) src(%dma_wait3A_331 : memref<128xi32, #tpu.memory_space<hbm>>) dst(%arg10 : memref<128xi32, #tpu.memory_space<vmem>>)
          %dma_wait3A_332 = arith.constant 0 : i32
          %dma_wait3A_333 = tpu.memref_slice %arg4[%dma_wait3A_332] : memref<320000xi32, #tpu.memory_space<hbm>> -> memref<128xi32, #tpu.memory_space<hbm>>
          %dma_wait3A_334 = arith.constant 0 : i32
          %dma_wait3A_335 = tpu.memref_slice %arg4[%dma_wait3A_334] : memref<320000xi32, #tpu.memory_space<hbm>> -> memref<128xi32, #tpu.memory_space<hbm>>
          tpu.wait_dma2 semaphore(%arg21 : memref<!tpu.dma_semaphore, #tpu.memory_space<semaphore_mem>>) src(%dma_wait3A_335 : memref<128xi32, #tpu.memory_space<hbm>>) dst(%arg12 : memref<128xi32, #tpu.memory_space<vmem>>)
          %dma_start3A_336 = arith.constant 0 : i32
          %dma_start3A_337 = arith.constant 0 : i32
          %dma_start3A_338 = tpu.memref_slice %arg2[%dma_start3A_336, %dma_start3A_337] : memref<10000x128xf32, #tpu.memory_space<hbm>> -> memref<10000x128xf32, #tpu.memory_space<hbm>>
          tpu.enqueue_indirect_dma source(%dma_start3A_338 : memref<10000x128xf32, #tpu.memory_space<hbm>>) target(%arg14 : memref<128x128xf32, #tpu.memory_space<vmem>>) offsets(%arg10 : memref<128xi32, #tpu.memory_space<vmem>>) semaphore(%arg17 : memref<!tpu.dma_semaphore, #tpu.memory_space<semaphore_mem>>)
        } else {
        }
        %dma_wait3A_314 = arith.constant 0 : i32
        %dma_wait3A_315 = arith.constant 0 : i32
        %dma_wait3A_316 = tpu.memref_slice %arg16[%dma_wait3A_314, %dma_wait3A_315] : memref<10240x128xf32, #tpu.memory_space<vmem_shared>> -> memref<10240x128xf32, #tpu.memory_space<vmem_shared>>
        tpu.wait_indirect_dma semaphore(%arg20 : memref<!tpu.dma_semaphore, #tpu.memory_space<semaphore_mem>>) src(%arg15 : memref<128x128xf32, #tpu.memory_space<vmem>>) dst(%dma_wait3A_316 : memref<10240x128xf32, #tpu.memory_space<vmem_shared>>)
        %add3A_317 = arith.constant 1 : i32
        %add3A_318 = arith.addi %scan3A_223, %add3A_317 : i32
        %mul3A_319 = arith.constant 2 : i32
        %mul3A_320 = arith.muli %add3A_318, %mul3A_319 : i32
        %add3A_321 = arith.constant 1 : i32
        %add3A_322 = arith.addi %mul3A_320, %add3A_321 : i32
        %lt3A_323 = arith.constant 78 : i32
        %lt3A_324 = arith.cmpi slt, %add3A_322, %lt3A_323 : i32
        %convert_element_type3A_325 = arith.extui %lt3A_324 : i1 to i32
        %cond3A_326 = arith.constant 0 : i32
        %cond3A_327 = arith.cmpi ne, %convert_element_type3A_325, %cond3A_326 : i32
        scf.if %cond3A_327 {
          %dma_wait3A_328 = arith.constant 0 : i32
          %dma_wait3A_329 = tpu.memref_slice %arg3[%dma_wait3A_328] : memref<320000xi32, #tpu.memory_space<hbm>> -> memref<128xi32, #tpu.memory_space<hbm>>
          %dma_wait3A_330 = arith.constant 0 : i32
          %dma_wait3A_331 = tpu.memref_slice %arg3[%dma_wait3A_330] : memref<320000xi32, #tpu.memory_space<hbm>> -> memref<128xi32, #tpu.memory_space<hbm>>
          tpu.wait_dma2 semaphore(%arg22 : memref<!tpu.dma_semaphore, #tpu.memory_space<semaphore_mem>>) src(%dma_wait3A_331 : memref<128xi32, #tpu.memory_space<hbm>>) dst(%arg11 : memref<128xi32, #tpu.memory_space<vmem>>)
          %dma_wait3A_332 = arith.constant 0 : i32
          %dma_wait3A_333 = tpu.memref_slice %arg4[%dma_wait3A_332] : memref<320000xi32, #tpu.memory_space<hbm>> -> memref<128xi32, #tpu.memory_space<hbm>>
          %dma_wait3A_334 = arith.constant 0 : i32
          %dma_wait3A_335 = tpu.memref_slice %arg4[%dma_wait3A_334] : memref<320000xi32, #tpu.memory_space<hbm>> -> memref<128xi32, #tpu.memory_space<hbm>>
          tpu.wait_dma2 semaphore(%arg22 : memref<!tpu.dma_semaphore, #tpu.memory_space<semaphore_mem>>) src(%dma_wait3A_335 : memref<128xi32, #tpu.memory_space<hbm>>) dst(%arg13 : memref<128xi32, #tpu.memory_space<vmem>>)
          %dma_start3A_336 = arith.constant 0 : i32
          %dma_start3A_337 = arith.constant 0 : i32
          %dma_start3A_338 = tpu.memref_slice %arg2[%dma_start3A_336, %dma_start3A_337] : memref<10000x128xf32, #tpu.memory_space<hbm>> -> memref<10000x128xf32, #tpu.memory_space<hbm>>
          tpu.enqueue_indirect_dma source(%dma_start3A_338 : memref<10000x128xf32, #tpu.memory_space<hbm>>) target(%arg15 : memref<128x128xf32, #tpu.memory_space<vmem>>) offsets(%arg11 : memref<128xi32, #tpu.memory_space<vmem>>) semaphore(%arg18 : memref<!tpu.dma_semaphore, #tpu.memory_space<semaphore_mem>>)
        } else {
        }
      } else {
      }
      %jit3A_239 = arith.constant 2 : i32
      %eq3A_240 = arith.constant 0 : i32
      %eq3A_241 = arith.cmpi eq, %jit3A_239, %eq3A_240 : i32
      %jit3A_242 = arith.constant 1 : i32
      %select_n3A_243 = arith.select %eq3A_241, %jit3A_242, %jit3A_239 : i32
      %rem3A_244 = arith.remsi %scan3A_223, %select_n3A_243 : i32
      %ne3A_245 = arith.constant 0 : i32
      %ne3A_246 = arith.cmpi ne, %rem3A_244, %ne3A_245 : i32
      %lt3A_247 = arith.constant 0 : i32
      %lt3A_248 = arith.cmpi slt, %rem3A_244, %lt3A_247 : i32
      %lt3A_249 = arith.constant 0 : i32
      %lt3A_250 = arith.cmpi slt, %select_n3A_243, %lt3A_249 : i32
      %ne3A_251 = arith.xori %lt3A_248, %lt3A_250 : i1
      %and3A_252 = arith.andi %ne3A_251, %ne3A_246 : i1
      %add3A_253 = arith.addi %rem3A_244, %select_n3A_243 : i32
      %select_n3A_254 = arith.select %and3A_252, %add3A_253, %rem3A_244 : i32
      %eq3A_255 = arith.constant 1 : i32
      %eq3A_256 = arith.cmpi eq, %select_n3A_254, %eq3A_255 : i32
      %convert_element_type3A_257 = arith.extui %eq3A_256 : i1 to i32
      %cond3A_258 = arith.constant 0 : i32
      %cond3A_259 = arith.cmpi ne, %convert_element_type3A_257, %cond3A_258 : i32
      scf.if %cond3A_259 {
        %dma_wait3A_260 = arith.constant 0 : i32
        %dma_wait3A_261 = arith.constant 0 : i32
        %dma_wait3A_262 = tpu.memref_slice %arg2[%dma_wait3A_260, %dma_wait3A_261] : memref<10000x128xf32, #tpu.memory_space<hbm>> -> memref<128x128xf32, #tpu.memory_space<hbm>>
        %dma_wait3A_263 = arith.constant 0 : i32
        %dma_wait3A_264 = arith.constant 0 : i32
        %dma_wait3A_265 = tpu.memref_slice %arg2[%dma_wait3A_263, %dma_wait3A_264] : memref<10000x128xf32, #tpu.memory_space<hbm>> -> memref<128x128xf32, #tpu.memory_space<hbm>>
        tpu.wait_dma2 semaphore(%arg17 : memref<!tpu.dma_semaphore, #tpu.memory_space<semaphore_mem>>) src(%dma_wait3A_265 : memref<128x128xf32, #tpu.memory_space<hbm>>) dst(%arg14 : memref<128x128xf32, #tpu.memory_space<vmem>>)
        %dma_start3A_266 = arith.constant 0 : i32
        %dma_start3A_267 = arith.constant 0 : i32
        %dma_start3A_268 = tpu.memref_slice %arg16[%dma_start3A_266, %dma_start3A_267] : memref<10240x128xf32, #tpu.memory_space<vmem_shared>> -> memref<10240x128xf32, #tpu.memory_space<vmem_shared>>
        tpu.enqueue_indirect_dma source(%arg14 : memref<128x128xf32, #tpu.memory_space<vmem>>) target(%dma_start3A_268 : memref<10240x128xf32, #tpu.memory_space<vmem_shared>>) offsets(%arg12 : memref<128xi32, #tpu.memory_space<vmem>>) semaphore(%arg19 : memref<!tpu.dma_semaphore, #tpu.memory_space<semaphore_mem>>) {add = true}
        %dma_wait3A_269 = arith.constant 0 : i32
        %dma_wait3A_270 = arith.constant 0 : i32
        %dma_wait3A_271 = tpu.memref_slice %arg2[%dma_wait3A_269, %dma_wait3A_270] : memref<10000x128xf32, #tpu.memory_space<hbm>> -> memref<128x128xf32, #tpu.memory_space<hbm>>
        %dma_wait3A_272 = arith.constant 0 : i32
        %dma_wait3A_273 = arith.constant 0 : i32
        %dma_wait3A_274 = tpu.memref_slice %arg2[%dma_wait3A_272, %dma_wait3A_273] : memref<10000x128xf32, #tpu.memory_space<hbm>> -> memref<128x128xf32, #tpu.memory_space<hbm>>
        tpu.wait_dma2 semaphore(%arg18 : memref<!tpu.dma_semaphore, #tpu.memory_space<semaphore_mem>>) src(%dma_wait3A_274 : memref<128x128xf32, #tpu.memory_space<hbm>>) dst(%arg15 : memref<128x128xf32, #tpu.memory_space<vmem>>)
        %dma_start3A_275 = arith.constant 0 : i32
        %dma_start3A_276 = arith.constant 0 : i32
        %dma_start3A_277 = tpu.memref_slice %arg16[%dma_start3A_275, %dma_start3A_276] : memref<10240x128xf32, #tpu.memory_space<vmem_shared>> -> memref<10240x128xf32, #tpu.memory_space<vmem_shared>>
        tpu.enqueue_indirect_dma source(%arg15 : memref<128x128xf32, #tpu.memory_space<vmem>>) target(%dma_start3A_277 : memref<10240x128xf32, #tpu.memory_space<vmem_shared>>) offsets(%arg13 : memref<128xi32, #tpu.memory_space<vmem>>) semaphore(%arg20 : memref<!tpu.dma_semaphore, #tpu.memory_space<semaphore_mem>>) {add = true}
        %add3A_278 = arith.constant 1 : i32
        %add3A_279 = arith.addi %scan3A_223, %add3A_278 : i32
        %mul3A_280 = arith.constant 2 : i32
        %mul3A_281 = arith.muli %add3A_279, %mul3A_280 : i32
        %add3A_282 = arith.constant 0 : i32
        %add3A_283 = arith.addi %mul3A_281, %add3A_282 : i32
        %lt3A_284 = arith.constant 78 : i32
        %lt3A_285 = arith.cmpi slt, %add3A_283, %lt3A_284 : i32
        %convert_element_type3A_286 = arith.extui %lt3A_285 : i1 to i32
        %cond3A_287 = arith.constant 0 : i32
        %cond3A_288 = arith.cmpi ne, %convert_element_type3A_286, %cond3A_287 : i32
        scf.if %cond3A_288 {
          %mul3A_328 = arith.constant 32 : i32
          %mul3A_329 = arith.muli %add3A_283, %mul3A_328 : i32
          %add3A_330 = arith.addi %add3A, %mul3A_329 : i32
          %mul3A_331 = arith.constant 128 : i32
          %mul3A_332 = arith.muli %add3A_330, %mul3A_331 : i32
          %dma_start3A_333 = tpu.memref_slice %arg3[%mul3A_332] : memref<320000xi32, #tpu.memory_space<hbm>> -> memref<128xi32, #tpu.memory_space<hbm>>
          %dma_start3A_334 = tpu.memref_slice %arg3[%mul3A_332] : memref<320000xi32, #tpu.memory_space<hbm>> -> memref<128xi32, #tpu.memory_space<hbm>>
          tpu.enqueue_dma source(%dma_start3A_334 : memref<128xi32, #tpu.memory_space<hbm>>) target(%arg6 : memref<128xi32, #tpu.memory_space<vmem>>) target_semaphore(%arg21 : memref<!tpu.dma_semaphore, #tpu.memory_space<semaphore_mem>>)
          %dma_start3A_335 = tpu.memref_slice %arg4[%mul3A_332] : memref<320000xi32, #tpu.memory_space<hbm>> -> memref<128xi32, #tpu.memory_space<hbm>>
          %dma_start3A_336 = tpu.memref_slice %arg4[%mul3A_332] : memref<320000xi32, #tpu.memory_space<hbm>> -> memref<128xi32, #tpu.memory_space<hbm>>
          tpu.enqueue_dma source(%dma_start3A_336 : memref<128xi32, #tpu.memory_space<hbm>>) target(%arg8 : memref<128xi32, #tpu.memory_space<vmem>>) target_semaphore(%arg21 : memref<!tpu.dma_semaphore, #tpu.memory_space<semaphore_mem>>)
        } else {
        }
        %add3A_289 = arith.constant 1 : i32
        %add3A_290 = arith.addi %scan3A_223, %add3A_289 : i32
        %mul3A_291 = arith.constant 2 : i32
        %mul3A_292 = arith.muli %add3A_290, %mul3A_291 : i32
        %add3A_293 = arith.constant 1 : i32
        %add3A_294 = arith.addi %mul3A_292, %add3A_293 : i32
        %lt3A_295 = arith.constant 78 : i32
        %lt3A_296 = arith.cmpi slt, %add3A_294, %lt3A_295 : i32
        %convert_element_type3A_297 = arith.extui %lt3A_296 : i1 to i32
        %cond3A_298 = arith.constant 0 : i32
        %cond3A_299 = arith.cmpi ne, %convert_element_type3A_297, %cond3A_298 : i32
        scf.if %cond3A_299 {
          %mul3A_328 = arith.constant 32 : i32
          %mul3A_329 = arith.muli %add3A_294, %mul3A_328 : i32
          %add3A_330 = arith.addi %add3A, %mul3A_329 : i32
          %mul3A_331 = arith.constant 128 : i32
          %mul3A_332 = arith.muli %add3A_330, %mul3A_331 : i32
          %dma_start3A_333 = tpu.memref_slice %arg3[%mul3A_332] : memref<320000xi32, #tpu.memory_space<hbm>> -> memref<128xi32, #tpu.memory_space<hbm>>
          %dma_start3A_334 = tpu.memref_slice %arg3[%mul3A_332] : memref<320000xi32, #tpu.memory_space<hbm>> -> memref<128xi32, #tpu.memory_space<hbm>>
          tpu.enqueue_dma source(%dma_start3A_334 : memref<128xi32, #tpu.memory_space<hbm>>) target(%arg7 : memref<128xi32, #tpu.memory_space<vmem>>) target_semaphore(%arg22 : memref<!tpu.dma_semaphore, #tpu.memory_space<semaphore_mem>>)
          %dma_start3A_335 = tpu.memref_slice %arg4[%mul3A_332] : memref<320000xi32, #tpu.memory_space<hbm>> -> memref<128xi32, #tpu.memory_space<hbm>>
          %dma_start3A_336 = tpu.memref_slice %arg4[%mul3A_332] : memref<320000xi32, #tpu.memory_space<hbm>> -> memref<128xi32, #tpu.memory_space<hbm>>
          tpu.enqueue_dma source(%dma_start3A_336 : memref<128xi32, #tpu.memory_space<hbm>>) target(%arg9 : memref<128xi32, #tpu.memory_space<vmem>>) target_semaphore(%arg22 : memref<!tpu.dma_semaphore, #tpu.memory_space<semaphore_mem>>)
        } else {
        }
        %dma_wait3A_300 = arith.constant 0 : i32
        %dma_wait3A_301 = arith.constant 0 : i32
        %dma_wait3A_302 = tpu.memref_slice %arg16[%dma_wait3A_300, %dma_wait3A_301] : memref<10240x128xf32, #tpu.memory_space<vmem_shared>> -> memref<10240x128xf32, #tpu.memory_space<vmem_shared>>
        tpu.wait_indirect_dma semaphore(%arg19 : memref<!tpu.dma_semaphore, #tpu.memory_space<semaphore_mem>>) src(%arg14 : memref<128x128xf32, #tpu.memory_space<vmem>>) dst(%dma_wait3A_302 : memref<10240x128xf32, #tpu.memory_space<vmem_shared>>)
        %add3A_303 = arith.constant 1 : i32
        %add3A_304 = arith.addi %scan3A_223, %add3A_303 : i32
        %mul3A_305 = arith.constant 2 : i32
        %mul3A_306 = arith.muli %add3A_304, %mul3A_305 : i32
        %add3A_307 = arith.constant 0 : i32
        %add3A_308 = arith.addi %mul3A_306, %add3A_307 : i32
        %lt3A_309 = arith.constant 78 : i32
        %lt3A_310 = arith.cmpi slt, %add3A_308, %lt3A_309 : i32
        %convert_element_type3A_311 = arith.extui %lt3A_310 : i1 to i32
        %cond3A_312 = arith.constant 0 : i32
        %cond3A_313 = arith.cmpi ne, %convert_element_type3A_311, %cond3A_312 : i32
        scf.if %cond3A_313 {
          %dma_wait3A_328 = arith.constant 0 : i32
          %dma_wait3A_329 = tpu.memref_slice %arg3[%dma_wait3A_328] : memref<320000xi32, #tpu.memory_space<hbm>> -> memref<128xi32, #tpu.memory_space<hbm>>
          %dma_wait3A_330 = arith.constant 0 : i32
          %dma_wait3A_331 = tpu.memref_slice %arg3[%dma_wait3A_330] : memref<320000xi32, #tpu.memory_space<hbm>> -> memref<128xi32, #tpu.memory_space<hbm>>
          tpu.wait_dma2 semaphore(%arg21 : memref<!tpu.dma_semaphore, #tpu.memory_space<semaphore_mem>>) src(%dma_wait3A_331 : memref<128xi32, #tpu.memory_space<hbm>>) dst(%arg6 : memref<128xi32, #tpu.memory_space<vmem>>)
          %dma_wait3A_332 = arith.constant 0 : i32
          %dma_wait3A_333 = tpu.memref_slice %arg4[%dma_wait3A_332] : memref<320000xi32, #tpu.memory_space<hbm>> -> memref<128xi32, #tpu.memory_space<hbm>>
          %dma_wait3A_334 = arith.constant 0 : i32
          %dma_wait3A_335 = tpu.memref_slice %arg4[%dma_wait3A_334] : memref<320000xi32, #tpu.memory_space<hbm>> -> memref<128xi32, #tpu.memory_space<hbm>>
          tpu.wait_dma2 semaphore(%arg21 : memref<!tpu.dma_semaphore, #tpu.memory_space<semaphore_mem>>) src(%dma_wait3A_335 : memref<128xi32, #tpu.memory_space<hbm>>) dst(%arg8 : memref<128xi32, #tpu.memory_space<vmem>>)
          %dma_start3A_336 = arith.constant 0 : i32
          %dma_start3A_337 = arith.constant 0 : i32
          %dma_start3A_338 = tpu.memref_slice %arg2[%dma_start3A_336, %dma_start3A_337] : memref<10000x128xf32, #tpu.memory_space<hbm>> -> memref<10000x128xf32, #tpu.memory_space<hbm>>
          tpu.enqueue_indirect_dma source(%dma_start3A_338 : memref<10000x128xf32, #tpu.memory_space<hbm>>) target(%arg14 : memref<128x128xf32, #tpu.memory_space<vmem>>) offsets(%arg6 : memref<128xi32, #tpu.memory_space<vmem>>) semaphore(%arg17 : memref<!tpu.dma_semaphore, #tpu.memory_space<semaphore_mem>>)
        } else {
        }
        %dma_wait3A_314 = arith.constant 0 : i32
        %dma_wait3A_315 = arith.constant 0 : i32
        %dma_wait3A_316 = tpu.memref_slice %arg16[%dma_wait3A_314, %dma_wait3A_315] : memref<10240x128xf32, #tpu.memory_space<vmem_shared>> -> memref<10240x128xf32, #tpu.memory_space<vmem_shared>>
        tpu.wait_indirect_dma semaphore(%arg20 : memref<!tpu.dma_semaphore, #tpu.memory_space<semaphore_mem>>) src(%arg15 : memref<128x128xf32, #tpu.memory_space<vmem>>) dst(%dma_wait3A_316 : memref<10240x128xf32, #tpu.memory_space<vmem_shared>>)
        %add3A_317 = arith.constant 1 : i32
        %add3A_318 = arith.addi %scan3A_223, %add3A_317 : i32
        %mul3A_319 = arith.constant 2 : i32
        %mul3A_320 = arith.muli %add3A_318, %mul3A_319 : i32
        %add3A_321 = arith.constant 1 : i32
        %add3A_322 = arith.addi %mul3A_320, %add3A_321 : i32
        %lt3A_323 = arith.constant 78 : i32
        %lt3A_324 = arith.cmpi slt, %add3A_322, %lt3A_323 : i32
        %convert_element_type3A_325 = arith.extui %lt3A_324 : i1 to i32
        %cond3A_326 = arith.constant 0 : i32
        %cond3A_327 = arith.cmpi ne, %convert_element_type3A_325, %cond3A_326 : i32
        scf.if %cond3A_327 {
          %dma_wait3A_328 = arith.constant 0 : i32
          %dma_wait3A_329 = tpu.memref_slice %arg3[%dma_wait3A_328] : memref<320000xi32, #tpu.memory_space<hbm>> -> memref<128xi32, #tpu.memory_space<hbm>>
          %dma_wait3A_330 = arith.constant 0 : i32
          %dma_wait3A_331 = tpu.memref_slice %arg3[%dma_wait3A_330] : memref<320000xi32, #tpu.memory_space<hbm>> -> memref<128xi32, #tpu.memory_space<hbm>>
          tpu.wait_dma2 semaphore(%arg22 : memref<!tpu.dma_semaphore, #tpu.memory_space<semaphore_mem>>) src(%dma_wait3A_331 : memref<128xi32, #tpu.memory_space<hbm>>) dst(%arg7 : memref<128xi32, #tpu.memory_space<vmem>>)
          %dma_wait3A_332 = arith.constant 0 : i32
          %dma_wait3A_333 = tpu.memref_slice %arg4[%dma_wait3A_332] : memref<320000xi32, #tpu.memory_space<hbm>> -> memref<128xi32, #tpu.memory_space<hbm>>
          %dma_wait3A_334 = arith.constant 0 : i32
          %dma_wait3A_335 = tpu.memref_slice %arg4[%dma_wait3A_334] : memref<320000xi32, #tpu.memory_space<hbm>> -> memref<128xi32, #tpu.memory_space<hbm>>
          tpu.wait_dma2 semaphore(%arg22 : memref<!tpu.dma_semaphore, #tpu.memory_space<semaphore_mem>>) src(%dma_wait3A_335 : memref<128xi32, #tpu.memory_space<hbm>>) dst(%arg9 : memref<128xi32, #tpu.memory_space<vmem>>)
          %dma_start3A_336 = arith.constant 0 : i32
          %dma_start3A_337 = arith.constant 0 : i32
          %dma_start3A_338 = tpu.memref_slice %arg2[%dma_start3A_336, %dma_start3A_337] : memref<10000x128xf32, #tpu.memory_space<hbm>> -> memref<10000x128xf32, #tpu.memory_space<hbm>>
          tpu.enqueue_indirect_dma source(%dma_start3A_338 : memref<10000x128xf32, #tpu.memory_space<hbm>>) target(%arg15 : memref<128x128xf32, #tpu.memory_space<vmem>>) offsets(%arg7 : memref<128xi32, #tpu.memory_space<vmem>>) semaphore(%arg18 : memref<!tpu.dma_semaphore, #tpu.memory_space<semaphore_mem>>)
        } else {
        }
      } else {
      }
    }
    %scan3A_84 = arith.constant 39 : i32
    %lt3A = arith.constant 4 : i32
    %lt3A_85 = arith.cmpi slt, %add3A, %lt3A : i32
    %convert_element_type3A = arith.extui %lt3A_85 : i1 to i32
    %cond3A = arith.constant 0 : i32
    %cond3A_86 = arith.cmpi ne, %convert_element_type3A, %cond3A : i32
    scf.if %cond3A_86 {
      %add3A_223 = arith.constant 2496 : i32
      %add3A_224 = arith.addi %add3A, %add3A_223 : i32
      %mul3A_225 = arith.constant 128 : i32
      %mul3A_226 = arith.muli %add3A_224, %mul3A_225 : i32
      "tpu.region"() ({
        %run_scoped3A = tpu.sem_alloc : memref<!tpu.dma_semaphore, #tpu.memory_space<semaphore_mem>>
        %dma_start3A_233 = tpu.memref_slice %arg3[%mul3A_226] : memref<320000xi32, #tpu.memory_space<hbm>> -> memref<128xi32, #tpu.memory_space<hbm>>
        %dma_start3A_234 = tpu.memref_slice %arg3[%mul3A_226] : memref<320000xi32, #tpu.memory_space<hbm>> -> memref<128xi32, #tpu.memory_space<hbm>>
        tpu.enqueue_dma source(%dma_start3A_234 : memref<128xi32, #tpu.memory_space<hbm>>) target(%arg6 : memref<128xi32, #tpu.memory_space<vmem>>) target_semaphore(%run_scoped3A : memref<!tpu.dma_semaphore, #tpu.memory_space<semaphore_mem>>)
        %dma_wait3A_235 = tpu.memref_slice %arg3[%mul3A_226] : memref<320000xi32, #tpu.memory_space<hbm>> -> memref<128xi32, #tpu.memory_space<hbm>>
        %dma_wait3A_236 = tpu.memref_slice %arg3[%mul3A_226] : memref<320000xi32, #tpu.memory_space<hbm>> -> memref<128xi32, #tpu.memory_space<hbm>>
        tpu.wait_dma2 semaphore(%run_scoped3A : memref<!tpu.dma_semaphore, #tpu.memory_space<semaphore_mem>>) src(%dma_wait3A_236 : memref<128xi32, #tpu.memory_space<hbm>>) dst(%arg6 : memref<128xi32, #tpu.memory_space<vmem>>)
        tpu.yield
      }) : () -> ()
      "tpu.region"() ({
        %run_scoped3A = tpu.sem_alloc : memref<!tpu.dma_semaphore, #tpu.memory_space<semaphore_mem>>
        %dma_start3A_233 = tpu.memref_slice %arg4[%mul3A_226] : memref<320000xi32, #tpu.memory_space<hbm>> -> memref<128xi32, #tpu.memory_space<hbm>>
        %dma_start3A_234 = tpu.memref_slice %arg4[%mul3A_226] : memref<320000xi32, #tpu.memory_space<hbm>> -> memref<128xi32, #tpu.memory_space<hbm>>
        tpu.enqueue_dma source(%dma_start3A_234 : memref<128xi32, #tpu.memory_space<hbm>>) target(%arg8 : memref<128xi32, #tpu.memory_space<vmem>>) target_semaphore(%run_scoped3A : memref<!tpu.dma_semaphore, #tpu.memory_space<semaphore_mem>>)
        %dma_wait3A_235 = tpu.memref_slice %arg4[%mul3A_226] : memref<320000xi32, #tpu.memory_space<hbm>> -> memref<128xi32, #tpu.memory_space<hbm>>
        %dma_wait3A_236 = tpu.memref_slice %arg4[%mul3A_226] : memref<320000xi32, #tpu.memory_space<hbm>> -> memref<128xi32, #tpu.memory_space<hbm>>
        tpu.wait_dma2 semaphore(%run_scoped3A : memref<!tpu.dma_semaphore, #tpu.memory_space<semaphore_mem>>) src(%dma_wait3A_236 : memref<128xi32, #tpu.memory_space<hbm>>) dst(%arg8 : memref<128xi32, #tpu.memory_space<vmem>>)
        tpu.yield
      }) : () -> ()
      %dma_start3A_227 = arith.constant 0 : i32
      %dma_start3A_228 = arith.constant 0 : i32
      %dma_start3A_229 = tpu.memref_slice %arg2[%dma_start3A_227, %dma_start3A_228] : memref<10000x128xf32, #tpu.memory_space<hbm>> -> memref<10000x128xf32, #tpu.memory_space<hbm>>
      tpu.enqueue_indirect_dma source(%dma_start3A_229 : memref<10000x128xf32, #tpu.memory_space<hbm>>) target(%arg14 : memref<128x128xf32, #tpu.memory_space<vmem>>) offsets(%arg6 : memref<128xi32, #tpu.memory_space<vmem>>) semaphore(%arg17 : memref<!tpu.dma_semaphore, #tpu.memory_space<semaphore_mem>>)
      %dma_wait3A_230 = arith.constant 0 : i32
      %dma_wait3A_231 = arith.constant 0 : i32
      %dma_wait3A_232 = tpu.memref_slice %arg2[%dma_wait3A_230, %dma_wait3A_231] : memref<10000x128xf32, #tpu.memory_space<hbm>> -> memref<10000x128xf32, #tpu.memory_space<hbm>>
      tpu.wait_indirect_dma semaphore(%arg17 : memref<!tpu.dma_semaphore, #tpu.memory_space<semaphore_mem>>) src(%dma_wait3A_232 : memref<10000x128xf32, #tpu.memory_space<hbm>>) dst(%arg14 : memref<128x128xf32, #tpu.memory_space<vmem>>)
      "tpu.region"() ({
        %run_scoped3A = tpu.sem_alloc : memref<!tpu.dma_semaphore, #tpu.memory_space<semaphore_mem>>
        %dma_start3A_233 = arith.constant 0 : i32
        %dma_start3A_234 = arith.constant 0 : i32
        %dma_start3A_235 = tpu.memref_slice %arg16[%dma_start3A_233, %dma_start3A_234] : memref<10240x128xf32, #tpu.memory_space<vmem_shared>> -> memref<10240x128xf32, #tpu.memory_space<vmem_shared>>
        tpu.enqueue_indirect_dma source(%arg14 : memref<128x128xf32, #tpu.memory_space<vmem>>) target(%dma_start3A_235 : memref<10240x128xf32, #tpu.memory_space<vmem_shared>>) offsets(%arg8 : memref<128xi32, #tpu.memory_space<vmem>>) semaphore(%run_scoped3A : memref<!tpu.dma_semaphore, #tpu.memory_space<semaphore_mem>>) {add = true}
        %dma_wait3A_236 = arith.constant 0 : i32
        %dma_wait3A_237 = arith.constant 0 : i32
        %dma_wait3A_238 = tpu.memref_slice %arg16[%dma_wait3A_236, %dma_wait3A_237] : memref<10240x128xf32, #tpu.memory_space<vmem_shared>> -> memref<10240x128xf32, #tpu.memory_space<vmem_shared>>
        tpu.wait_indirect_dma semaphore(%run_scoped3A : memref<!tpu.dma_semaphore, #tpu.memory_space<semaphore_mem>>) src(%arg14 : memref<128x128xf32, #tpu.memory_space<vmem>>) dst(%dma_wait3A_238 : memref<10240x128xf32, #tpu.memory_space<vmem_shared>>)
        tpu.yield
      }) : () -> ()
    } else {
    }
    %barrier3A_87 = arith.constant 0 : index
    tpu.barrier barrier_id(%barrier3A_87)
    %mul3A_88 = arith.constant 640 : i32
    %mul3A_89 = arith.muli %arg1, %mul3A_88 : i32
    %add3A_90 = arith.constant 0 : i32
    %add3A_91 = arith.addi %mul3A_89, %add3A_90 : i32
    %dma_start3A_92 = arith.constant 0 : i32
    %dma_start3A_93 = tpu.memref_slice %arg16[%add3A_91, %dma_start3A_92] : memref<10240x128xf32, #tpu.memory_space<vmem_shared>> -> memref<128x128xf32, #tpu.memory_space<vmem_shared>>
    %dma_start3A_94 = arith.constant 0 : i32
    %dma_start3A_95 = tpu.memref_slice %arg16[%add3A_91, %dma_start3A_94] : memref<10240x128xf32, #tpu.memory_space<vmem_shared>> -> memref<128x128xf32, #tpu.memory_space<vmem_shared>>
    tpu.enqueue_dma source(%dma_start3A_95 : memref<128x128xf32, #tpu.memory_space<vmem_shared>>) target(%arg14 : memref<128x128xf32, #tpu.memory_space<vmem>>) target_semaphore(%arg17 : memref<!tpu.dma_semaphore, #tpu.memory_space<semaphore_mem>>)
    %dma_wait3A_96 = arith.constant 0 : i32
    %dma_wait3A_97 = tpu.memref_slice %arg16[%add3A_91, %dma_wait3A_96] : memref<10240x128xf32, #tpu.memory_space<vmem_shared>> -> memref<128x128xf32, #tpu.memory_space<vmem_shared>>
    %dma_wait3A_98 = arith.constant 0 : i32
    %dma_wait3A_99 = tpu.memref_slice %arg16[%add3A_91, %dma_wait3A_98] : memref<10240x128xf32, #tpu.memory_space<vmem_shared>> -> memref<128x128xf32, #tpu.memory_space<vmem_shared>>
    tpu.wait_dma2 semaphore(%arg17 : memref<!tpu.dma_semaphore, #tpu.memory_space<semaphore_mem>>) src(%dma_wait3A_99 : memref<128x128xf32, #tpu.memory_space<vmem_shared>>) dst(%arg14 : memref<128x128xf32, #tpu.memory_space<vmem>>)
    %mul3A_100 = arith.constant 10240 : i32
    %mul3A_101 = arith.muli %arg0, %mul3A_100 : i32
    %mul3A_102 = arith.constant 640 : i32
    %mul3A_103 = arith.muli %arg1, %mul3A_102 : i32
    %add3A_104 = arith.addi %mul3A_101, %mul3A_103 : i32
    %add3A_105 = arith.constant 0 : i32
    %add3A_106 = arith.addi %add3A_104, %add3A_105 : i32
    %dma_start3A_107 = arith.constant 0 : i32
    %dma_start3A_108 = tpu.memref_slice %arg5[%add3A_106, %dma_start3A_107] : memref<20480x128xf32, #tpu.memory_space<hbm>> -> memref<128x128xf32, #tpu.memory_space<hbm>>
    %dma_start3A_109 = arith.constant 0 : i32
    %dma_start3A_110 = tpu.memref_slice %arg5[%add3A_106, %dma_start3A_109] : memref<20480x128xf32, #tpu.memory_space<hbm>> -> memref<128x128xf32, #tpu.memory_space<hbm>>
    tpu.enqueue_dma source(%arg14 : memref<128x128xf32, #tpu.memory_space<vmem>>) target(%dma_start3A_110 : memref<128x128xf32, #tpu.memory_space<hbm>>) target_semaphore(%arg19 : memref<!tpu.dma_semaphore, #tpu.memory_space<semaphore_mem>>)
    %mul3A_111 = arith.constant 640 : i32
    %mul3A_112 = arith.muli %arg1, %mul3A_111 : i32
    %add3A_113 = arith.constant 128 : i32
    %add3A_114 = arith.addi %mul3A_112, %add3A_113 : i32
    %dma_start3A_115 = arith.constant 0 : i32
    %dma_start3A_116 = tpu.memref_slice %arg16[%add3A_114, %dma_start3A_115] : memref<10240x128xf32, #tpu.memory_space<vmem_shared>> -> memref<128x128xf32, #tpu.memory_space<vmem_shared>>
    %dma_start3A_117 = arith.constant 0 : i32
    %dma_start3A_118 = tpu.memref_slice %arg16[%add3A_114, %dma_start3A_117] : memref<10240x128xf32, #tpu.memory_space<vmem_shared>> -> memref<128x128xf32, #tpu.memory_space<vmem_shared>>
    tpu.enqueue_dma source(%dma_start3A_118 : memref<128x128xf32, #tpu.memory_space<vmem_shared>>) target(%arg15 : memref<128x128xf32, #tpu.memory_space<vmem>>) target_semaphore(%arg18 : memref<!tpu.dma_semaphore, #tpu.memory_space<semaphore_mem>>)
    %dma_wait3A_119 = arith.constant 0 : i32
    %dma_wait3A_120 = tpu.memref_slice %arg16[%add3A_114, %dma_wait3A_119] : memref<10240x128xf32, #tpu.memory_space<vmem_shared>> -> memref<128x128xf32, #tpu.memory_space<vmem_shared>>
    %dma_wait3A_121 = arith.constant 0 : i32
    %dma_wait3A_122 = tpu.memref_slice %arg16[%add3A_114, %dma_wait3A_121] : memref<10240x128xf32, #tpu.memory_space<vmem_shared>> -> memref<128x128xf32, #tpu.memory_space<vmem_shared>>
    tpu.wait_dma2 semaphore(%arg18 : memref<!tpu.dma_semaphore, #tpu.memory_space<semaphore_mem>>) src(%dma_wait3A_122 : memref<128x128xf32, #tpu.memory_space<vmem_shared>>) dst(%arg15 : memref<128x128xf32, #tpu.memory_space<vmem>>)
    %mul3A_123 = arith.constant 10240 : i32
    %mul3A_124 = arith.muli %arg0, %mul3A_123 : i32
    %mul3A_125 = arith.constant 640 : i32
    %mul3A_126 = arith.muli %arg1, %mul3A_125 : i32
    %add3A_127 = arith.addi %mul3A_124, %mul3A_126 : i32
    %add3A_128 = arith.constant 128 : i32
    %add3A_129 = arith.addi %add3A_127, %add3A_128 : i32
    %dma_start3A_130 = arith.constant 0 : i32
    %dma_start3A_131 = tpu.memref_slice %arg5[%add3A_129, %dma_start3A_130] : memref<20480x128xf32, #tpu.memory_space<hbm>> -> memref<128x128xf32, #tpu.memory_space<hbm>>
    %dma_start3A_132 = arith.constant 0 : i32
    %dma_start3A_133 = tpu.memref_slice %arg5[%add3A_129, %dma_start3A_132] : memref<20480x128xf32, #tpu.memory_space<hbm>> -> memref<128x128xf32, #tpu.memory_space<hbm>>
    tpu.enqueue_dma source(%arg15 : memref<128x128xf32, #tpu.memory_space<vmem>>) target(%dma_start3A_133 : memref<128x128xf32, #tpu.memory_space<hbm>>) target_semaphore(%arg20 : memref<!tpu.dma_semaphore, #tpu.memory_space<semaphore_mem>>)
    %dma_wait3A_134 = arith.constant 0 : i32
    %dma_wait3A_135 = tpu.memref_slice %arg5[%add3A_106, %dma_wait3A_134] : memref<20480x128xf32, #tpu.memory_space<hbm>> -> memref<128x128xf32, #tpu.memory_space<hbm>>
    %dma_wait3A_136 = arith.constant 0 : i32
    %dma_wait3A_137 = tpu.memref_slice %arg5[%add3A_106, %dma_wait3A_136] : memref<20480x128xf32, #tpu.memory_space<hbm>> -> memref<128x128xf32, #tpu.memory_space<hbm>>
    tpu.wait_dma2 semaphore(%arg19 : memref<!tpu.dma_semaphore, #tpu.memory_space<semaphore_mem>>) src(%arg14 : memref<128x128xf32, #tpu.memory_space<vmem>>) dst(%dma_wait3A_137 : memref<128x128xf32, #tpu.memory_space<hbm>>)
    %mul3A_138 = arith.constant 640 : i32
    %mul3A_139 = arith.muli %arg1, %mul3A_138 : i32
    %add3A_140 = arith.constant 256 : i32
    %add3A_141 = arith.addi %mul3A_139, %add3A_140 : i32
    %dma_start3A_142 = arith.constant 0 : i32
    %dma_start3A_143 = tpu.memref_slice %arg16[%add3A_141, %dma_start3A_142] : memref<10240x128xf32, #tpu.memory_space<vmem_shared>> -> memref<128x128xf32, #tpu.memory_space<vmem_shared>>
    %dma_start3A_144 = arith.constant 0 : i32
    %dma_start3A_145 = tpu.memref_slice %arg16[%add3A_141, %dma_start3A_144] : memref<10240x128xf32, #tpu.memory_space<vmem_shared>> -> memref<128x128xf32, #tpu.memory_space<vmem_shared>>
    tpu.enqueue_dma source(%dma_start3A_145 : memref<128x128xf32, #tpu.memory_space<vmem_shared>>) target(%arg14 : memref<128x128xf32, #tpu.memory_space<vmem>>) target_semaphore(%arg17 : memref<!tpu.dma_semaphore, #tpu.memory_space<semaphore_mem>>)
    %dma_wait3A_146 = arith.constant 0 : i32
    %dma_wait3A_147 = tpu.memref_slice %arg16[%add3A_141, %dma_wait3A_146] : memref<10240x128xf32, #tpu.memory_space<vmem_shared>> -> memref<128x128xf32, #tpu.memory_space<vmem_shared>>
    %dma_wait3A_148 = arith.constant 0 : i32
    %dma_wait3A_149 = tpu.memref_slice %arg16[%add3A_141, %dma_wait3A_148] : memref<10240x128xf32, #tpu.memory_space<vmem_shared>> -> memref<128x128xf32, #tpu.memory_space<vmem_shared>>
    tpu.wait_dma2 semaphore(%arg17 : memref<!tpu.dma_semaphore, #tpu.memory_space<semaphore_mem>>) src(%dma_wait3A_149 : memref<128x128xf32, #tpu.memory_space<vmem_shared>>) dst(%arg14 : memref<128x128xf32, #tpu.memory_space<vmem>>)
    %mul3A_150 = arith.constant 10240 : i32
    %mul3A_151 = arith.muli %arg0, %mul3A_150 : i32
    %mul3A_152 = arith.constant 640 : i32
    %mul3A_153 = arith.muli %arg1, %mul3A_152 : i32
    %add3A_154 = arith.addi %mul3A_151, %mul3A_153 : i32
    %add3A_155 = arith.constant 256 : i32
    %add3A_156 = arith.addi %add3A_154, %add3A_155 : i32
    %dma_start3A_157 = arith.constant 0 : i32
    %dma_start3A_158 = tpu.memref_slice %arg5[%add3A_156, %dma_start3A_157] : memref<20480x128xf32, #tpu.memory_space<hbm>> -> memref<128x128xf32, #tpu.memory_space<hbm>>
    %dma_start3A_159 = arith.constant 0 : i32
    %dma_start3A_160 = tpu.memref_slice %arg5[%add3A_156, %dma_start3A_159] : memref<20480x128xf32, #tpu.memory_space<hbm>> -> memref<128x128xf32, #tpu.memory_space<hbm>>
    tpu.enqueue_dma source(%arg14 : memref<128x128xf32, #tpu.memory_space<vmem>>) target(%dma_start3A_160 : memref<128x128xf32, #tpu.memory_space<hbm>>) target_semaphore(%arg19 : memref<!tpu.dma_semaphore, #tpu.memory_space<semaphore_mem>>)
    %dma_wait3A_161 = arith.constant 0 : i32
    %dma_wait3A_162 = tpu.memref_slice %arg5[%add3A_129, %dma_wait3A_161] : memref<20480x128xf32, #tpu.memory_space<hbm>> -> memref<128x128xf32, #tpu.memory_space<hbm>>
    %dma_wait3A_163 = arith.constant 0 : i32
    %dma_wait3A_164 = tpu.memref_slice %arg5[%add3A_129, %dma_wait3A_163] : memref<20480x128xf32, #tpu.memory_space<hbm>> -> memref<128x128xf32, #tpu.memory_space<hbm>>
    tpu.wait_dma2 semaphore(%arg20 : memref<!tpu.dma_semaphore, #tpu.memory_space<semaphore_mem>>) src(%arg15 : memref<128x128xf32, #tpu.memory_space<vmem>>) dst(%dma_wait3A_164 : memref<128x128xf32, #tpu.memory_space<hbm>>)
    %mul3A_165 = arith.constant 640 : i32
    %mul3A_166 = arith.muli %arg1, %mul3A_165 : i32
    %add3A_167 = arith.constant 384 : i32
    %add3A_168 = arith.addi %mul3A_166, %add3A_167 : i32
    %dma_start3A_169 = arith.constant 0 : i32
    %dma_start3A_170 = tpu.memref_slice %arg16[%add3A_168, %dma_start3A_169] : memref<10240x128xf32, #tpu.memory_space<vmem_shared>> -> memref<128x128xf32, #tpu.memory_space<vmem_shared>>
    %dma_start3A_171 = arith.constant 0 : i32
    %dma_start3A_172 = tpu.memref_slice %arg16[%add3A_168, %dma_start3A_171] : memref<10240x128xf32, #tpu.memory_space<vmem_shared>> -> memref<128x128xf32, #tpu.memory_space<vmem_shared>>
    tpu.enqueue_dma source(%dma_start3A_172 : memref<128x128xf32, #tpu.memory_space<vmem_shared>>) target(%arg15 : memref<128x128xf32, #tpu.memory_space<vmem>>) target_semaphore(%arg18 : memref<!tpu.dma_semaphore, #tpu.memory_space<semaphore_mem>>)
    %dma_wait3A_173 = arith.constant 0 : i32
    %dma_wait3A_174 = tpu.memref_slice %arg16[%add3A_168, %dma_wait3A_173] : memref<10240x128xf32, #tpu.memory_space<vmem_shared>> -> memref<128x128xf32, #tpu.memory_space<vmem_shared>>
    %dma_wait3A_175 = arith.constant 0 : i32
    %dma_wait3A_176 = tpu.memref_slice %arg16[%add3A_168, %dma_wait3A_175] : memref<10240x128xf32, #tpu.memory_space<vmem_shared>> -> memref<128x128xf32, #tpu.memory_space<vmem_shared>>
    tpu.wait_dma2 semaphore(%arg18 : memref<!tpu.dma_semaphore, #tpu.memory_space<semaphore_mem>>) src(%dma_wait3A_176 : memref<128x128xf32, #tpu.memory_space<vmem_shared>>) dst(%arg15 : memref<128x128xf32, #tpu.memory_space<vmem>>)
    %mul3A_177 = arith.constant 10240 : i32
    %mul3A_178 = arith.muli %arg0, %mul3A_177 : i32
    %mul3A_179 = arith.constant 640 : i32
    %mul3A_180 = arith.muli %arg1, %mul3A_179 : i32
    %add3A_181 = arith.addi %mul3A_178, %mul3A_180 : i32
    %add3A_182 = arith.constant 384 : i32
    %add3A_183 = arith.addi %add3A_181, %add3A_182 : i32
    %dma_start3A_184 = arith.constant 0 : i32
    %dma_start3A_185 = tpu.memref_slice %arg5[%add3A_183, %dma_start3A_184] : memref<20480x128xf32, #tpu.memory_space<hbm>> -> memref<128x128xf32, #tpu.memory_space<hbm>>
    %dma_start3A_186 = arith.constant 0 : i32
    %dma_start3A_187 = tpu.memref_slice %arg5[%add3A_183, %dma_start3A_186] : memref<20480x128xf32, #tpu.memory_space<hbm>> -> memref<128x128xf32, #tpu.memory_space<hbm>>
    tpu.enqueue_dma source(%arg15 : memref<128x128xf32, #tpu.memory_space<vmem>>) target(%dma_start3A_187 : memref<128x128xf32, #tpu.memory_space<hbm>>) target_semaphore(%arg20 : memref<!tpu.dma_semaphore, #tpu.memory_space<semaphore_mem>>)
    %dma_wait3A_188 = arith.constant 0 : i32
    %dma_wait3A_189 = tpu.memref_slice %arg5[%add3A_156, %dma_wait3A_188] : memref<20480x128xf32, #tpu.memory_space<hbm>> -> memref<128x128xf32, #tpu.memory_space<hbm>>
    %dma_wait3A_190 = arith.constant 0 : i32
    %dma_wait3A_191 = tpu.memref_slice %arg5[%add3A_156, %dma_wait3A_190] : memref<20480x128xf32, #tpu.memory_space<hbm>> -> memref<128x128xf32, #tpu.memory_space<hbm>>
    tpu.wait_dma2 semaphore(%arg19 : memref<!tpu.dma_semaphore, #tpu.memory_space<semaphore_mem>>) src(%arg14 : memref<128x128xf32, #tpu.memory_space<vmem>>) dst(%dma_wait3A_191 : memref<128x128xf32, #tpu.memory_space<hbm>>)
    %mul3A_192 = arith.constant 640 : i32
    %mul3A_193 = arith.muli %arg1, %mul3A_192 : i32
    %add3A_194 = arith.constant 512 : i32
    %add3A_195 = arith.addi %mul3A_193, %add3A_194 : i32
    %dma_start3A_196 = arith.constant 0 : i32
    %dma_start3A_197 = tpu.memref_slice %arg16[%add3A_195, %dma_start3A_196] : memref<10240x128xf32, #tpu.memory_space<vmem_shared>> -> memref<128x128xf32, #tpu.memory_space<vmem_shared>>
    %dma_start3A_198 = arith.constant 0 : i32
    %dma_start3A_199 = tpu.memref_slice %arg16[%add3A_195, %dma_start3A_198] : memref<10240x128xf32, #tpu.memory_space<vmem_shared>> -> memref<128x128xf32, #tpu.memory_space<vmem_shared>>
    tpu.enqueue_dma source(%dma_start3A_199 : memref<128x128xf32, #tpu.memory_space<vmem_shared>>) target(%arg14 : memref<128x128xf32, #tpu.memory_space<vmem>>) target_semaphore(%arg17 : memref<!tpu.dma_semaphore, #tpu.memory_space<semaphore_mem>>)
    %dma_wait3A_200 = arith.constant 0 : i32
    %dma_wait3A_201 = tpu.memref_slice %arg16[%add3A_195, %dma_wait3A_200] : memref<10240x128xf32, #tpu.memory_space<vmem_shared>> -> memref<128x128xf32, #tpu.memory_space<vmem_shared>>
    %dma_wait3A_202 = arith.constant 0 : i32
    %dma_wait3A_203 = tpu.memref_slice %arg16[%add3A_195, %dma_wait3A_202] : memref<10240x128xf32, #tpu.memory_space<vmem_shared>> -> memref<128x128xf32, #tpu.memory_space<vmem_shared>>
    tpu.wait_dma2 semaphore(%arg17 : memref<!tpu.dma_semaphore, #tpu.memory_space<semaphore_mem>>) src(%dma_wait3A_203 : memref<128x128xf32, #tpu.memory_space<vmem_shared>>) dst(%arg14 : memref<128x128xf32, #tpu.memory_space<vmem>>)
    %mul3A_204 = arith.constant 10240 : i32
    %mul3A_205 = arith.muli %arg0, %mul3A_204 : i32
    %mul3A_206 = arith.constant 640 : i32
    %mul3A_207 = arith.muli %arg1, %mul3A_206 : i32
    %add3A_208 = arith.addi %mul3A_205, %mul3A_207 : i32
    %add3A_209 = arith.constant 512 : i32
    %add3A_210 = arith.addi %add3A_208, %add3A_209 : i32
    %dma_start3A_211 = arith.constant 0 : i32
    %dma_start3A_212 = tpu.memref_slice %arg5[%add3A_210, %dma_start3A_211] : memref<20480x128xf32, #tpu.memory_space<hbm>> -> memref<128x128xf32, #tpu.memory_space<hbm>>
    %dma_start3A_213 = arith.constant 0 : i32
    %dma_start3A_214 = tpu.memref_slice %arg5[%add3A_210, %dma_start3A_213] : memref<20480x128xf32, #tpu.memory_space<hbm>> -> memref<128x128xf32, #tpu.memory_space<hbm>>
    tpu.enqueue_dma source(%arg14 : memref<128x128xf32, #tpu.memory_space<vmem>>) target(%dma_start3A_214 : memref<128x128xf32, #tpu.memory_space<hbm>>) target_semaphore(%arg19 : memref<!tpu.dma_semaphore, #tpu.memory_space<semaphore_mem>>)
    %dma_wait3A_215 = arith.constant 0 : i32
    %dma_wait3A_216 = tpu.memref_slice %arg5[%add3A_210, %dma_wait3A_215] : memref<20480x128xf32, #tpu.memory_space<hbm>> -> memref<128x128xf32, #tpu.memory_space<hbm>>
    %dma_wait3A_217 = arith.constant 0 : i32
    %dma_wait3A_218 = tpu.memref_slice %arg5[%add3A_210, %dma_wait3A_217] : memref<20480x128xf32, #tpu.memory_space<hbm>> -> memref<128x128xf32, #tpu.memory_space<hbm>>
    tpu.wait_dma2 semaphore(%arg19 : memref<!tpu.dma_semaphore, #tpu.memory_space<semaphore_mem>>) src(%arg14 : memref<128x128xf32, #tpu.memory_space<vmem>>) dst(%dma_wait3A_218 : memref<128x128xf32, #tpu.memory_space<hbm>>)
    %dma_wait3A_219 = arith.constant 0 : i32
    %dma_wait3A_220 = tpu.memref_slice %arg5[%add3A_183, %dma_wait3A_219] : memref<20480x128xf32, #tpu.memory_space<hbm>> -> memref<128x128xf32, #tpu.memory_space<hbm>>
    %dma_wait3A_221 = arith.constant 0 : i32
    %dma_wait3A_222 = tpu.memref_slice %arg5[%add3A_183, %dma_wait3A_221] : memref<20480x128xf32, #tpu.memory_space<hbm>> -> memref<128x128xf32, #tpu.memory_space<hbm>>
    tpu.wait_dma2 semaphore(%arg20 : memref<!tpu.dma_semaphore, #tpu.memory_space<semaphore_mem>>) src(%arg15 : memref<128x128xf32, #tpu.memory_space<vmem>>) dst(%dma_wait3A_222 : memref<128x128xf32, #tpu.memory_space<hbm>>)
    return
  }
}

#map = affine_map<(d0, d1) -> (0, 0)>
#map1 = affine_map<(d0, d1) -> (0)>
module attributes {stable_mosaic.version = 14 : i64} {
  func.func @_pairs_body(%arg0: i32, %arg1: i32, %arg2: memref<10000x128xf32, #tpu.memory_space<hbm>>, %arg3: memref<32768xi32, #tpu.memory_space<hbm>>, %arg4: memref<32768xi32, #tpu.memory_space<hbm>>, %arg5: memref<32768x128xf32, #tpu.memory_space<hbm>>, %arg6: memref<32768x128xf32, #tpu.memory_space<hbm>>, %arg7: memref<128xi32, #tpu.memory_space<vmem>>, %arg8: memref<128xi32, #tpu.memory_space<vmem>>, %arg9: memref<128xi32, #tpu.memory_space<vmem>>, %arg10: memref<128xi32, #tpu.memory_space<vmem>>, %arg11: memref<128x128xf32, #tpu.memory_space<vmem>>, %arg12: memref<128x128xf32, #tpu.memory_space<vmem>>, %arg13: memref<128x128xf32, #tpu.memory_space<vmem>>, %arg14: memref<128x128xf32, #tpu.memory_space<vmem>>, %arg15: memref<!tpu.dma_semaphore, #tpu.memory_space<semaphore_mem>>, %arg16: memref<!tpu.dma_semaphore, #tpu.memory_space<semaphore_mem>>, %arg17: memref<!tpu.dma_semaphore, #tpu.memory_space<semaphore_mem>>, %arg18: memref<!tpu.dma_semaphore, #tpu.memory_space<semaphore_mem>>) attributes {dimension_semantics = [#tpu.dimension_semantics<core_parallel>, #tpu.dimension_semantics<subcore_parallel>], iteration_bounds = array<i64: 2, 16>, scalar_prefetch = 0 : i64, scratch_operands = 12 : i64, tpu.core_type = #tpu.core_type<sc_vector_subcore>, window_params = [{transform_indices = #map}, {transform_indices = #map1}, {transform_indices = #map1}, {transform_indices = #map}, {transform_indices = #map}]} {
    %mul3A = arith.constant 2 : i32
    %mul3A_0 = arith.muli %arg1, %mul3A : i32
    %add3A = arith.addi %mul3A_0, %arg0 : i32
    %scan3A = arith.constant 0 : i32
    %scan3A_1 = arith.constant 0 : i32
    %scan3A_2 = arith.constant 4 : i32
    %scan3A_3 = arith.addi %scan3A_1, %scan3A_2 : i32
    %scan3A_4 = arith.constant 1 : i32
    scf.for %scan3A_29 = %scan3A_1 to %scan3A_3 step %scan3A_4  : i32 {
      %mul3A_30 = arith.constant 2 : i32
      %mul3A_31 = arith.muli %scan3A_29, %mul3A_30 : i32
      %add3A_32 = arith.constant 0 : i32
      %add3A_33 = arith.addi %mul3A_31, %add3A_32 : i32
      %mul3A_34 = arith.constant 8 : i32
      %mul3A_35 = arith.muli %add3A, %mul3A_34 : i32
      %add3A_36 = arith.addi %mul3A_35, %add3A_33 : i32
      %mul3A_37 = arith.constant 128 : i32
      %mul3A_38 = arith.muli %add3A_36, %mul3A_37 : i32
      %gt3A = arith.constant 0 : i32
      %gt3A_39 = arith.cmpi sgt, %scan3A_29, %gt3A : i32
      %convert_element_type3A = arith.extui %gt3A_39 : i1 to i32
      %cond3A = arith.constant 0 : i32
      %cond3A_40 = arith.cmpi ne, %convert_element_type3A, %cond3A : i32
      scf.if %cond3A_40 {
        %dma_wait3A_124 = arith.constant 0 : i32
        %dma_wait3A_125 = arith.constant 0 : i32
        %dma_wait3A_126 = tpu.memref_slice %arg5[%dma_wait3A_124, %dma_wait3A_125] : memref<32768x128xf32, #tpu.memory_space<hbm>> -> memref<128x128xf32, #tpu.memory_space<hbm>>
        %dma_wait3A_127 = arith.constant 0 : i32
        %dma_wait3A_128 = arith.constant 0 : i32
        %dma_wait3A_129 = tpu.memref_slice %arg5[%dma_wait3A_127, %dma_wait3A_128] : memref<32768x128xf32, #tpu.memory_space<hbm>> -> memref<128x128xf32, #tpu.memory_space<hbm>>
        tpu.wait_dma2 semaphore(%arg17 : memref<!tpu.dma_semaphore, #tpu.memory_space<semaphore_mem>>) src(%arg11 : memref<128x128xf32, #tpu.memory_space<vmem>>) dst(%dma_wait3A_129 : memref<128x128xf32, #tpu.memory_space<hbm>>)
        %dma_wait3A_130 = arith.constant 0 : i32
        %dma_wait3A_131 = arith.constant 0 : i32
        %dma_wait3A_132 = tpu.memref_slice %arg6[%dma_wait3A_130, %dma_wait3A_131] : memref<32768x128xf32, #tpu.memory_space<hbm>> -> memref<128x128xf32, #tpu.memory_space<hbm>>
        %dma_wait3A_133 = arith.constant 0 : i32
        %dma_wait3A_134 = arith.constant 0 : i32
        %dma_wait3A_135 = tpu.memref_slice %arg6[%dma_wait3A_133, %dma_wait3A_134] : memref<32768x128xf32, #tpu.memory_space<hbm>> -> memref<128x128xf32, #tpu.memory_space<hbm>>
        tpu.wait_dma2 semaphore(%arg17 : memref<!tpu.dma_semaphore, #tpu.memory_space<semaphore_mem>>) src(%arg13 : memref<128x128xf32, #tpu.memory_space<vmem>>) dst(%dma_wait3A_135 : memref<128x128xf32, #tpu.memory_space<hbm>>)
      } else {
      }
      "tpu.region"() ({
        %run_scoped3A = tpu.sem_alloc : memref<!tpu.dma_semaphore, #tpu.memory_space<semaphore_mem>>
        %dma_start3A_124 = tpu.memref_slice %arg3[%mul3A_38] : memref<32768xi32, #tpu.memory_space<hbm>> -> memref<128xi32, #tpu.memory_space<hbm>>
        %dma_start3A_125 = tpu.memref_slice %arg3[%mul3A_38] : memref<32768xi32, #tpu.memory_space<hbm>> -> memref<128xi32, #tpu.memory_space<hbm>>
        tpu.enqueue_dma source(%dma_start3A_125 : memref<128xi32, #tpu.memory_space<hbm>>) target(%arg7 : memref<128xi32, #tpu.memory_space<vmem>>) target_semaphore(%run_scoped3A : memref<!tpu.dma_semaphore, #tpu.memory_space<semaphore_mem>>)
        %dma_wait3A_126 = tpu.memref_slice %arg3[%mul3A_38] : memref<32768xi32, #tpu.memory_space<hbm>> -> memref<128xi32, #tpu.memory_space<hbm>>
        %dma_wait3A_127 = tpu.memref_slice %arg3[%mul3A_38] : memref<32768xi32, #tpu.memory_space<hbm>> -> memref<128xi32, #tpu.memory_space<hbm>>
        tpu.wait_dma2 semaphore(%run_scoped3A : memref<!tpu.dma_semaphore, #tpu.memory_space<semaphore_mem>>) src(%dma_wait3A_127 : memref<128xi32, #tpu.memory_space<hbm>>) dst(%arg7 : memref<128xi32, #tpu.memory_space<vmem>>)
        tpu.yield
      }) : () -> ()
      "tpu.region"() ({
        %run_scoped3A = tpu.sem_alloc : memref<!tpu.dma_semaphore, #tpu.memory_space<semaphore_mem>>
        %dma_start3A_124 = tpu.memref_slice %arg4[%mul3A_38] : memref<32768xi32, #tpu.memory_space<hbm>> -> memref<128xi32, #tpu.memory_space<hbm>>
        %dma_start3A_125 = tpu.memref_slice %arg4[%mul3A_38] : memref<32768xi32, #tpu.memory_space<hbm>> -> memref<128xi32, #tpu.memory_space<hbm>>
        tpu.enqueue_dma source(%dma_start3A_125 : memref<128xi32, #tpu.memory_space<hbm>>) target(%arg9 : memref<128xi32, #tpu.memory_space<vmem>>) target_semaphore(%run_scoped3A : memref<!tpu.dma_semaphore, #tpu.memory_space<semaphore_mem>>)
        %dma_wait3A_126 = tpu.memref_slice %arg4[%mul3A_38] : memref<32768xi32, #tpu.memory_space<hbm>> -> memref<128xi32, #tpu.memory_space<hbm>>
        %dma_wait3A_127 = tpu.memref_slice %arg4[%mul3A_38] : memref<32768xi32, #tpu.memory_space<hbm>> -> memref<128xi32, #tpu.memory_space<hbm>>
        tpu.wait_dma2 semaphore(%run_scoped3A : memref<!tpu.dma_semaphore, #tpu.memory_space<semaphore_mem>>) src(%dma_wait3A_127 : memref<128xi32, #tpu.memory_space<hbm>>) dst(%arg9 : memref<128xi32, #tpu.memory_space<vmem>>)
        tpu.yield
      }) : () -> ()
      %dma_start3A = arith.constant 0 : i32
      %dma_start3A_41 = arith.constant 0 : i32
      %dma_start3A_42 = tpu.memref_slice %arg2[%dma_start3A, %dma_start3A_41] : memref<10000x128xf32, #tpu.memory_space<hbm>> -> memref<10000x128xf32, #tpu.memory_space<hbm>>
      tpu.enqueue_indirect_dma source(%dma_start3A_42 : memref<10000x128xf32, #tpu.memory_space<hbm>>) target(%arg11 : memref<128x128xf32, #tpu.memory_space<vmem>>) offsets(%arg7 : memref<128xi32, #tpu.memory_space<vmem>>) semaphore(%arg15 : memref<!tpu.dma_semaphore, #tpu.memory_space<semaphore_mem>>)
      %dma_start3A_43 = arith.constant 0 : i32
      %dma_start3A_44 = arith.constant 0 : i32
      %dma_start3A_45 = tpu.memref_slice %arg2[%dma_start3A_43, %dma_start3A_44] : memref<10000x128xf32, #tpu.memory_space<hbm>> -> memref<10000x128xf32, #tpu.memory_space<hbm>>
      tpu.enqueue_indirect_dma source(%dma_start3A_45 : memref<10000x128xf32, #tpu.memory_space<hbm>>) target(%arg13 : memref<128x128xf32, #tpu.memory_space<vmem>>) offsets(%arg9 : memref<128xi32, #tpu.memory_space<vmem>>) semaphore(%arg15 : memref<!tpu.dma_semaphore, #tpu.memory_space<semaphore_mem>>)
      %mul3A_46 = arith.constant 2 : i32
      %mul3A_47 = arith.muli %scan3A_29, %mul3A_46 : i32
      %add3A_48 = arith.constant 1 : i32
      %add3A_49 = arith.addi %mul3A_47, %add3A_48 : i32
      %mul3A_50 = arith.constant 8 : i32
      %mul3A_51 = arith.muli %add3A, %mul3A_50 : i32
      %add3A_52 = arith.addi %mul3A_51, %add3A_49 : i32
      %mul3A_53 = arith.constant 128 : i32
      %mul3A_54 = arith.muli %add3A_52, %mul3A_53 : i32
      %gt3A_55 = arith.constant 0 : i32
      %gt3A_56 = arith.cmpi sgt, %scan3A_29, %gt3A_55 : i32
      %convert_element_type3A_57 = arith.extui %gt3A_56 : i1 to i32
      %cond3A_58 = arith.constant 0 : i32
      %cond3A_59 = arith.cmpi ne, %convert_element_type3A_57, %cond3A_58 : i32
      scf.if %cond3A_59 {
        %dma_wait3A_124 = arith.constant 0 : i32
        %dma_wait3A_125 = arith.constant 0 : i32
        %dma_wait3A_126 = tpu.memref_slice %arg5[%dma_wait3A_124, %dma_wait3A_125] : memref<32768x128xf32, #tpu.memory_space<hbm>> -> memref<128x128xf32, #tpu.memory_space<hbm>>
        %dma_wait3A_127 = arith.constant 0 : i32
        %dma_wait3A_128 = arith.constant 0 : i32
        %dma_wait3A_129 = tpu.memref_slice %arg5[%dma_wait3A_127, %dma_wait3A_128] : memref<32768x128xf32, #tpu.memory_space<hbm>> -> memref<128x128xf32, #tpu.memory_space<hbm>>
        tpu.wait_dma2 semaphore(%arg18 : memref<!tpu.dma_semaphore, #tpu.memory_space<semaphore_mem>>) src(%arg12 : memref<128x128xf32, #tpu.memory_space<vmem>>) dst(%dma_wait3A_129 : memref<128x128xf32, #tpu.memory_space<hbm>>)
        %dma_wait3A_130 = arith.constant 0 : i32
        %dma_wait3A_131 = arith.constant 0 : i32
        %dma_wait3A_132 = tpu.memref_slice %arg6[%dma_wait3A_130, %dma_wait3A_131] : memref<32768x128xf32, #tpu.memory_space<hbm>> -> memref<128x128xf32, #tpu.memory_space<hbm>>
        %dma_wait3A_133 = arith.constant 0 : i32
        %dma_wait3A_134 = arith.constant 0 : i32
        %dma_wait3A_135 = tpu.memref_slice %arg6[%dma_wait3A_133, %dma_wait3A_134] : memref<32768x128xf32, #tpu.memory_space<hbm>> -> memref<128x128xf32, #tpu.memory_space<hbm>>
        tpu.wait_dma2 semaphore(%arg18 : memref<!tpu.dma_semaphore, #tpu.memory_space<semaphore_mem>>) src(%arg14 : memref<128x128xf32, #tpu.memory_space<vmem>>) dst(%dma_wait3A_135 : memref<128x128xf32, #tpu.memory_space<hbm>>)
      } else {
      }
      "tpu.region"() ({
        %run_scoped3A = tpu.sem_alloc : memref<!tpu.dma_semaphore, #tpu.memory_space<semaphore_mem>>
        %dma_start3A_124 = tpu.memref_slice %arg3[%mul3A_54] : memref<32768xi32, #tpu.memory_space<hbm>> -> memref<128xi32, #tpu.memory_space<hbm>>
        %dma_start3A_125 = tpu.memref_slice %arg3[%mul3A_54] : memref<32768xi32, #tpu.memory_space<hbm>> -> memref<128xi32, #tpu.memory_space<hbm>>
        tpu.enqueue_dma source(%dma_start3A_125 : memref<128xi32, #tpu.memory_space<hbm>>) target(%arg8 : memref<128xi32, #tpu.memory_space<vmem>>) target_semaphore(%run_scoped3A : memref<!tpu.dma_semaphore, #tpu.memory_space<semaphore_mem>>)
        %dma_wait3A_126 = tpu.memref_slice %arg3[%mul3A_54] : memref<32768xi32, #tpu.memory_space<hbm>> -> memref<128xi32, #tpu.memory_space<hbm>>
        %dma_wait3A_127 = tpu.memref_slice %arg3[%mul3A_54] : memref<32768xi32, #tpu.memory_space<hbm>> -> memref<128xi32, #tpu.memory_space<hbm>>
        tpu.wait_dma2 semaphore(%run_scoped3A : memref<!tpu.dma_semaphore, #tpu.memory_space<semaphore_mem>>) src(%dma_wait3A_127 : memref<128xi32, #tpu.memory_space<hbm>>) dst(%arg8 : memref<128xi32, #tpu.memory_space<vmem>>)
        tpu.yield
      }) : () -> ()
      "tpu.region"() ({
        %run_scoped3A = tpu.sem_alloc : memref<!tpu.dma_semaphore, #tpu.memory_space<semaphore_mem>>
        %dma_start3A_124 = tpu.memref_slice %arg4[%mul3A_54] : memref<32768xi32, #tpu.memory_space<hbm>> -> memref<128xi32, #tpu.memory_space<hbm>>
        %dma_start3A_125 = tpu.memref_slice %arg4[%mul3A_54] : memref<32768xi32, #tpu.memory_space<hbm>> -> memref<128xi32, #tpu.memory_space<hbm>>
        tpu.enqueue_dma source(%dma_start3A_125 : memref<128xi32, #tpu.memory_space<hbm>>) target(%arg10 : memref<128xi32, #tpu.memory_space<vmem>>) target_semaphore(%run_scoped3A : memref<!tpu.dma_semaphore, #tpu.memory_space<semaphore_mem>>)
        %dma_wait3A_126 = tpu.memref_slice %arg4[%mul3A_54] : memref<32768xi32, #tpu.memory_space<hbm>> -> memref<128xi32, #tpu.memory_space<hbm>>
        %dma_wait3A_127 = tpu.memref_slice %arg4[%mul3A_54] : memref<32768xi32, #tpu.memory_space<hbm>> -> memref<128xi32, #tpu.memory_space<hbm>>
        tpu.wait_dma2 semaphore(%run_scoped3A : memref<!tpu.dma_semaphore, #tpu.memory_space<semaphore_mem>>) src(%dma_wait3A_127 : memref<128xi32, #tpu.memory_space<hbm>>) dst(%arg10 : memref<128xi32, #tpu.memory_space<vmem>>)
        tpu.yield
      }) : () -> ()
      %dma_start3A_60 = arith.constant 0 : i32
      %dma_start3A_61 = arith.constant 0 : i32
      %dma_start3A_62 = tpu.memref_slice %arg2[%dma_start3A_60, %dma_start3A_61] : memref<10000x128xf32, #tpu.memory_space<hbm>> -> memref<10000x128xf32, #tpu.memory_space<hbm>>
      tpu.enqueue_indirect_dma source(%dma_start3A_62 : memref<10000x128xf32, #tpu.memory_space<hbm>>) target(%arg12 : memref<128x128xf32, #tpu.memory_space<vmem>>) offsets(%arg8 : memref<128xi32, #tpu.memory_space<vmem>>) semaphore(%arg16 : memref<!tpu.dma_semaphore, #tpu.memory_space<semaphore_mem>>)
      %dma_start3A_63 = arith.constant 0 : i32
      %dma_start3A_64 = arith.constant 0 : i32
      %dma_start3A_65 = tpu.memref_slice %arg2[%dma_start3A_63, %dma_start3A_64] : memref<10000x128xf32, #tpu.memory_space<hbm>> -> memref<10000x128xf32, #tpu.memory_space<hbm>>
      tpu.enqueue_indirect_dma source(%dma_start3A_65 : memref<10000x128xf32, #tpu.memory_space<hbm>>) target(%arg14 : memref<128x128xf32, #tpu.memory_space<vmem>>) offsets(%arg10 : memref<128xi32, #tpu.memory_space<vmem>>) semaphore(%arg16 : memref<!tpu.dma_semaphore, #tpu.memory_space<semaphore_mem>>)
      %mul3A_66 = arith.constant 2 : i32
      %mul3A_67 = arith.muli %scan3A_29, %mul3A_66 : i32
      %add3A_68 = arith.constant 0 : i32
      %add3A_69 = arith.addi %mul3A_67, %add3A_68 : i32
      %mul3A_70 = arith.constant 8 : i32
      %mul3A_71 = arith.muli %add3A, %mul3A_70 : i32
      %add3A_72 = arith.addi %mul3A_71, %add3A_69 : i32
      %mul3A_73 = arith.constant 128 : i32
      %mul3A_74 = arith.muli %add3A_72, %mul3A_73 : i32
      %dma_wait3A_75 = arith.constant 0 : i32
      %dma_wait3A_76 = arith.constant 0 : i32
      %dma_wait3A_77 = tpu.memref_slice %arg2[%dma_wait3A_75, %dma_wait3A_76] : memref<10000x128xf32, #tpu.memory_space<hbm>> -> memref<128x128xf32, #tpu.memory_space<hbm>>
      %dma_wait3A_78 = arith.constant 0 : i32
      %dma_wait3A_79 = arith.constant 0 : i32
      %dma_wait3A_80 = tpu.memref_slice %arg2[%dma_wait3A_78, %dma_wait3A_79] : memref<10000x128xf32, #tpu.memory_space<hbm>> -> memref<128x128xf32, #tpu.memory_space<hbm>>
      tpu.wait_dma2 semaphore(%arg15 : memref<!tpu.dma_semaphore, #tpu.memory_space<semaphore_mem>>) src(%dma_wait3A_80 : memref<128x128xf32, #tpu.memory_space<hbm>>) dst(%arg11 : memref<128x128xf32, #tpu.memory_space<vmem>>)
      %dma_wait3A_81 = arith.constant 0 : i32
      %dma_wait3A_82 = arith.constant 0 : i32
      %dma_wait3A_83 = tpu.memref_slice %arg2[%dma_wait3A_81, %dma_wait3A_82] : memref<10000x128xf32, #tpu.memory_space<hbm>> -> memref<128x128xf32, #tpu.memory_space<hbm>>
      %dma_wait3A_84 = arith.constant 0 : i32
      %dma_wait3A_85 = arith.constant 0 : i32
      %dma_wait3A_86 = tpu.memref_slice %arg2[%dma_wait3A_84, %dma_wait3A_85] : memref<10000x128xf32, #tpu.memory_space<hbm>> -> memref<128x128xf32, #tpu.memory_space<hbm>>
      tpu.wait_dma2 semaphore(%arg15 : memref<!tpu.dma_semaphore, #tpu.memory_space<semaphore_mem>>) src(%dma_wait3A_86 : memref<128x128xf32, #tpu.memory_space<hbm>>) dst(%arg13 : memref<128x128xf32, #tpu.memory_space<vmem>>)
      %dma_start3A_87 = arith.constant 0 : i32
      %dma_start3A_88 = tpu.memref_slice %arg5[%mul3A_74, %dma_start3A_87] : memref<32768x128xf32, #tpu.memory_space<hbm>> -> memref<128x128xf32, #tpu.memory_space<hbm>>
      %dma_start3A_89 = arith.constant 0 : i32
      %dma_start3A_90 = tpu.memref_slice %arg5[%mul3A_74, %dma_start3A_89] : memref<32768x128xf32, #tpu.memory_space<hbm>> -> memref<128x128xf32, #tpu.memory_space<hbm>>
      tpu.enqueue_dma source(%arg11 : memref<128x128xf32, #tpu.memory_space<vmem>>) target(%dma_start3A_90 : memref<128x128xf32, #tpu.memory_space<hbm>>) target_semaphore(%arg17 : memref<!tpu.dma_semaphore, #tpu.memory_space<semaphore_mem>>)
      %dma_start3A_91 = arith.constant 0 : i32
      %dma_start3A_92 = tpu.memref_slice %arg6[%mul3A_74, %dma_start3A_91] : memref<32768x128xf32, #tpu.memory_space<hbm>> -> memref<128x128xf32, #tpu.memory_space<hbm>>
      %dma_start3A_93 = arith.constant 0 : i32
      %dma_start3A_94 = tpu.memref_slice %arg6[%mul3A_74, %dma_start3A_93] : memref<32768x128xf32, #tpu.memory_space<hbm>> -> memref<128x128xf32, #tpu.memory_space<hbm>>
      tpu.enqueue_dma source(%arg13 : memref<128x128xf32, #tpu.memory_space<vmem>>) target(%dma_start3A_94 : memref<128x128xf32, #tpu.memory_space<hbm>>) target_semaphore(%arg17 : memref<!tpu.dma_semaphore, #tpu.memory_space<semaphore_mem>>)
      %mul3A_95 = arith.constant 2 : i32
      %mul3A_96 = arith.muli %scan3A_29, %mul3A_95 : i32
      %add3A_97 = arith.constant 1 : i32
      %add3A_98 = arith.addi %mul3A_96, %add3A_97 : i32
      %mul3A_99 = arith.constant 8 : i32
      %mul3A_100 = arith.muli %add3A, %mul3A_99 : i32
      %add3A_101 = arith.addi %mul3A_100, %add3A_98 : i32
      %mul3A_102 = arith.constant 128 : i32
      %mul3A_103 = arith.muli %add3A_101, %mul3A_102 : i32
      %dma_wait3A_104 = arith.constant 0 : i32
      %dma_wait3A_105 = arith.constant 0 : i32
      %dma_wait3A_106 = tpu.memref_slice %arg2[%dma_wait3A_104, %dma_wait3A_105] : memref<10000x128xf32, #tpu.memory_space<hbm>> -> memref<128x128xf32, #tpu.memory_space<hbm>>
      %dma_wait3A_107 = arith.constant 0 : i32
      %dma_wait3A_108 = arith.constant 0 : i32
      %dma_wait3A_109 = tpu.memref_slice %arg2[%dma_wait3A_107, %dma_wait3A_108] : memref<10000x128xf32, #tpu.memory_space<hbm>> -> memref<128x128xf32, #tpu.memory_space<hbm>>
      tpu.wait_dma2 semaphore(%arg16 : memref<!tpu.dma_semaphore, #tpu.memory_space<semaphore_mem>>) src(%dma_wait3A_109 : memref<128x128xf32, #tpu.memory_space<hbm>>) dst(%arg12 : memref<128x128xf32, #tpu.memory_space<vmem>>)
      %dma_wait3A_110 = arith.constant 0 : i32
      %dma_wait3A_111 = arith.constant 0 : i32
      %dma_wait3A_112 = tpu.memref_slice %arg2[%dma_wait3A_110, %dma_wait3A_111] : memref<10000x128xf32, #tpu.memory_space<hbm>> -> memref<128x128xf32, #tpu.memory_space<hbm>>
      %dma_wait3A_113 = arith.constant 0 : i32
      %dma_wait3A_114 = arith.constant 0 : i32
      %dma_wait3A_115 = tpu.memref_slice %arg2[%dma_wait3A_113, %dma_wait3A_114] : memref<10000x128xf32, #tpu.memory_space<hbm>> -> memref<128x128xf32, #tpu.memory_space<hbm>>
      tpu.wait_dma2 semaphore(%arg16 : memref<!tpu.dma_semaphore, #tpu.memory_space<semaphore_mem>>) src(%dma_wait3A_115 : memref<128x128xf32, #tpu.memory_space<hbm>>) dst(%arg14 : memref<128x128xf32, #tpu.memory_space<vmem>>)
      %dma_start3A_116 = arith.constant 0 : i32
      %dma_start3A_117 = tpu.memref_slice %arg5[%mul3A_103, %dma_start3A_116] : memref<32768x128xf32, #tpu.memory_space<hbm>> -> memref<128x128xf32, #tpu.memory_space<hbm>>
      %dma_start3A_118 = arith.constant 0 : i32
      %dma_start3A_119 = tpu.memref_slice %arg5[%mul3A_103, %dma_start3A_118] : memref<32768x128xf32, #tpu.memory_space<hbm>> -> memref<128x128xf32, #tpu.memory_space<hbm>>
      tpu.enqueue_dma source(%arg12 : memref<128x128xf32, #tpu.memory_space<vmem>>) target(%dma_start3A_119 : memref<128x128xf32, #tpu.memory_space<hbm>>) target_semaphore(%arg18 : memref<!tpu.dma_semaphore, #tpu.memory_space<semaphore_mem>>)
      %dma_start3A_120 = arith.constant 0 : i32
      %dma_start3A_121 = tpu.memref_slice %arg6[%mul3A_103, %dma_start3A_120] : memref<32768x128xf32, #tpu.memory_space<hbm>> -> memref<128x128xf32, #tpu.memory_space<hbm>>
      %dma_start3A_122 = arith.constant 0 : i32
      %dma_start3A_123 = tpu.memref_slice %arg6[%mul3A_103, %dma_start3A_122] : memref<32768x128xf32, #tpu.memory_space<hbm>> -> memref<128x128xf32, #tpu.memory_space<hbm>>
      tpu.enqueue_dma source(%arg14 : memref<128x128xf32, #tpu.memory_space<vmem>>) target(%dma_start3A_123 : memref<128x128xf32, #tpu.memory_space<hbm>>) target_semaphore(%arg18 : memref<!tpu.dma_semaphore, #tpu.memory_space<semaphore_mem>>)
    }
    %scan3A_5 = arith.constant 4 : i32
    %dma_wait3A = arith.constant 0 : i32
    %dma_wait3A_6 = arith.constant 0 : i32
    %dma_wait3A_7 = tpu.memref_slice %arg5[%dma_wait3A, %dma_wait3A_6] : memref<32768x128xf32, #tpu.memory_space<hbm>> -> memref<128x128xf32, #tpu.memory_space<hbm>>
    %dma_wait3A_8 = arith.constant 0 : i32
    %dma_wait3A_9 = arith.constant 0 : i32
    %dma_wait3A_10 = tpu.memref_slice %arg5[%dma_wait3A_8, %dma_wait3A_9] : memref<32768x128xf32, #tpu.memory_space<hbm>> -> memref<128x128xf32, #tpu.memory_space<hbm>>
    tpu.wait_dma2 semaphore(%arg17 : memref<!tpu.dma_semaphore, #tpu.memory_space<semaphore_mem>>) src(%arg11 : memref<128x128xf32, #tpu.memory_space<vmem>>) dst(%dma_wait3A_10 : memref<128x128xf32, #tpu.memory_space<hbm>>)
    %dma_wait3A_11 = arith.constant 0 : i32
    %dma_wait3A_12 = arith.constant 0 : i32
    %dma_wait3A_13 = tpu.memref_slice %arg6[%dma_wait3A_11, %dma_wait3A_12] : memref<32768x128xf32, #tpu.memory_space<hbm>> -> memref<128x128xf32, #tpu.memory_space<hbm>>
    %dma_wait3A_14 = arith.constant 0 : i32
    %dma_wait3A_15 = arith.constant 0 : i32
    %dma_wait3A_16 = tpu.memref_slice %arg6[%dma_wait3A_14, %dma_wait3A_15] : memref<32768x128xf32, #tpu.memory_space<hbm>> -> memref<128x128xf32, #tpu.memory_space<hbm>>
    tpu.wait_dma2 semaphore(%arg17 : memref<!tpu.dma_semaphore, #tpu.memory_space<semaphore_mem>>) src(%arg13 : memref<128x128xf32, #tpu.memory_space<vmem>>) dst(%dma_wait3A_16 : memref<128x128xf32, #tpu.memory_space<hbm>>)
    %dma_wait3A_17 = arith.constant 0 : i32
    %dma_wait3A_18 = arith.constant 0 : i32
    %dma_wait3A_19 = tpu.memref_slice %arg5[%dma_wait3A_17, %dma_wait3A_18] : memref<32768x128xf32, #tpu.memory_space<hbm>> -> memref<128x128xf32, #tpu.memory_space<hbm>>
    %dma_wait3A_20 = arith.constant 0 : i32
    %dma_wait3A_21 = arith.constant 0 : i32
    %dma_wait3A_22 = tpu.memref_slice %arg5[%dma_wait3A_20, %dma_wait3A_21] : memref<32768x128xf32, #tpu.memory_space<hbm>> -> memref<128x128xf32, #tpu.memory_space<hbm>>
    tpu.wait_dma2 semaphore(%arg18 : memref<!tpu.dma_semaphore, #tpu.memory_space<semaphore_mem>>) src(%arg12 : memref<128x128xf32, #tpu.memory_space<vmem>>) dst(%dma_wait3A_22 : memref<128x128xf32, #tpu.memory_space<hbm>>)
    %dma_wait3A_23 = arith.constant 0 : i32
    %dma_wait3A_24 = arith.constant 0 : i32
    %dma_wait3A_25 = tpu.memref_slice %arg6[%dma_wait3A_23, %dma_wait3A_24] : memref<32768x128xf32, #tpu.memory_space<hbm>> -> memref<128x128xf32, #tpu.memory_space<hbm>>
    %dma_wait3A_26 = arith.constant 0 : i32
    %dma_wait3A_27 = arith.constant 0 : i32
    %dma_wait3A_28 = tpu.memref_slice %arg6[%dma_wait3A_26, %dma_wait3A_27] : memref<32768x128xf32, #tpu.memory_space<hbm>> -> memref<128x128xf32, #tpu.memory_space<hbm>>
    tpu.wait_dma2 semaphore(%arg18 : memref<!tpu.dma_semaphore, #tpu.memory_space<semaphore_mem>>) src(%arg14 : memref<128x128xf32, #tpu.memory_space<vmem>>) dst(%dma_wait3A_28 : memref<128x128xf32, #tpu.memory_space<hbm>>)
    return
  }
}

#map = affine_map<(d0, d1) -> (0, 0)>
#map1 = affine_map<(d0, d1) -> (0)>
module attributes {stable_mosaic.version = 14 : i64} {
  func.func @body(%arg0: i32, %arg1: i32, %arg2: memref<10000x128xf32, #tpu.memory_space<hbm>>, %arg3: memref<320000xi32, #tpu.memory_space<hbm>>, %arg4: memref<320000xi32, #tpu.memory_space<hbm>>, %arg5: memref<20480x128xf32, #tpu.memory_space<hbm>>, %arg6: memref<128xi32, #tpu.memory_space<vmem>>, %arg7: memref<128xi32, #tpu.memory_space<vmem>>, %arg8: memref<128xi32, #tpu.memory_space<vmem>>, %arg9: memref<128xi32, #tpu.memory_space<vmem>>, %arg10: memref<128xi32, #tpu.memory_space<vmem>>, %arg11: memref<128xi32, #tpu.memory_space<vmem>>, %arg12: memref<128xi32, #tpu.memory_space<vmem>>, %arg13: memref<128xi32, #tpu.memory_space<vmem>>, %arg14: memref<128x128xf32, #tpu.memory_space<vmem>>, %arg15: memref<128x128xf32, #tpu.memory_space<vmem>>, %arg16: memref<10240x128xf32, #tpu.memory_space<vmem_shared>>, %arg17: memref<!tpu.dma_semaphore, #tpu.memory_space<semaphore_mem>>, %arg18: memref<!tpu.dma_semaphore, #tpu.memory_space<semaphore_mem>>, %arg19: memref<!tpu.dma_semaphore, #tpu.memory_space<semaphore_mem>>, %arg20: memref<!tpu.dma_semaphore, #tpu.memory_space<semaphore_mem>>, %arg21: memref<!tpu.dma_semaphore, #tpu.memory_space<semaphore_mem>>, %arg22: memref<!tpu.dma_semaphore, #tpu.memory_space<semaphore_mem>>) attributes {dimension_semantics = [#tpu.dimension_semantics<core_parallel>, #tpu.dimension_semantics<subcore_parallel>], iteration_bounds = array<i64: 2, 16>, scalar_prefetch = 0 : i64, scratch_operands = 17 : i64, tpu.core_type = #tpu.core_type<sc_vector_subcore>, window_params = [{transform_indices = #map}, {transform_indices = #map1}, {transform_indices = #map1}, {transform_indices = #map}]} {
    %mul3A = arith.constant 2 : i32
    %mul3A_0 = arith.muli %arg1, %mul3A : i32
    %add3A = arith.addi %mul3A_0, %arg0 : i32
    %broadcast_in_dim3A = arith.constant 0.000000e+00 : f32
    %broadcast_in_dim3A_1 = vector.broadcast %broadcast_in_dim3A : f32 to vector<16xf32>
    %scan3A = arith.constant 0 : i32
    %scan3A_2 = arith.constant 0 : i32
    %scan3A_3 = arith.constant 1024 : i32
    %scan3A_4 = arith.addi %scan3A_2, %scan3A_3 : i32
    %scan3A_5 = arith.constant 1 : i32
    scf.for %scan3A_223 = %scan3A_2 to %scan3A_4 step %scan3A_5  : i32 {
      %jit3A = arith.constant 8 : i32
      %div3A = arith.divsi %scan3A_223, %jit3A : i32
      %sign3A = arith.constant 0 : i32
      %sign3A_224 = arith.cmpi sgt, %scan3A_223, %sign3A : i32
      %sign3A_225 = arith.extui %sign3A_224 : i1 to i32
      %sign3A_226 = arith.constant 0 : i32
      %sign3A_227 = arith.cmpi slt, %scan3A_223, %sign3A_226 : i32
      %sign3A_228 = arith.extui %sign3A_227 : i1 to i32
      %sign3A_229 = arith.subi %sign3A_225, %sign3A_228 : i32
      %sign3A_230 = arith.constant 0 : i32
      %sign3A_231 = arith.cmpi sgt, %jit3A, %sign3A_230 : i32
      %sign3A_232 = arith.extui %sign3A_231 : i1 to i32
      %sign3A_233 = arith.constant 0 : i32
      %sign3A_234 = arith.cmpi slt, %jit3A, %sign3A_233 : i32
      %sign3A_235 = arith.extui %sign3A_234 : i1 to i32
      %sign3A_236 = arith.subi %sign3A_232, %sign3A_235 : i32
      %ne3A = arith.cmpi ne, %sign3A_229, %sign3A_236 : i32
      %rem3A = arith.remsi %scan3A_223, %jit3A : i32
      %ne3A_237 = arith.constant 0 : i32
      %ne3A_238 = arith.cmpi ne, %rem3A, %ne3A_237 : i32
      %and3A = arith.andi %ne3A, %ne3A_238 : i1
      %sub3A = arith.constant 1 : i32
      %sub3A_239 = arith.subi %div3A, %sub3A : i32
      %select_n3A = arith.select %and3A, %sub3A_239, %div3A : i32
      %jit3A_240 = arith.constant 8 : i32
      %eq3A = arith.constant 0 : i32
      %eq3A_241 = arith.cmpi eq, %jit3A_240, %eq3A : i32
      %jit3A_242 = arith.constant 1 : i32
      %select_n3A_243 = arith.select %eq3A_241, %jit3A_242, %jit3A_240 : i32
      %rem3A_244 = arith.remsi %scan3A_223, %select_n3A_243 : i32
      %ne3A_245 = arith.constant 0 : i32
      %ne3A_246 = arith.cmpi ne, %rem3A_244, %ne3A_245 : i32
      %lt3A_247 = arith.constant 0 : i32
      %lt3A_248 = arith.cmpi slt, %rem3A_244, %lt3A_247 : i32
      %lt3A_249 = arith.constant 0 : i32
      %lt3A_250 = arith.cmpi slt, %select_n3A_243, %lt3A_249 : i32
      %ne3A_251 = arith.xori %lt3A_248, %lt3A_250 : i1
      %and3A_252 = arith.andi %ne3A_251, %ne3A_246 : i1
      %add3A_253 = arith.addi %rem3A_244, %select_n3A_243 : i32
      %select_n3A_254 = arith.select %and3A_252, %add3A_253, %rem3A_244 : i32
      %mul3A_255 = arith.constant 16 : i32
      %mul3A_256 = arith.muli %select_n3A_254, %mul3A_255 : i32
      %swap3A = arith.index_cast %select_n3A : i32 to index
      %swap3A_257 = arith.index_cast %mul3A_256 : i32 to index
      %swap3A_258 = tpu.vector_load %arg14[%swap3A, %swap3A_257] {strides = array<i32>} : memref<128x128xf32, #tpu.memory_space<vmem>>, vector<1x16xf32>,
      %swap3A_259 = vector.shape_cast %swap3A_258 : vector<1x16xf32> to vector<16xf32>
      %swap3A_260 = vector.shape_cast %broadcast_in_dim3A_1 : vector<16xf32> to vector<1x16xf32>
      tpu.vector_store %arg14[%swap3A, %swap3A_257], %swap3A_260 {strides = array<i32>} : memref<128x128xf32, #tpu.memory_space<vmem>>, vector<1x16xf32>,
    }
    %scan3A_6 = arith.constant 1024 : i32
    %mul3A_7 = arith.constant 640 : i32
    %mul3A_8 = arith.muli %arg1, %mul3A_7 : i32
    %add3A_9 = arith.constant 0 : i32
    %add3A_10 = arith.addi %mul3A_8, %add3A_9 : i32
    %dma_start3A = arith.constant 0 : i32
    %dma_start3A_11 = tpu.memref_slice %arg16[%add3A_10, %dma_start3A] : memref<10240x128xf32, #tpu.memory_space<vmem_shared>> -> memref<128x128xf32, #tpu.memory_space<vmem_shared>>
    %dma_start3A_12 = arith.constant 0 : i32
    %dma_start3A_13 = tpu.memref_slice %arg16[%add3A_10, %dma_start3A_12] : memref<10240x128xf32, #tpu.memory_space<vmem_shared>> -> memref<128x128xf32, #tpu.memory_space<vmem_shared>>
    tpu.enqueue_dma source(%arg14 : memref<128x128xf32, #tpu.memory_space<vmem>>) target(%dma_start3A_13 : memref<128x128xf32, #tpu.memory_space<vmem_shared>>) target_semaphore(%arg17 : memref<!tpu.dma_semaphore, #tpu.memory_space<semaphore_mem>>)
    %mul3A_14 = arith.constant 640 : i32
    %mul3A_15 = arith.muli %arg1, %mul3A_14 : i32
    %add3A_16 = arith.constant 128 : i32
    %add3A_17 = arith.addi %mul3A_15, %add3A_16 : i32
    %dma_start3A_18 = arith.constant 0 : i32
    %dma_start3A_19 = tpu.memref_slice %arg16[%add3A_17, %dma_start3A_18] : memref<10240x128xf32, #tpu.memory_space<vmem_shared>> -> memref<128x128xf32, #tpu.memory_space<vmem_shared>>
    %dma_start3A_20 = arith.constant 0 : i32
    %dma_start3A_21 = tpu.memref_slice %arg16[%add3A_17, %dma_start3A_20] : memref<10240x128xf32, #tpu.memory_space<vmem_shared>> -> memref<128x128xf32, #tpu.memory_space<vmem_shared>>
    tpu.enqueue_dma source(%arg14 : memref<128x128xf32, #tpu.memory_space<vmem>>) target(%dma_start3A_21 : memref<128x128xf32, #tpu.memory_space<vmem_shared>>) target_semaphore(%arg17 : memref<!tpu.dma_semaphore, #tpu.memory_space<semaphore_mem>>)
    %mul3A_22 = arith.constant 640 : i32
    %mul3A_23 = arith.muli %arg1, %mul3A_22 : i32
    %add3A_24 = arith.constant 256 : i32
    %add3A_25 = arith.addi %mul3A_23, %add3A_24 : i32
    %dma_start3A_26 = arith.constant 0 : i32
    %dma_start3A_27 = tpu.memref_slice %arg16[%add3A_25, %dma_start3A_26] : memref<10240x128xf32, #tpu.memory_space<vmem_shared>> -> memref<128x128xf32, #tpu.memory_space<vmem_shared>>
    %dma_start3A_28 = arith.constant 0 : i32
    %dma_start3A_29 = tpu.memref_slice %arg16[%add3A_25, %dma_start3A_28] : memref<10240x128xf32, #tpu.memory_space<vmem_shared>> -> memref<128x128xf32, #tpu.memory_space<vmem_shared>>
    tpu.enqueue_dma source(%arg14 : memref<128x128xf32, #tpu.memory_space<vmem>>) target(%dma_start3A_29 : memref<128x128xf32, #tpu.memory_space<vmem_shared>>) target_semaphore(%arg17 : memref<!tpu.dma_semaphore, #tpu.memory_space<semaphore_mem>>)
    %mul3A_30 = arith.constant 640 : i32
    %mul3A_31 = arith.muli %arg1, %mul3A_30 : i32
    %add3A_32 = arith.constant 384 : i32
    %add3A_33 = arith.addi %mul3A_31, %add3A_32 : i32
    %dma_start3A_34 = arith.constant 0 : i32
    %dma_start3A_35 = tpu.memref_slice %arg16[%add3A_33, %dma_start3A_34] : memref<10240x128xf32, #tpu.memory_space<vmem_shared>> -> memref<128x128xf32, #tpu.memory_space<vmem_shared>>
    %dma_start3A_36 = arith.constant 0 : i32
    %dma_start3A_37 = tpu.memref_slice %arg16[%add3A_33, %dma_start3A_36] : memref<10240x128xf32, #tpu.memory_space<vmem_shared>> -> memref<128x128xf32, #tpu.memory_space<vmem_shared>>
    tpu.enqueue_dma source(%arg14 : memref<128x128xf32, #tpu.memory_space<vmem>>) target(%dma_start3A_37 : memref<128x128xf32, #tpu.memory_space<vmem_shared>>) target_semaphore(%arg17 : memref<!tpu.dma_semaphore, #tpu.memory_space<semaphore_mem>>)
    %mul3A_38 = arith.constant 640 : i32
    %mul3A_39 = arith.muli %arg1, %mul3A_38 : i32
    %add3A_40 = arith.constant 512 : i32
    %add3A_41 = arith.addi %mul3A_39, %add3A_40 : i32
    %dma_start3A_42 = arith.constant 0 : i32
    %dma_start3A_43 = tpu.memref_slice %arg16[%add3A_41, %dma_start3A_42] : memref<10240x128xf32, #tpu.memory_space<vmem_shared>> -> memref<128x128xf32, #tpu.memory_space<vmem_shared>>
    %dma_start3A_44 = arith.constant 0 : i32
    %dma_start3A_45 = tpu.memref_slice %arg16[%add3A_41, %dma_start3A_44] : memref<10240x128xf32, #tpu.memory_space<vmem_shared>> -> memref<128x128xf32, #tpu.memory_space<vmem_shared>>
    tpu.enqueue_dma source(%arg14 : memref<128x128xf32, #tpu.memory_space<vmem>>) target(%dma_start3A_45 : memref<128x128xf32, #tpu.memory_space<vmem_shared>>) target_semaphore(%arg17 : memref<!tpu.dma_semaphore, #tpu.memory_space<semaphore_mem>>)
    %dma_wait3A = arith.constant 0 : i32
    %dma_wait3A_46 = tpu.memref_slice %arg16[%add3A_10, %dma_wait3A] : memref<10240x128xf32, #tpu.memory_space<vmem_shared>> -> memref<128x128xf32, #tpu.memory_space<vmem_shared>>
    %dma_wait3A_47 = arith.constant 0 : i32
    %dma_wait3A_48 = tpu.memref_slice %arg16[%add3A_10, %dma_wait3A_47] : memref<10240x128xf32, #tpu.memory_space<vmem_shared>> -> memref<128x128xf32, #tpu.memory_space<vmem_shared>>
    tpu.wait_dma2 semaphore(%arg17 : memref<!tpu.dma_semaphore, #tpu.memory_space<semaphore_mem>>) src(%arg14 : memref<128x128xf32, #tpu.memory_space<vmem>>) dst(%dma_wait3A_48 : memref<128x128xf32, #tpu.memory_space<vmem_shared>>)
    %dma_wait3A_49 = arith.constant 0 : i32
    %dma_wait3A_50 = tpu.memref_slice %arg16[%add3A_17, %dma_wait3A_49] : memref<10240x128xf32, #tpu.memory_space<vmem_shared>> -> memref<128x128xf32, #tpu.memory_space<vmem_shared>>
    %dma_wait3A_51 = arith.constant 0 : i32
    %dma_wait3A_52 = tpu.memref_slice %arg16[%add3A_17, %dma_wait3A_51] : memref<10240x128xf32, #tpu.memory_space<vmem_shared>> -> memref<128x128xf32, #tpu.memory_space<vmem_shared>>
    tpu.wait_dma2 semaphore(%arg17 : memref<!tpu.dma_semaphore, #tpu.memory_space<semaphore_mem>>) src(%arg14 : memref<128x128xf32, #tpu.memory_space<vmem>>) dst(%dma_wait3A_52 : memref<128x128xf32, #tpu.memory_space<vmem_shared>>)
    %dma_wait3A_53 = arith.constant 0 : i32
    %dma_wait3A_54 = tpu.memref_slice %arg16[%add3A_25, %dma_wait3A_53] : memref<10240x128xf32, #tpu.memory_space<vmem_shared>> -> memref<128x128xf32, #tpu.memory_space<vmem_shared>>
    %dma_wait3A_55 = arith.constant 0 : i32
    %dma_wait3A_56 = tpu.memref_slice %arg16[%add3A_25, %dma_wait3A_55] : memref<10240x128xf32, #tpu.memory_space<vmem_shared>> -> memref<128x128xf32, #tpu.memory_space<vmem_shared>>
    tpu.wait_dma2 semaphore(%arg17 : memref<!tpu.dma_semaphore, #tpu.memory_space<semaphore_mem>>) src(%arg14 : memref<128x128xf32, #tpu.memory_space<vmem>>) dst(%dma_wait3A_56 : memref<128x128xf32, #tpu.memory_space<vmem_shared>>)
    %dma_wait3A_57 = arith.constant 0 : i32
    %dma_wait3A_58 = tpu.memref_slice %arg16[%add3A_33, %dma_wait3A_57] : memref<10240x128xf32, #tpu.memory_space<vmem_shared>> -> memref<128x128xf32, #tpu.memory_space<vmem_shared>>
    %dma_wait3A_59 = arith.constant 0 : i32
    %dma_wait3A_60 = tpu.memref_slice %arg16[%add3A_33, %dma_wait3A_59] : memref<10240x128xf32, #tpu.memory_space<vmem_shared>> -> memref<128x128xf32, #tpu.memory_space<vmem_shared>>
    tpu.wait_dma2 semaphore(%arg17 : memref<!tpu.dma_semaphore, #tpu.memory_space<semaphore_mem>>) src(%arg14 : memref<128x128xf32, #tpu.memory_space<vmem>>) dst(%dma_wait3A_60 : memref<128x128xf32, #tpu.memory_space<vmem_shared>>)
    %dma_wait3A_61 = arith.constant 0 : i32
    %dma_wait3A_62 = tpu.memref_slice %arg16[%add3A_41, %dma_wait3A_61] : memref<10240x128xf32, #tpu.memory_space<vmem_shared>> -> memref<128x128xf32, #tpu.memory_space<vmem_shared>>
    %dma_wait3A_63 = arith.constant 0 : i32
    %dma_wait3A_64 = tpu.memref_slice %arg16[%add3A_41, %dma_wait3A_63] : memref<10240x128xf32, #tpu.memory_space<vmem_shared>> -> memref<128x128xf32, #tpu.memory_space<vmem_shared>>
    tpu.wait_dma2 semaphore(%arg17 : memref<!tpu.dma_semaphore, #tpu.memory_space<semaphore_mem>>) src(%arg14 : memref<128x128xf32, #tpu.memory_space<vmem>>) dst(%dma_wait3A_64 : memref<128x128xf32, #tpu.memory_space<vmem_shared>>)
    %barrier3A = arith.constant 0 : index
    tpu.barrier barrier_id(%barrier3A)
    %add3A_65 = arith.constant 0 : i32
    %add3A_66 = arith.addi %add3A, %add3A_65 : i32
    %mul3A_67 = arith.constant 128 : i32
    %mul3A_68 = arith.muli %add3A_66, %mul3A_67 : i32
    "tpu.region"() ({
      %run_scoped3A = tpu.sem_alloc : memref<!tpu.dma_semaphore, #tpu.memory_space<semaphore_mem>>
      %dma_start3A_223 = tpu.memref_slice %arg3[%mul3A_68] : memref<320000xi32, #tpu.memory_space<hbm>> -> memref<128xi32, #tpu.memory_space<hbm>>
      %dma_start3A_224 = tpu.memref_slice %arg3[%mul3A_68] : memref<320000xi32, #tpu.memory_space<hbm>> -> memref<128xi32, #tpu.memory_space<hbm>>
      tpu.enqueue_dma source(%dma_start3A_224 : memref<128xi32, #tpu.memory_space<hbm>>) target(%arg6 : memref<128xi32, #tpu.memory_space<vmem>>) target_semaphore(%run_scoped3A : memref<!tpu.dma_semaphore, #tpu.memory_space<semaphore_mem>>)
      %dma_wait3A_225 = tpu.memref_slice %arg3[%mul3A_68] : memref<320000xi32, #tpu.memory_space<hbm>> -> memref<128xi32, #tpu.memory_space<hbm>>
      %dma_wait3A_226 = tpu.memref_slice %arg3[%mul3A_68] : memref<320000xi32, #tpu.memory_space<hbm>> -> memref<128xi32, #tpu.memory_space<hbm>>
      tpu.wait_dma2 semaphore(%run_scoped3A : memref<!tpu.dma_semaphore, #tpu.memory_space<semaphore_mem>>) src(%dma_wait3A_226 : memref<128xi32, #tpu.memory_space<hbm>>) dst(%arg6 : memref<128xi32, #tpu.memory_space<vmem>>)
      tpu.yield
    }) : () -> ()
    "tpu.region"() ({
      %run_scoped3A = tpu.sem_alloc : memref<!tpu.dma_semaphore, #tpu.memory_space<semaphore_mem>>
      %dma_start3A_223 = tpu.memref_slice %arg4[%mul3A_68] : memref<320000xi32, #tpu.memory_space<hbm>> -> memref<128xi32, #tpu.memory_space<hbm>>
      %dma_start3A_224 = tpu.memref_slice %arg4[%mul3A_68] : memref<320000xi32, #tpu.memory_space<hbm>> -> memref<128xi32, #tpu.memory_space<hbm>>
      tpu.enqueue_dma source(%dma_start3A_224 : memref<128xi32, #tpu.memory_space<hbm>>) target(%arg8 : memref<128xi32, #tpu.memory_space<vmem>>) target_semaphore(%run_scoped3A : memref<!tpu.dma_semaphore, #tpu.memory_space<semaphore_mem>>)
      %dma_wait3A_225 = tpu.memref_slice %arg4[%mul3A_68] : memref<320000xi32, #tpu.memory_space<hbm>> -> memref<128xi32, #tpu.memory_space<hbm>>
      %dma_wait3A_226 = tpu.memref_slice %arg4[%mul3A_68] : memref<320000xi32, #tpu.memory_space<hbm>> -> memref<128xi32, #tpu.memory_space<hbm>>
      tpu.wait_dma2 semaphore(%run_scoped3A : memref<!tpu.dma_semaphore, #tpu.memory_space<semaphore_mem>>) src(%dma_wait3A_226 : memref<128xi32, #tpu.memory_space<hbm>>) dst(%arg8 : memref<128xi32, #tpu.memory_space<vmem>>)
      tpu.yield
    }) : () -> ()
    %dma_start3A_69 = arith.constant 0 : i32
    %dma_start3A_70 = arith.constant 0 : i32
    %dma_start3A_71 = tpu.memref_slice %arg2[%dma_start3A_69, %dma_start3A_70] : memref<10000x128xf32, #tpu.memory_space<hbm>> -> memref<10000x128xf32, #tpu.memory_space<hbm>>
    tpu.enqueue_indirect_dma source(%dma_start3A_71 : memref<10000x128xf32, #tpu.memory_space<hbm>>) target(%arg14 : memref<128x128xf32, #tpu.memory_space<vmem>>) offsets(%arg6 : memref<128xi32, #tpu.memory_space<vmem>>) semaphore(%arg17 : memref<!tpu.dma_semaphore, #tpu.memory_space<semaphore_mem>>)
    %add3A_72 = arith.constant 32 : i32
    %add3A_73 = arith.addi %add3A, %add3A_72 : i32
    %mul3A_74 = arith.constant 128 : i32
    %mul3A_75 = arith.muli %add3A_73, %mul3A_74 : i32
    "tpu.region"() ({
      %run_scoped3A = tpu.sem_alloc : memref<!tpu.dma_semaphore, #tpu.memory_space<semaphore_mem>>
      %dma_start3A_223 = tpu.memref_slice %arg3[%mul3A_75] : memref<320000xi32, #tpu.memory_space<hbm>> -> memref<128xi32, #tpu.memory_space<hbm>>
      %dma_start3A_224 = tpu.memref_slice %arg3[%mul3A_75] : memref<320000xi32, #tpu.memory_space<hbm>> -> memref<128xi32, #tpu.memory_space<hbm>>
      tpu.enqueue_dma source(%dma_start3A_224 : memref<128xi32, #tpu.memory_space<hbm>>) target(%arg7 : memref<128xi32, #tpu.memory_space<vmem>>) target_semaphore(%run_scoped3A : memref<!tpu.dma_semaphore, #tpu.memory_space<semaphore_mem>>)
      %dma_wait3A_225 = tpu.memref_slice %arg3[%mul3A_75] : memref<320000xi32, #tpu.memory_space<hbm>> -> memref<128xi32, #tpu.memory_space<hbm>>
      %dma_wait3A_226 = tpu.memref_slice %arg3[%mul3A_75] : memref<320000xi32, #tpu.memory_space<hbm>> -> memref<128xi32, #tpu.memory_space<hbm>>
      tpu.wait_dma2 semaphore(%run_scoped3A : memref<!tpu.dma_semaphore, #tpu.memory_space<semaphore_mem>>) src(%dma_wait3A_226 : memref<128xi32, #tpu.memory_space<hbm>>) dst(%arg7 : memref<128xi32, #tpu.memory_space<vmem>>)
      tpu.yield
    }) : () -> ()
    "tpu.region"() ({
      %run_scoped3A = tpu.sem_alloc : memref<!tpu.dma_semaphore, #tpu.memory_space<semaphore_mem>>
      %dma_start3A_223 = tpu.memref_slice %arg4[%mul3A_75] : memref<320000xi32, #tpu.memory_space<hbm>> -> memref<128xi32, #tpu.memory_space<hbm>>
      %dma_start3A_224 = tpu.memref_slice %arg4[%mul3A_75] : memref<320000xi32, #tpu.memory_space<hbm>> -> memref<128xi32, #tpu.memory_space<hbm>>
      tpu.enqueue_dma source(%dma_start3A_224 : memref<128xi32, #tpu.memory_space<hbm>>) target(%arg9 : memref<128xi32, #tpu.memory_space<vmem>>) target_semaphore(%run_scoped3A : memref<!tpu.dma_semaphore, #tpu.memory_space<semaphore_mem>>)
      %dma_wait3A_225 = tpu.memref_slice %arg4[%mul3A_75] : memref<320000xi32, #tpu.memory_space<hbm>> -> memref<128xi32, #tpu.memory_space<hbm>>
      %dma_wait3A_226 = tpu.memref_slice %arg4[%mul3A_75] : memref<320000xi32, #tpu.memory_space<hbm>> -> memref<128xi32, #tpu.memory_space<hbm>>
      tpu.wait_dma2 semaphore(%run_scoped3A : memref<!tpu.dma_semaphore, #tpu.memory_space<semaphore_mem>>) src(%dma_wait3A_226 : memref<128xi32, #tpu.memory_space<hbm>>) dst(%arg9 : memref<128xi32, #tpu.memory_space<vmem>>)
      tpu.yield
    }) : () -> ()
    %dma_start3A_76 = arith.constant 0 : i32
    %dma_start3A_77 = arith.constant 0 : i32
    %dma_start3A_78 = tpu.memref_slice %arg2[%dma_start3A_76, %dma_start3A_77] : memref<10000x128xf32, #tpu.memory_space<hbm>> -> memref<10000x128xf32, #tpu.memory_space<hbm>>
    tpu.enqueue_indirect_dma source(%dma_start3A_78 : memref<10000x128xf32, #tpu.memory_space<hbm>>) target(%arg15 : memref<128x128xf32, #tpu.memory_space<vmem>>) offsets(%arg7 : memref<128xi32, #tpu.memory_space<vmem>>) semaphore(%arg18 : memref<!tpu.dma_semaphore, #tpu.memory_space<semaphore_mem>>)
    %scan3A_79 = arith.constant 0 : i32
    %scan3A_80 = arith.constant 0 : i32
    %scan3A_81 = arith.constant 39 : i32
    %scan3A_82 = arith.addi %scan3A_80, %scan3A_81 : i32
    %scan3A_83 = arith.constant 1 : i32
    scf.for %scan3A_223 = %scan3A_80 to %scan3A_82 step %scan3A_83  : i32 {
      %jit3A = arith.constant 2 : i32
      %eq3A = arith.constant 0 : i32
      %eq3A_224 = arith.cmpi eq, %jit3A, %eq3A : i32
      %jit3A_225 = arith.constant 1 : i32
      %select_n3A = arith.select %eq3A_224, %jit3A_225, %jit3A : i32
      %rem3A = arith.remsi %scan3A_223, %select_n3A : i32
      %ne3A = arith.constant 0 : i32
      %ne3A_226 = arith.cmpi ne, %rem3A, %ne3A : i32
      %lt3A_227 = arith.constant 0 : i32
      %lt3A_228 = arith.cmpi slt, %rem3A, %lt3A_227 : i32
      %lt3A_229 = arith.constant 0 : i32
      %lt3A_230 = arith.cmpi slt, %select_n3A, %lt3A_229 : i32
      %ne3A_231 = arith.xori %lt3A_228, %lt3A_230 : i1
      %and3A = arith.andi %ne3A_231, %ne3A_226 : i1
      %add3A_232 = arith.addi %rem3A, %select_n3A : i32
      %select_n3A_233 = arith.select %and3A, %add3A_232, %rem3A : i32
      %eq3A_234 = arith.constant 0 : i32
      %eq3A_235 = arith.cmpi eq, %select_n3A_233, %eq3A_234 : i32
      %convert_element_type3A_236 = arith.extui %eq3A_235 : i1 to i32
      %cond3A_237 = arith.constant 0 : i32
      %cond3A_238 = arith.cmpi ne, %convert_element_type3A_236, %cond3A_237 : i32
      scf.if %cond3A_238 {
        %dma_wait3A_260 = arith.constant 0 : i32
        %dma_wait3A_261 = arith.constant 0 : i32
        %dma_wait3A_262 = tpu.memref_slice %arg2[%dma_wait3A_260, %dma_wait3A_261] : memref<10000x128xf32, #tpu.memory_space<hbm>> -> memref<128x128xf32, #tpu.memory_space<hbm>>
        %dma_wait3A_263 = arith.constant 0 : i32
        %dma_wait3A_264 = arith.constant 0 : i32
        %dma_wait3A_265 = tpu.memref_slice %arg2[%dma_wait3A_263, %dma_wait3A_264] : memref<10000x128xf32, #tpu.memory_space<hbm>> -> memref<128x128xf32, #tpu.memory_space<hbm>>
        tpu.wait_dma2 semaphore(%arg17 : memref<!tpu.dma_semaphore, #tpu.memory_space<semaphore_mem>>) src(%dma_wait3A_265 : memref<128x128xf32, #tpu.memory_space<hbm>>) dst(%arg14 : memref<128x128xf32, #tpu.memory_space<vmem>>)
        %dma_start3A_266 = arith.constant 0 : i32
        %dma_start3A_267 = arith.constant 0 : i32
        %dma_start3A_268 = tpu.memref_slice %arg16[%dma_start3A_266, %dma_start3A_267] : memref<10240x128xf32, #tpu.memory_space<vmem_shared>> -> memref<10240x128xf32, #tpu.memory_space<vmem_shared>>
        tpu.enqueue_indirect_dma source(%arg14 : memref<128x128xf32, #tpu.memory_space<vmem>>) target(%dma_start3A_268 : memref<10240x128xf32, #tpu.memory_space<vmem_shared>>) offsets(%arg8 : memref<128xi32, #tpu.memory_space<vmem>>) semaphore(%arg19 : memref<!tpu.dma_semaphore, #tpu.memory_space<semaphore_mem>>) {add = true}
        %dma_wait3A_269 = arith.constant 0 : i32
        %dma_wait3A_270 = arith.constant 0 : i32
        %dma_wait3A_271 = tpu.memref_slice %arg2[%dma_wait3A_269, %dma_wait3A_270] : memref<10000x128xf32, #tpu.memory_space<hbm>> -> memref<128x128xf32, #tpu.memory_space<hbm>>
        %dma_wait3A_272 = arith.constant 0 : i32
        %dma_wait3A_273 = arith.constant 0 : i32
        %dma_wait3A_274 = tpu.memref_slice %arg2[%dma_wait3A_272, %dma_wait3A_273] : memref<10000x128xf32, #tpu.memory_space<hbm>> -> memref<128x128xf32, #tpu.memory_space<hbm>>
        tpu.wait_dma2 semaphore(%arg18 : memref<!tpu.dma_semaphore, #tpu.memory_space<semaphore_mem>>) src(%dma_wait3A_274 : memref<128x128xf32, #tpu.memory_space<hbm>>) dst(%arg15 : memref<128x128xf32, #tpu.memory_space<vmem>>)
        %dma_start3A_275 = arith.constant 0 : i32
        %dma_start3A_276 = arith.constant 0 : i32
        %dma_start3A_277 = tpu.memref_slice %arg16[%dma_start3A_275, %dma_start3A_276] : memref<10240x128xf32, #tpu.memory_space<vmem_shared>> -> memref<10240x128xf32, #tpu.memory_space<vmem_shared>>
        tpu.enqueue_indirect_dma source(%arg15 : memref<128x128xf32, #tpu.memory_space<vmem>>) target(%dma_start3A_277 : memref<10240x128xf32, #tpu.memory_space<vmem_shared>>) offsets(%arg9 : memref<128xi32, #tpu.memory_space<vmem>>) semaphore(%arg20 : memref<!tpu.dma_semaphore, #tpu.memory_space<semaphore_mem>>) {add = true}
        %add3A_278 = arith.constant 1 : i32
        %add3A_279 = arith.addi %scan3A_223, %add3A_278 : i32
        %mul3A_280 = arith.constant 2 : i32
        %mul3A_281 = arith.muli %add3A_279, %mul3A_280 : i32
        %add3A_282 = arith.constant 0 : i32
        %add3A_283 = arith.addi %mul3A_281, %add3A_282 : i32
        %lt3A_284 = arith.constant 78 : i32
        %lt3A_285 = arith.cmpi slt, %add3A_283, %lt3A_284 : i32
        %convert_element_type3A_286 = arith.extui %lt3A_285 : i1 to i32
        %cond3A_287 = arith.constant 0 : i32
        %cond3A_288 = arith.cmpi ne, %convert_element_type3A_286, %cond3A_287 : i32
        scf.if %cond3A_288 {
          %mul3A_328 = arith.constant 32 : i32
          %mul3A_329 = arith.muli %add3A_283, %mul3A_328 : i32
          %add3A_330 = arith.addi %add3A, %mul3A_329 : i32
          %mul3A_331 = arith.constant 128 : i32
          %mul3A_332 = arith.muli %add3A_330, %mul3A_331 : i32
          %dma_start3A_333 = tpu.memref_slice %arg3[%mul3A_332] : memref<320000xi32, #tpu.memory_space<hbm>> -> memref<128xi32, #tpu.memory_space<hbm>>
          %dma_start3A_334 = tpu.memref_slice %arg3[%mul3A_332] : memref<320000xi32, #tpu.memory_space<hbm>> -> memref<128xi32, #tpu.memory_space<hbm>>
          tpu.enqueue_dma source(%dma_start3A_334 : memref<128xi32, #tpu.memory_space<hbm>>) target(%arg10 : memref<128xi32, #tpu.memory_space<vmem>>) target_semaphore(%arg21 : memref<!tpu.dma_semaphore, #tpu.memory_space<semaphore_mem>>)
          %dma_start3A_335 = tpu.memref_slice %arg4[%mul3A_332] : memref<320000xi32, #tpu.memory_space<hbm>> -> memref<128xi32, #tpu.memory_space<hbm>>
          %dma_start3A_336 = tpu.memref_slice %arg4[%mul3A_332] : memref<320000xi32, #tpu.memory_space<hbm>> -> memref<128xi32, #tpu.memory_space<hbm>>
          tpu.enqueue_dma source(%dma_start3A_336 : memref<128xi32, #tpu.memory_space<hbm>>) target(%arg12 : memref<128xi32, #tpu.memory_space<vmem>>) target_semaphore(%arg21 : memref<!tpu.dma_semaphore, #tpu.memory_space<semaphore_mem>>)
        } else {
        }
        %add3A_289 = arith.constant 1 : i32
        %add3A_290 = arith.addi %scan3A_223, %add3A_289 : i32
        %mul3A_291 = arith.constant 2 : i32
        %mul3A_292 = arith.muli %add3A_290, %mul3A_291 : i32
        %add3A_293 = arith.constant 1 : i32
        %add3A_294 = arith.addi %mul3A_292, %add3A_293 : i32
        %lt3A_295 = arith.constant 78 : i32
        %lt3A_296 = arith.cmpi slt, %add3A_294, %lt3A_295 : i32
        %convert_element_type3A_297 = arith.extui %lt3A_296 : i1 to i32
        %cond3A_298 = arith.constant 0 : i32
        %cond3A_299 = arith.cmpi ne, %convert_element_type3A_297, %cond3A_298 : i32
        scf.if %cond3A_299 {
          %mul3A_328 = arith.constant 32 : i32
          %mul3A_329 = arith.muli %add3A_294, %mul3A_328 : i32
          %add3A_330 = arith.addi %add3A, %mul3A_329 : i32
          %mul3A_331 = arith.constant 128 : i32
          %mul3A_332 = arith.muli %add3A_330, %mul3A_331 : i32
          %dma_start3A_333 = tpu.memref_slice %arg3[%mul3A_332] : memref<320000xi32, #tpu.memory_space<hbm>> -> memref<128xi32, #tpu.memory_space<hbm>>
          %dma_start3A_334 = tpu.memref_slice %arg3[%mul3A_332] : memref<320000xi32, #tpu.memory_space<hbm>> -> memref<128xi32, #tpu.memory_space<hbm>>
          tpu.enqueue_dma source(%dma_start3A_334 : memref<128xi32, #tpu.memory_space<hbm>>) target(%arg11 : memref<128xi32, #tpu.memory_space<vmem>>) target_semaphore(%arg22 : memref<!tpu.dma_semaphore, #tpu.memory_space<semaphore_mem>>)
          %dma_start3A_335 = tpu.memref_slice %arg4[%mul3A_332] : memref<320000xi32, #tpu.memory_space<hbm>> -> memref<128xi32, #tpu.memory_space<hbm>>
          %dma_start3A_336 = tpu.memref_slice %arg4[%mul3A_332] : memref<320000xi32, #tpu.memory_space<hbm>> -> memref<128xi32, #tpu.memory_space<hbm>>
          tpu.enqueue_dma source(%dma_start3A_336 : memref<128xi32, #tpu.memory_space<hbm>>) target(%arg13 : memref<128xi32, #tpu.memory_space<vmem>>) target_semaphore(%arg22 : memref<!tpu.dma_semaphore, #tpu.memory_space<semaphore_mem>>)
        } else {
        }
        %dma_wait3A_300 = arith.constant 0 : i32
        %dma_wait3A_301 = arith.constant 0 : i32
        %dma_wait3A_302 = tpu.memref_slice %arg16[%dma_wait3A_300, %dma_wait3A_301] : memref<10240x128xf32, #tpu.memory_space<vmem_shared>> -> memref<10240x128xf32, #tpu.memory_space<vmem_shared>>
        tpu.wait_indirect_dma semaphore(%arg19 : memref<!tpu.dma_semaphore, #tpu.memory_space<semaphore_mem>>) src(%arg14 : memref<128x128xf32, #tpu.memory_space<vmem>>) dst(%dma_wait3A_302 : memref<10240x128xf32, #tpu.memory_space<vmem_shared>>)
        %add3A_303 = arith.constant 1 : i32
        %add3A_304 = arith.addi %scan3A_223, %add3A_303 : i32
        %mul3A_305 = arith.constant 2 : i32
        %mul3A_306 = arith.muli %add3A_304, %mul3A_305 : i32
        %add3A_307 = arith.constant 0 : i32
        %add3A_308 = arith.addi %mul3A_306, %add3A_307 : i32
        %lt3A_309 = arith.constant 78 : i32
        %lt3A_310 = arith.cmpi slt, %add3A_308, %lt3A_309 : i32
        %convert_element_type3A_311 = arith.extui %lt3A_310 : i1 to i32
        %cond3A_312 = arith.constant 0 : i32
        %cond3A_313 = arith.cmpi ne, %convert_element_type3A_311, %cond3A_312 : i32
        scf.if %cond3A_313 {
          %dma_wait3A_328 = arith.constant 0 : i32
          %dma_wait3A_329 = tpu.memref_slice %arg3[%dma_wait3A_328] : memref<320000xi32, #tpu.memory_space<hbm>> -> memref<128xi32, #tpu.memory_space<hbm>>
          %dma_wait3A_330 = arith.constant 0 : i32
          %dma_wait3A_331 = tpu.memref_slice %arg3[%dma_wait3A_330] : memref<320000xi32, #tpu.memory_space<hbm>> -> memref<128xi32, #tpu.memory_space<hbm>>
          tpu.wait_dma2 semaphore(%arg21 : memref<!tpu.dma_semaphore, #tpu.memory_space<semaphore_mem>>) src(%dma_wait3A_331 : memref<128xi32, #tpu.memory_space<hbm>>) dst(%arg10 : memref<128xi32, #tpu.memory_space<vmem>>)
          %dma_wait3A_332 = arith.constant 0 : i32
          %dma_wait3A_333 = tpu.memref_slice %arg4[%dma_wait3A_332] : memref<320000xi32, #tpu.memory_space<hbm>> -> memref<128xi32, #tpu.memory_space<hbm>>
          %dma_wait3A_334 = arith.constant 0 : i32
          %dma_wait3A_335 = tpu.memref_slice %arg4[%dma_wait3A_334] : memref<320000xi32, #tpu.memory_space<hbm>> -> memref<128xi32, #tpu.memory_space<hbm>>
          tpu.wait_dma2 semaphore(%arg21 : memref<!tpu.dma_semaphore, #tpu.memory_space<semaphore_mem>>) src(%dma_wait3A_335 : memref<128xi32, #tpu.memory_space<hbm>>) dst(%arg12 : memref<128xi32, #tpu.memory_space<vmem>>)
          %dma_start3A_336 = arith.constant 0 : i32
          %dma_start3A_337 = arith.constant 0 : i32
          %dma_start3A_338 = tpu.memref_slice %arg2[%dma_start3A_336, %dma_start3A_337] : memref<10000x128xf32, #tpu.memory_space<hbm>> -> memref<10000x128xf32, #tpu.memory_space<hbm>>
          tpu.enqueue_indirect_dma source(%dma_start3A_338 : memref<10000x128xf32, #tpu.memory_space<hbm>>) target(%arg14 : memref<128x128xf32, #tpu.memory_space<vmem>>) offsets(%arg10 : memref<128xi32, #tpu.memory_space<vmem>>) semaphore(%arg17 : memref<!tpu.dma_semaphore, #tpu.memory_space<semaphore_mem>>)
        } else {
        }
        %dma_wait3A_314 = arith.constant 0 : i32
        %dma_wait3A_315 = arith.constant 0 : i32
        %dma_wait3A_316 = tpu.memref_slice %arg16[%dma_wait3A_314, %dma_wait3A_315] : memref<10240x128xf32, #tpu.memory_space<vmem_shared>> -> memref<10240x128xf32, #tpu.memory_space<vmem_shared>>
        tpu.wait_indirect_dma semaphore(%arg20 : memref<!tpu.dma_semaphore, #tpu.memory_space<semaphore_mem>>) src(%arg15 : memref<128x128xf32, #tpu.memory_space<vmem>>) dst(%dma_wait3A_316 : memref<10240x128xf32, #tpu.memory_space<vmem_shared>>)
        %add3A_317 = arith.constant 1 : i32
        %add3A_318 = arith.addi %scan3A_223, %add3A_317 : i32
        %mul3A_319 = arith.constant 2 : i32
        %mul3A_320 = arith.muli %add3A_318, %mul3A_319 : i32
        %add3A_321 = arith.constant 1 : i32
        %add3A_322 = arith.addi %mul3A_320, %add3A_321 : i32
        %lt3A_323 = arith.constant 78 : i32
        %lt3A_324 = arith.cmpi slt, %add3A_322, %lt3A_323 : i32
        %convert_element_type3A_325 = arith.extui %lt3A_324 : i1 to i32
        %cond3A_326 = arith.constant 0 : i32
        %cond3A_327 = arith.cmpi ne, %convert_element_type3A_325, %cond3A_326 : i32
        scf.if %cond3A_327 {
          %dma_wait3A_328 = arith.constant 0 : i32
          %dma_wait3A_329 = tpu.memref_slice %arg3[%dma_wait3A_328] : memref<320000xi32, #tpu.memory_space<hbm>> -> memref<128xi32, #tpu.memory_space<hbm>>
          %dma_wait3A_330 = arith.constant 0 : i32
          %dma_wait3A_331 = tpu.memref_slice %arg3[%dma_wait3A_330] : memref<320000xi32, #tpu.memory_space<hbm>> -> memref<128xi32, #tpu.memory_space<hbm>>
          tpu.wait_dma2 semaphore(%arg22 : memref<!tpu.dma_semaphore, #tpu.memory_space<semaphore_mem>>) src(%dma_wait3A_331 : memref<128xi32, #tpu.memory_space<hbm>>) dst(%arg11 : memref<128xi32, #tpu.memory_space<vmem>>)
          %dma_wait3A_332 = arith.constant 0 : i32
          %dma_wait3A_333 = tpu.memref_slice %arg4[%dma_wait3A_332] : memref<320000xi32, #tpu.memory_space<hbm>> -> memref<128xi32, #tpu.memory_space<hbm>>
          %dma_wait3A_334 = arith.constant 0 : i32
          %dma_wait3A_335 = tpu.memref_slice %arg4[%dma_wait3A_334] : memref<320000xi32, #tpu.memory_space<hbm>> -> memref<128xi32, #tpu.memory_space<hbm>>
          tpu.wait_dma2 semaphore(%arg22 : memref<!tpu.dma_semaphore, #tpu.memory_space<semaphore_mem>>) src(%dma_wait3A_335 : memref<128xi32, #tpu.memory_space<hbm>>) dst(%arg13 : memref<128xi32, #tpu.memory_space<vmem>>)
          %dma_start3A_336 = arith.constant 0 : i32
          %dma_start3A_337 = arith.constant 0 : i32
          %dma_start3A_338 = tpu.memref_slice %arg2[%dma_start3A_336, %dma_start3A_337] : memref<10000x128xf32, #tpu.memory_space<hbm>> -> memref<10000x128xf32, #tpu.memory_space<hbm>>
          tpu.enqueue_indirect_dma source(%dma_start3A_338 : memref<10000x128xf32, #tpu.memory_space<hbm>>) target(%arg15 : memref<128x128xf32, #tpu.memory_space<vmem>>) offsets(%arg11 : memref<128xi32, #tpu.memory_space<vmem>>) semaphore(%arg18 : memref<!tpu.dma_semaphore, #tpu.memory_space<semaphore_mem>>)
        } else {
        }
      } else {
      }
      %jit3A_239 = arith.constant 2 : i32
      %eq3A_240 = arith.constant 0 : i32
      %eq3A_241 = arith.cmpi eq, %jit3A_239, %eq3A_240 : i32
      %jit3A_242 = arith.constant 1 : i32
      %select_n3A_243 = arith.select %eq3A_241, %jit3A_242, %jit3A_239 : i32
      %rem3A_244 = arith.remsi %scan3A_223, %select_n3A_243 : i32
      %ne3A_245 = arith.constant 0 : i32
      %ne3A_246 = arith.cmpi ne, %rem3A_244, %ne3A_245 : i32
      %lt3A_247 = arith.constant 0 : i32
      %lt3A_248 = arith.cmpi slt, %rem3A_244, %lt3A_247 : i32
      %lt3A_249 = arith.constant 0 : i32
      %lt3A_250 = arith.cmpi slt, %select_n3A_243, %lt3A_249 : i32
      %ne3A_251 = arith.xori %lt3A_248, %lt3A_250 : i1
      %and3A_252 = arith.andi %ne3A_251, %ne3A_246 : i1
      %add3A_253 = arith.addi %rem3A_244, %select_n3A_243 : i32
      %select_n3A_254 = arith.select %and3A_252, %add3A_253, %rem3A_244 : i32
      %eq3A_255 = arith.constant 1 : i32
      %eq3A_256 = arith.cmpi eq, %select_n3A_254, %eq3A_255 : i32
      %convert_element_type3A_257 = arith.extui %eq3A_256 : i1 to i32
      %cond3A_258 = arith.constant 0 : i32
      %cond3A_259 = arith.cmpi ne, %convert_element_type3A_257, %cond3A_258 : i32
      scf.if %cond3A_259 {
        %dma_wait3A_260 = arith.constant 0 : i32
        %dma_wait3A_261 = arith.constant 0 : i32
        %dma_wait3A_262 = tpu.memref_slice %arg2[%dma_wait3A_260, %dma_wait3A_261] : memref<10000x128xf32, #tpu.memory_space<hbm>> -> memref<128x128xf32, #tpu.memory_space<hbm>>
        %dma_wait3A_263 = arith.constant 0 : i32
        %dma_wait3A_264 = arith.constant 0 : i32
        %dma_wait3A_265 = tpu.memref_slice %arg2[%dma_wait3A_263, %dma_wait3A_264] : memref<10000x128xf32, #tpu.memory_space<hbm>> -> memref<128x128xf32, #tpu.memory_space<hbm>>
        tpu.wait_dma2 semaphore(%arg17 : memref<!tpu.dma_semaphore, #tpu.memory_space<semaphore_mem>>) src(%dma_wait3A_265 : memref<128x128xf32, #tpu.memory_space<hbm>>) dst(%arg14 : memref<128x128xf32, #tpu.memory_space<vmem>>)
        %dma_start3A_266 = arith.constant 0 : i32
        %dma_start3A_267 = arith.constant 0 : i32
        %dma_start3A_268 = tpu.memref_slice %arg16[%dma_start3A_266, %dma_start3A_267] : memref<10240x128xf32, #tpu.memory_space<vmem_shared>> -> memref<10240x128xf32, #tpu.memory_space<vmem_shared>>
        tpu.enqueue_indirect_dma source(%arg14 : memref<128x128xf32, #tpu.memory_space<vmem>>) target(%dma_start3A_268 : memref<10240x128xf32, #tpu.memory_space<vmem_shared>>) offsets(%arg12 : memref<128xi32, #tpu.memory_space<vmem>>) semaphore(%arg19 : memref<!tpu.dma_semaphore, #tpu.memory_space<semaphore_mem>>) {add = true}
        %dma_wait3A_269 = arith.constant 0 : i32
        %dma_wait3A_270 = arith.constant 0 : i32
        %dma_wait3A_271 = tpu.memref_slice %arg2[%dma_wait3A_269, %dma_wait3A_270] : memref<10000x128xf32, #tpu.memory_space<hbm>> -> memref<128x128xf32, #tpu.memory_space<hbm>>
        %dma_wait3A_272 = arith.constant 0 : i32
        %dma_wait3A_273 = arith.constant 0 : i32
        %dma_wait3A_274 = tpu.memref_slice %arg2[%dma_wait3A_272, %dma_wait3A_273] : memref<10000x128xf32, #tpu.memory_space<hbm>> -> memref<128x128xf32, #tpu.memory_space<hbm>>
        tpu.wait_dma2 semaphore(%arg18 : memref<!tpu.dma_semaphore, #tpu.memory_space<semaphore_mem>>) src(%dma_wait3A_274 : memref<128x128xf32, #tpu.memory_space<hbm>>) dst(%arg15 : memref<128x128xf32, #tpu.memory_space<vmem>>)
        %dma_start3A_275 = arith.constant 0 : i32
        %dma_start3A_276 = arith.constant 0 : i32
        %dma_start3A_277 = tpu.memref_slice %arg16[%dma_start3A_275, %dma_start3A_276] : memref<10240x128xf32, #tpu.memory_space<vmem_shared>> -> memref<10240x128xf32, #tpu.memory_space<vmem_shared>>
        tpu.enqueue_indirect_dma source(%arg15 : memref<128x128xf32, #tpu.memory_space<vmem>>) target(%dma_start3A_277 : memref<10240x128xf32, #tpu.memory_space<vmem_shared>>) offsets(%arg13 : memref<128xi32, #tpu.memory_space<vmem>>) semaphore(%arg20 : memref<!tpu.dma_semaphore, #tpu.memory_space<semaphore_mem>>) {add = true}
        %add3A_278 = arith.constant 1 : i32
        %add3A_279 = arith.addi %scan3A_223, %add3A_278 : i32
        %mul3A_280 = arith.constant 2 : i32
        %mul3A_281 = arith.muli %add3A_279, %mul3A_280 : i32
        %add3A_282 = arith.constant 0 : i32
        %add3A_283 = arith.addi %mul3A_281, %add3A_282 : i32
        %lt3A_284 = arith.constant 78 : i32
        %lt3A_285 = arith.cmpi slt, %add3A_283, %lt3A_284 : i32
        %convert_element_type3A_286 = arith.extui %lt3A_285 : i1 to i32
        %cond3A_287 = arith.constant 0 : i32
        %cond3A_288 = arith.cmpi ne, %convert_element_type3A_286, %cond3A_287 : i32
        scf.if %cond3A_288 {
          %mul3A_328 = arith.constant 32 : i32
          %mul3A_329 = arith.muli %add3A_283, %mul3A_328 : i32
          %add3A_330 = arith.addi %add3A, %mul3A_329 : i32
          %mul3A_331 = arith.constant 128 : i32
          %mul3A_332 = arith.muli %add3A_330, %mul3A_331 : i32
          %dma_start3A_333 = tpu.memref_slice %arg3[%mul3A_332] : memref<320000xi32, #tpu.memory_space<hbm>> -> memref<128xi32, #tpu.memory_space<hbm>>
          %dma_start3A_334 = tpu.memref_slice %arg3[%mul3A_332] : memref<320000xi32, #tpu.memory_space<hbm>> -> memref<128xi32, #tpu.memory_space<hbm>>
          tpu.enqueue_dma source(%dma_start3A_334 : memref<128xi32, #tpu.memory_space<hbm>>) target(%arg6 : memref<128xi32, #tpu.memory_space<vmem>>) target_semaphore(%arg21 : memref<!tpu.dma_semaphore, #tpu.memory_space<semaphore_mem>>)
          %dma_start3A_335 = tpu.memref_slice %arg4[%mul3A_332] : memref<320000xi32, #tpu.memory_space<hbm>> -> memref<128xi32, #tpu.memory_space<hbm>>
          %dma_start3A_336 = tpu.memref_slice %arg4[%mul3A_332] : memref<320000xi32, #tpu.memory_space<hbm>> -> memref<128xi32, #tpu.memory_space<hbm>>
          tpu.enqueue_dma source(%dma_start3A_336 : memref<128xi32, #tpu.memory_space<hbm>>) target(%arg8 : memref<128xi32, #tpu.memory_space<vmem>>) target_semaphore(%arg21 : memref<!tpu.dma_semaphore, #tpu.memory_space<semaphore_mem>>)
        } else {
        }
        %add3A_289 = arith.constant 1 : i32
        %add3A_290 = arith.addi %scan3A_223, %add3A_289 : i32
        %mul3A_291 = arith.constant 2 : i32
        %mul3A_292 = arith.muli %add3A_290, %mul3A_291 : i32
        %add3A_293 = arith.constant 1 : i32
        %add3A_294 = arith.addi %mul3A_292, %add3A_293 : i32
        %lt3A_295 = arith.constant 78 : i32
        %lt3A_296 = arith.cmpi slt, %add3A_294, %lt3A_295 : i32
        %convert_element_type3A_297 = arith.extui %lt3A_296 : i1 to i32
        %cond3A_298 = arith.constant 0 : i32
        %cond3A_299 = arith.cmpi ne, %convert_element_type3A_297, %cond3A_298 : i32
        scf.if %cond3A_299 {
          %mul3A_328 = arith.constant 32 : i32
          %mul3A_329 = arith.muli %add3A_294, %mul3A_328 : i32
          %add3A_330 = arith.addi %add3A, %mul3A_329 : i32
          %mul3A_331 = arith.constant 128 : i32
          %mul3A_332 = arith.muli %add3A_330, %mul3A_331 : i32
          %dma_start3A_333 = tpu.memref_slice %arg3[%mul3A_332] : memref<320000xi32, #tpu.memory_space<hbm>> -> memref<128xi32, #tpu.memory_space<hbm>>
          %dma_start3A_334 = tpu.memref_slice %arg3[%mul3A_332] : memref<320000xi32, #tpu.memory_space<hbm>> -> memref<128xi32, #tpu.memory_space<hbm>>
          tpu.enqueue_dma source(%dma_start3A_334 : memref<128xi32, #tpu.memory_space<hbm>>) target(%arg7 : memref<128xi32, #tpu.memory_space<vmem>>) target_semaphore(%arg22 : memref<!tpu.dma_semaphore, #tpu.memory_space<semaphore_mem>>)
          %dma_start3A_335 = tpu.memref_slice %arg4[%mul3A_332] : memref<320000xi32, #tpu.memory_space<hbm>> -> memref<128xi32, #tpu.memory_space<hbm>>
          %dma_start3A_336 = tpu.memref_slice %arg4[%mul3A_332] : memref<320000xi32, #tpu.memory_space<hbm>> -> memref<128xi32, #tpu.memory_space<hbm>>
          tpu.enqueue_dma source(%dma_start3A_336 : memref<128xi32, #tpu.memory_space<hbm>>) target(%arg9 : memref<128xi32, #tpu.memory_space<vmem>>) target_semaphore(%arg22 : memref<!tpu.dma_semaphore, #tpu.memory_space<semaphore_mem>>)
        } else {
        }
        %dma_wait3A_300 = arith.constant 0 : i32
        %dma_wait3A_301 = arith.constant 0 : i32
        %dma_wait3A_302 = tpu.memref_slice %arg16[%dma_wait3A_300, %dma_wait3A_301] : memref<10240x128xf32, #tpu.memory_space<vmem_shared>> -> memref<10240x128xf32, #tpu.memory_space<vmem_shared>>
        tpu.wait_indirect_dma semaphore(%arg19 : memref<!tpu.dma_semaphore, #tpu.memory_space<semaphore_mem>>) src(%arg14 : memref<128x128xf32, #tpu.memory_space<vmem>>) dst(%dma_wait3A_302 : memref<10240x128xf32, #tpu.memory_space<vmem_shared>>)
        %add3A_303 = arith.constant 1 : i32
        %add3A_304 = arith.addi %scan3A_223, %add3A_303 : i32
        %mul3A_305 = arith.constant 2 : i32
        %mul3A_306 = arith.muli %add3A_304, %mul3A_305 : i32
        %add3A_307 = arith.constant 0 : i32
        %add3A_308 = arith.addi %mul3A_306, %add3A_307 : i32
        %lt3A_309 = arith.constant 78 : i32
        %lt3A_310 = arith.cmpi slt, %add3A_308, %lt3A_309 : i32
        %convert_element_type3A_311 = arith.extui %lt3A_310 : i1 to i32
        %cond3A_312 = arith.constant 0 : i32
        %cond3A_313 = arith.cmpi ne, %convert_element_type3A_311, %cond3A_312 : i32
        scf.if %cond3A_313 {
          %dma_wait3A_328 = arith.constant 0 : i32
          %dma_wait3A_329 = tpu.memref_slice %arg3[%dma_wait3A_328] : memref<320000xi32, #tpu.memory_space<hbm>> -> memref<128xi32, #tpu.memory_space<hbm>>
          %dma_wait3A_330 = arith.constant 0 : i32
          %dma_wait3A_331 = tpu.memref_slice %arg3[%dma_wait3A_330] : memref<320000xi32, #tpu.memory_space<hbm>> -> memref<128xi32, #tpu.memory_space<hbm>>
          tpu.wait_dma2 semaphore(%arg21 : memref<!tpu.dma_semaphore, #tpu.memory_space<semaphore_mem>>) src(%dma_wait3A_331 : memref<128xi32, #tpu.memory_space<hbm>>) dst(%arg6 : memref<128xi32, #tpu.memory_space<vmem>>)
          %dma_wait3A_332 = arith.constant 0 : i32
          %dma_wait3A_333 = tpu.memref_slice %arg4[%dma_wait3A_332] : memref<320000xi32, #tpu.memory_space<hbm>> -> memref<128xi32, #tpu.memory_space<hbm>>
          %dma_wait3A_334 = arith.constant 0 : i32
          %dma_wait3A_335 = tpu.memref_slice %arg4[%dma_wait3A_334] : memref<320000xi32, #tpu.memory_space<hbm>> -> memref<128xi32, #tpu.memory_space<hbm>>
          tpu.wait_dma2 semaphore(%arg21 : memref<!tpu.dma_semaphore, #tpu.memory_space<semaphore_mem>>) src(%dma_wait3A_335 : memref<128xi32, #tpu.memory_space<hbm>>) dst(%arg8 : memref<128xi32, #tpu.memory_space<vmem>>)
          %dma_start3A_336 = arith.constant 0 : i32
          %dma_start3A_337 = arith.constant 0 : i32
          %dma_start3A_338 = tpu.memref_slice %arg2[%dma_start3A_336, %dma_start3A_337] : memref<10000x128xf32, #tpu.memory_space<hbm>> -> memref<10000x128xf32, #tpu.memory_space<hbm>>
          tpu.enqueue_indirect_dma source(%dma_start3A_338 : memref<10000x128xf32, #tpu.memory_space<hbm>>) target(%arg14 : memref<128x128xf32, #tpu.memory_space<vmem>>) offsets(%arg6 : memref<128xi32, #tpu.memory_space<vmem>>) semaphore(%arg17 : memref<!tpu.dma_semaphore, #tpu.memory_space<semaphore_mem>>)
        } else {
        }
        %dma_wait3A_314 = arith.constant 0 : i32
        %dma_wait3A_315 = arith.constant 0 : i32
        %dma_wait3A_316 = tpu.memref_slice %arg16[%dma_wait3A_314, %dma_wait3A_315] : memref<10240x128xf32, #tpu.memory_space<vmem_shared>> -> memref<10240x128xf32, #tpu.memory_space<vmem_shared>>
        tpu.wait_indirect_dma semaphore(%arg20 : memref<!tpu.dma_semaphore, #tpu.memory_space<semaphore_mem>>) src(%arg15 : memref<128x128xf32, #tpu.memory_space<vmem>>) dst(%dma_wait3A_316 : memref<10240x128xf32, #tpu.memory_space<vmem_shared>>)
        %add3A_317 = arith.constant 1 : i32
        %add3A_318 = arith.addi %scan3A_223, %add3A_317 : i32
        %mul3A_319 = arith.constant 2 : i32
        %mul3A_320 = arith.muli %add3A_318, %mul3A_319 : i32
        %add3A_321 = arith.constant 1 : i32
        %add3A_322 = arith.addi %mul3A_320, %add3A_321 : i32
        %lt3A_323 = arith.constant 78 : i32
        %lt3A_324 = arith.cmpi slt, %add3A_322, %lt3A_323 : i32
        %convert_element_type3A_325 = arith.extui %lt3A_324 : i1 to i32
        %cond3A_326 = arith.constant 0 : i32
        %cond3A_327 = arith.cmpi ne, %convert_element_type3A_325, %cond3A_326 : i32
        scf.if %cond3A_327 {
          %dma_wait3A_328 = arith.constant 0 : i32
          %dma_wait3A_329 = tpu.memref_slice %arg3[%dma_wait3A_328] : memref<320000xi32, #tpu.memory_space<hbm>> -> memref<128xi32, #tpu.memory_space<hbm>>
          %dma_wait3A_330 = arith.constant 0 : i32
          %dma_wait3A_331 = tpu.memref_slice %arg3[%dma_wait3A_330] : memref<320000xi32, #tpu.memory_space<hbm>> -> memref<128xi32, #tpu.memory_space<hbm>>
          tpu.wait_dma2 semaphore(%arg22 : memref<!tpu.dma_semaphore, #tpu.memory_space<semaphore_mem>>) src(%dma_wait3A_331 : memref<128xi32, #tpu.memory_space<hbm>>) dst(%arg7 : memref<128xi32, #tpu.memory_space<vmem>>)
          %dma_wait3A_332 = arith.constant 0 : i32
          %dma_wait3A_333 = tpu.memref_slice %arg4[%dma_wait3A_332] : memref<320000xi32, #tpu.memory_space<hbm>> -> memref<128xi32, #tpu.memory_space<hbm>>
          %dma_wait3A_334 = arith.constant 0 : i32
          %dma_wait3A_335 = tpu.memref_slice %arg4[%dma_wait3A_334] : memref<320000xi32, #tpu.memory_space<hbm>> -> memref<128xi32, #tpu.memory_space<hbm>>
          tpu.wait_dma2 semaphore(%arg22 : memref<!tpu.dma_semaphore, #tpu.memory_space<semaphore_mem>>) src(%dma_wait3A_335 : memref<128xi32, #tpu.memory_space<hbm>>) dst(%arg9 : memref<128xi32, #tpu.memory_space<vmem>>)
          %dma_start3A_336 = arith.constant 0 : i32
          %dma_start3A_337 = arith.constant 0 : i32
          %dma_start3A_338 = tpu.memref_slice %arg2[%dma_start3A_336, %dma_start3A_337] : memref<10000x128xf32, #tpu.memory_space<hbm>> -> memref<10000x128xf32, #tpu.memory_space<hbm>>
          tpu.enqueue_indirect_dma source(%dma_start3A_338 : memref<10000x128xf32, #tpu.memory_space<hbm>>) target(%arg15 : memref<128x128xf32, #tpu.memory_space<vmem>>) offsets(%arg7 : memref<128xi32, #tpu.memory_space<vmem>>) semaphore(%arg18 : memref<!tpu.dma_semaphore, #tpu.memory_space<semaphore_mem>>)
        } else {
        }
      } else {
      }
    }
    %scan3A_84 = arith.constant 39 : i32
    %lt3A = arith.constant 4 : i32
    %lt3A_85 = arith.cmpi slt, %add3A, %lt3A : i32
    %convert_element_type3A = arith.extui %lt3A_85 : i1 to i32
    %cond3A = arith.constant 0 : i32
    %cond3A_86 = arith.cmpi ne, %convert_element_type3A, %cond3A : i32
    scf.if %cond3A_86 {
      %add3A_223 = arith.constant 2496 : i32
      %add3A_224 = arith.addi %add3A, %add3A_223 : i32
      %mul3A_225 = arith.constant 128 : i32
      %mul3A_226 = arith.muli %add3A_224, %mul3A_225 : i32
      "tpu.region"() ({
        %run_scoped3A = tpu.sem_alloc : memref<!tpu.dma_semaphore, #tpu.memory_space<semaphore_mem>>
        %dma_start3A_233 = tpu.memref_slice %arg3[%mul3A_226] : memref<320000xi32, #tpu.memory_space<hbm>> -> memref<128xi32, #tpu.memory_space<hbm>>
        %dma_start3A_234 = tpu.memref_slice %arg3[%mul3A_226] : memref<320000xi32, #tpu.memory_space<hbm>> -> memref<128xi32, #tpu.memory_space<hbm>>
        tpu.enqueue_dma source(%dma_start3A_234 : memref<128xi32, #tpu.memory_space<hbm>>) target(%arg6 : memref<128xi32, #tpu.memory_space<vmem>>) target_semaphore(%run_scoped3A : memref<!tpu.dma_semaphore, #tpu.memory_space<semaphore_mem>>)
        %dma_wait3A_235 = tpu.memref_slice %arg3[%mul3A_226] : memref<320000xi32, #tpu.memory_space<hbm>> -> memref<128xi32, #tpu.memory_space<hbm>>
        %dma_wait3A_236 = tpu.memref_slice %arg3[%mul3A_226] : memref<320000xi32, #tpu.memory_space<hbm>> -> memref<128xi32, #tpu.memory_space<hbm>>
        tpu.wait_dma2 semaphore(%run_scoped3A : memref<!tpu.dma_semaphore, #tpu.memory_space<semaphore_mem>>) src(%dma_wait3A_236 : memref<128xi32, #tpu.memory_space<hbm>>) dst(%arg6 : memref<128xi32, #tpu.memory_space<vmem>>)
        tpu.yield
      }) : () -> ()
      "tpu.region"() ({
        %run_scoped3A = tpu.sem_alloc : memref<!tpu.dma_semaphore, #tpu.memory_space<semaphore_mem>>
        %dma_start3A_233 = tpu.memref_slice %arg4[%mul3A_226] : memref<320000xi32, #tpu.memory_space<hbm>> -> memref<128xi32, #tpu.memory_space<hbm>>
        %dma_start3A_234 = tpu.memref_slice %arg4[%mul3A_226] : memref<320000xi32, #tpu.memory_space<hbm>> -> memref<128xi32, #tpu.memory_space<hbm>>
        tpu.enqueue_dma source(%dma_start3A_234 : memref<128xi32, #tpu.memory_space<hbm>>) target(%arg8 : memref<128xi32, #tpu.memory_space<vmem>>) target_semaphore(%run_scoped3A : memref<!tpu.dma_semaphore, #tpu.memory_space<semaphore_mem>>)
        %dma_wait3A_235 = tpu.memref_slice %arg4[%mul3A_226] : memref<320000xi32, #tpu.memory_space<hbm>> -> memref<128xi32, #tpu.memory_space<hbm>>
        %dma_wait3A_236 = tpu.memref_slice %arg4[%mul3A_226] : memref<320000xi32, #tpu.memory_space<hbm>> -> memref<128xi32, #tpu.memory_space<hbm>>
        tpu.wait_dma2 semaphore(%run_scoped3A : memref<!tpu.dma_semaphore, #tpu.memory_space<semaphore_mem>>) src(%dma_wait3A_236 : memref<128xi32, #tpu.memory_space<hbm>>) dst(%arg8 : memref<128xi32, #tpu.memory_space<vmem>>)
        tpu.yield
      }) : () -> ()
      %dma_start3A_227 = arith.constant 0 : i32
      %dma_start3A_228 = arith.constant 0 : i32
      %dma_start3A_229 = tpu.memref_slice %arg2[%dma_start3A_227, %dma_start3A_228] : memref<10000x128xf32, #tpu.memory_space<hbm>> -> memref<10000x128xf32, #tpu.memory_space<hbm>>
      tpu.enqueue_indirect_dma source(%dma_start3A_229 : memref<10000x128xf32, #tpu.memory_space<hbm>>) target(%arg14 : memref<128x128xf32, #tpu.memory_space<vmem>>) offsets(%arg6 : memref<128xi32, #tpu.memory_space<vmem>>) semaphore(%arg17 : memref<!tpu.dma_semaphore, #tpu.memory_space<semaphore_mem>>)
      %dma_wait3A_230 = arith.constant 0 : i32
      %dma_wait3A_231 = arith.constant 0 : i32
      %dma_wait3A_232 = tpu.memref_slice %arg2[%dma_wait3A_230, %dma_wait3A_231] : memref<10000x128xf32, #tpu.memory_space<hbm>> -> memref<10000x128xf32, #tpu.memory_space<hbm>>
      tpu.wait_indirect_dma semaphore(%arg17 : memref<!tpu.dma_semaphore, #tpu.memory_space<semaphore_mem>>) src(%dma_wait3A_232 : memref<10000x128xf32, #tpu.memory_space<hbm>>) dst(%arg14 : memref<128x128xf32, #tpu.memory_space<vmem>>)
      "tpu.region"() ({
        %run_scoped3A = tpu.sem_alloc : memref<!tpu.dma_semaphore, #tpu.memory_space<semaphore_mem>>
        %dma_start3A_233 = arith.constant 0 : i32
        %dma_start3A_234 = arith.constant 0 : i32
        %dma_start3A_235 = tpu.memref_slice %arg16[%dma_start3A_233, %dma_start3A_234] : memref<10240x128xf32, #tpu.memory_space<vmem_shared>> -> memref<10240x128xf32, #tpu.memory_space<vmem_shared>>
        tpu.enqueue_indirect_dma source(%arg14 : memref<128x128xf32, #tpu.memory_space<vmem>>) target(%dma_start3A_235 : memref<10240x128xf32, #tpu.memory_space<vmem_shared>>) offsets(%arg8 : memref<128xi32, #tpu.memory_space<vmem>>) semaphore(%run_scoped3A : memref<!tpu.dma_semaphore, #tpu.memory_space<semaphore_mem>>) {add = true}
        %dma_wait3A_236 = arith.constant 0 : i32
        %dma_wait3A_237 = arith.constant 0 : i32
        %dma_wait3A_238 = tpu.memref_slice %arg16[%dma_wait3A_236, %dma_wait3A_237] : memref<10240x128xf32, #tpu.memory_space<vmem_shared>> -> memref<10240x128xf32, #tpu.memory_space<vmem_shared>>
        tpu.wait_indirect_dma semaphore(%run_scoped3A : memref<!tpu.dma_semaphore, #tpu.memory_space<semaphore_mem>>) src(%arg14 : memref<128x128xf32, #tpu.memory_space<vmem>>) dst(%dma_wait3A_238 : memref<10240x128xf32, #tpu.memory_space<vmem_shared>>)
        tpu.yield
      }) : () -> ()
    } else {
    }
    %barrier3A_87 = arith.constant 0 : index
    tpu.barrier barrier_id(%barrier3A_87)
    %mul3A_88 = arith.constant 640 : i32
    %mul3A_89 = arith.muli %arg1, %mul3A_88 : i32
    %add3A_90 = arith.constant 0 : i32
    %add3A_91 = arith.addi %mul3A_89, %add3A_90 : i32
    %dma_start3A_92 = arith.constant 0 : i32
    %dma_start3A_93 = tpu.memref_slice %arg16[%add3A_91, %dma_start3A_92] : memref<10240x128xf32, #tpu.memory_space<vmem_shared>> -> memref<128x128xf32, #tpu.memory_space<vmem_shared>>
    %dma_start3A_94 = arith.constant 0 : i32
    %dma_start3A_95 = tpu.memref_slice %arg16[%add3A_91, %dma_start3A_94] : memref<10240x128xf32, #tpu.memory_space<vmem_shared>> -> memref<128x128xf32, #tpu.memory_space<vmem_shared>>
    tpu.enqueue_dma source(%dma_start3A_95 : memref<128x128xf32, #tpu.memory_space<vmem_shared>>) target(%arg14 : memref<128x128xf32, #tpu.memory_space<vmem>>) target_semaphore(%arg17 : memref<!tpu.dma_semaphore, #tpu.memory_space<semaphore_mem>>)
    %dma_wait3A_96 = arith.constant 0 : i32
    %dma_wait3A_97 = tpu.memref_slice %arg16[%add3A_91, %dma_wait3A_96] : memref<10240x128xf32, #tpu.memory_space<vmem_shared>> -> memref<128x128xf32, #tpu.memory_space<vmem_shared>>
    %dma_wait3A_98 = arith.constant 0 : i32
    %dma_wait3A_99 = tpu.memref_slice %arg16[%add3A_91, %dma_wait3A_98] : memref<10240x128xf32, #tpu.memory_space<vmem_shared>> -> memref<128x128xf32, #tpu.memory_space<vmem_shared>>
    tpu.wait_dma2 semaphore(%arg17 : memref<!tpu.dma_semaphore, #tpu.memory_space<semaphore_mem>>) src(%dma_wait3A_99 : memref<128x128xf32, #tpu.memory_space<vmem_shared>>) dst(%arg14 : memref<128x128xf32, #tpu.memory_space<vmem>>)
    %mul3A_100 = arith.constant 10240 : i32
    %mul3A_101 = arith.muli %arg0, %mul3A_100 : i32
    %mul3A_102 = arith.constant 640 : i32
    %mul3A_103 = arith.muli %arg1, %mul3A_102 : i32
    %add3A_104 = arith.addi %mul3A_101, %mul3A_103 : i32
    %add3A_105 = arith.constant 0 : i32
    %add3A_106 = arith.addi %add3A_104, %add3A_105 : i32
    %dma_start3A_107 = arith.constant 0 : i32
    %dma_start3A_108 = tpu.memref_slice %arg5[%add3A_106, %dma_start3A_107] : memref<20480x128xf32, #tpu.memory_space<hbm>> -> memref<128x128xf32, #tpu.memory_space<hbm>>
    %dma_start3A_109 = arith.constant 0 : i32
    %dma_start3A_110 = tpu.memref_slice %arg5[%add3A_106, %dma_start3A_109] : memref<20480x128xf32, #tpu.memory_space<hbm>> -> memref<128x128xf32, #tpu.memory_space<hbm>>
    tpu.enqueue_dma source(%arg14 : memref<128x128xf32, #tpu.memory_space<vmem>>) target(%dma_start3A_110 : memref<128x128xf32, #tpu.memory_space<hbm>>) target_semaphore(%arg19 : memref<!tpu.dma_semaphore, #tpu.memory_space<semaphore_mem>>)
    %mul3A_111 = arith.constant 640 : i32
    %mul3A_112 = arith.muli %arg1, %mul3A_111 : i32
    %add3A_113 = arith.constant 128 : i32
    %add3A_114 = arith.addi %mul3A_112, %add3A_113 : i32
    %dma_start3A_115 = arith.constant 0 : i32
    %dma_start3A_116 = tpu.memref_slice %arg16[%add3A_114, %dma_start3A_115] : memref<10240x128xf32, #tpu.memory_space<vmem_shared>> -> memref<128x128xf32, #tpu.memory_space<vmem_shared>>
    %dma_start3A_117 = arith.constant 0 : i32
    %dma_start3A_118 = tpu.memref_slice %arg16[%add3A_114, %dma_start3A_117] : memref<10240x128xf32, #tpu.memory_space<vmem_shared>> -> memref<128x128xf32, #tpu.memory_space<vmem_shared>>
    tpu.enqueue_dma source(%dma_start3A_118 : memref<128x128xf32, #tpu.memory_space<vmem_shared>>) target(%arg15 : memref<128x128xf32, #tpu.memory_space<vmem>>) target_semaphore(%arg18 : memref<!tpu.dma_semaphore, #tpu.memory_space<semaphore_mem>>)
    %dma_wait3A_119 = arith.constant 0 : i32
    %dma_wait3A_120 = tpu.memref_slice %arg16[%add3A_114, %dma_wait3A_119] : memref<10240x128xf32, #tpu.memory_space<vmem_shared>> -> memref<128x128xf32, #tpu.memory_space<vmem_shared>>
    %dma_wait3A_121 = arith.constant 0 : i32
    %dma_wait3A_122 = tpu.memref_slice %arg16[%add3A_114, %dma_wait3A_121] : memref<10240x128xf32, #tpu.memory_space<vmem_shared>> -> memref<128x128xf32, #tpu.memory_space<vmem_shared>>
    tpu.wait_dma2 semaphore(%arg18 : memref<!tpu.dma_semaphore, #tpu.memory_space<semaphore_mem>>) src(%dma_wait3A_122 : memref<128x128xf32, #tpu.memory_space<vmem_shared>>) dst(%arg15 : memref<128x128xf32, #tpu.memory_space<vmem>>)
    %mul3A_123 = arith.constant 10240 : i32
    %mul3A_124 = arith.muli %arg0, %mul3A_123 : i32
    %mul3A_125 = arith.constant 640 : i32
    %mul3A_126 = arith.muli %arg1, %mul3A_125 : i32
    %add3A_127 = arith.addi %mul3A_124, %mul3A_126 : i32
    %add3A_128 = arith.constant 128 : i32
    %add3A_129 = arith.addi %add3A_127, %add3A_128 : i32
    %dma_start3A_130 = arith.constant 0 : i32
    %dma_start3A_131 = tpu.memref_slice %arg5[%add3A_129, %dma_start3A_130] : memref<20480x128xf32, #tpu.memory_space<hbm>> -> memref<128x128xf32, #tpu.memory_space<hbm>>
    %dma_start3A_132 = arith.constant 0 : i32
    %dma_start3A_133 = tpu.memref_slice %arg5[%add3A_129, %dma_start3A_132] : memref<20480x128xf32, #tpu.memory_space<hbm>> -> memref<128x128xf32, #tpu.memory_space<hbm>>
    tpu.enqueue_dma source(%arg15 : memref<128x128xf32, #tpu.memory_space<vmem>>) target(%dma_start3A_133 : memref<128x128xf32, #tpu.memory_space<hbm>>) target_semaphore(%arg20 : memref<!tpu.dma_semaphore, #tpu.memory_space<semaphore_mem>>)
    %dma_wait3A_134 = arith.constant 0 : i32
    %dma_wait3A_135 = tpu.memref_slice %arg5[%add3A_106, %dma_wait3A_134] : memref<20480x128xf32, #tpu.memory_space<hbm>> -> memref<128x128xf32, #tpu.memory_space<hbm>>
    %dma_wait3A_136 = arith.constant 0 : i32
    %dma_wait3A_137 = tpu.memref_slice %arg5[%add3A_106, %dma_wait3A_136] : memref<20480x128xf32, #tpu.memory_space<hbm>> -> memref<128x128xf32, #tpu.memory_space<hbm>>
    tpu.wait_dma2 semaphore(%arg19 : memref<!tpu.dma_semaphore, #tpu.memory_space<semaphore_mem>>) src(%arg14 : memref<128x128xf32, #tpu.memory_space<vmem>>) dst(%dma_wait3A_137 : memref<128x128xf32, #tpu.memory_space<hbm>>)
    %mul3A_138 = arith.constant 640 : i32
    %mul3A_139 = arith.muli %arg1, %mul3A_138 : i32
    %add3A_140 = arith.constant 256 : i32
    %add3A_141 = arith.addi %mul3A_139, %add3A_140 : i32
    %dma_start3A_142 = arith.constant 0 : i32
    %dma_start3A_143 = tpu.memref_slice %arg16[%add3A_141, %dma_start3A_142] : memref<10240x128xf32, #tpu.memory_space<vmem_shared>> -> memref<128x128xf32, #tpu.memory_space<vmem_shared>>
    %dma_start3A_144 = arith.constant 0 : i32
    %dma_start3A_145 = tpu.memref_slice %arg16[%add3A_141, %dma_start3A_144] : memref<10240x128xf32, #tpu.memory_space<vmem_shared>> -> memref<128x128xf32, #tpu.memory_space<vmem_shared>>
    tpu.enqueue_dma source(%dma_start3A_145 : memref<128x128xf32, #tpu.memory_space<vmem_shared>>) target(%arg14 : memref<128x128xf32, #tpu.memory_space<vmem>>) target_semaphore(%arg17 : memref<!tpu.dma_semaphore, #tpu.memory_space<semaphore_mem>>)
    %dma_wait3A_146 = arith.constant 0 : i32
    %dma_wait3A_147 = tpu.memref_slice %arg16[%add3A_141, %dma_wait3A_146] : memref<10240x128xf32, #tpu.memory_space<vmem_shared>> -> memref<128x128xf32, #tpu.memory_space<vmem_shared>>
    %dma_wait3A_148 = arith.constant 0 : i32
    %dma_wait3A_149 = tpu.memref_slice %arg16[%add3A_141, %dma_wait3A_148] : memref<10240x128xf32, #tpu.memory_space<vmem_shared>> -> memref<128x128xf32, #tpu.memory_space<vmem_shared>>
    tpu.wait_dma2 semaphore(%arg17 : memref<!tpu.dma_semaphore, #tpu.memory_space<semaphore_mem>>) src(%dma_wait3A_149 : memref<128x128xf32, #tpu.memory_space<vmem_shared>>) dst(%arg14 : memref<128x128xf32, #tpu.memory_space<vmem>>)
    %mul3A_150 = arith.constant 10240 : i32
    %mul3A_151 = arith.muli %arg0, %mul3A_150 : i32
    %mul3A_152 = arith.constant 640 : i32
    %mul3A_153 = arith.muli %arg1, %mul3A_152 : i32
    %add3A_154 = arith.addi %mul3A_151, %mul3A_153 : i32
    %add3A_155 = arith.constant 256 : i32
    %add3A_156 = arith.addi %add3A_154, %add3A_155 : i32
    %dma_start3A_157 = arith.constant 0 : i32
    %dma_start3A_158 = tpu.memref_slice %arg5[%add3A_156, %dma_start3A_157] : memref<20480x128xf32, #tpu.memory_space<hbm>> -> memref<128x128xf32, #tpu.memory_space<hbm>>
    %dma_start3A_159 = arith.constant 0 : i32
    %dma_start3A_160 = tpu.memref_slice %arg5[%add3A_156, %dma_start3A_159] : memref<20480x128xf32, #tpu.memory_space<hbm>> -> memref<128x128xf32, #tpu.memory_space<hbm>>
    tpu.enqueue_dma source(%arg14 : memref<128x128xf32, #tpu.memory_space<vmem>>) target(%dma_start3A_160 : memref<128x128xf32, #tpu.memory_space<hbm>>) target_semaphore(%arg19 : memref<!tpu.dma_semaphore, #tpu.memory_space<semaphore_mem>>)
    %dma_wait3A_161 = arith.constant 0 : i32
    %dma_wait3A_162 = tpu.memref_slice %arg5[%add3A_129, %dma_wait3A_161] : memref<20480x128xf32, #tpu.memory_space<hbm>> -> memref<128x128xf32, #tpu.memory_space<hbm>>
    %dma_wait3A_163 = arith.constant 0 : i32
    %dma_wait3A_164 = tpu.memref_slice %arg5[%add3A_129, %dma_wait3A_163] : memref<20480x128xf32, #tpu.memory_space<hbm>> -> memref<128x128xf32, #tpu.memory_space<hbm>>
    tpu.wait_dma2 semaphore(%arg20 : memref<!tpu.dma_semaphore, #tpu.memory_space<semaphore_mem>>) src(%arg15 : memref<128x128xf32, #tpu.memory_space<vmem>>) dst(%dma_wait3A_164 : memref<128x128xf32, #tpu.memory_space<hbm>>)
    %mul3A_165 = arith.constant 640 : i32
    %mul3A_166 = arith.muli %arg1, %mul3A_165 : i32
    %add3A_167 = arith.constant 384 : i32
    %add3A_168 = arith.addi %mul3A_166, %add3A_167 : i32
    %dma_start3A_169 = arith.constant 0 : i32
    %dma_start3A_170 = tpu.memref_slice %arg16[%add3A_168, %dma_start3A_169] : memref<10240x128xf32, #tpu.memory_space<vmem_shared>> -> memref<128x128xf32, #tpu.memory_space<vmem_shared>>
    %dma_start3A_171 = arith.constant 0 : i32
    %dma_start3A_172 = tpu.memref_slice %arg16[%add3A_168, %dma_start3A_171] : memref<10240x128xf32, #tpu.memory_space<vmem_shared>> -> memref<128x128xf32, #tpu.memory_space<vmem_shared>>
    tpu.enqueue_dma source(%dma_start3A_172 : memref<128x128xf32, #tpu.memory_space<vmem_shared>>) target(%arg15 : memref<128x128xf32, #tpu.memory_space<vmem>>) target_semaphore(%arg18 : memref<!tpu.dma_semaphore, #tpu.memory_space<semaphore_mem>>)
    %dma_wait3A_173 = arith.constant 0 : i32
    %dma_wait3A_174 = tpu.memref_slice %arg16[%add3A_168, %dma_wait3A_173] : memref<10240x128xf32, #tpu.memory_space<vmem_shared>> -> memref<128x128xf32, #tpu.memory_space<vmem_shared>>
    %dma_wait3A_175 = arith.constant 0 : i32
    %dma_wait3A_176 = tpu.memref_slice %arg16[%add3A_168, %dma_wait3A_175] : memref<10240x128xf32, #tpu.memory_space<vmem_shared>> -> memref<128x128xf32, #tpu.memory_space<vmem_shared>>
    tpu.wait_dma2 semaphore(%arg18 : memref<!tpu.dma_semaphore, #tpu.memory_space<semaphore_mem>>) src(%dma_wait3A_176 : memref<128x128xf32, #tpu.memory_space<vmem_shared>>) dst(%arg15 : memref<128x128xf32, #tpu.memory_space<vmem>>)
    %mul3A_177 = arith.constant 10240 : i32
    %mul3A_178 = arith.muli %arg0, %mul3A_177 : i32
    %mul3A_179 = arith.constant 640 : i32
    %mul3A_180 = arith.muli %arg1, %mul3A_179 : i32
    %add3A_181 = arith.addi %mul3A_178, %mul3A_180 : i32
    %add3A_182 = arith.constant 384 : i32
    %add3A_183 = arith.addi %add3A_181, %add3A_182 : i32
    %dma_start3A_184 = arith.constant 0 : i32
    %dma_start3A_185 = tpu.memref_slice %arg5[%add3A_183, %dma_start3A_184] : memref<20480x128xf32, #tpu.memory_space<hbm>> -> memref<128x128xf32, #tpu.memory_space<hbm>>
    %dma_start3A_186 = arith.constant 0 : i32
    %dma_start3A_187 = tpu.memref_slice %arg5[%add3A_183, %dma_start3A_186] : memref<20480x128xf32, #tpu.memory_space<hbm>> -> memref<128x128xf32, #tpu.memory_space<hbm>>
    tpu.enqueue_dma source(%arg15 : memref<128x128xf32, #tpu.memory_space<vmem>>) target(%dma_start3A_187 : memref<128x128xf32, #tpu.memory_space<hbm>>) target_semaphore(%arg20 : memref<!tpu.dma_semaphore, #tpu.memory_space<semaphore_mem>>)
    %dma_wait3A_188 = arith.constant 0 : i32
    %dma_wait3A_189 = tpu.memref_slice %arg5[%add3A_156, %dma_wait3A_188] : memref<20480x128xf32, #tpu.memory_space<hbm>> -> memref<128x128xf32, #tpu.memory_space<hbm>>
    %dma_wait3A_190 = arith.constant 0 : i32
    %dma_wait3A_191 = tpu.memref_slice %arg5[%add3A_156, %dma_wait3A_190] : memref<20480x128xf32, #tpu.memory_space<hbm>> -> memref<128x128xf32, #tpu.memory_space<hbm>>
    tpu.wait_dma2 semaphore(%arg19 : memref<!tpu.dma_semaphore, #tpu.memory_space<semaphore_mem>>) src(%arg14 : memref<128x128xf32, #tpu.memory_space<vmem>>) dst(%dma_wait3A_191 : memref<128x128xf32, #tpu.memory_space<hbm>>)
    %mul3A_192 = arith.constant 640 : i32
    %mul3A_193 = arith.muli %arg1, %mul3A_192 : i32
    %add3A_194 = arith.constant 512 : i32
    %add3A_195 = arith.addi %mul3A_193, %add3A_194 : i32
    %dma_start3A_196 = arith.constant 0 : i32
    %dma_start3A_197 = tpu.memref_slice %arg16[%add3A_195, %dma_start3A_196] : memref<10240x128xf32, #tpu.memory_space<vmem_shared>> -> memref<128x128xf32, #tpu.memory_space<vmem_shared>>
    %dma_start3A_198 = arith.constant 0 : i32
    %dma_start3A_199 = tpu.memref_slice %arg16[%add3A_195, %dma_start3A_198] : memref<10240x128xf32, #tpu.memory_space<vmem_shared>> -> memref<128x128xf32, #tpu.memory_space<vmem_shared>>
    tpu.enqueue_dma source(%dma_start3A_199 : memref<128x128xf32, #tpu.memory_space<vmem_shared>>) target(%arg14 : memref<128x128xf32, #tpu.memory_space<vmem>>) target_semaphore(%arg17 : memref<!tpu.dma_semaphore, #tpu.memory_space<semaphore_mem>>)
    %dma_wait3A_200 = arith.constant 0 : i32
    %dma_wait3A_201 = tpu.memref_slice %arg16[%add3A_195, %dma_wait3A_200] : memref<10240x128xf32, #tpu.memory_space<vmem_shared>> -> memref<128x128xf32, #tpu.memory_space<vmem_shared>>
    %dma_wait3A_202 = arith.constant 0 : i32
    %dma_wait3A_203 = tpu.memref_slice %arg16[%add3A_195, %dma_wait3A_202] : memref<10240x128xf32, #tpu.memory_space<vmem_shared>> -> memref<128x128xf32, #tpu.memory_space<vmem_shared>>
    tpu.wait_dma2 semaphore(%arg17 : memref<!tpu.dma_semaphore, #tpu.memory_space<semaphore_mem>>) src(%dma_wait3A_203 : memref<128x128xf32, #tpu.memory_space<vmem_shared>>) dst(%arg14 : memref<128x128xf32, #tpu.memory_space<vmem>>)
    %mul3A_204 = arith.constant 10240 : i32
    %mul3A_205 = arith.muli %arg0, %mul3A_204 : i32
    %mul3A_206 = arith.constant 640 : i32
    %mul3A_207 = arith.muli %arg1, %mul3A_206 : i32
    %add3A_208 = arith.addi %mul3A_205, %mul3A_207 : i32
    %add3A_209 = arith.constant 512 : i32
    %add3A_210 = arith.addi %add3A_208, %add3A_209 : i32
    %dma_start3A_211 = arith.constant 0 : i32
    %dma_start3A_212 = tpu.memref_slice %arg5[%add3A_210, %dma_start3A_211] : memref<20480x128xf32, #tpu.memory_space<hbm>> -> memref<128x128xf32, #tpu.memory_space<hbm>>
    %dma_start3A_213 = arith.constant 0 : i32
    %dma_start3A_214 = tpu.memref_slice %arg5[%add3A_210, %dma_start3A_213] : memref<20480x128xf32, #tpu.memory_space<hbm>> -> memref<128x128xf32, #tpu.memory_space<hbm>>
    tpu.enqueue_dma source(%arg14 : memref<128x128xf32, #tpu.memory_space<vmem>>) target(%dma_start3A_214 : memref<128x128xf32, #tpu.memory_space<hbm>>) target_semaphore(%arg19 : memref<!tpu.dma_semaphore, #tpu.memory_space<semaphore_mem>>)
    %dma_wait3A_215 = arith.constant 0 : i32
    %dma_wait3A_216 = tpu.memref_slice %arg5[%add3A_210, %dma_wait3A_215] : memref<20480x128xf32, #tpu.memory_space<hbm>> -> memref<128x128xf32, #tpu.memory_space<hbm>>
    %dma_wait3A_217 = arith.constant 0 : i32
    %dma_wait3A_218 = tpu.memref_slice %arg5[%add3A_210, %dma_wait3A_217] : memref<20480x128xf32, #tpu.memory_space<hbm>> -> memref<128x128xf32, #tpu.memory_space<hbm>>
    tpu.wait_dma2 semaphore(%arg19 : memref<!tpu.dma_semaphore, #tpu.memory_space<semaphore_mem>>) src(%arg14 : memref<128x128xf32, #tpu.memory_space<vmem>>) dst(%dma_wait3A_218 : memref<128x128xf32, #tpu.memory_space<hbm>>)
    %dma_wait3A_219 = arith.constant 0 : i32
    %dma_wait3A_220 = tpu.memref_slice %arg5[%add3A_183, %dma_wait3A_219] : memref<20480x128xf32, #tpu.memory_space<hbm>> -> memref<128x128xf32, #tpu.memory_space<hbm>>
    %dma_wait3A_221 = arith.constant 0 : i32
    %dma_wait3A_222 = tpu.memref_slice %arg5[%add3A_183, %dma_wait3A_221] : memref<20480x128xf32, #tpu.memory_space<hbm>> -> memref<128x128xf32, #tpu.memory_space<hbm>>
    tpu.wait_dma2 semaphore(%arg20 : memref<!tpu.dma_semaphore, #tpu.memory_space<semaphore_mem>>) src(%arg15 : memref<128x128xf32, #tpu.memory_space<vmem>>) dst(%dma_wait3A_222 : memref<128x128xf32, #tpu.memory_space<hbm>>)
    return
  }
}

module attributes {stable_mosaic.version = 14 : i64} {
  func.func @body(%arg0: i32, %arg1: memref<1000x128xf32, #tpu.memory_space<vmem>>, %arg2: memref<2x1000x128xf32, #tpu.memory_space<vmem>>, %arg3: memref<2x1000x1xf32, #tpu.memory_space<vmem>>, %arg4: memref<128x128xf32, #tpu.memory_space<vmem>>, %arg5: memref<128x128xf32, #tpu.memory_space<vmem>>, %arg6: memref<1x128xf32, #tpu.memory_space<vmem>>, %arg7: memref<1000x128xf32, #tpu.memory_space<vmem>>) attributes {dimension_semantics = [#tpu.dimension_semantics<arbitrary>], iteration_bounds = array<i64: 10>, scalar_prefetch = 0 : i64, scratch_operands = 0 : i64, tpu.core_type = #tpu.core_type<tc>, window_params = [{transform_indices = @transform_0, window_bounds = array<i64: 1000, 128>}, {transform_indices = @transform_1, window_bounds = array<i64: 2, 1000, 128>}, {transform_indices = @transform_2, window_bounds = array<i64: 2, 1000, 1>}, {pipeline_mode = #tpu.pipeline_mode<synchronous>, transform_indices = @transform_3, window_bounds = array<i64: 128, 128>}, {pipeline_mode = #tpu.pipeline_mode<synchronous>, transform_indices = @transform_4, window_bounds = array<i64: 128, 128>}, {pipeline_mode = #tpu.pipeline_mode<synchronous>, transform_indices = @transform_5, window_bounds = array<i64: 1, 128>}, {transform_indices = @transform_6, window_bounds = array<i64: 1000, 128>}]} {
    %get3A = arith.constant 0 : index
    %get3A_0 = arith.constant 0 : index
    %get3A_1 = arith.constant 0 : index
    %get3A_2 = vector.load %arg3[%get3A, %get3A_0, %get3A_1] : memref<2x1000x1xf32, #tpu.memory_space<vmem>>, vector<1x1000x1xf32>
    %get3A_3 = vector.shape_cast %get3A_2 : vector<1x1000x1xf32> to vector<1000x1xf32>
    %get3A_4 = arith.constant 1 : index
    %get3A_5 = arith.constant 0 : index
    %get3A_6 = arith.constant 0 : index
    %get3A_7 = vector.load %arg3[%get3A_4, %get3A_5, %get3A_6] : memref<2x1000x1xf32, #tpu.memory_space<vmem>>, vector<1x1000x1xf32>
    %get3A_8 = vector.shape_cast %get3A_7 : vector<1x1000x1xf32> to vector<1000x1xf32>
    %add3A = arith.addf %get3A_3, %get3A_8 : vector<1000x1xf32>
    %get3A_9 = arith.constant 0 : index
    %get3A_10 = arith.constant 0 : index
    %get3A_11 = arith.constant 0 : index
    %get3A_12 = vector.load %arg2[%get3A_9, %get3A_10, %get3A_11] : memref<2x1000x128xf32, #tpu.memory_space<vmem>>, vector<1x1000x128xf32>
    %get3A_13 = vector.shape_cast %get3A_12 : vector<1x1000x128xf32> to vector<1000x128xf32>
    %get3A_14 = arith.constant 1 : index
    %get3A_15 = arith.constant 0 : index
    %get3A_16 = arith.constant 0 : index
    %get3A_17 = vector.load %arg2[%get3A_14, %get3A_15, %get3A_16] : memref<2x1000x128xf32, #tpu.memory_space<vmem>>, vector<1x1000x128xf32>
    %get3A_18 = vector.shape_cast %get3A_17 : vector<1x1000x128xf32> to vector<1000x128xf32>
    %add3A_19 = arith.addf %get3A_13, %get3A_18 : vector<1000x128xf32>
    %max3A = arith.constant 1.000000e+00 : f32
    %max3A_20 = vector.broadcast %max3A : f32 to vector<1000x1xf32>
    %max3A_21 = arith.maximumf %add3A, %max3A_20 : vector<1000x1xf32>
    %div3A = vector.broadcast %max3A_21 : vector<1000x1xf32> to vector<1000x128xf32>
    %div3A_22 = arith.divf %add3A_19, %div3A : vector<1000x128xf32>
    %get3A_23 = arith.constant 0 : index
    %get3A_24 = arith.constant 0 : index
    %get3A_25 = vector.load %arg1[%get3A_23, %get3A_24] : memref<1000x128xf32, #tpu.memory_space<vmem>>, vector<1000x128xf32>
    %get3A_26 = arith.constant 0 : index
    %get3A_27 = arith.constant 0 : index
    %get3A_28 = vector.load %arg4[%get3A_26, %get3A_27] : memref<128x128xf32, #tpu.memory_space<vmem>>, vector<128x128xf32>
    %dot_general3A = arith.constant dense<0.000000e+00> : vector<1000x128xf32>
    %dot_general3A_29 = tpu.matmul %get3A_25, %get3A_28, %dot_general3A {dimension_numbers = #tpu.dot_dimension_numbers<[1], [0], [0], [1], [0, 0, 1, 1], [], []>, transpose_lhs_hint = false} : vector<1000x128xf32>, vector<128x128xf32>, vector<1000x128xf32> -> vector<1000x128xf32>
    %get3A_30 = arith.constant 0 : index
    %get3A_31 = arith.constant 0 : index
    %get3A_32 = vector.load %arg5[%get3A_30, %get3A_31] : memref<128x128xf32, #tpu.memory_space<vmem>>, vector<128x128xf32>
    %dot_general3A_33 = arith.constant dense<0.000000e+00> : vector<1000x128xf32>
    %dot_general3A_34 = tpu.matmul %div3A_22, %get3A_32, %dot_general3A_33 {dimension_numbers = #tpu.dot_dimension_numbers<[1], [0], [0], [1], [0, 0, 1, 1], [], []>, transpose_lhs_hint = false} : vector<1000x128xf32>, vector<128x128xf32>, vector<1000x128xf32> -> vector<1000x128xf32>
    %add3A_35 = arith.addf %dot_general3A_29, %dot_general3A_34 : vector<1000x128xf32>
    %get3A_36 = arith.constant 0 : index
    %get3A_37 = arith.constant 0 : index
    %get3A_38 = vector.load %arg6[%get3A_36, %get3A_37] : memref<1x128xf32, #tpu.memory_space<vmem>>, vector<1x128xf32>
    %add3A_39 = vector.broadcast %get3A_38 : vector<1x128xf32> to vector<1000x128xf32>
    %add3A_40 = arith.addf %add3A_35, %add3A_39 : vector<1000x128xf32>
    %max3A_41 = arith.constant 0.000000e+00 : f32
    %max3A_42 = vector.broadcast %max3A_41 : f32 to vector<1000x128xf32>
    %max3A_43 = arith.maximumf %add3A_40, %max3A_42 : vector<1000x128xf32>
    %swap3A = arith.constant 0 : index
    %swap3A_44 = arith.constant 0 : index
    %swap3A_45 = vector.load %arg7[%swap3A, %swap3A_44] : memref<1000x128xf32, #tpu.memory_space<vmem>>, vector<1000x128xf32>
    tpu.vector_store %arg7[%swap3A, %swap3A_44], %max3A_43 {strides = array<i32>} : memref<1000x128xf32, #tpu.memory_space<vmem>>, vector<1000x128xf32>,
    return
  }
  func.func @transform_0(%arg0: i32) -> (i32, i32) {
    %c0_i32 = arith.constant 0 : i32
    %c0_i32_0 = arith.constant 0 : i32
    return %arg0, %c0_i32 : i32, i32
  }
  func.func @transform_1(%arg0: i32) -> (i32, i32, i32) {
    %c0_i32 = arith.constant 0 : i32
    %c0_i32_0 = arith.constant 0 : i32
    %c0_i32_1 = arith.constant 0 : i32
    return %c0_i32, %arg0, %c0_i32_0 : i32, i32, i32
  }
  func.func @transform_2(%arg0: i32) -> (i32, i32, i32) {
    %c0_i32 = arith.constant 0 : i32
    %c0_i32_0 = arith.constant 0 : i32
    %c0_i32_1 = arith.constant 0 : i32
    return %c0_i32, %arg0, %c0_i32_0 : i32, i32, i32
  }
  func.func @transform_3(%arg0: i32) -> (i32, i32) {
    %c0_i32 = arith.constant 0 : i32
    %c0_i32_0 = arith.constant 0 : i32
    %c0_i32_1 = arith.constant 0 : i32
    return %c0_i32, %c0_i32_0 : i32, i32
  }
  func.func @transform_4(%arg0: i32) -> (i32, i32) {
    %c0_i32 = arith.constant 0 : i32
    %c0_i32_0 = arith.constant 0 : i32
    %c0_i32_1 = arith.constant 0 : i32
    return %c0_i32, %c0_i32_0 : i32, i32
  }
  func.func @transform_5(%arg0: i32) -> (i32, i32) {
    %c0_i32 = arith.constant 0 : i32
    %c0_i32_0 = arith.constant 0 : i32
    %c0_i32_1 = arith.constant 0 : i32
    return %c0_i32, %c0_i32_0 : i32, i32
  }
  func.func @transform_6(%arg0: i32) -> (i32, i32) {
    %c0_i32 = arith.constant 0 : i32
    %c0_i32_0 = arith.constant 0 : i32
    return %arg0, %c0_i32 : i32, i32
  }
}

module attributes {stable_mosaic.version = 14 : i64} {
  func.func @body(%arg0: i32, %arg1: memref<1000x128xf32, #tpu.memory_space<vmem>>, %arg2: memref<2x1000x128xf32, #tpu.memory_space<vmem>>, %arg3: memref<2x1000x1xf32, #tpu.memory_space<vmem>>, %arg4: memref<128x128xf32, #tpu.memory_space<vmem>>, %arg5: memref<128x128xf32, #tpu.memory_space<vmem>>, %arg6: memref<1x128xf32, #tpu.memory_space<vmem>>, %arg7: memref<1000x128xf32, #tpu.memory_space<vmem>>) attributes {dimension_semantics = [#tpu.dimension_semantics<arbitrary>], iteration_bounds = array<i64: 10>, scalar_prefetch = 0 : i64, scratch_operands = 0 : i64, tpu.core_type = #tpu.core_type<tc>, window_params = [{transform_indices = @transform_0, window_bounds = array<i64: 1000, 128>}, {transform_indices = @transform_1, window_bounds = array<i64: 2, 1000, 128>}, {transform_indices = @transform_2, window_bounds = array<i64: 2, 1000, 1>}, {pipeline_mode = #tpu.pipeline_mode<synchronous>, transform_indices = @transform_3, window_bounds = array<i64: 128, 128>}, {pipeline_mode = #tpu.pipeline_mode<synchronous>, transform_indices = @transform_4, window_bounds = array<i64: 128, 128>}, {pipeline_mode = #tpu.pipeline_mode<synchronous>, transform_indices = @transform_5, window_bounds = array<i64: 1, 128>}, {transform_indices = @transform_6, window_bounds = array<i64: 1000, 128>}]} {
    %get3A = arith.constant 0 : index
    %get3A_0 = arith.constant 0 : index
    %get3A_1 = arith.constant 0 : index
    %get3A_2 = vector.load %arg3[%get3A, %get3A_0, %get3A_1] : memref<2x1000x1xf32, #tpu.memory_space<vmem>>, vector<1x1000x1xf32>
    %get3A_3 = vector.shape_cast %get3A_2 : vector<1x1000x1xf32> to vector<1000x1xf32>
    %get3A_4 = arith.constant 1 : index
    %get3A_5 = arith.constant 0 : index
    %get3A_6 = arith.constant 0 : index
    %get3A_7 = vector.load %arg3[%get3A_4, %get3A_5, %get3A_6] : memref<2x1000x1xf32, #tpu.memory_space<vmem>>, vector<1x1000x1xf32>
    %get3A_8 = vector.shape_cast %get3A_7 : vector<1x1000x1xf32> to vector<1000x1xf32>
    %add3A = arith.addf %get3A_3, %get3A_8 : vector<1000x1xf32>
    %get3A_9 = arith.constant 0 : index
    %get3A_10 = arith.constant 0 : index
    %get3A_11 = arith.constant 0 : index
    %get3A_12 = vector.load %arg2[%get3A_9, %get3A_10, %get3A_11] : memref<2x1000x128xf32, #tpu.memory_space<vmem>>, vector<1x1000x128xf32>
    %get3A_13 = vector.shape_cast %get3A_12 : vector<1x1000x128xf32> to vector<1000x128xf32>
    %get3A_14 = arith.constant 1 : index
    %get3A_15 = arith.constant 0 : index
    %get3A_16 = arith.constant 0 : index
    %get3A_17 = vector.load %arg2[%get3A_14, %get3A_15, %get3A_16] : memref<2x1000x128xf32, #tpu.memory_space<vmem>>, vector<1x1000x128xf32>
    %get3A_18 = vector.shape_cast %get3A_17 : vector<1x1000x128xf32> to vector<1000x128xf32>
    %add3A_19 = arith.addf %get3A_13, %get3A_18 : vector<1000x128xf32>
    %max3A = arith.constant 1.000000e+00 : f32
    %max3A_20 = vector.broadcast %max3A : f32 to vector<1000x1xf32>
    %max3A_21 = arith.maximumf %add3A, %max3A_20 : vector<1000x1xf32>
    %div3A = vector.broadcast %max3A_21 : vector<1000x1xf32> to vector<1000x128xf32>
    %div3A_22 = arith.divf %add3A_19, %div3A : vector<1000x128xf32>
    %get3A_23 = arith.constant 0 : index
    %get3A_24 = arith.constant 0 : index
    %get3A_25 = vector.load %arg1[%get3A_23, %get3A_24] : memref<1000x128xf32, #tpu.memory_space<vmem>>, vector<1000x128xf32>
    %get3A_26 = arith.constant 0 : index
    %get3A_27 = arith.constant 0 : index
    %get3A_28 = vector.load %arg4[%get3A_26, %get3A_27] : memref<128x128xf32, #tpu.memory_space<vmem>>, vector<128x128xf32>
    %dot_general3A = arith.constant dense<0.000000e+00> : vector<1000x128xf32>
    %dot_general3A_29 = tpu.matmul %get3A_25, %get3A_28, %dot_general3A {dimension_numbers = #tpu.dot_dimension_numbers<[1], [0], [0], [1], [0, 0, 1, 1], [], []>, transpose_lhs_hint = false} : vector<1000x128xf32>, vector<128x128xf32>, vector<1000x128xf32> -> vector<1000x128xf32>
    %get3A_30 = arith.constant 0 : index
    %get3A_31 = arith.constant 0 : index
    %get3A_32 = vector.load %arg5[%get3A_30, %get3A_31] : memref<128x128xf32, #tpu.memory_space<vmem>>, vector<128x128xf32>
    %dot_general3A_33 = arith.constant dense<0.000000e+00> : vector<1000x128xf32>
    %dot_general3A_34 = tpu.matmul %div3A_22, %get3A_32, %dot_general3A_33 {dimension_numbers = #tpu.dot_dimension_numbers<[1], [0], [0], [1], [0, 0, 1, 1], [], []>, transpose_lhs_hint = false} : vector<1000x128xf32>, vector<128x128xf32>, vector<1000x128xf32> -> vector<1000x128xf32>
    %add3A_35 = arith.addf %dot_general3A_29, %dot_general3A_34 : vector<1000x128xf32>
    %get3A_36 = arith.constant 0 : index
    %get3A_37 = arith.constant 0 : index
    %get3A_38 = vector.load %arg6[%get3A_36, %get3A_37] : memref<1x128xf32, #tpu.memory_space<vmem>>, vector<1x128xf32>
    %add3A_39 = vector.broadcast %get3A_38 : vector<1x128xf32> to vector<1000x128xf32>
    %add3A_40 = arith.addf %add3A_35, %add3A_39 : vector<1000x128xf32>
    %swap3A = arith.constant 0 : index
    %swap3A_41 = arith.constant 0 : index
    %swap3A_42 = vector.load %arg7[%swap3A, %swap3A_41] : memref<1000x128xf32, #tpu.memory_space<vmem>>, vector<1000x128xf32>
    tpu.vector_store %arg7[%swap3A, %swap3A_41], %add3A_40 {strides = array<i32>} : memref<1000x128xf32, #tpu.memory_space<vmem>>, vector<1000x128xf32>,
    return
  }
  func.func @transform_0(%arg0: i32) -> (i32, i32) {
    %c0_i32 = arith.constant 0 : i32
    %c0_i32_0 = arith.constant 0 : i32
    return %arg0, %c0_i32 : i32, i32
  }
  func.func @transform_1(%arg0: i32) -> (i32, i32, i32) {
    %c0_i32 = arith.constant 0 : i32
    %c0_i32_0 = arith.constant 0 : i32
    %c0_i32_1 = arith.constant 0 : i32
    return %c0_i32, %arg0, %c0_i32_0 : i32, i32, i32
  }
  func.func @transform_2(%arg0: i32) -> (i32, i32, i32) {
    %c0_i32 = arith.constant 0 : i32
    %c0_i32_0 = arith.constant 0 : i32
    %c0_i32_1 = arith.constant 0 : i32
    return %c0_i32, %arg0, %c0_i32_0 : i32, i32, i32
  }
  func.func @transform_3(%arg0: i32) -> (i32, i32) {
    %c0_i32 = arith.constant 0 : i32
    %c0_i32_0 = arith.constant 0 : i32
    %c0_i32_1 = arith.constant 0 : i32
    return %c0_i32, %c0_i32_0 : i32, i32
  }
  func.func @transform_4(%arg0: i32) -> (i32, i32) {
    %c0_i32 = arith.constant 0 : i32
    %c0_i32_0 = arith.constant 0 : i32
    %c0_i32_1 = arith.constant 0 : i32
    return %c0_i32, %c0_i32_0 : i32, i32
  }
  func.func @transform_5(%arg0: i32) -> (i32, i32) {
    %c0_i32 = arith.constant 0 : i32
    %c0_i32_0 = arith.constant 0 : i32
    %c0_i32_1 = arith.constant 0 : i32
    return %c0_i32, %c0_i32_0 : i32, i32
  }
  func.func @transform_6(%arg0: i32) -> (i32, i32) {
    %c0_i32 = arith.constant 0 : i32
    %c0_i32_0 = arith.constant 0 : i32
    return %arg0, %c0_i32 : i32, i32
  }
}

module attributes {stable_mosaic.version = 14 : i64} {
  func.func @body(%arg0: i32, %arg1: memref<4096x128xf32, #tpu.memory_space<vmem>>, %arg2: memref<4096x128xf32, #tpu.memory_space<vmem>>, %arg3: memref<128x128xf32, #tpu.memory_space<vmem>>, %arg4: memref<1x128xf32, #tpu.memory_space<vmem>>, %arg5: memref<128x128xf32, #tpu.memory_space<vmem>>, %arg6: memref<1x128xf32, #tpu.memory_space<vmem>>, %arg7: memref<128x8xf32, #tpu.memory_space<vmem>>, %arg8: memref<1x8xf32, #tpu.memory_space<vmem>>, %arg9: memref<4096x8xf32, #tpu.memory_space<vmem>>) attributes {dimension_semantics = [#tpu.dimension_semantics<arbitrary>], iteration_bounds = array<i64: 8>, scalar_prefetch = 0 : i64, scratch_operands = 0 : i64, tpu.core_type = #tpu.core_type<tc>, window_params = [{transform_indices = @transform_0, window_bounds = array<i64: 4096, 128>}, {transform_indices = @transform_1, window_bounds = array<i64: 4096, 128>}, {pipeline_mode = #tpu.pipeline_mode<synchronous>, transform_indices = @transform_2, window_bounds = array<i64: 128, 128>}, {pipeline_mode = #tpu.pipeline_mode<synchronous>, transform_indices = @transform_3, window_bounds = array<i64: 1, 128>}, {pipeline_mode = #tpu.pipeline_mode<synchronous>, transform_indices = @transform_4, window_bounds = array<i64: 128, 128>}, {pipeline_mode = #tpu.pipeline_mode<synchronous>, transform_indices = @transform_5, window_bounds = array<i64: 1, 128>}, {pipeline_mode = #tpu.pipeline_mode<synchronous>, transform_indices = @transform_6, window_bounds = array<i64: 128, 8>}, {pipeline_mode = #tpu.pipeline_mode<synchronous>, transform_indices = @transform_7, window_bounds = array<i64: 1, 8>}, {transform_indices = @transform_8, window_bounds = array<i64: 4096, 8>}]} {
    %get3A = arith.constant 0 : index
    %get3A_0 = arith.constant 0 : index
    %get3A_1 = vector.load %arg1[%get3A, %get3A_0] : memref<4096x128xf32, #tpu.memory_space<vmem>>, vector<4096x128xf32>
    %get3A_2 = arith.constant 0 : index
    %get3A_3 = arith.constant 0 : index
    %get3A_4 = vector.load %arg2[%get3A_2, %get3A_3] : memref<4096x128xf32, #tpu.memory_space<vmem>>, vector<4096x128xf32>
    %mul3A = arith.mulf %get3A_1, %get3A_4 : vector<4096x128xf32>
    %get3A_5 = arith.constant 0 : index
    %get3A_6 = arith.constant 0 : index
    %get3A_7 = vector.load %arg3[%get3A_5, %get3A_6] : memref<128x128xf32, #tpu.memory_space<vmem>>, vector<128x128xf32>
    %dot_general3A = arith.constant dense<0.000000e+00> : vector<4096x128xf32>
    %dot_general3A_8 = tpu.matmul %mul3A, %get3A_7, %dot_general3A {dimension_numbers = #tpu.dot_dimension_numbers<[1], [0], [0], [1], [0, 0, 1, 1], [], []>, transpose_lhs_hint = false} : vector<4096x128xf32>, vector<128x128xf32>, vector<4096x128xf32> -> vector<4096x128xf32>
    %get3A_9 = arith.constant 0 : index
    %get3A_10 = arith.constant 0 : index
    %get3A_11 = vector.load %arg4[%get3A_9, %get3A_10] : memref<1x128xf32, #tpu.memory_space<vmem>>, vector<1x128xf32>
    %add3A = vector.broadcast %get3A_11 : vector<1x128xf32> to vector<4096x128xf32>
    %add3A_12 = arith.addf %dot_general3A_8, %add3A : vector<4096x128xf32>
    %max3A = arith.constant 0.000000e+00 : f32
    %max3A_13 = vector.broadcast %max3A : f32 to vector<4096x128xf32>
    %max3A_14 = arith.maximumf %add3A_12, %max3A_13 : vector<4096x128xf32>
    %get3A_15 = arith.constant 0 : index
    %get3A_16 = arith.constant 0 : index
    %get3A_17 = vector.load %arg5[%get3A_15, %get3A_16] : memref<128x128xf32, #tpu.memory_space<vmem>>, vector<128x128xf32>
    %dot_general3A_18 = arith.constant dense<0.000000e+00> : vector<4096x128xf32>
    %dot_general3A_19 = tpu.matmul %max3A_14, %get3A_17, %dot_general3A_18 {dimension_numbers = #tpu.dot_dimension_numbers<[1], [0], [0], [1], [0, 0, 1, 1], [], []>, transpose_lhs_hint = false} : vector<4096x128xf32>, vector<128x128xf32>, vector<4096x128xf32> -> vector<4096x128xf32>
    %get3A_20 = arith.constant 0 : index
    %get3A_21 = arith.constant 0 : index
    %get3A_22 = vector.load %arg6[%get3A_20, %get3A_21] : memref<1x128xf32, #tpu.memory_space<vmem>>, vector<1x128xf32>
    %add3A_23 = vector.broadcast %get3A_22 : vector<1x128xf32> to vector<4096x128xf32>
    %add3A_24 = arith.addf %dot_general3A_19, %add3A_23 : vector<4096x128xf32>
    %max3A_25 = arith.constant 0.000000e+00 : f32
    %max3A_26 = vector.broadcast %max3A_25 : f32 to vector<4096x128xf32>
    %max3A_27 = arith.maximumf %add3A_24, %max3A_26 : vector<4096x128xf32>
    %get3A_28 = arith.constant 0 : index
    %get3A_29 = arith.constant 0 : index
    %get3A_30 = vector.load %arg7[%get3A_28, %get3A_29] : memref<128x8xf32, #tpu.memory_space<vmem>>, vector<128x8xf32>
    %dot_general3A_31 = arith.constant dense<0.000000e+00> : vector<4096x8xf32>
    %dot_general3A_32 = tpu.matmul %max3A_27, %get3A_30, %dot_general3A_31 {dimension_numbers = #tpu.dot_dimension_numbers<[1], [0], [0], [1], [0, 0, 1, 1], [], []>, transpose_lhs_hint = false} : vector<4096x128xf32>, vector<128x8xf32>, vector<4096x8xf32> -> vector<4096x8xf32>
    %get3A_33 = arith.constant 0 : index
    %get3A_34 = arith.constant 0 : index
    %get3A_35 = vector.load %arg8[%get3A_33, %get3A_34] : memref<1x8xf32, #tpu.memory_space<vmem>>, vector<1x8xf32>
    %add3A_36 = vector.broadcast %get3A_35 : vector<1x8xf32> to vector<4096x8xf32>
    %add3A_37 = arith.addf %dot_general3A_32, %add3A_36 : vector<4096x8xf32>
    %swap3A = arith.constant 0 : index
    %swap3A_38 = arith.constant 0 : index
    %swap3A_39 = vector.load %arg9[%swap3A, %swap3A_38] : memref<4096x8xf32, #tpu.memory_space<vmem>>, vector<4096x8xf32>
    tpu.vector_store %arg9[%swap3A, %swap3A_38], %add3A_37 {strides = array<i32>} : memref<4096x8xf32, #tpu.memory_space<vmem>>, vector<4096x8xf32>,
    return
  }
  func.func @transform_0(%arg0: i32) -> (i32, i32) {
    %c0_i32 = arith.constant 0 : i32
    %c0_i32_0 = arith.constant 0 : i32
    return %arg0, %c0_i32 : i32, i32
  }
  func.func @transform_1(%arg0: i32) -> (i32, i32) {
    %c0_i32 = arith.constant 0 : i32
    %c0_i32_0 = arith.constant 0 : i32
    return %arg0, %c0_i32 : i32, i32
  }
  func.func @transform_2(%arg0: i32) -> (i32, i32) {
    %c0_i32 = arith.constant 0 : i32
    %c0_i32_0 = arith.constant 0 : i32
    %c0_i32_1 = arith.constant 0 : i32
    return %c0_i32, %c0_i32_0 : i32, i32
  }
  func.func @transform_3(%arg0: i32) -> (i32, i32) {
    %c0_i32 = arith.constant 0 : i32
    %c0_i32_0 = arith.constant 0 : i32
    %c0_i32_1 = arith.constant 0 : i32
    return %c0_i32, %c0_i32_0 : i32, i32
  }
  func.func @transform_4(%arg0: i32) -> (i32, i32) {
    %c0_i32 = arith.constant 0 : i32
    %c0_i32_0 = arith.constant 0 : i32
    %c0_i32_1 = arith.constant 0 : i32
    return %c0_i32, %c0_i32_0 : i32, i32
  }
  func.func @transform_5(%arg0: i32) -> (i32, i32) {
    %c0_i32 = arith.constant 0 : i32
    %c0_i32_0 = arith.constant 0 : i32
    %c0_i32_1 = arith.constant 0 : i32
    return %c0_i32, %c0_i32_0 : i32, i32
  }
  func.func @transform_6(%arg0: i32) -> (i32, i32) {
    %c0_i32 = arith.constant 0 : i32
    %c0_i32_0 = arith.constant 0 : i32
    %c0_i32_1 = arith.constant 0 : i32
    return %c0_i32, %c0_i32_0 : i32, i32
  }
  func.func @transform_7(%arg0: i32) -> (i32, i32) {
    %c0_i32 = arith.constant 0 : i32
    %c0_i32_0 = arith.constant 0 : i32
    %c0_i32_1 = arith.constant 0 : i32
    return %c0_i32, %c0_i32_0 : i32, i32
  }
  func.func @transform_8(%arg0: i32) -> (i32, i32) {
    %c0_i32 = arith.constant 0 : i32
    %c0_i32_0 = arith.constant 0 : i32
    return %arg0, %c0_i32 : i32, i32
  }
}

</mosaic_0001>

<sc_bundles>
// kernel: kernel.10.cloned.1.call-start
scs
__scs_entry_jumppad:
0x0: {  	(pc) =	sbr.rel $0x88, $3  }
0x1: {  	(tag) =	ssettag $0x0;
	lr =	simm.s32 $0x1  }
0x2: {  	[smem:$0x3F8E] =	sst lr;
	_ =	strace $0xD0000000  }
0x3: {  	_ = 	snop  }
0x4: {  	_ = 	snop  }
0x5: {  	_ = 	snop  }
0x6: {  	_ = 	snop  }
0x7: {  	_ = 	snop  }
__scs_overlays_trampoline_lowered:
0x8: {  	[smem:$0x3F9D] =	sst s0  }
0x9: {  	[smem:$0x3F9E] =	sst s1  }
0xa: {  	[smem:$0x3F9F] =	sst s2  }
0xb: {  	[smem:$0x3FA0] =	sst s3  }
0xc: {  	[smem:$0x3FA1] =	sst s4  }
0xd: {  	[smem:$0x3FA2] =	sst s5  }
0xe: {  	[smem:$0x3FA3] =	sst s6  }
0xf: {  	[smem:$0x3FA4] =	sst s7  }
0x10: {  	[smem:$0x3FA5] =	sst s8  }
0x11: {  	[smem:$0x3FA6] =	sst s9;
	s0 =	simm.s32 @!p0 $0x0  }
0x12: {  	s1 =	sld [smem:$0x3F8C];
	s0 =	simm.s32 @p0 $0x1  }
0x13: {  	[smem:$0x3FA7] =	sst s0;
	s0 =	simm.s32 @!p1 $0x0  }
0x14: {  	s2 =	sld [smem:$0x3F8B];
	s0 =	simm.s32 @p1 $0x1  }
0x15: {  	[smem:$0x3FA8] =	sst s0;
	s0 =	simm.s32 @!p2 $0x0  }
0x16: {  	s3 =	sld [smem:$0x3FDB];
	s0 =	simm.s32 @p2 $0x1  }
0x17: {  	s4 =	simm.s32 $0x1BF5;
	[smem:$0x3FAA] =	sst s0  }
0x18: {  	s0 =	sld [smem:$0x3F8D];
	_ =	swait.ge [sflag:s4], $0x0  }
0x19: {  	s7 =	sld [smem:$0x3F8E]  }
0x1a: {  	s8 =	sadd.s32 $0xFFFFE003, lr  }
0x1b: {  	s9 =	sadd.s32 $0xFFFFFEF7, lr;
	s5 =	simm.s32 $0xFFFFFFFF;
	p2 =	slt.u32 s8, $0xFFFFF086  }
0x1c: {  	p1 =	slt.u32 s9, $0xF7A;
	s5 =	simm.s32 @!p2 $0x0  }
0x1d: {  	s5 =	simm.s32 @p1 $0x1;
	p0 =	seq.s32 s7, s2  }
0x1e: {  	s7 =	smul.u32 @!p0 $0xF7A, s2;
	p2 =	seq.s32 @!p0 s5, $0x0  }
0x1f: {  	s9 =	smul.u32 $0xF7A, s1;
	s8 =	simm.s32 @!p0 $0x1BF5;
	p2 =	por !p2, p0  }
0x20: {  	[sflag:s8] =	ssyncset.s32 @!p0 $0xFFFFF086;
	s6 =	sadd.s32 @!p0 s3, s7;
	s7 =	simm.s32 @!p0 $0x108  }
0x21: {  	s3 =	sadd.s32 s3, s9;
	s6 =	sadd.s32 @!p0 $0x88, s6;
	s7 =	simm.s32 @p2 $0x1082  }
0x22: {  	[simem:s7], [sflag:s8] =	dma.local @!p0 [hbm:s6], $0xF7A  }
0x23: {  	s9 =	sor.u32 $0xD0000000, s2;
	s6 =	simm.s32 $0x108;
	_ =	swait.ge @!p0 [sflag:s8], $0x0  }
0x24: {  	s3 =	sadd.s32 $0x88, s3;
	s6 =	simm.s32 @!p1 $0x1082;
	[sflag:s4] =	ssyncset.s32 $0xFFFFF086  }
0x25: {  	[simem:s6], [sflag:s4] =	dma.local [hbm:s3], $0xF7A  }
0x26: {  	[smem:$0x3F8E] =	sst s1;
	(tag) =	ssettag s2;
	_ =	strace s9  }
0x27: {  	s1 =	sld [smem:$0x3F9E]  }
0x28: {  	s2 =	sld [smem:$0x3F9F]  }
0x29: {  	s4 =	sld [smem:$0x3FA1]  }
0x2a: {  	p0 =	seq.s32 s5, $0x0;
	s5 =	sld [smem:$0x3FA2]  }
0x2b: {  	s6 =	sld [smem:$0x3FA3]  }
0x2c: {  	s7 =	sld [smem:$0x3FA4]  }
0x2d: {  	s3 =	simm.s32 $0x108;
	s8 =	sld [smem:$0x3FA5]  }
0x2e: {  	s3 =	simm.s32 @!p0 $0x1082;
	s9 =	sld [smem:$0x3FA6]  }
0x2f: {  	lr =	sadd.s32 s0, s3;
	s0 =	sld [smem:$0x3F9D]  }
0x30: {  	s3 =	sld [smem:$0x3FA0]  }
0x31: {  	[smem:$0x3FA9] =	sst s10  }
0x32: {  	s10 =	sld [smem:$0x3FA7];
	_ =	sdelay $0x3  }
0x33: {  	p0 =	seq.s32 s10, $0x1;
	s10 =	sld [smem:$0x3FA9];
	_ =	sdelay $0x3  }
0x34: {  	[smem:$0x3FA9] =	sst s10  }
0x35: {  	s10 =	sld [smem:$0x3FA8];
	_ =	sdelay $0x3  }
0x36: {  	p1 =	seq.s32 s10, $0x1;
	s10 =	sld [smem:$0x3FA9];
	_ =	sdelay $0x3  }
0x37: {  	[smem:$0x3FA9] =	sst s10  }
0x38: {  	s10 =	sld [smem:$0x3FAA]  }
0x39: {  	_ = 	snop;
	(pc) =	sbr.ind lr, $3  }
0x3a: {  	_ = 	snop  }
0x3b: {  	_ = 	snop  }
0x3c: {  	p2 =	seq.s32 s10, $0x1;
	s10 =	sld [smem:$0x3FA9]  }
0x3d: {  	_ =	shalt  }
0x3e: {  	_ =	shalt  }
0x3f: {  	_ =	shalt  }
0x40: {  	_ =	shalt  }
0x41: {  	_ =	shalt  }
0x42: {  	_ =	shalt  }
0x43: {  	_ =	shalt  }
0x44: {  	_ =	shalt  }
0x45: {  	_ =	shalt  }
0x46: {  	_ =	shalt  }
0x47: {  	_ =	shalt  }
0x48: {  	_ =	shalt  }
0x49: {  	_ =	shalt  }
0x4a: {  	_ =	shalt  }
0x4b: {  	_ =	shalt  }
0x4c: {  	_ =	shalt  }
0x4d: {  	_ =	shalt  }
0x4e: {  	_ =	shalt  }
0x4f: {  	_ =	shalt  }
0x50: {  	_ =	shalt  }
0x51: {  	_ =	shalt  }
0x52: {  	_ =	shalt  }
0x53: {  	_ =	shalt  }
0x54: {  	_ =	shalt  }
0x55: {  	_ =	shalt  }
0x56: {  	_ =	shalt  }
0x57: {  	_ =	shalt  }
0x58: {  	_ =	shalt  }
0x59: {  	_ =	shalt  }
0x5a: {  	_ =	shalt  }
0x5b: {  	_ =	shalt  }
0x5c: {  	_ =	shalt  }
0x5d: {  	_ =	shalt  }
0x5e: {  	_ =	shalt  }
0x5f: {  	_ =	shalt  }
0x60: {  	_ =	shalt  }
0x61: {  	_ =	shalt  }
0x62: {  	_ =	shalt  }
0x63: {  	_ =	shalt  }
0x64: {  	_ =	shalt  }
0x65: {  	_ =	shalt  }
0x66: {  	_ =	shalt  }
0x67: {  	_ =	shalt  }
0x68: {  	_ =	shalt  }
0x69: {  	_ =	shalt  }
0x6a: {  	_ =	shalt  }
0x6b: {  	_ =	shalt  }
0x6c: {  	_ =	shalt  }
0x6d: {  	_ =	shalt  }
0x6e: {  	_ =	shalt  }
0x6f: {  	_ =	shalt  }
0x70: {  	_ =	shalt  }
0x71: {  	_ =	shalt  }
0x72: {  	_ =	shalt  }
0x73: {  	_ =	shalt  }
0x74: {  	_ =	shalt  }
0x75: {  	_ =	shalt  }
0x76: {  	_ =	shalt  }
0x77: {  	_ =	shalt  }
0x78: {  	_ =	shalt  }
0x79: {  	_ =	shalt  }
0x7a: {  	_ =	shalt  }
0x7b: {  	_ =	shalt  }
0x7c: {  	_ =	shalt  }
0x7d: {  	_ =	shalt  }
0x7e: {  	_ =	shalt  }
0x7f: {  	_ =	shalt  }
0x80: {  	_ =	shalt  }
0x81: {  	_ =	shalt  }
0x82: {  	_ =	shalt  }
0x83: {  	_ =	shalt  }
0x84: {  	_ =	shalt  }
0x85: {  	_ =	shalt  }
0x86: {  	_ =	shalt  }
0x87: {  	_ =	shalt  }
.Lfunc_end0:
.L_simem_size_0:
called_computation_lowered:
.L_overlay_start_0:
0x88: {  	s2 =	sld [smem:$0x3FD9]  }
0x89: {  	s3 =	sld [smem:$0x3FFE];
	_ =	sdelay $0x1  }
0x8a: {  	s1 =	srdreg.scid  }
0x8b: {  	s0 =	sand.u32 $0x1, s1  }
0x8c: {  	s17 =	sshll.u32 s0, $0xA;
	s2 =	sadd.s32 s3, s2  }
0x8d: {  	s2 =	sadd.s32 s2, s17  }
0x8e: {  	[smem:$0x3FB5] =	sst s2  }
0x8f: {  	_ = 	snop  }
0x90: {  	s2 =	sld [smem:$0x3FC9];
	(tm) =	ssettm $0x1  }
0x91: {  	s18 =	sld [smem:$0x3FFB];
	_ =	sdelay $0x3  }
0x92: {  	_ =	strace s18  }
0x93: {  	s3 =	sld [smem:$0x3FFC];
	_ =	sdelay $0x3  }
0x94: {  	_ =	strace s3  }
0x95: {  	s3 =	sld [smem:$0x3FFD];
	_ =	sdelay $0x3  }
0x96: {  	_ =	strace s3  }
0x97: {  	_ =	strace $0x8FFFFFFF  }
0x98: {  	s19 =	sld [smem:$0x3FDB];
	_ =	sdelay $0x1  }
0x99: {  	s4 =	simm.s32 $_scs_section_size  }
0x9a: {  	s5 =	simm.s32 $_size__tile_overlayer_lowered;
	s6 =	simm.s32 $_tile_overlayer_lowered  }
0x9b: {  	s22 =	simm.s32 $0x1BFF;
	s21 =	sshll.u32 s6, $0x1;
	s3 =	sadd.s32 s4, s19  }
0x9c: {  	s7 =	simm.s32 $0x0;
	s20 =	sshll.u32 s5, $0x1;
	s5 =	sadd.s32 s21, s3  }
0x9d: {  	[timem:s7], [sflag:s22] =	dma.local [hbm:s5], s20  }
0x9e: {  	_ =	swait.ge [sflag:s22], s20  }
0x9f: {  	s4 =	ssub.s32 $0x0, s20;
	[sflag:s22] =	ssyncset.done $0x0  }
0xa0: {  	[sflag:s22] =	ssyncadd.s32 s4;
	_ =	sdelay $0x1  }
0xa1: {  	s23 =	simm.s32 $0x1B8B  }
0xa2: {  	_ =	swait.ge [sflag:s23], $0x1  }
0xa3: {  	[sflag:s23] =	ssyncset.done $0x0  }
0xa4: {  	s25 =	simm.s32 $0x1B8E;
	s24 =	sld [smem:$0x3FFE];
	[sflag:s23] =	ssyncadd.s32 $0xFFFFFFFF  }
0xa5: {  	s26 =	simm.s32 $execute0_lowered;
	[smem:$0x3FD2] =	sst s25  }
0xa6: {  	s5 =	sshll.u32 s26, $0x1;
	_ =	strace $0x80000046;
	[dreg:$0x1] =	wrdreg $0xFFFFFFFF  }
0xa7: {  	s28 =	simm.s32 $_size_execute0_lowered;
	s3 =	sadd.s32 s3, s5;
	[dreg:$0x0] =	wrdreg $0x0  }
0xa8: {  	s5 =	sshll.u32 s28, $0x1;
	[dreg:$0x2] =	wrdreg s3  }
0xa9: {  	[dreg:$0x3] =	wrdreg s5  }
0xaa: {  	[dreg:$0x4] =	wrdreg $0xC0  }
0xab: {  	_ =	task [dreg:s7], $0x5FFFF  }
0xac: {  	[dreg:$0x1] =	wrdreg $0xFFFFFFFF  }
0xad: {  	[dreg:$0x0] =	wrdreg $0x60  }
0xae: {  	[dreg:$0x2] =	wrdreg s2  }
0xaf: {  	[dreg:$0x3] =	wrdreg s24  }
0xb0: {  	[dreg:$0x4] =	wrdreg $0x84800  }
0xb1: {  	[dreg:$0x5] =	wrdreg $0x1C4800  }
0xb2: {  	[dreg:$0x6] =	wrdreg $0x9  }
0xb3: {  	_ =	task.clear_ibuf [dreg:s7], $0x7FFFF;
	_ =	strace $0x90000046  }
0xb4: {  	s29 =	simm.s32 $0x9;
	_ =	strace $0x80000048  }
0xb5: {  	_ =	swait.ge [sflag:s29], $0x1  }
0xb6: {  	[sflag:s29] =	ssyncadd.s32 $0xFFFFFFFF  }
0xb7: {  	_ =	strace $0x90000048  }
0xb8: {  	_ =	sfence  }
0xb9: {  	s30 =	sld [smem:$0x0];
	_ =	sdelay $0x2  }
0xba: {  	s31 =	sshll.u32 s1, $0xD;
	s1 =	sshrl.u32 s1, $0x2  }
0xbb: {  	s3 =	sand.u32 $0x4000, s31;
	s1 =	sadd.s32 s1, s30  }
0xbc: {  	s0 =	sor.u32 s3, s0;
	s1 =	sshll.u32 s1, $0x11  }
0xbd: {  	s0 =	sor.u32 s1, s0  }
0xbe: {  	s0 =	sadd.s32 $0x8F2B, s0  }
0xbf: {  	[sflag:s0] =	ssyncadd.remote.s32 $0x1  }
0xc0: {  	_ =	sfence.sel $0xFFFF  }
0xc1: {  	[dreg:$0x0] =	wrdreg $0xFFFFFFFF;
	(pc) =	sbr.abs _section_cstart, $3  }
0xc2: {  	[dreg:$0x1] =	wrdreg $0xFFFFFFFF  }
0xc3: {  	_ =	task.clear_ibuf [dreg:s7], $0x2FFFF;
	_ =	strace $0x9FFFFFFF  }
0xc4: {  	(tm) =	ssettm $0x7FFFFFFF  }
0xc5: {  	_ =	shalt  }
tec
execute0_lowered:
.L_overlay_start_1:
0x0: {  	(tag) =	ssettag $0x1  }
0x1: {  	s0 =	srdreg.scid;
	s1 =	rddreg [dreg:$0x0]  }
0x2: {  	s20 =	stileid.u32;
	s5 =	rddreg [dreg:$0x1]  }
0x3: {  	s2 =	rddreg [dreg:$0x2];
	s3 =	simm.s32 $0x0;
	s30 =	simm.s32 $0x300  }
0x4: {  	s31 =	simm.s32 $0x380;
	s0 =	sand.u32 $0x1, s0;
	s4 =	smul.u32 $0x280, s20  }
0x5: {  	[smem:$0x7FF] =	sst s3;
	s8 =	sadd.s32 $0xEA00, s5;
	s11 =	sadd.s32 $0x4C00, s5  }
0x6: {  	s14 =	sshll.u32 s20, $0x5;
	s6 =	smul.u32 $0x2800, s0;
	s10 =	ssub.s32 $0x2, s0  }
0x7: {  	s0 =	sshll.u32 s0, $0x4;
	s24 =	sadd.s32 s14, s11;
	s12 =	sshrl.u32 s10, $0x1  }
0x8: {  	s13 =	sadd.s32 $0x100, s4;
	s15 =	sadd.s32 $0x180, s4;
	s19 =	sadd.s32 $0x200, s4  }
0x9: {  	s16 =	sor.u32 s0, s14;
	s7 =	sadd.s32 s4, s6;
	s10 =	ssub.s32 s10, s12  }
0xa: {  	s12 =	sadd.s32 $0x80, s4;
	s17 =	sadd.s32 s8, s16;
	s25 =	sadd.s32 s11, s16  }
0xb: {  	s26 =	sor.u32 $0x200, s16;
	s16 =	sor.u32 $0x9C00, s16;
	[dreg:$0x5] =	wrdreg s17  }
0xc: {  	s9 =	sshll.u32 s7, $0x4;
	[dreg:$0x6] =	wrdreg s25;
	s18 =	sadd.s32 s8, s26  }
0xd: {  	s17 =	sadd.s32 s11, s26;
	s28 =	sadd.s32 s6, s12;
	s7 =	sshrl.u32 s7, $0x3  }
0xe: {  	s22 =	sadd.s32 s8, s16;
	s23 =	sadd.s32 s11, s16;
	s25 =	smul.u32 $0x50000, s20  }
0xf: {  	s26 =	sadd.s32 s14, s8;
	s16 =	sadd.s32 s0, s24;
	[dreg:$0x7] =	wrdreg s18  }
0x10: {  	s9 =	sadd.s32 s9, s5;
	s5 =	sadd.s32 $0x18800, s5;
	[dreg:$0x8] =	wrdreg s17  }
0x11: {  	s17 =	sshrl.u32 s28, $0x3;
	s18 =	sadd.s32 s6, s15;
	[dreg:$0xe] =	wrdreg s22  }
0x12: {  	[dreg:$0xf] =	wrdreg s23;
	s7 =	sadd.s32 s5, s7;
	s29 =	sadd.s32 s5, s17  }
0x13: {  	s17 =	sadd.s32 s6, s13;
	s6 =	sadd.s32 s6, s19;
	[dreg:$0x9] =	wrdreg s7  }
0x14: {  	s21 =	sshrl.u32 s18, $0x3;
	[dreg:$0xa] =	wrdreg s29;
	s7 =	sshrl.u32 s17, $0x3  }
0x15: {  	s18 =	sadd.s32 s0, s26;
	s17 =	rddreg [dreg:$0x3];
	s7 =	sadd.s32 s5, s7  }
0x16: {  	s6 =	sshrl.u32 s6, $0x3;
	[dreg:$0xb] =	wrdreg s7;
	s7 =	sadd.s32 s5, s21  }
0x17: {  	s28 =	sshrl.u32 s25, $0x2;
	s5 =	sadd.s32 s5, s6;
	[dreg:$0xc] =	wrdreg s7  }
0x18: {  	s0 =	sadd.s32 s28, s2;
	s6 =	sshll.u32 s15, $0x7;
	[dreg:$0xd] =	wrdreg s5  }
0x19: {  	s7 =	sadd.s32 s6, s2;
	_ =	strace $0x80000047;
	[dreg:$0x10] =	wrdreg s0  }
0x1a: {  	p0 =	sgt.u32 s20, $0x1;
	s11 =	sadd.s32 s4, s17;
	[dreg:$0x13] =	wrdreg s7  }
0x1b: {  	s29 =	sshll.u32 s12, $0x7;
	s12 =	sadd.s32 s12, s17;
	[dreg:$0x15] =	wrdreg s11  }
0x1c: {  	s8 =	sshll.u32 s19, $0x7;
	s14 =	sadd.s32 s13, s17;
	[dreg:$0x16] =	wrdreg s12  }
0x1d: {  	s20 =	simm.s32 $0x0;
	s21 =	sadd.s32 s15, s17;
	[dreg:$0x17] =	wrdreg s14  }
0x1e: {  	s23 =	sadd.s32 $0x19200, s9;
	s22 =	sadd.s32 s19, s17;
	[dreg:$0x18] =	wrdreg s21  }
0x1f: {  	s24 =	sadd.s32 $0x19A00, s9;
	s25 =	sadd.s32 $0x1A200, s9;
	[dreg:$0x19] =	wrdreg s22  }
0x20: {  	s26 =	sadd.s32 $0x1AA00, s9;
	s28 =	sadd.s32 $0x1B200, s9;
	[dreg:$0x1a] =	wrdreg s23  }
0x21: {  	s9 =	simm.s32 $0x2;
	s4 =	simm.s32 $0x6;
	[dreg:$0x1b] =	wrdreg s24  }
0x22: {  	s15 =	simm.s32 $0x4;
	s5 =	sshll.u32 s13, $0x7;
	[dreg:$0x1c] =	wrdreg s25  }
0x23: {  	s6 =	simm.s32 $0x400;
	s13 =	simm.s32 $0x180;
	[dreg:$0x1d] =	wrdreg s26  }
0x24: {  	s0 =	sadd.s32 s29, s2;
	[dreg:$0x1e] =	wrdreg s28;
	s29 =	smax.u32 s10, $0x1  }
.Ltmp0:
0x25: {  	s7 =	simm.s32 $0x8400;
	s10 =	simm.s32 $0x9;
	(pc) =	sbr.rel .LBB2_1-.Ltmp0, $4  }
0x26: {  	s11 =	simm.s32 $0x100;
	s12 =	simm.s32 $0x80;
	[dreg:$0x11] =	wrdreg s0  }
0x27: {  	s14 =	simm.s32 $0x4400;
	s0 =	sadd.s32 s5, s2;
	[dreg:$0x1f] =	wrdreg s29  }
0x28: {  	s5 =	simm.s32 $0x3;
	[dreg:$0x12] =	wrdreg s0;
	s0 =	sadd.s32 s8, s2  }
0x29: {  	v0 =	vimm.f32 $0.0e+00;
	v1 =	vimm.f32 $1.000000000e+00;
	s8 =	simm.s32 $0x1;
	[dreg:$0x14] =	wrdreg s0;
	s0 =	simm.s32 $0x8  }
.LBB2_10:
0x2a: {  	s19 =	simm.s32 @!p0 $0x0;
	s21 =	rddreg [dreg:$0xe]  }
0x2b: {  	[tilespmem:s19], [sflag:$0x9] =	stream.linear.gather @!p0 [hbm4b:s21+s19], $0x80, $0x38;
	[tilespmem:$0x1C700] =	vst v63  }
0x2c: {  	s21 =	simm.s32 @!p0 $0x9  }
0x2d: {  	_ =	swait.ge @!p0 [sflag:s21], $0x80  }
0x2e: {  	[sflag:s21] =	ssyncset.done @!p0 $0x0  }
0x2f: {  	s22 =	simm.s32 @!p0 $0x100;
	s23 =	rddreg [dreg:$0xf];
	[sflag:s21] =	ssyncadd.s32 @!p0 $0xFFFFFF80  }
0x30: {  	[tilespmem:s22], [sflag:$0x9] =	stream.linear.gather @!p0 [hbm4b:s23+s19], $0x80, $0x38;
	[tilespmem:$0x1C700] =	vst v63  }
0x31: {  	_ =	swait.ge @!p0 [sflag:s21], $0x80  }
0x32: {  	[sflag:s21] =	ssyncset.done @!p0 $0x0  }
0x33: {  	s24 =	simm.s32 @!p0 $0x400;
	s23 =	simm.s32 @!p0 $0x80;
	[sflag:s21] =	ssyncadd.s32 @!p0 $0xFFFFFF80  }
0x34: {  	[tilespmem:s24], [sflag:$0x1] =	stream.indirect.gather @!p0 [hbm4b:s1+s23], $0x80, s19, s23, $0xb8;
	[tilespmem:$0x1C700] =	vst v63  }
0x35: {  	s19 =	simm.s32 @!p0 $0x1  }
0x36: {  	_ =	swait.ge @!p0 [sflag:s19], $0x4000  }
0x37: {  	[sflag:s19] =	ssyncset.done @!p0 $0x0  }
0x38: {  	[sflag:s19] =	ssyncadd.s32 @!p0 $0xFFFFC000  }
0x39: {  	[spmem:s2] =	stream.indirect.scatter.add.f32 @!p0 [tilespmem:s24], [sflag:$0x9], $0x80, s22, s23, $0xb8;
	[tilespmem:$0x1C700] =	vst v63  }
0x3a: {  	_ =	swait.ge @!p0 [sflag:s21], $0x4000  }
0x3b: {  	[sflag:s21] =	ssyncset.done @!p0 $0x0  }
0x3c: {  	s19 =	simm.s32 @!p0 $0x8400;
	[sflag:s21] =	ssyncadd.s32 @!p0 $0xFFFFC000  }
0x3d: {  	[spmem:s17] =	stream.indirect.scatter.add.f32 @!p0 [tilespmem:s19], [sflag:$0x9], $0x1, s22, s23, $0xb8;
	[tilespmem:$0x1C700] =	vst v63  }
0x3e: {  	_ =	swait.ge @!p0 [sflag:s21], $0x80  }
0x3f: {  	[sflag:s21] =	ssyncset.done @!p0 $0x0  }
0x40: {  	[sflag:s21] =	ssyncadd.s32 @!p0 $0xFFFFFF80  }
0x41: {  	[bflag:$0x0] =	sbarrier.arrive $0xFFFF  }
0x42: {  	s24 =	rddreg [dreg:$0x10]  }
0x43: {  	[tilespmem:s6], [sflag:$0x1] =	stream.linear.gather [spmem:s24], $0x4000, $0x38;
	[tilespmem:$0x1C700] =	vst v63  }
0x44: {  	_ =	swait.ge [sflag:s8], $0x4000  }
0x45: {  	[sflag:s8] =	ssyncset.done $0x0  }
0x46: {  	s25 =	rddreg [dreg:$0x1a];
	[sflag:s8] =	ssyncadd.s32 $0xFFFFC000  }
0x47: {  	[hbm4b:s25+s3] =	stream.linear.scatter [tilespmem:s6], [sflag:$0x3], $0x4000, $0x38;
	[tilespmem:$0x1C700] =	vst v63  }
0x48: {  	s26 =	rddreg [dreg:$0x11]  }
0x49: {  	[tilespmem:s14], [sflag:$0x2] =	stream.linear.gather [spmem:s26], $0x4000, $0x38;
	[tilespmem:$0x1C700] =	vst v63  }
0x4a: {  	_ =	swait.ge [sflag:s9], $0x4000  }
0x4b: {  	[sflag:s9] =	ssyncset.done $0x0  }
0x4c: {  	s28 =	rddreg [dreg:$0x1b];
	[sflag:s9] =	ssyncadd.s32 $0xFFFFC000  }
0x4d: {  	[hbm4b:s28+s3] =	stream.linear.scatter [tilespmem:s14], [sflag:$0x4], $0x4000, $0x38;
	[tilespmem:$0x1C700] =	vst v63  }
0x4e: {  	_ =	swait.ge [sflag:s5], $0x4000  }
0x4f: {  	[sflag:s5] =	ssyncset.done $0x0  }
0x50: {  	s29 =	rddreg [dreg:$0x12];
	[sflag:s5] =	ssyncadd.s32 $0xFFFFC000  }
0x51: {  	[tilespmem:s6], [sflag:$0x1] =	stream.linear.gather [spmem:s29], $0x4000, $0x38;
	[tilespmem:$0x1C700] =	vst v63  }
0x52: {  	_ =	swait.ge [sflag:s8], $0x4000  }
0x53: {  	[sflag:s8] =	ssyncset.done $0x0  }
0x54: {  	s21 =	rddreg [dreg:$0x1c];
	[sflag:s8] =	ssyncadd.s32 $0xFFFFC000  }
0x55: {  	[hbm4b:s21+s3] =	stream.linear.scatter [tilespmem:s6], [sflag:$0x3], $0x4000, $0x38;
	[tilespmem:$0x1C700] =	vst v63  }
0x56: {  	_ =	swait.ge [sflag:s15], $0x4000  }
0x57: {  	[sflag:s15] =	ssyncset.done $0x0  }
0x58: {  	s22 =	rddreg [dreg:$0x13];
	[sflag:s15] =	ssyncadd.s32 $0xFFFFC000  }
0x59: {  	[tilespmem:s14], [sflag:$0x2] =	stream.linear.gather [spmem:s22], $0x4000, $0x38;
	[tilespmem:$0x1C700] =	vst v63  }
0x5a: {  	_ =	swait.ge [sflag:s9], $0x4000  }
0x5b: {  	[sflag:s9] =	ssyncset.done $0x0  }
0x5c: {  	s23 =	rddreg [dreg:$0x1d];
	[sflag:s9] =	ssyncadd.s32 $0xFFFFC000  }
0x5d: {  	[hbm4b:s23+s3] =	stream.linear.scatter [tilespmem:s14], [sflag:$0x4], $0x4000, $0x38;
	[tilespmem:$0x1C700] =	vst v63  }
0x5e: {  	_ =	swait.ge [sflag:s5], $0x4000  }
0x5f: {  	[sflag:s5] =	ssyncset.done $0x0  }
0x60: {  	s24 =	rddreg [dreg:$0x14];
	[sflag:s5] =	ssyncadd.s32 $0xFFFFC000  }
0x61: {  	[tilespmem:s6], [sflag:$0x1] =	stream.linear.gather [spmem:s24], $0x4000, $0x38;
	[tilespmem:$0x1C700] =	vst v63  }
0x62: {  	_ =	swait.ge [sflag:s8], $0x4000  }
0x63: {  	[sflag:s8] =	ssyncset.done $0x0  }
0x64: {  	s25 =	rddreg [dreg:$0x1e];
	[sflag:s8] =	ssyncadd.s32 $0xFFFFC000  }
0x65: {  	[hbm4b:s25+s3] =	stream.linear.scatter [tilespmem:s6], [sflag:$0x3], $0x4000, $0x38;
	[tilespmem:$0x1C700] =	vst v63  }
0x66: {  	_ =	swait.ge [sflag:s5], $0x4000  }
0x67: {  	[sflag:s5] =	ssyncset.done $0x0  }
0x68: {  	[sflag:s5] =	ssyncadd.s32 $0xFFFFC000  }
0x69: {  	_ =	swait.ge [sflag:s15], $0x4000  }
0x6a: {  	[sflag:s15] =	ssyncset.done $0x0  }
0x6b: {  	s26 =	rddreg [dreg:$0x15];
	[sflag:s15] =	ssyncadd.s32 $0xFFFFC000  }
0x6c: {  	[tilespmem:s7], [sflag:$0x9] =	stream.linear.gather [spmem:s26], $0x80, $0x38;
	[tilespmem:$0x1C700] =	vst v63  }
0x6d: {  	_ =	swait.ge [sflag:s10], $0x80  }
0x6e: {  	[sflag:s10] =	ssyncset.done $0x0  }
0x6f: {  	s28 =	rddreg [dreg:$0x9];
	[sflag:s10] =	ssyncadd.s32 $0xFFFFFF80  }
0x70: {  	[hbm4b:s28+s3] =	stream.linear.scatter [tilespmem:s7], [sflag:$0x9], $0x80, $0x38;
	[tilespmem:$0x1C700] =	vst v63  }
0x71: {  	_ =	swait.ge [sflag:s10], $0x80  }
0x72: {  	[sflag:s10] =	ssyncset.done $0x0  }
0x73: {  	s29 =	rddreg [dreg:$0x16];
	[sflag:s10] =	ssyncadd.s32 $0xFFFFFF80  }
0x74: {  	[tilespmem:s7], [sflag:$0x9] =	stream.linear.gather [spmem:s29], $0x80, $0x38;
	[tilespmem:$0x1C700] =	vst v63  }
0x75: {  	_ =	swait.ge [sflag:s10], $0x80  }
0x76: {  	[sflag:s10] =	ssyncset.done $0x0  }
0x77: {  	s21 =	rddreg [dreg:$0xa];
	[sflag:s10] =	ssyncadd.s32 $0xFFFFFF80  }
0x78: {  	[hbm4b:s21+s3] =	stream.linear.scatter [tilespmem:s7], [sflag:$0x9], $0x80, $0x38;
	[tilespmem:$0x1C700] =	vst v63  }
0x79: {  	_ =	swait.ge [sflag:s10], $0x80  }
0x7a: {  	[sflag:s10] =	ssyncset.done $0x0  }
0x7b: {  	s22 =	rddreg [dreg:$0x17];
	[sflag:s10] =	ssyncadd.s32 $0xFFFFFF80  }
0x7c: {  	[tilespmem:s7], [sflag:$0x9] =	stream.linear.gather [spmem:s22], $0x80, $0x38;
	[tilespmem:$0x1C700] =	vst v63  }
0x7d: {  	_ =	swait.ge [sflag:s10], $0x80  }
0x7e: {  	[sflag:s10] =	ssyncset.done $0x0  }
0x7f: {  	s23 =	rddreg [dreg:$0xb];
	[sflag:s10] =	ssyncadd.s32 $0xFFFFFF80  }
0x80: {  	[hbm4b:s23+s3] =	stream.linear.scatter [tilespmem:s7], [sflag:$0x9], $0x80, $0x38;
	[tilespmem:$0x1C700] =	vst v63  }
0x81: {  	_ =	swait.ge [sflag:s10], $0x80  }
0x82: {  	[sflag:s10] =	ssyncset.done $0x0  }
0x83: {  	s24 =	rddreg [dreg:$0x18];
	[sflag:s10] =	ssyncadd.s32 $0xFFFFFF80  }
0x84: {  	[tilespmem:s7], [sflag:$0x9] =	stream.linear.gather [spmem:s24], $0x80, $0x38;
	[tilespmem:$0x1C700] =	vst v63  }
0x85: {  	_ =	swait.ge [sflag:s10], $0x80  }
0x86: {  	[sflag:s10] =	ssyncset.done $0x0  }
0x87: {  	s25 =	rddreg [dreg:$0xc];
	[sflag:s10] =	ssyncadd.s32 $0xFFFFFF80  }
0x88: {  	[hbm4b:s25+s3] =	stream.linear.scatter [tilespmem:s7], [sflag:$0x9], $0x80, $0x38;
	[tilespmem:$0x1C700] =	vst v63  }
0x89: {  	_ =	swait.ge [sflag:s10], $0x80  }
0x8a: {  	[sflag:s10] =	ssyncset.done $0x0  }
0x8b: {  	s26 =	rddreg [dreg:$0x19];
	[sflag:s10] =	ssyncadd.s32 $0xFFFFFF80  }
0x8c: {  	[tilespmem:s7], [sflag:$0x9] =	stream.linear.gather [spmem:s26], $0x80, $0x38;
	[tilespmem:$0x1C700] =	vst v63  }
0x8d: {  	_ =	swait.ge [sflag:s10], $0x80  }
0x8e: {  	[sflag:s10] =	ssyncset.done $0x0  }
0x8f: {  	s28 =	rddreg [dreg:$0xd];
	[sflag:s10] =	ssyncadd.s32 $0xFFFFFF80  }
0x90: {  	[hbm4b:s28+s3] =	stream.linear.scatter [tilespmem:s7], [sflag:$0x9], $0x80, $0x38;
	[tilespmem:$0x1C700] =	vst v63  }
0x91: {  	_ =	swait.ge [sflag:s10], $0x80  }
0x92: {  	s20 =	sadd.s32 $0x1, s20;
	s29 =	rddreg [dreg:$0x1f]  }
0x93: {  	p1 =	sne.s32 s20, s29  }
.Ltmp1:
0x94: {  	_ = 	snop;
	(pc) =	sbr.rel @!p1 .LBB2_11-.Ltmp1, $3  }
0x95: {  	_ =	sdelay $0x1  }
0x96: {  	[sflag:s10] =	ssyncset.done $0x0  }
0x97: {  	[sflag:s10] =	ssyncadd.s32 $0xFFFFFF80  }
.LBB2_1:
0x98: {  	s21 =	sand.u32 $0xFE00, s3  }
0x99: {  	s22 =	sand.u32 $0x70, s3;
	s23 =	sshrl.u32 s21, $0x2  }
0x9a: {  	s21 =	simm.s32 $0x40;
	s23 =	sor.u32 s22, s23;
	s22 =	simm.s32 $0x0  }
.LBB2_2:
0x9b: {  	p1 =	sne.s32 s21, $0xFFC0  }
0x9c: {  	[tilespmem:s23+$0x400] =	vst v0;
	s22 =	sadd.s32 $0x10, s22;
	s23 =	smov.u32 s21;
	s21 =	sadd.s32 $0x40, s21  }
.Ltmp2:
0x9d: {  	(pc) =	sbr.rel @p1 .LBB2_2-.Ltmp2, $4  }
0x9e: {  	_ = 	snop  }
0x9f: {  	s23 =	sand.u32 $0xFE00, s23  }
0xa0: {  	s24 =	sand.u32 $0x70, s22;
	s23 =	sshrl.u32 s23, $0x2  }
0xa1: {  	s23 =	sor.u32 s24, s23  }
0xa2: {  	[tilespmem:s23+$0x400] =	vst v0;
	s19 =	rddreg [dreg:$0x10]  }
0xa3: {  	[spmem:s19] =	stream.linear.scatter [tilespmem:s6], [sflag:$0x1], $0x4000, $0x38;
	[tilespmem:$0x1C700] =	vst v63  }
0xa4: {  	s24 =	rddreg [dreg:$0x11]  }
0xa5: {  	[spmem:s24] =	stream.linear.scatter [tilespmem:s6], [sflag:$0x1], $0x4000, $0x38;
	[tilespmem:$0x1C700] =	vst v63  }
0xa6: {  	s25 =	rddreg [dreg:$0x12]  }
0xa7: {  	[spmem:s25] =	stream.linear.scatter [tilespmem:s6], [sflag:$0x1], $0x4000, $0x38;
	[tilespmem:$0x1C700] =	vst v63  }
0xa8: {  	s26 =	rddreg [dreg:$0x13]  }
0xa9: {  	[spmem:s26] =	stream.linear.scatter [tilespmem:s6], [sflag:$0x1], $0x4000, $0x38;
	[tilespmem:$0x1C700] =	vst v63  }
0xaa: {  	s28 =	rddreg [dreg:$0x14]  }
0xab: {  	[spmem:s28] =	stream.linear.scatter [tilespmem:s6], [sflag:$0x1], $0x4000, $0x38;
	[tilespmem:$0x1C700] =	vst v63  }
0xac: {  	[tilespmem:$0x8400] =	vst v0  }
0xad: {  	[tilespmem:$0x8410] =	vst v0  }
0xae: {  	[tilespmem:$0x8420] =	vst v0  }
0xaf: {  	[tilespmem:$0x8430] =	vst v0  }
0xb0: {  	[tilespmem:$0x8440] =	vst v0  }
0xb1: {  	[tilespmem:$0x8450] =	vst v0  }
0xb2: {  	[tilespmem:$0x8460] =	vst v0  }
0xb3: {  	s29 =	rddreg [dreg:$0x15];
	[tilespmem:$0x8470] =	vst v0  }
0xb4: {  	[spmem:s29] =	stream.linear.scatter [tilespmem:s7], [sflag:$0x2], $0x80, $0x38;
	[tilespmem:$0x1C700] =	vst v63  }
0xb5: {  	s21 =	rddreg [dreg:$0x16]  }
0xb6: {  	[spmem:s21] =	stream.linear.scatter [tilespmem:s7], [sflag:$0x2], $0x80, $0x38;
	[tilespmem:$0x1C700] =	vst v63  }
0xb7: {  	s22 =	rddreg [dreg:$0x17]  }
0xb8: {  	[spmem:s22] =	stream.linear.scatter [tilespmem:s7], [sflag:$0x2], $0x80, $0x38;
	[tilespmem:$0x1C700] =	vst v63  }
0xb9: {  	s23 =	rddreg [dreg:$0x18]  }
0xba: {  	[spmem:s23] =	stream.linear.scatter [tilespmem:s7], [sflag:$0x2], $0x80, $0x38;
	[tilespmem:$0x1C700] =	vst v63  }
0xbb: {  	s24 =	rddreg [dreg:$0x19]  }
0xbc: {  	[spmem:s24] =	stream.linear.scatter [tilespmem:s7], [sflag:$0x2], $0x80, $0x38;
	[tilespmem:$0x1C700] =	vst v63  }
0xbd: {  	_ =	swait.ge [sflag:s8], $0x4000  }
0xbe: {  	[sflag:s8] =	ssyncset.done $0x0  }
0xbf: {  	[sflag:s8] =	ssyncadd.s32 $0xFFFFC000  }
0xc0: {  	_ =	swait.ge [sflag:s8], $0x4000  }
0xc1: {  	[sflag:s8] =	ssyncset.done $0x0  }
0xc2: {  	[sflag:s8] =	ssyncadd.s32 $0xFFFFC000  }
0xc3: {  	_ =	swait.ge [sflag:s8], $0x4000  }
0xc4: {  	[sflag:s8] =	ssyncset.done $0x0  }
0xc5: {  	[sflag:s8] =	ssyncadd.s32 $0xFFFFC000  }
0xc6: {  	_ =	swait.ge [sflag:s8], $0x4000  }
0xc7: {  	[sflag:s8] =	ssyncset.done $0x0  }
0xc8: {  	[sflag:s8] =	ssyncadd.s32 $0xFFFFC000  }
0xc9: {  	_ =	swait.ge [sflag:s8], $0x4000  }
0xca: {  	[sflag:s8] =	ssyncset.done $0x0  }
0xcb: {  	[sflag:s8] =	ssyncadd.s32 $0xFFFFC000  }
0xcc: {  	_ =	swait.ge [sflag:s9], $0x80  }
0xcd: {  	[sflag:s9] =	ssyncset.done $0x0  }
0xce: {  	[sflag:s9] =	ssyncadd.s32 $0xFFFFFF80  }
0xcf: {  	_ =	swait.ge [sflag:s9], $0x80  }
0xd0: {  	[sflag:s9] =	ssyncset.done $0x0  }
0xd1: {  	[sflag:s9] =	ssyncadd.s32 $0xFFFFFF80  }
0xd2: {  	_ =	swait.ge [sflag:s9], $0x80  }
0xd3: {  	[sflag:s9] =	ssyncset.done $0x0  }
0xd4: {  	[sflag:s9] =	ssyncadd.s32 $0xFFFFFF80  }
0xd5: {  	_ =	swait.ge [sflag:s9], $0x80  }
0xd6: {  	[sflag:s9] =	ssyncset.done $0x0  }
0xd7: {  	[sflag:s9] =	ssyncadd.s32 $0xFFFFFF80  }
0xd8: {  	_ =	swait.ge [sflag:s9], $0x80  }
0xd9: {  	[sflag:s9] =	ssyncset.done $0x0  }
0xda: {  	[sflag:s9] =	ssyncadd.s32 $0xFFFFFF80  }
0xdb: {  	[tilespmem:$0x8400] =	vst v1  }
0xdc: {  	[tilespmem:$0x8410] =	vst v1  }
0xdd: {  	[tilespmem:$0x8420] =	vst v1  }
0xde: {  	[tilespmem:$0x8430] =	vst v1  }
0xdf: {  	[tilespmem:$0x8440] =	vst v1  }
0xe0: {  	[tilespmem:$0x8450] =	vst v1  }
0xe1: {  	[tilespmem:$0x8460] =	vst v1  }
0xe2: {  	[tilespmem:$0x8470] =	vst v1  }
0xe3: {  	[bflag:$0x0] =	sbarrier.arrive $0xFFFF  }
0xe4: {  	s21 =	simm.s32 $0x0;
	s25 =	rddreg [dreg:$0x5]  }
0xe5: {  	[tilespmem:s21], [sflag:$0x9] =	stream.linear.gather [hbm4b:s25+s21], $0x80, $0x38;
	[tilespmem:$0x1C700] =	vst v63  }
0xe6: {  	_ =	swait.ge [sflag:s10], $0x80  }
0xe7: {  	[sflag:s10] =	ssyncset.done $0x0  }
0xe8: {  	s26 =	rddreg [dreg:$0x6];
	[sflag:s10] =	ssyncadd.s32 $0xFFFFFF80  }
0xe9: {  	[tilespmem:s11], [sflag:$0x9] =	stream.linear.gather [hbm4b:s26+s21], $0x80, $0x38;
	[tilespmem:$0x1C700] =	vst v63  }
0xea: {  	_ =	swait.ge [sflag:s10], $0x80  }
0xeb: {  	[sflag:s10] =	ssyncset.done $0x0  }
0xec: {  	[sflag:s10] =	ssyncadd.s32 $0xFFFFFF80  }
0xed: {  	[tilespmem:s6], [sflag:$0x1] =	stream.indirect.gather [hbm4b:s1+s12], $0x80, s21, s12, $0xb8;
	[tilespmem:$0x1C700] =	vst v63  }
0xee: {  	s28 =	rddreg [dreg:$0x7]  }
0xef: {  	[tilespmem:s12], [sflag:$0x9] =	stream.linear.gather [hbm4b:s28+s21], $0x80, $0x38;
	[tilespmem:$0x1C700] =	vst v63  }
0xf0: {  	_ =	swait.ge [sflag:s10], $0x80  }
0xf1: {  	[sflag:s10] =	ssyncset.done $0x0  }
0xf2: {  	s29 =	rddreg [dreg:$0x8];
	[sflag:s10] =	ssyncadd.s32 $0xFFFFFF80  }
0xf3: {  	[tilespmem:s13], [sflag:$0x9] =	stream.linear.gather [hbm4b:s29+s21], $0x80, $0x38;
	[tilespmem:$0x1C700] =	vst v63  }
.Ltmp3:
0xf4: {  	_ = 	snop;
	(pc) =	sbr.rel .LBB2_4-.Ltmp3, $4  }
0xf5: {  	_ =	swait.ge [sflag:s10], $0x80  }
0xf6: {  	[sflag:s10] =	ssyncset.done $0x0  }
0xf7: {  	s22 =	simm.s32 $0x0;
	[sflag:s10] =	ssyncadd.s32 $0xFFFFFF80  }
0xf8: {  	[tilespmem:s14], [sflag:$0x2] =	stream.indirect.gather [hbm4b:s1+s12], $0x80, s12, s12, $0xb8;
	[tilespmem:$0x1C700] =	vst v63  }
.LBB2_9:
0xf9: {  	s21 =	sadd.s32 $0x400, s21  }
0xfa: {  	p1 =	sne.s32 s21, $0x9C00  }
.Ltmp4:
0xfb: {  	_ = 	snop;
	(pc) =	sbr.rel @!p1 .LBB2_10-.Ltmp4, $2  }
0xfc: {  	_ =	sdelay $0x2  }
0xfd: {  	s22 =	sadd.s32 $0x1, s22  }
.LBB2_4:
0xfe: {  	s23 =	sand.u32 $0x1, s22  }
0xff: {  	p1 =	seq.s32 s23, $0x1  }
.Ltmp5:
0x100: {  	_ = 	snop;
	(pc) =	sbr.rel @p1 .LBB2_7-.Ltmp5, $1  }
0x101: {  	_ =	sdelay $0x3  }
0x102: {  	_ =	swait.ge [sflag:s8], $0x4000  }
0x103: {  	[sflag:s8] =	ssyncset.done $0x0  }
0x104: {  	[sflag:s8] =	ssyncadd.s32 $0xFFFFC000  }
0x105: {  	[spmem:s2] =	stream.indirect.scatter.add.f32 [tilespmem:s6], [sflag:$0x3], $0x80, s11, s12, $0xb8;
	[tilespmem:$0x1C700] =	vst v63  }
0x106: {  	_ = 	snop  }
0x107: {  	[spmem:s17] =	stream.indirect.scatter.add.f32 [tilespmem:s7], [sflag:$0x7], $0x1, s11, s12, $0xb8;
	[tilespmem:$0x1C700] =	vst v63  }
0x108: {  	_ =	swait.ge [sflag:s9], $0x4000  }
0x109: {  	[sflag:s9] =	ssyncset.done $0x0  }
0x10a: {  	p1 =	seq.s32 s21, $0x9800;
	[sflag:s9] =	ssyncadd.s32 $0xFFFFC000  }
0x10b: {  	[spmem:s2] =	stream.indirect.scatter.add.f32 [tilespmem:s14], [sflag:$0x4], $0x80, s13, s12, $0xb8;
	[tilespmem:$0x1C700] =	vst v63  }
0x10c: {  	s24 =	simm.s32 @p1 $0x3  }
0x10d: {  	[spmem:s17] =	stream.indirect.scatter.add.f32 [tilespmem:s7], [sflag:$0x8], $0x1, s13, s12, $0xb8;
	[tilespmem:$0x1C700] =	vst v63  }
0x10e: {  	_ =	swait.ge @p1 [sflag:s24], $0x4000  }
0x10f: {  	[sflag:s24] =	ssyncset.done @p1 $0x0  }
0x110: {  	[sflag:s24] =	ssyncadd.s32 @p1 $0xFFFFC000;
	s24 =	simm.s32 @p1 $0x7  }
0x111: {  	_ =	swait.ge @p1 [sflag:s24], $0x80  }
0x112: {  	[sflag:s24] =	ssyncset.done @p1 $0x0  }
0x113: {  	[sflag:s24] =	ssyncadd.s32 @p1 $0xFFFFFF80;
	s24 =	sadd.s32 @!p1 s21, s18  }
0x114: {  	s26 =	simm.s32 @!p1 $0x0;
	s28 =	simm.s32 @!p1 $0x200;
	s25 =	sadd.s32 @!p1 $0x400, s24  }
0x115: {  	[tilespmem:s28], [sflag:$0x5] =	stream.linear.gather @!p1 [hbm4b:s25+s26], $0x80, $0x38;
	[tilespmem:$0x1C700] =	vst v63  }
0x116: {  	s25 =	sadd.s32 @!p1 s21, s16  }
0x117: {  	s19 =	simm.s32 @!p1 $0x300;
	s29 =	sadd.s32 @!p1 $0x400, s25  }
0x118: {  	[tilespmem:s19], [sflag:$0x5] =	stream.linear.gather @!p1 [hbm4b:s29+s26], $0x80, $0x38;
	[tilespmem:$0x1C700] =	vst v63  }
0x119: {  	s19 =	sadd.s32 @!p1 $0x600, s24;
	s24 =	simm.s32 @!p1 $0x280  }
0x11a: {  	[tilespmem:s24], [sflag:$0x6] =	stream.linear.gather @!p1 [hbm4b:s19+s26], $0x80, $0x38;
	[tilespmem:$0x1C700] =	vst v63  }
0x11b: {  	s19 =	sadd.s32 @!p1 $0x600, s25;
	s24 =	simm.s32 @!p1 $0x380  }
0x11c: {  	[tilespmem:s24], [sflag:$0x6] =	stream.linear.gather @!p1 [hbm4b:s19+s26], $0x80, $0x38;
	[tilespmem:$0x1C700] =	vst v63  }
0x11d: {  	s19 =	simm.s32 @!p1 $0x3  }
0x11e: {  	_ =	swait.ge @!p1 [sflag:s19], $0x4000  }
0x11f: {  	[sflag:s19] =	ssyncset.done @!p1 $0x0  }
0x120: {  	[sflag:s19] =	ssyncadd.s32 @!p1 $0xFFFFC000;
	s19 =	simm.s32 @!p1 $0x7  }
0x121: {  	_ =	swait.ge @!p1 [sflag:s19], $0x80  }
0x122: {  	[sflag:s19] =	ssyncset.done @!p1 $0x0  }
0x123: {  	[sflag:s19] =	ssyncadd.s32 @!p1 $0xFFFFFF80;
	s19 =	simm.s32 @!p1 $0x5  }
0x124: {  	_ =	swait.ge @!p1 [sflag:s19], $0x80  }
0x125: {  	[sflag:s19] =	ssyncset.done @!p1 $0x0  }
0x126: {  	[sflag:s19] =	ssyncadd.s32 @!p1 $0xFFFFFF80  }
0x127: {  	_ =	swait.ge @!p1 [sflag:s19], $0x80  }
0x128: {  	[sflag:s19] =	ssyncset.done @!p1 $0x0  }
0x129: {  	s24 =	simm.s32 @!p1 $0x400;
	[sflag:s19] =	ssyncadd.s32 @!p1 $0xFFFFFF80;
	s19 =	simm.s32 @!p1 $0x80  }
0x12a: {  	[tilespmem:s24], [sflag:$0x1] =	stream.indirect.gather @!p1 [hbm4b:s1+s19], $0x80, s28, s19, $0xb8;
	[tilespmem:$0x1C700] =	vst v63  }
0x12b: {  	_ =	swait.ge [sflag:s15], $0x4000  }
.Ltmp6:
0x12c: {  	[sflag:s15] =	ssyncset.done $0x0;
	(pc) =	sbr.rel @p1 .LBB2_10-.Ltmp6, $4  }
0x12d: {  	[sflag:s15] =	ssyncadd.s32 $0xFFFFC000  }
0x12e: {  	_ =	swait.ge [sflag:s0], $0x80  }
0x12f: {  	[sflag:s0] =	ssyncset.done $0x0  }
0x130: {  	[sflag:s0] =	ssyncadd.s32 $0xFFFFFF80  }
0x131: {  	_ =	swait.ge [sflag:s4], $0x80  }
0x132: {  	p1 =	seq.s32 s23, $0x0;
	[sflag:s4] =	ssyncset.done $0x0  }
.Ltmp7:
0x133: {  	[sflag:s4] =	ssyncadd.s32 $0xFFFFFF80;
	(pc) =	sbr.rel @p1 .LBB2_9-.Ltmp7, $4  }
0x134: {  	_ =	swait.ge [sflag:s4], $0x80  }
0x135: {  	[sflag:s4] =	ssyncset.done $0x0  }
0x136: {  	s19 =	simm.s32 $0x280;
	[sflag:s4] =	ssyncadd.s32 $0xFFFFFF80  }
0x137: {  	[tilespmem:s14], [sflag:$0x2] =	stream.indirect.gather [hbm4b:s1+s12], $0x80, s19, s12, $0xb8;
	[tilespmem:$0x1C700] =	vst v63  }
.LBB2_7:
0x138: {  	_ =	swait.ge [sflag:s8], $0x4000  }
0x139: {  	[sflag:s8] =	ssyncset.done $0x0  }
0x13a: {  	[sflag:s8] =	ssyncadd.s32 $0xFFFFC000  }
0x13b: {  	[spmem:s2] =	stream.indirect.scatter.add.f32 [tilespmem:s6], [sflag:$0x3], $0x80, s30, s12, $0xb8;
	[tilespmem:$0x1C700] =	vst v63  }
0x13c: {  	_ = 	snop  }
0x13d: {  	[spmem:s17] =	stream.indirect.scatter.add.f32 [tilespmem:s7], [sflag:$0x7], $0x1, s30, s12, $0xb8;
	[tilespmem:$0x1C700] =	vst v63  }
0x13e: {  	_ =	swait.ge [sflag:s9], $0x4000  }
0x13f: {  	[sflag:s9] =	ssyncset.done $0x0  }
0x140: {  	p1 =	seq.s32 s21, $0x9800;
	[sflag:s9] =	ssyncadd.s32 $0xFFFFC000  }
0x141: {  	[spmem:s2] =	stream.indirect.scatter.add.f32 [tilespmem:s14], [sflag:$0x4], $0x80, s31, s12, $0xb8;
	[tilespmem:$0x1C700] =	vst v63  }
0x142: {  	s19 =	simm.s32 @p1 $0x3  }
0x143: {  	[spmem:s17] =	stream.indirect.scatter.add.f32 [tilespmem:s7], [sflag:$0x8], $0x1, s31, s12, $0xb8;
	[tilespmem:$0x1C700] =	vst v63  }
0x144: {  	_ =	swait.ge @p1 [sflag:s19], $0x4000  }
0x145: {  	[sflag:s19] =	ssyncset.done @p1 $0x0  }
0x146: {  	[sflag:s19] =	ssyncadd.s32 @p1 $0xFFFFC000;
	s19 =	simm.s32 @p1 $0x7  }
0x147: {  	_ =	swait.ge @p1 [sflag:s19], $0x80  }
0x148: {  	s23 =	sadd.s32 @!p1 s21, s18;
	[sflag:s19] =	ssyncset.done @p1 $0x0  }
0x149: {  	s24 =	simm.s32 @!p1 $0x0;
	[sflag:s19] =	ssyncadd.s32 @p1 $0xFFFFFF80;
	s19 =	sadd.s32 @!p1 $0x400, s23  }
0x14a: {  	[tilespmem:s24], [sflag:$0x5] =	stream.linear.gather @!p1 [hbm4b:s19+s24], $0x80, $0x38;
	[tilespmem:$0x1C700] =	vst v63  }
0x14b: {  	s19 =	sadd.s32 @!p1 s21, s16  }
0x14c: {  	s26 =	simm.s32 @!p1 $0x100;
	s25 =	sadd.s32 @!p1 $0x400, s19  }
0x14d: {  	[tilespmem:s26], [sflag:$0x5] =	stream.linear.gather @!p1 [hbm4b:s25+s24], $0x80, $0x38;
	[tilespmem:$0x1C700] =	vst v63  }
0x14e: {  	s23 =	sadd.s32 @!p1 $0x600, s23;
	s25 =	simm.s32 @!p1 $0x80  }
0x14f: {  	[tilespmem:s25], [sflag:$0x6] =	stream.linear.gather @!p1 [hbm4b:s23+s24], $0x80, $0x38;
	[tilespmem:$0x1C700] =	vst v63  }
0x150: {  	s19 =	sadd.s32 @!p1 $0x600, s19;
	s23 =	simm.s32 @!p1 $0x180  }
0x151: {  	[tilespmem:s23], [sflag:$0x6] =	stream.linear.gather @!p1 [hbm4b:s19+s24], $0x80, $0x38;
	[tilespmem:$0x1C700] =	vst v63  }
0x152: {  	s19 =	simm.s32 @!p1 $0x3  }
0x153: {  	_ =	swait.ge @!p1 [sflag:s19], $0x4000  }
0x154: {  	[sflag:s19] =	ssyncset.done @!p1 $0x0  }
0x155: {  	[sflag:s19] =	ssyncadd.s32 @!p1 $0xFFFFC000;
	s19 =	simm.s32 @!p1 $0x7  }
0x156: {  	_ =	swait.ge @!p1 [sflag:s19], $0x80  }
0x157: {  	[sflag:s19] =	ssyncset.done @!p1 $0x0  }
0x158: {  	[sflag:s19] =	ssyncadd.s32 @!p1 $0xFFFFFF80;
	s19 =	simm.s32 @!p1 $0x5  }
0x159: {  	_ =	swait.ge @!p1 [sflag:s19], $0x80  }
0x15a: {  	[sflag:s19] =	ssyncset.done @!p1 $0x0  }
0x15b: {  	[sflag:s19] =	ssyncadd.s32 @!p1 $0xFFFFFF80  }
0x15c: {  	_ =	swait.ge @!p1 [sflag:s19], $0x80  }
0x15d: {  	[sflag:s19] =	ssyncset.done @!p1 $0x0  }
0x15e: {  	[sflag:s19] =	ssyncadd.s32 @!p1 $0xFFFFFF80;
	s19 =	simm.s32 @!p1 $0x400  }
0x15f: {  	[tilespmem:s19], [sflag:$0x1] =	stream.indirect.gather @!p1 [hbm4b:s1+s25], $0x80, s24, s25, $0xb8;
	[tilespmem:$0x1C700] =	vst v63  }
0x160: {  	_ =	swait.ge [sflag:s15], $0x4000  }
.Ltmp8:
0x161: {  	[sflag:s15] =	ssyncset.done $0x0;
	(pc) =	sbr.rel @p1 .LBB2_10-.Ltmp8, $4  }
0x162: {  	[sflag:s15] =	ssyncadd.s32 $0xFFFFC000  }
0x163: {  	_ =	swait.ge [sflag:s0], $0x80  }
0x164: {  	[sflag:s0] =	ssyncset.done $0x0  }
0x165: {  	[sflag:s0] =	ssyncadd.s32 $0xFFFFFF80  }
0x166: {  	_ =	swait.ge [sflag:s4], $0x80  }
0x167: {  	[sflag:s4] =	ssyncset.done $0x0  }
.Ltmp9:
0x168: {  	[sflag:s4] =	ssyncadd.s32 $0xFFFFFF80;
	(pc) =	sbr.rel .LBB2_9-.Ltmp9, $4  }
0x169: {  	_ =	swait.ge [sflag:s4], $0x80  }
0x16a: {  	[sflag:s4] =	ssyncset.done $0x0  }
0x16b: {  	[sflag:s4] =	ssyncadd.s32 $0xFFFFFF80  }
0x16c: {  	[tilespmem:s14], [sflag:$0x2] =	stream.indirect.gather [hbm4b:s1+s12], $0x80, s12, s12, $0xb8;
	[tilespmem:$0x1C700] =	vst v63  }
.LBB2_11:
0x16d: {  	_ =	sfence.sel $0x180000  }
0x16e: {  	[bflag:$0x0] =	sbarrier.arrive $0xFFFF  }
0x16f: {  	_ =	strace $0x90000047  }
0x170: {  	s0 =	stileid.u32;
	[bflag:$0x2] =	sbarrier.arrive $0xFFFF  }
0x171: {  	p0 =	sne.s32 s0, $0x0;
	s0 =	rddreg [dreg:$0x4]  }
0x172: {  	s0 =	sadd.s32 @!p0 $0x100000, s0  }
0x173: {  	[sflag:s0] =	ssyncadd.tile.s32 @!p0 $0x1;
	_ =	shalt  }
.Lfunc_end2:
_tile_overlayer_lowered:
.L_overlay_start_2:
0x174: {  	(tag) =	ssettag $0x2  }
0x175: {  	s0 =	rddreg [dreg:$0x0];
	s2 =	stileid.u32  }
0x176: {  	s1 =	rddreg [dreg:$0x1];
	p0 =	sne.s32 s2, $0x0  }
0x177: {  	s3 =	rddreg [dreg:$0x2];
	[bflag:$0x3] =	sbarrier.arrive $0xFFFF;
	s2 =	simm.s32 @!p0 $0x1C09  }
0x178: {  	[timem:s3], [sflag:s2] =	dma.local @!p0 [hbm:s0], s1  }
0x179: {  	s0 =	simm.s32 @!p0 $0x9  }
0x17a: {  	_ =	swait.ge @!p0 [sflag:s0], s1  }
0x17b: {  	s1 =	ssub.s32 @!p0 $0x0, s1;
	[sflag:s0] =	ssyncset.done @!p0 $0x0  }
0x17c: {  	[sflag:s0] =	ssyncadd.s32 @!p0 s1  }
0x17d: {  	[bflag:$0x3] =	sbarrier.arrive $0xFFFF  }
0x17e: {  	_ =	shalt  }

// kernel: kernel.13.cloned.1.call-start
scs
__scs_entry_jumppad:
0x0: {  	(pc) =	sbr.rel $0x88, $3  }
0x1: {  	(tag) =	ssettag $0x0;
	lr =	simm.s32 $0x1  }
0x2: {  	[smem:$0x3F8E] =	sst lr;
	_ =	strace $0xD0000000  }
0x3: {  	_ = 	snop  }
0x4: {  	_ = 	snop  }
0x5: {  	_ = 	snop  }
0x6: {  	_ = 	snop  }
0x7: {  	_ = 	snop  }
__scs_overlays_trampoline_lowered:
0x8: {  	[smem:$0x3F9D] =	sst s0  }
0x9: {  	[smem:$0x3F9E] =	sst s1  }
0xa: {  	[smem:$0x3F9F] =	sst s2  }
0xb: {  	[smem:$0x3FA0] =	sst s3  }
0xc: {  	[smem:$0x3FA1] =	sst s4  }
0xd: {  	[smem:$0x3FA2] =	sst s5  }
0xe: {  	[smem:$0x3FA3] =	sst s6  }
0xf: {  	[smem:$0x3FA4] =	sst s7  }
0x10: {  	[smem:$0x3FA5] =	sst s8  }
0x11: {  	[smem:$0x3FA6] =	sst s9;
	s0 =	simm.s32 @!p0 $0x0  }
0x12: {  	s1 =	sld [smem:$0x3F8C];
	s0 =	simm.s32 @p0 $0x1  }
0x13: {  	[smem:$0x3FA7] =	sst s0;
	s0 =	simm.s32 @!p1 $0x0  }
0x14: {  	s2 =	sld [smem:$0x3F8B];
	s0 =	simm.s32 @p1 $0x1  }
0x15: {  	[smem:$0x3FA8] =	sst s0;
	s0 =	simm.s32 @!p2 $0x0  }
0x16: {  	s3 =	sld [smem:$0x3FDB];
	s0 =	simm.s32 @p2 $0x1  }
0x17: {  	s4 =	simm.s32 $0x1BF5;
	[smem:$0x3FAA] =	sst s0  }
0x18: {  	s0 =	sld [smem:$0x3F8D];
	_ =	swait.ge [sflag:s4], $0x0  }
0x19: {  	s7 =	sld [smem:$0x3F8E]  }
0x1a: {  	s8 =	sadd.s32 $0xFFFFE003, lr  }
0x1b: {  	s9 =	sadd.s32 $0xFFFFFEF7, lr;
	s5 =	simm.s32 $0xFFFFFFFF;
	p2 =	slt.u32 s8, $0xFFFFF086  }
0x1c: {  	p1 =	slt.u32 s9, $0xF7A;
	s5 =	simm.s32 @!p2 $0x0  }
0x1d: {  	s5 =	simm.s32 @p1 $0x1;
	p0 =	seq.s32 s7, s2  }
0x1e: {  	s7 =	smul.u32 @!p0 $0xF7A, s2;
	p2 =	seq.s32 @!p0 s5, $0x0  }
0x1f: {  	s9 =	smul.u32 $0xF7A, s1;
	s8 =	simm.s32 @!p0 $0x1BF5;
	p2 =	por !p2, p0  }
0x20: {  	[sflag:s8] =	ssyncset.s32 @!p0 $0xFFFFF086;
	s6 =	sadd.s32 @!p0 s3, s7;
	s7 =	simm.s32 @!p0 $0x108  }
0x21: {  	s3 =	sadd.s32 s3, s9;
	s6 =	sadd.s32 @!p0 $0x88, s6;
	s7 =	simm.s32 @p2 $0x1082  }
0x22: {  	[simem:s7], [sflag:s8] =	dma.local @!p0 [hbm:s6], $0xF7A  }
0x23: {  	s9 =	sor.u32 $0xD0000000, s2;
	s6 =	simm.s32 $0x108;
	_ =	swait.ge @!p0 [sflag:s8], $0x0  }
0x24: {  	s3 =	sadd.s32 $0x88, s3;
	s6 =	simm.s32 @!p1 $0x1082;
	[sflag:s4] =	ssyncset.s32 $0xFFFFF086  }
0x25: {  	[simem:s6], [sflag:s4] =	dma.local [hbm:s3], $0xF7A  }
0x26: {  	[smem:$0x3F8E] =	sst s1;
	(tag) =	ssettag s2;
	_ =	strace s9  }
0x27: {  	s1 =	sld [smem:$0x3F9E]  }
0x28: {  	s2 =	sld [smem:$0x3F9F]  }
0x29: {  	s4 =	sld [smem:$0x3FA1]  }
0x2a: {  	p0 =	seq.s32 s5, $0x0;
	s5 =	sld [smem:$0x3FA2]  }
0x2b: {  	s6 =	sld [smem:$0x3FA3]  }
0x2c: {  	s7 =	sld [smem:$0x3FA4]  }
0x2d: {  	s3 =	simm.s32 $0x108;
	s8 =	sld [smem:$0x3FA5]  }
0x2e: {  	s3 =	simm.s32 @!p0 $0x1082;
	s9 =	sld [smem:$0x3FA6]  }
0x2f: {  	lr =	sadd.s32 s0, s3;
	s0 =	sld [smem:$0x3F9D]  }
0x30: {  	s3 =	sld [smem:$0x3FA0]  }
0x31: {  	[smem:$0x3FA9] =	sst s10  }
0x32: {  	s10 =	sld [smem:$0x3FA7];
	_ =	sdelay $0x3  }
0x33: {  	p0 =	seq.s32 s10, $0x1;
	s10 =	sld [smem:$0x3FA9];
	_ =	sdelay $0x3  }
0x34: {  	[smem:$0x3FA9] =	sst s10  }
0x35: {  	s10 =	sld [smem:$0x3FA8];
	_ =	sdelay $0x3  }
0x36: {  	p1 =	seq.s32 s10, $0x1;
	s10 =	sld [smem:$0x3FA9];
	_ =	sdelay $0x3  }
0x37: {  	[smem:$0x3FA9] =	sst s10  }
0x38: {  	s10 =	sld [smem:$0x3FAA]  }
0x39: {  	_ = 	snop;
	(pc) =	sbr.ind lr, $3  }
0x3a: {  	_ = 	snop  }
0x3b: {  	_ = 	snop  }
0x3c: {  	p2 =	seq.s32 s10, $0x1;
	s10 =	sld [smem:$0x3FA9]  }
0x3d: {  	_ =	shalt  }
0x3e: {  	_ =	shalt  }
0x3f: {  	_ =	shalt  }
0x40: {  	_ =	shalt  }
0x41: {  	_ =	shalt  }
0x42: {  	_ =	shalt  }
0x43: {  	_ =	shalt  }
0x44: {  	_ =	shalt  }
0x45: {  	_ =	shalt  }
0x46: {  	_ =	shalt  }
0x47: {  	_ =	shalt  }
0x48: {  	_ =	shalt  }
0x49: {  	_ =	shalt  }
0x4a: {  	_ =	shalt  }
0x4b: {  	_ =	shalt  }
0x4c: {  	_ =	shalt  }
0x4d: {  	_ =	shalt  }
0x4e: {  	_ =	shalt  }
0x4f: {  	_ =	shalt  }
0x50: {  	_ =	shalt  }
0x51: {  	_ =	shalt  }
0x52: {  	_ =	shalt  }
0x53: {  	_ =	shalt  }
0x54: {  	_ =	shalt  }
0x55: {  	_ =	shalt  }
0x56: {  	_ =	shalt  }
0x57: {  	_ =	shalt  }
0x58: {  	_ =	shalt  }
0x59: {  	_ =	shalt  }
0x5a: {  	_ =	shalt  }
0x5b: {  	_ =	shalt  }
0x5c: {  	_ =	shalt  }
0x5d: {  	_ =	shalt  }
0x5e: {  	_ =	shalt  }
0x5f: {  	_ =	shalt  }
0x60: {  	_ =	shalt  }
0x61: {  	_ =	shalt  }
0x62: {  	_ =	shalt  }
0x63: {  	_ =	shalt  }
0x64: {  	_ =	shalt  }
0x65: {  	_ =	shalt  }
0x66: {  	_ =	shalt  }
0x67: {  	_ =	shalt  }
0x68: {  	_ =	shalt  }
0x69: {  	_ =	shalt  }
0x6a: {  	_ =	shalt  }
0x6b: {  	_ =	shalt  }
0x6c: {  	_ =	shalt  }
0x6d: {  	_ =	shalt  }
0x6e: {  	_ =	shalt  }
0x6f: {  	_ =	shalt  }
0x70: {  	_ =	shalt  }
0x71: {  	_ =	shalt  }
0x72: {  	_ =	shalt  }
0x73: {  	_ =	shalt  }
0x74: {  	_ =	shalt  }
0x75: {  	_ =	shalt  }
0x76: {  	_ =	shalt  }
0x77: {  	_ =	shalt  }
0x78: {  	_ =	shalt  }
0x79: {  	_ =	shalt  }
0x7a: {  	_ =	shalt  }
0x7b: {  	_ =	shalt  }
0x7c: {  	_ =	shalt  }
0x7d: {  	_ =	shalt  }
0x7e: {  	_ =	shalt  }
0x7f: {  	_ =	shalt  }
0x80: {  	_ =	shalt  }
0x81: {  	_ =	shalt  }
0x82: {  	_ =	shalt  }
0x83: {  	_ =	shalt  }
0x84: {  	_ =	shalt  }
0x85: {  	_ =	shalt  }
0x86: {  	_ =	shalt  }
0x87: {  	_ =	shalt  }
.Lfunc_end0:
.L_simem_size_0:
called_computation.1_lowered:
.L_overlay_start_0:
0x88: {  	s2 =	sld [smem:$0x3FD9]  }
0x89: {  	s3 =	sld [smem:$0x3FFE];
	_ =	sdelay $0x1  }
0x8a: {  	s1 =	srdreg.scid  }
0x8b: {  	s0 =	sand.u32 $0x1, s1  }
0x8c: {  	s16 =	sshll.u32 s0, $0xA;
	s2 =	sadd.s32 s3, s2  }
0x8d: {  	s2 =	sadd.s32 s2, s16  }
0x8e: {  	[smem:$0x3FB5] =	sst s2  }
0x8f: {  	_ = 	snop  }
0x90: {  	(tm) =	ssettm $0x1  }
0x91: {  	s17 =	sld [smem:$0x3FFB];
	_ =	sdelay $0x3  }
0x92: {  	_ =	strace s17  }
0x93: {  	s2 =	sld [smem:$0x3FFC];
	_ =	sdelay $0x3  }
0x94: {  	_ =	strace s2  }
0x95: {  	s2 =	sld [smem:$0x3FFD];
	_ =	sdelay $0x3  }
0x96: {  	_ =	strace s2  }
0x97: {  	_ =	strace $0x8FFFFFFF  }
0x98: {  	s18 =	sld [smem:$0x3FDB];
	_ =	sdelay $0x1  }
0x99: {  	s19 =	simm.s32 $_scs_section_size  }
0x9a: {  	s4 =	simm.s32 $_size__tile_overlayer_lowered;
	s5 =	simm.s32 $_tile_overlayer_lowered  }
0x9b: {  	s22 =	simm.s32 $0x1BFF;
	s21 =	sshll.u32 s5, $0x1;
	s2 =	sadd.s32 s19, s18  }
0x9c: {  	s6 =	simm.s32 $0x0;
	s20 =	sshll.u32 s4, $0x1;
	s4 =	sadd.s32 s21, s2  }
0x9d: {  	[timem:s6], [sflag:s22] =	dma.local [hbm:s4], s20  }
0x9e: {  	_ =	swait.ge [sflag:s22], s20  }
0x9f: {  	s3 =	ssub.s32 $0x0, s20;
	[sflag:s22] =	ssyncset.done $0x0  }
0xa0: {  	[sflag:s22] =	ssyncadd.s32 s3;
	_ =	sdelay $0x1  }
0xa1: {  	s23 =	simm.s32 $0x1B8B  }
0xa2: {  	_ =	swait.ge [sflag:s23], $0x1  }
0xa3: {  	[sflag:s23] =	ssyncset.done $0x0  }
0xa4: {  	s25 =	simm.s32 $0x1B8E;
	s24 =	sld [smem:$0x3FFE];
	[sflag:s23] =	ssyncadd.s32 $0xFFFFFFFF  }
0xa5: {  	s26 =	simm.s32 $execute0_lowered;
	[smem:$0x3FD2] =	sst s25  }
0xa6: {  	s4 =	sshll.u32 s26, $0x1;
	_ =	strace $0x80000049;
	[dreg:$0x1] =	wrdreg $0xFFFFFFFF  }
0xa7: {  	s28 =	simm.s32 $_size_execute0_lowered;
	s2 =	sadd.s32 s2, s4;
	[dreg:$0x0] =	wrdreg $0x0  }
0xa8: {  	s4 =	sshll.u32 s28, $0x1;
	[dreg:$0x2] =	wrdreg s2  }
0xa9: {  	[dreg:$0x3] =	wrdreg s4  }
0xaa: {  	[dreg:$0x4] =	wrdreg $0xC0  }
0xab: {  	_ =	task [dreg:s6], $0x5FFFF  }
0xac: {  	[dreg:$0x1] =	wrdreg $0xFFFFFFFF  }
0xad: {  	[dreg:$0x0] =	wrdreg $0x60  }
0xae: {  	[dreg:$0x2] =	wrdreg s24  }
0xaf: {  	[dreg:$0x3] =	wrdreg $0x84000  }
0xb0: {  	[dreg:$0x4] =	wrdreg $0x9  }
0xb1: {  	_ =	task.clear_ibuf [dreg:s6], $0x5FFFF;
	_ =	strace $0x90000049  }
0xb2: {  	s29 =	simm.s32 $0x9;
	_ =	strace $0x8000004B  }
0xb3: {  	_ =	swait.ge [sflag:s29], $0x1  }
0xb4: {  	[sflag:s29] =	ssyncadd.s32 $0xFFFFFFFF  }
0xb5: {  	_ =	strace $0x9000004B  }
0xb6: {  	_ =	sfence  }
0xb7: {  	s30 =	sld [smem:$0x0];
	_ =	sdelay $0x2  }
0xb8: {  	s31 =	sshll.u32 s1, $0xD;
	s1 =	sshrl.u32 s1, $0x2  }
0xb9: {  	s3 =	sand.u32 $0x4000, s31;
	s1 =	sadd.s32 s1, s30  }
0xba: {  	s0 =	sor.u32 s3, s0;
	s1 =	sshll.u32 s1, $0x11  }
0xbb: {  	s0 =	sor.u32 s1, s0  }
0xbc: {  	s0 =	sadd.s32 $0x8F2B, s0  }
0xbd: {  	[sflag:s0] =	ssyncadd.remote.s32 $0x1  }
0xbe: {  	_ =	sfence.sel $0xFFFF  }
0xbf: {  	[dreg:$0x0] =	wrdreg $0xFFFFFFFF;
	(pc) =	sbr.abs _section_cstart, $3  }
0xc0: {  	[dreg:$0x1] =	wrdreg $0xFFFFFFFF  }
0xc1: {  	_ =	task.clear_ibuf [dreg:s6], $0x2FFFF;
	_ =	strace $0x9FFFFFFF  }
0xc2: {  	(tm) =	ssettm $0x7FFFFFFF  }
0xc3: {  	_ =	shalt  }
tec
execute0_lowered:
.L_overlay_start_1:
0x0: {  	(tag) =	ssettag $0x1  }
0x1: {  	s0 =	rddreg [dreg:$0x0]  }
0x2: {  	s2 =	rddreg [dreg:$0x1]  }
0x3: {  	s1 =	srdreg.scid;
	s16 =	stileid.u32;
	s3 =	simm.s32 $0x0  }
0x4: {  	s28 =	simm.s32 $0x100;
	s29 =	simm.s32 $0x80;
	s30 =	simm.s32 $0x180  }
0x5: {  	s31 =	simm.s32 $0x4400;
	s1 =	sand.u32 $0x1, s1;
	s5 =	smul.u32 $0x280, s16  }
0x6: {  	[smem:$0x7FF] =	sst s3;
	s7 =	smul.u32 $0x50000, s16;
	s4 =	sadd.s32 $0x18800, s0  }
0x7: {  	s10 =	sadd.s32 $0xEA00, s0;
	s11 =	sadd.s32 $0x4C00, s0;
	s13 =	sshll.u32 s16, $0x5  }
0x8: {  	p0 =	sgt.u32 s16, $0x1;
	s16 =	simm.s32 $0x280;
	s6 =	smul.u32 $0x2800, s1  }
0x9: {  	_ =	strace $0x8000004A;
	s24 =	ssub.s32 $0x2, s1;
	s1 =	sshll.u32 s1, $0x4  }
0xa: {  	s7 =	sshrl.u32 s7, $0x2;
	s9 =	sshrl.u32 s24, $0x1;
	s14 =	sor.u32 s1, s13  }
0xb: {  	s5 =	sadd.s32 s5, s6;
	s12 =	ssub.s32 s24, s9;
	s9 =	sadd.s32 s10, s14  }
0xc: {  	s15 =	sadd.s32 s11, s14;
	s8 =	sshll.u32 s5, $0x4;
	[dreg:$0x5] =	wrdreg s9  }
0xd: {  	s5 =	sadd.s32 s7, s2;
	[dreg:$0x6] =	wrdreg s15;
	s15 =	sor.u32 $0x200, s14  }
0xe: {  	s14 =	sor.u32 $0x9C00, s14;
	s0 =	sadd.s32 s8, s0;
	s25 =	sadd.s32 $0xC000, s5  }
0xf: {  	s6 =	sadd.s32 $0x4000, s5;
	s26 =	sadd.s32 $0x10000, s5;
	[dreg:$0x3] =	wrdreg s25  }
0x10: {  	s7 =	sadd.s32 $0x8000, s5;
	s17 =	sadd.s32 s10, s15;
	[dreg:$0x4] =	wrdreg s26  }
0x11: {  	s18 =	sadd.s32 s11, s15;
	s19 =	sadd.s32 s10, s14;
	[dreg:$0x7] =	wrdreg s17  }
0x12: {  	s20 =	sadd.s32 s11, s14;
	s10 =	sadd.s32 s13, s10;
	[dreg:$0x8] =	wrdreg s18  }
0x13: {  	s14 =	simm.s32 $0x6;
	s15 =	simm.s32 $0x200;
	[dreg:$0x9] =	wrdreg s19  }
0x14: {  	[dreg:$0xa] =	wrdreg s20;
	s21 =	sadd.s32 $0xB9200, s0;
	s22 =	sadd.s32 $0xB9A00, s0  }
0x15: {  	s23 =	sadd.s32 $0xBA200, s0;
	s24 =	sadd.s32 $0xBAA00, s0;
	[dreg:$0xb] =	wrdreg s21  }
0x16: {  	s0 =	sadd.s32 $0xBB200, s0;
	s25 =	sadd.s32 s13, s11;
	[dreg:$0xc] =	wrdreg s22  }
0x17: {  	s26 =	smax.u32 s12, $0x1;
	s11 =	simm.s32 $0x3;
	[dreg:$0xd] =	wrdreg s23  }
.Ltmp0:
0x18: {  	s12 =	simm.s32 $0x5;
	[dreg:$0xe] =	wrdreg s24;
	(pc) =	sbr.rel .LBB2_1-.Ltmp0, $4  }
0x19: {  	s13 =	simm.s32 $0x4;
	s17 =	simm.s32 $0x0;
	[dreg:$0xf] =	wrdreg s0  }
0x1a: {  	[dreg:$0x10] =	wrdreg s26;
	s22 =	sadd.s32 s1, s25;
	s23 =	sadd.s32 s1, s10  }
0x1b: {  	s24 =	simm.s32 $0x400;
	s25 =	simm.s32 $0x1;
	s26 =	simm.s32 $0x7  }
0x1c: {  	v0 =	vimm.f32 $0.0e+00;
	s0 =	simm.s32 $0x300;
	s1 =	simm.s32 $0x2;
	s10 =	simm.s32 $0x380  }
.LBB2_10:
0x1d: {  	_ =	swait.ge [sflag:s11], $0x4000  }
0x1e: {  	[sflag:s11] =	ssyncset.done $0x0  }
0x1f: {  	[sflag:s11] =	ssyncadd.s32 $0xFFFFC000  }
0x20: {  	_ =	swait.ge [sflag:s13], $0x4000  }
0x21: {  	[sflag:s13] =	ssyncset.done $0x0  }
0x22: {  	[sflag:s13] =	ssyncadd.s32 $0xFFFFC000  }
.LBB2_11:
0x23: {  	s6 =	simm.s32 @!p0 $0x0;
	s7 =	rddreg [dreg:$0x9]  }
0x24: {  	[tilespmem:s6], [sflag:$0x7] =	stream.linear.gather @!p0 [hbm4b:s7+s6], $0x80, $0x38;
	[tilespmem:$0x1C400] =	vst v63  }
0x25: {  	s7 =	simm.s32 @!p0 $0x7  }
0x26: {  	_ =	swait.ge @!p0 [sflag:s7], $0x80  }
0x27: {  	[sflag:s7] =	ssyncset.done @!p0 $0x0  }
0x28: {  	s18 =	simm.s32 @!p0 $0x100;
	s19 =	rddreg [dreg:$0xa];
	[sflag:s7] =	ssyncadd.s32 @!p0 $0xFFFFFF80  }
0x29: {  	[tilespmem:s18], [sflag:$0x7] =	stream.linear.gather @!p0 [hbm4b:s19+s6], $0x80, $0x38;
	[tilespmem:$0x1C400] =	vst v63  }
0x2a: {  	_ =	swait.ge @!p0 [sflag:s7], $0x80  }
0x2b: {  	[sflag:s7] =	ssyncset.done @!p0 $0x0  }
0x2c: {  	s20 =	simm.s32 @!p0 $0x400;
	s19 =	simm.s32 @!p0 $0x80;
	[sflag:s7] =	ssyncadd.s32 @!p0 $0xFFFFFF80  }
0x2d: {  	[tilespmem:s20], [sflag:$0x1] =	stream.indirect.gather @!p0 [hbm4b:s4+s19], $0x80, s6, s19, $0xb8;
	[tilespmem:$0x1C400] =	vst v63  }
0x2e: {  	s6 =	simm.s32 @!p0 $0x1  }
0x2f: {  	_ =	swait.ge @!p0 [sflag:s6], $0x4000  }
0x30: {  	[sflag:s6] =	ssyncset.done @!p0 $0x0  }
0x31: {  	[sflag:s6] =	ssyncadd.s32 @!p0 $0xFFFFC000  }
0x32: {  	[spmem:s2] =	stream.indirect.scatter.add.f32 @!p0 [tilespmem:s20], [sflag:$0x7], $0x80, s18, s19, $0xb8;
	[tilespmem:$0x1C400] =	vst v63  }
0x33: {  	_ =	swait.ge @!p0 [sflag:s7], $0x4000  }
0x34: {  	[sflag:s7] =	ssyncset.done @!p0 $0x0  }
0x35: {  	[sflag:s7] =	ssyncadd.s32 @!p0 $0xFFFFC000  }
0x36: {  	[bflag:$0x0] =	sbarrier.arrive $0xFFFF  }
0x37: {  	[tilespmem:s24], [sflag:$0x1] =	stream.linear.gather [spmem:s5], $0x4000, $0x38;
	[tilespmem:$0x1C400] =	vst v63  }
0x38: {  	_ =	swait.ge [sflag:s25], $0x4000  }
0x39: {  	[sflag:s25] =	ssyncset.done $0x0  }
0x3a: {  	s19 =	rddreg [dreg:$0xb];
	[sflag:s25] =	ssyncadd.s32 $0xFFFFC000  }
0x3b: {  	[hbm4b:s19+s3] =	stream.linear.scatter [tilespmem:s24], [sflag:$0x3], $0x4000, $0x38;
	[tilespmem:$0x1C400] =	vst v63  }
0x3c: {  	_ = 	snop  }
0x3d: {  	[tilespmem:s31], [sflag:$0x2] =	stream.linear.gather [spmem:s8], $0x4000, $0x38;
	[tilespmem:$0x1C400] =	vst v63  }
0x3e: {  	_ =	swait.ge [sflag:s1], $0x4000  }
0x3f: {  	[sflag:s1] =	ssyncset.done $0x0  }
0x40: {  	s20 =	rddreg [dreg:$0xc];
	[sflag:s1] =	ssyncadd.s32 $0xFFFFC000  }
0x41: {  	[hbm4b:s20+s3] =	stream.linear.scatter [tilespmem:s31], [sflag:$0x4], $0x4000, $0x38;
	[tilespmem:$0x1C400] =	vst v63  }
0x42: {  	_ =	swait.ge [sflag:s11], $0x4000  }
0x43: {  	[sflag:s11] =	ssyncset.done $0x0  }
0x44: {  	[sflag:s11] =	ssyncadd.s32 $0xFFFFC000  }
0x45: {  	[tilespmem:s24], [sflag:$0x1] =	stream.linear.gather [spmem:s9], $0x4000, $0x38;
	[tilespmem:$0x1C400] =	vst v63  }
0x46: {  	_ =	swait.ge [sflag:s25], $0x4000  }
0x47: {  	[sflag:s25] =	ssyncset.done $0x0  }
0x48: {  	s21 =	rddreg [dreg:$0xd];
	[sflag:s25] =	ssyncadd.s32 $0xFFFFC000  }
0x49: {  	[hbm4b:s21+s3] =	stream.linear.scatter [tilespmem:s24], [sflag:$0x3], $0x4000, $0x38;
	[tilespmem:$0x1C400] =	vst v63  }
0x4a: {  	_ =	swait.ge [sflag:s13], $0x4000  }
0x4b: {  	[sflag:s13] =	ssyncset.done $0x0  }
0x4c: {  	s7 =	smov.u32 s9;
	s9 =	rddreg [dreg:$0x3];
	[sflag:s13] =	ssyncadd.s32 $0xFFFFC000  }
0x4d: {  	[tilespmem:s31], [sflag:$0x2] =	stream.linear.gather [spmem:s9], $0x4000, $0x38;
	[tilespmem:$0x1C400] =	vst v63  }
0x4e: {  	_ =	swait.ge [sflag:s1], $0x4000  }
0x4f: {  	[sflag:s1] =	ssyncset.done $0x0  }
0x50: {  	s18 =	rddreg [dreg:$0xe];
	[sflag:s1] =	ssyncadd.s32 $0xFFFFC000  }
0x51: {  	[hbm4b:s18+s3] =	stream.linear.scatter [tilespmem:s31], [sflag:$0x4], $0x4000, $0x38;
	[tilespmem:$0x1C400] =	vst v63  }
0x52: {  	_ =	swait.ge [sflag:s11], $0x4000  }
0x53: {  	[sflag:s11] =	ssyncset.done $0x0  }
0x54: {  	s19 =	rddreg [dreg:$0x4];
	[sflag:s11] =	ssyncadd.s32 $0xFFFFC000  }
0x55: {  	[tilespmem:s24], [sflag:$0x1] =	stream.linear.gather [spmem:s19], $0x4000, $0x38;
	[tilespmem:$0x1C400] =	vst v63  }
0x56: {  	_ =	swait.ge [sflag:s25], $0x4000  }
0x57: {  	[sflag:s25] =	ssyncset.done $0x0  }
0x58: {  	s20 =	rddreg [dreg:$0xf];
	[sflag:s25] =	ssyncadd.s32 $0xFFFFC000  }
0x59: {  	[hbm4b:s20+s3] =	stream.linear.scatter [tilespmem:s24], [sflag:$0x3], $0x4000, $0x38;
	[tilespmem:$0x1C400] =	vst v63  }
0x5a: {  	_ =	swait.ge [sflag:s11], $0x4000  }
0x5b: {  	[sflag:s11] =	ssyncset.done $0x0  }
0x5c: {  	[sflag:s11] =	ssyncadd.s32 $0xFFFFC000  }
0x5d: {  	_ =	swait.ge [sflag:s13], $0x4000  }
0x5e: {  	s17 =	sadd.s32 $0x1, s17;
	s21 =	rddreg [dreg:$0x10]  }
0x5f: {  	p1 =	sne.s32 s17, s21  }
.Ltmp1:
0x60: {  	_ = 	snop;
	(pc) =	sbr.rel @!p1 .LBB2_12-.Ltmp1, $3  }
0x61: {  	_ =	sdelay $0x1  }
0x62: {  	[sflag:s13] =	ssyncset.done $0x0  }
0x63: {  	s6 =	smov.u32 s8;
	[sflag:s13] =	ssyncadd.s32 $0xFFFFC000  }
.LBB2_1:
0x64: {  	s18 =	sand.u32 $0xFE00, s3  }
0x65: {  	s19 =	sand.u32 $0x70, s3;
	s20 =	sshrl.u32 s18, $0x2  }
0x66: {  	s18 =	simm.s32 $0x40;
	s20 =	sor.u32 s19, s20;
	s19 =	simm.s32 $0x0  }
.LBB2_2:
0x67: {  	p1 =	sne.s32 s18, $0xFFC0  }
0x68: {  	[tilespmem:s20+$0x400] =	vst v0;
	s19 =	sadd.s32 $0x10, s19;
	s20 =	smov.u32 s18;
	s18 =	sadd.s32 $0x40, s18  }
.Ltmp2:
0x69: {  	(pc) =	sbr.rel @p1 .LBB2_2-.Ltmp2, $4  }
0x6a: {  	_ = 	snop  }
0x6b: {  	s20 =	sand.u32 $0xFE00, s20  }
0x6c: {  	s21 =	sand.u32 $0x70, s19;
	s20 =	sshrl.u32 s20, $0x2  }
0x6d: {  	s20 =	sor.u32 s21, s20  }
0x6e: {  	[tilespmem:s20+$0x400] =	vst v0  }
0x6f: {  	[spmem:s5] =	stream.linear.scatter [tilespmem:s24], [sflag:$0x1], $0x4000, $0x38;
	[tilespmem:$0x1C400] =	vst v63  }
0x70: {  	_ = 	snop  }
0x71: {  	[spmem:s6] =	stream.linear.scatter [tilespmem:s24], [sflag:$0x1], $0x4000, $0x38;
	[tilespmem:$0x1C400] =	vst v63  }
0x72: {  	_ = 	snop  }
0x73: {  	[spmem:s7] =	stream.linear.scatter [tilespmem:s24], [sflag:$0x1], $0x4000, $0x38;
	[tilespmem:$0x1C400] =	vst v63  }
0x74: {  	s20 =	rddreg [dreg:$0x3]  }
0x75: {  	[spmem:s20] =	stream.linear.scatter [tilespmem:s24], [sflag:$0x1], $0x4000, $0x38;
	[tilespmem:$0x1C400] =	vst v63  }
0x76: {  	s21 =	rddreg [dreg:$0x4]  }
0x77: {  	[spmem:s21] =	stream.linear.scatter [tilespmem:s24], [sflag:$0x1], $0x4000, $0x38;
	[tilespmem:$0x1C400] =	vst v63  }
0x78: {  	_ =	swait.ge [sflag:s25], $0x4000  }
0x79: {  	[sflag:s25] =	ssyncset.done $0x0  }
0x7a: {  	[sflag:s25] =	ssyncadd.s32 $0xFFFFC000  }
0x7b: {  	_ =	swait.ge [sflag:s25], $0x4000  }
0x7c: {  	[sflag:s25] =	ssyncset.done $0x0  }
0x7d: {  	[sflag:s25] =	ssyncadd.s32 $0xFFFFC000  }
0x7e: {  	_ =	swait.ge [sflag:s25], $0x4000  }
0x7f: {  	[sflag:s25] =	ssyncset.done $0x0  }
0x80: {  	[sflag:s25] =	ssyncadd.s32 $0xFFFFC000  }
0x81: {  	_ =	swait.ge [sflag:s25], $0x4000  }
0x82: {  	[sflag:s25] =	ssyncset.done $0x0  }
0x83: {  	[sflag:s25] =	ssyncadd.s32 $0xFFFFC000  }
0x84: {  	_ =	swait.ge [sflag:s25], $0x4000  }
0x85: {  	[sflag:s25] =	ssyncset.done $0x0  }
0x86: {  	[sflag:s25] =	ssyncadd.s32 $0xFFFFC000  }
0x87: {  	[bflag:$0x0] =	sbarrier.arrive $0xFFFF  }
0x88: {  	s9 =	smov.u32 s7;
	s18 =	simm.s32 $0x0;
	s7 =	rddreg [dreg:$0x5]  }
0x89: {  	[tilespmem:s18], [sflag:$0x7] =	stream.linear.gather [hbm4b:s7+s18], $0x80, $0x38;
	[tilespmem:$0x1C400] =	vst v63  }
0x8a: {  	_ =	swait.ge [sflag:s26], $0x80  }
0x8b: {  	[sflag:s26] =	ssyncset.done $0x0  }
0x8c: {  	s19 =	rddreg [dreg:$0x6];
	[sflag:s26] =	ssyncadd.s32 $0xFFFFFF80  }
0x8d: {  	[tilespmem:s28], [sflag:$0x7] =	stream.linear.gather [hbm4b:s19+s18], $0x80, $0x38;
	[tilespmem:$0x1C400] =	vst v63  }
0x8e: {  	_ =	swait.ge [sflag:s26], $0x80  }
0x8f: {  	[sflag:s26] =	ssyncset.done $0x0  }
0x90: {  	[sflag:s26] =	ssyncadd.s32 $0xFFFFFF80  }
0x91: {  	[tilespmem:s24], [sflag:$0x1] =	stream.indirect.gather [hbm4b:s4+s29], $0x80, s18, s29, $0xb8;
	[tilespmem:$0x1C400] =	vst v63  }
0x92: {  	s20 =	rddreg [dreg:$0x7]  }
0x93: {  	[tilespmem:s29], [sflag:$0x7] =	stream.linear.gather [hbm4b:s20+s18], $0x80, $0x38;
	[tilespmem:$0x1C400] =	vst v63  }
0x94: {  	_ =	swait.ge [sflag:s26], $0x80  }
0x95: {  	[sflag:s26] =	ssyncset.done $0x0  }
0x96: {  	s21 =	rddreg [dreg:$0x8];
	[sflag:s26] =	ssyncadd.s32 $0xFFFFFF80  }
0x97: {  	[tilespmem:s30], [sflag:$0x7] =	stream.linear.gather [hbm4b:s21+s18], $0x80, $0x38;
	[tilespmem:$0x1C400] =	vst v63  }
.Ltmp3:
0x98: {  	_ = 	snop;
	(pc) =	sbr.rel .LBB2_4-.Ltmp3, $4  }
0x99: {  	_ =	swait.ge [sflag:s26], $0x80  }
0x9a: {  	[sflag:s26] =	ssyncset.done $0x0  }
0x9b: {  	s8 =	smov.u32 s6;
	s19 =	simm.s32 $0x0;
	[sflag:s26] =	ssyncadd.s32 $0xFFFFFF80  }
0x9c: {  	[tilespmem:s31], [sflag:$0x2] =	stream.indirect.gather [hbm4b:s4+s29], $0x80, s29, s29, $0xb8;
	[tilespmem:$0x1C400] =	vst v63  }
.LBB2_9:
0x9d: {  	s18 =	sadd.s32 $0x400, s18  }
0x9e: {  	p1 =	seq.s32 s18, $0x9C00  }
.Ltmp4:
0x9f: {  	_ = 	snop;
	(pc) =	sbr.rel @p1 .LBB2_11-.Ltmp4, $2  }
0xa0: {  	_ =	sdelay $0x2  }
0xa1: {  	s19 =	sadd.s32 $0x1, s19  }
.LBB2_4:
0xa2: {  	s20 =	sand.u32 $0x1, s19  }
0xa3: {  	p1 =	seq.s32 s20, $0x1  }
.Ltmp5:
0xa4: {  	_ = 	snop;
	(pc) =	sbr.rel @p1 .LBB2_7-.Ltmp5, $1  }
0xa5: {  	_ =	sdelay $0x3  }
0xa6: {  	_ =	swait.ge [sflag:s25], $0x4000  }
0xa7: {  	[sflag:s25] =	ssyncset.done $0x0  }
0xa8: {  	p1 =	seq.s32 s18, $0x9800;
	[sflag:s25] =	ssyncadd.s32 $0xFFFFC000  }
0xa9: {  	[spmem:s2] =	stream.indirect.scatter.add.f32 [tilespmem:s24], [sflag:$0x3], $0x80, s28, s29, $0xb8;
	[tilespmem:$0x1C400] =	vst v63  }
.Ltmp6:
0xaa: {  	_ = 	snop;
	(pc) =	sbr.rel @p1 .LBB2_10-.Ltmp6, $4  }
0xab: {  	_ =	swait.ge [sflag:s1], $0x4000  }
0xac: {  	[sflag:s1] =	ssyncset.done $0x0  }
0xad: {  	[sflag:s1] =	ssyncadd.s32 $0xFFFFC000  }
0xae: {  	[spmem:s2] =	stream.indirect.scatter.add.f32 [tilespmem:s31], [sflag:$0x4], $0x80, s30, s29, $0xb8;
	[tilespmem:$0x1C400] =	vst v63  }
0xaf: {  	s21 =	sadd.s32 s18, s23  }
0xb0: {  	s6 =	sadd.s32 $0x400, s21  }
0xb1: {  	[tilespmem:s15], [sflag:$0x5] =	stream.linear.gather [hbm4b:s6+s3], $0x80, $0x38;
	[tilespmem:$0x1C400] =	vst v63  }
0xb2: {  	s6 =	sadd.s32 s18, s22  }
0xb3: {  	s7 =	sadd.s32 $0x400, s6  }
0xb4: {  	[tilespmem:s0], [sflag:$0x5] =	stream.linear.gather [hbm4b:s7+s3], $0x80, $0x38;
	[tilespmem:$0x1C400] =	vst v63  }
0xb5: {  	s21 =	sadd.s32 $0x600, s21  }
0xb6: {  	[tilespmem:s16], [sflag:$0x6] =	stream.linear.gather [hbm4b:s21+s3], $0x80, $0x38;
	[tilespmem:$0x1C400] =	vst v63  }
0xb7: {  	s6 =	sadd.s32 $0x600, s6  }
0xb8: {  	[tilespmem:s10], [sflag:$0x6] =	stream.linear.gather [hbm4b:s6+s3], $0x80, $0x38;
	[tilespmem:$0x1C400] =	vst v63  }
0xb9: {  	_ =	swait.ge [sflag:s11], $0x4000  }
0xba: {  	[sflag:s11] =	ssyncset.done $0x0  }
0xbb: {  	[sflag:s11] =	ssyncadd.s32 $0xFFFFC000  }
0xbc: {  	_ =	swait.ge [sflag:s12], $0x80  }
0xbd: {  	[sflag:s12] =	ssyncset.done $0x0  }
0xbe: {  	[sflag:s12] =	ssyncadd.s32 $0xFFFFFF80  }
0xbf: {  	_ =	swait.ge [sflag:s12], $0x80  }
0xc0: {  	[sflag:s12] =	ssyncset.done $0x0  }
0xc1: {  	[sflag:s12] =	ssyncadd.s32 $0xFFFFFF80  }
0xc2: {  	[tilespmem:s24], [sflag:$0x1] =	stream.indirect.gather [hbm4b:s4+s29], $0x80, s15, s29, $0xb8;
	[tilespmem:$0x1C400] =	vst v63  }
0xc3: {  	_ =	swait.ge [sflag:s13], $0x4000  }
0xc4: {  	[sflag:s13] =	ssyncset.done $0x0  }
0xc5: {  	[sflag:s13] =	ssyncadd.s32 $0xFFFFC000  }
0xc6: {  	_ =	swait.ge [sflag:s14], $0x80  }
0xc7: {  	p1 =	seq.s32 s20, $0x0;
	[sflag:s14] =	ssyncset.done $0x0  }
.Ltmp7:
0xc8: {  	[sflag:s14] =	ssyncadd.s32 $0xFFFFFF80;
	(pc) =	sbr.rel @p1 .LBB2_9-.Ltmp7, $4  }
0xc9: {  	_ =	swait.ge [sflag:s14], $0x80  }
0xca: {  	[sflag:s14] =	ssyncset.done $0x0  }
0xcb: {  	[sflag:s14] =	ssyncadd.s32 $0xFFFFFF80  }
0xcc: {  	[tilespmem:s31], [sflag:$0x2] =	stream.indirect.gather [hbm4b:s4+s29], $0x80, s16, s29, $0xb8;
	[tilespmem:$0x1C400] =	vst v63  }
.LBB2_7:
0xcd: {  	_ =	swait.ge [sflag:s25], $0x4000  }
0xce: {  	[sflag:s25] =	ssyncset.done $0x0  }
0xcf: {  	p1 =	seq.s32 s18, $0x9800;
	[sflag:s25] =	ssyncadd.s32 $0xFFFFC000  }
0xd0: {  	[spmem:s2] =	stream.indirect.scatter.add.f32 [tilespmem:s24], [sflag:$0x3], $0x80, s0, s29, $0xb8;
	[tilespmem:$0x1C400] =	vst v63  }
.Ltmp8:
0xd1: {  	_ = 	snop;
	(pc) =	sbr.rel @p1 .LBB2_10-.Ltmp8, $4  }
0xd2: {  	_ =	swait.ge [sflag:s1], $0x4000  }
0xd3: {  	[sflag:s1] =	ssyncset.done $0x0  }
0xd4: {  	[sflag:s1] =	ssyncadd.s32 $0xFFFFC000  }
0xd5: {  	[spmem:s2] =	stream.indirect.scatter.add.f32 [tilespmem:s31], [sflag:$0x4], $0x80, s10, s29, $0xb8;
	[tilespmem:$0x1C400] =	vst v63  }
0xd6: {  	s6 =	sadd.s32 s18, s23  }
0xd7: {  	s21 =	sadd.s32 s18, s22;
	s7 =	sadd.s32 $0x400, s6  }
0xd8: {  	[tilespmem:s3], [sflag:$0x5] =	stream.linear.gather [hbm4b:s7+s3], $0x80, $0x38;
	[tilespmem:$0x1C400] =	vst v63  }
0xd9: {  	s20 =	sadd.s32 $0x400, s21  }
0xda: {  	[tilespmem:s28], [sflag:$0x5] =	stream.linear.gather [hbm4b:s20+s3], $0x80, $0x38;
	[tilespmem:$0x1C400] =	vst v63  }
0xdb: {  	s6 =	sadd.s32 $0x600, s6  }
0xdc: {  	[tilespmem:s29], [sflag:$0x6] =	stream.linear.gather [hbm4b:s6+s3], $0x80, $0x38;
	[tilespmem:$0x1C400] =	vst v63  }
0xdd: {  	s21 =	sadd.s32 $0x600, s21  }
0xde: {  	[tilespmem:s30], [sflag:$0x6] =	stream.linear.gather [hbm4b:s21+s3], $0x80, $0x38;
	[tilespmem:$0x1C400] =	vst v63  }
0xdf: {  	_ =	swait.ge [sflag:s11], $0x4000  }
0xe0: {  	[sflag:s11] =	ssyncset.done $0x0  }
0xe1: {  	[sflag:s11] =	ssyncadd.s32 $0xFFFFC000  }
0xe2: {  	_ =	swait.ge [sflag:s12], $0x80  }
0xe3: {  	[sflag:s12] =	ssyncset.done $0x0  }
0xe4: {  	[sflag:s12] =	ssyncadd.s32 $0xFFFFFF80  }
0xe5: {  	_ =	swait.ge [sflag:s12], $0x80  }
0xe6: {  	[sflag:s12] =	ssyncset.done $0x0  }
0xe7: {  	[sflag:s12] =	ssyncadd.s32 $0xFFFFFF80  }
0xe8: {  	[tilespmem:s24], [sflag:$0x1] =	stream.indirect.gather [hbm4b:s4+s29], $0x80, s3, s29, $0xb8;
	[tilespmem:$0x1C400] =	vst v63  }
0xe9: {  	_ =	swait.ge [sflag:s13], $0x4000  }
0xea: {  	[sflag:s13] =	ssyncset.done $0x0  }
0xeb: {  	[sflag:s13] =	ssyncadd.s32 $0xFFFFC000  }
0xec: {  	_ =	swait.ge [sflag:s14], $0x80  }
0xed: {  	[sflag:s14] =	ssyncset.done $0x0  }
.Ltmp9:
0xee: {  	[sflag:s14] =	ssyncadd.s32 $0xFFFFFF80;
	(pc) =	sbr.rel .LBB2_9-.Ltmp9, $4  }
0xef: {  	_ =	swait.ge [sflag:s14], $0x80  }
0xf0: {  	[sflag:s14] =	ssyncset.done $0x0  }
0xf1: {  	[sflag:s14] =	ssyncadd.s32 $0xFFFFFF80  }
0xf2: {  	[tilespmem:s31], [sflag:$0x2] =	stream.indirect.gather [hbm4b:s4+s29], $0x80, s29, s29, $0xb8;
	[tilespmem:$0x1C400] =	vst v63  }
.LBB2_12:
0xf3: {  	_ =	sfence.sel $0x180000  }
0xf4: {  	[bflag:$0x0] =	sbarrier.arrive $0xFFFF  }
0xf5: {  	_ =	strace $0x9000004A  }
0xf6: {  	s0 =	stileid.u32;
	[bflag:$0x2] =	sbarrier.arrive $0xFFFF  }
0xf7: {  	p0 =	sne.s32 s0, $0x0;
	s0 =	rddreg [dreg:$0x2]  }
0xf8: {  	s0 =	sadd.s32 @!p0 $0x100000, s0  }
0xf9: {  	[sflag:s0] =	ssyncadd.tile.s32 @!p0 $0x1;
	_ =	shalt  }
.Lfunc_end2:
_tile_overlayer_lowered:
.L_overlay_start_2:
0xfa: {  	(tag) =	ssettag $0x2  }
0xfb: {  	s0 =	rddreg [dreg:$0x0];
	s2 =	stileid.u32  }
0xfc: {  	s1 =	rddreg [dreg:$0x1];
	p0 =	sne.s32 s2, $0x0  }
0xfd: {  	s3 =	rddreg [dreg:$0x2];
	[bflag:$0x3] =	sbarrier.arrive $0xFFFF;
	s2 =	simm.s32 @!p0 $0x1C07  }
0xfe: {  	[timem:s3], [sflag:s2] =	dma.local @!p0 [hbm:s0], s1  }
0xff: {  	s0 =	simm.s32 @!p0 $0x7  }
0x100: {  	_ =	swait.ge @!p0 [sflag:s0], s1  }
0x101: {  	s1 =	ssub.s32 @!p0 $0x0, s1;
	[sflag:s0] =	ssyncset.done @!p0 $0x0  }
0x102: {  	[sflag:s0] =	ssyncadd.s32 @!p0 s1  }
0x103: {  	[bflag:$0x3] =	sbarrier.arrive $0xFFFF  }
0x104: {  	_ =	shalt  }

// kernel: kernel.16.cloned.1.call-start
scs
__scs_entry_jumppad:
0x0: {  	(pc) =	sbr.rel $0x88, $3  }
0x1: {  	(tag) =	ssettag $0x0;
	lr =	simm.s32 $0x1  }
0x2: {  	[smem:$0x3F8E] =	sst lr;
	_ =	strace $0xD0000000  }
0x3: {  	_ = 	snop  }
0x4: {  	_ = 	snop  }
0x5: {  	_ = 	snop  }
0x6: {  	_ = 	snop  }
0x7: {  	_ = 	snop  }
__scs_overlays_trampoline_lowered:
0x8: {  	[smem:$0x3F9D] =	sst s0  }
0x9: {  	[smem:$0x3F9E] =	sst s1  }
0xa: {  	[smem:$0x3F9F] =	sst s2  }
0xb: {  	[smem:$0x3FA0] =	sst s3  }
0xc: {  	[smem:$0x3FA1] =	sst s4  }
0xd: {  	[smem:$0x3FA2] =	sst s5  }
0xe: {  	[smem:$0x3FA3] =	sst s6  }
0xf: {  	[smem:$0x3FA4] =	sst s7  }
0x10: {  	[smem:$0x3FA5] =	sst s8  }
0x11: {  	[smem:$0x3FA6] =	sst s9;
	s0 =	simm.s32 @!p0 $0x0  }
0x12: {  	s1 =	sld [smem:$0x3F8C];
	s0 =	simm.s32 @p0 $0x1  }
0x13: {  	[smem:$0x3FA7] =	sst s0;
	s0 =	simm.s32 @!p1 $0x0  }
0x14: {  	s2 =	sld [smem:$0x3F8B];
	s0 =	simm.s32 @p1 $0x1  }
0x15: {  	[smem:$0x3FA8] =	sst s0;
	s0 =	simm.s32 @!p2 $0x0  }
0x16: {  	s3 =	sld [smem:$0x3FDB];
	s0 =	simm.s32 @p2 $0x1  }
0x17: {  	s4 =	simm.s32 $0x1BF5;
	[smem:$0x3FAA] =	sst s0  }
0x18: {  	s0 =	sld [smem:$0x3F8D];
	_ =	swait.ge [sflag:s4], $0x0  }
0x19: {  	s7 =	sld [smem:$0x3F8E]  }
0x1a: {  	s8 =	sadd.s32 $0xFFFFE003, lr  }
0x1b: {  	s9 =	sadd.s32 $0xFFFFFEF7, lr;
	s5 =	simm.s32 $0xFFFFFFFF;
	p2 =	slt.u32 s8, $0xFFFFF086  }
0x1c: {  	p1 =	slt.u32 s9, $0xF7A;
	s5 =	simm.s32 @!p2 $0x0  }
0x1d: {  	s5 =	simm.s32 @p1 $0x1;
	p0 =	seq.s32 s7, s2  }
0x1e: {  	s7 =	smul.u32 @!p0 $0xF7A, s2;
	p2 =	seq.s32 @!p0 s5, $0x0  }
0x1f: {  	s9 =	smul.u32 $0xF7A, s1;
	s8 =	simm.s32 @!p0 $0x1BF5;
	p2 =	por !p2, p0  }
0x20: {  	[sflag:s8] =	ssyncset.s32 @!p0 $0xFFFFF086;
	s6 =	sadd.s32 @!p0 s3, s7;
	s7 =	simm.s32 @!p0 $0x108  }
0x21: {  	s3 =	sadd.s32 s3, s9;
	s6 =	sadd.s32 @!p0 $0x88, s6;
	s7 =	simm.s32 @p2 $0x1082  }
0x22: {  	[simem:s7], [sflag:s8] =	dma.local @!p0 [hbm:s6], $0xF7A  }
0x23: {  	s9 =	sor.u32 $0xD0000000, s2;
	s6 =	simm.s32 $0x108;
	_ =	swait.ge @!p0 [sflag:s8], $0x0  }
0x24: {  	s3 =	sadd.s32 $0x88, s3;
	s6 =	simm.s32 @!p1 $0x1082;
	[sflag:s4] =	ssyncset.s32 $0xFFFFF086  }
0x25: {  	[simem:s6], [sflag:s4] =	dma.local [hbm:s3], $0xF7A  }
0x26: {  	[smem:$0x3F8E] =	sst s1;
	(tag) =	ssettag s2;
	_ =	strace s9  }
0x27: {  	s1 =	sld [smem:$0x3F9E]  }
0x28: {  	s2 =	sld [smem:$0x3F9F]  }
0x29: {  	s4 =	sld [smem:$0x3FA1]  }
0x2a: {  	p0 =	seq.s32 s5, $0x0;
	s5 =	sld [smem:$0x3FA2]  }
0x2b: {  	s6 =	sld [smem:$0x3FA3]  }
0x2c: {  	s7 =	sld [smem:$0x3FA4]  }
0x2d: {  	s3 =	simm.s32 $0x108;
	s8 =	sld [smem:$0x3FA5]  }
0x2e: {  	s3 =	simm.s32 @!p0 $0x1082;
	s9 =	sld [smem:$0x3FA6]  }
0x2f: {  	lr =	sadd.s32 s0, s3;
	s0 =	sld [smem:$0x3F9D]  }
0x30: {  	s3 =	sld [smem:$0x3FA0]  }
0x31: {  	[smem:$0x3FA9] =	sst s10  }
0x32: {  	s10 =	sld [smem:$0x3FA7];
	_ =	sdelay $0x3  }
0x33: {  	p0 =	seq.s32 s10, $0x1;
	s10 =	sld [smem:$0x3FA9];
	_ =	sdelay $0x3  }
0x34: {  	[smem:$0x3FA9] =	sst s10  }
0x35: {  	s10 =	sld [smem:$0x3FA8];
	_ =	sdelay $0x3  }
0x36: {  	p1 =	seq.s32 s10, $0x1;
	s10 =	sld [smem:$0x3FA9];
	_ =	sdelay $0x3  }
0x37: {  	[smem:$0x3FA9] =	sst s10  }
0x38: {  	s10 =	sld [smem:$0x3FAA]  }
0x39: {  	_ = 	snop;
	(pc) =	sbr.ind lr, $3  }
0x3a: {  	_ = 	snop  }
0x3b: {  	_ = 	snop  }
0x3c: {  	p2 =	seq.s32 s10, $0x1;
	s10 =	sld [smem:$0x3FA9]  }
0x3d: {  	_ =	shalt  }
0x3e: {  	_ =	shalt  }
0x3f: {  	_ =	shalt  }
0x40: {  	_ =	shalt  }
0x41: {  	_ =	shalt  }
0x42: {  	_ =	shalt  }
0x43: {  	_ =	shalt  }
0x44: {  	_ =	shalt  }
0x45: {  	_ =	shalt  }
0x46: {  	_ =	shalt  }
0x47: {  	_ =	shalt  }
0x48: {  	_ =	shalt  }
0x49: {  	_ =	shalt  }
0x4a: {  	_ =	shalt  }
0x4b: {  	_ =	shalt  }
0x4c: {  	_ =	shalt  }
0x4d: {  	_ =	shalt  }
0x4e: {  	_ =	shalt  }
0x4f: {  	_ =	shalt  }
0x50: {  	_ =	shalt  }
0x51: {  	_ =	shalt  }
0x52: {  	_ =	shalt  }
0x53: {  	_ =	shalt  }
0x54: {  	_ =	shalt  }
0x55: {  	_ =	shalt  }
0x56: {  	_ =	shalt  }
0x57: {  	_ =	shalt  }
0x58: {  	_ =	shalt  }
0x59: {  	_ =	shalt  }
0x5a: {  	_ =	shalt  }
0x5b: {  	_ =	shalt  }
0x5c: {  	_ =	shalt  }
0x5d: {  	_ =	shalt  }
0x5e: {  	_ =	shalt  }
0x5f: {  	_ =	shalt  }
0x60: {  	_ =	shalt  }
0x61: {  	_ =	shalt  }
0x62: {  	_ =	shalt  }
0x63: {  	_ =	shalt  }
0x64: {  	_ =	shalt  }
0x65: {  	_ =	shalt  }
0x66: {  	_ =	shalt  }
0x67: {  	_ =	shalt  }
0x68: {  	_ =	shalt  }
0x69: {  	_ =	shalt  }
0x6a: {  	_ =	shalt  }
0x6b: {  	_ =	shalt  }
0x6c: {  	_ =	shalt  }
0x6d: {  	_ =	shalt  }
0x6e: {  	_ =	shalt  }
0x6f: {  	_ =	shalt  }
0x70: {  	_ =	shalt  }
0x71: {  	_ =	shalt  }
0x72: {  	_ =	shalt  }
0x73: {  	_ =	shalt  }
0x74: {  	_ =	shalt  }
0x75: {  	_ =	shalt  }
0x76: {  	_ =	shalt  }
0x77: {  	_ =	shalt  }
0x78: {  	_ =	shalt  }
0x79: {  	_ =	shalt  }
0x7a: {  	_ =	shalt  }
0x7b: {  	_ =	shalt  }
0x7c: {  	_ =	shalt  }
0x7d: {  	_ =	shalt  }
0x7e: {  	_ =	shalt  }
0x7f: {  	_ =	shalt  }
0x80: {  	_ =	shalt  }
0x81: {  	_ =	shalt  }
0x82: {  	_ =	shalt  }
0x83: {  	_ =	shalt  }
0x84: {  	_ =	shalt  }
0x85: {  	_ =	shalt  }
0x86: {  	_ =	shalt  }
0x87: {  	_ =	shalt  }
.Lfunc_end0:
.L_simem_size_0:
called_computation.2_lowered:
.L_overlay_start_0:
0x88: {  	s2 =	sld [smem:$0x3FD9]  }
0x89: {  	s3 =	sld [smem:$0x3FFE];
	_ =	sdelay $0x1  }
0x8a: {  	s1 =	srdreg.scid  }
0x8b: {  	s0 =	sand.u32 $0x1, s1  }
0x8c: {  	s16 =	sshll.u32 s0, $0xA;
	s2 =	sadd.s32 s3, s2  }
0x8d: {  	s2 =	sadd.s32 s2, s16  }
0x8e: {  	[smem:$0x3FB5] =	sst s2  }
0x8f: {  	_ = 	snop  }
0x90: {  	(tm) =	ssettm $0x1  }
0x91: {  	s17 =	sld [smem:$0x3FFB];
	_ =	sdelay $0x3  }
0x92: {  	_ =	strace s17  }
0x93: {  	s2 =	sld [smem:$0x3FFC];
	_ =	sdelay $0x3  }
0x94: {  	_ =	strace s2  }
0x95: {  	s2 =	sld [smem:$0x3FFD];
	_ =	sdelay $0x3  }
0x96: {  	_ =	strace s2  }
0x97: {  	_ =	strace $0x8FFFFFFF  }
0x98: {  	s18 =	sld [smem:$0x3FDB];
	_ =	sdelay $0x1  }
0x99: {  	s19 =	simm.s32 $_scs_section_size  }
0x9a: {  	s4 =	simm.s32 $_size__tile_overlayer_lowered;
	s5 =	simm.s32 $_tile_overlayer_lowered  }
0x9b: {  	s22 =	simm.s32 $0x1BFF;
	s21 =	sshll.u32 s5, $0x1;
	s2 =	sadd.s32 s19, s18  }
0x9c: {  	s6 =	simm.s32 $0x0;
	s20 =	sshll.u32 s4, $0x1;
	s4 =	sadd.s32 s21, s2  }
0x9d: {  	[timem:s6], [sflag:s22] =	dma.local [hbm:s4], s20  }
0x9e: {  	_ =	swait.ge [sflag:s22], s20  }
0x9f: {  	s3 =	ssub.s32 $0x0, s20;
	[sflag:s22] =	ssyncset.done $0x0  }
0xa0: {  	[sflag:s22] =	ssyncadd.s32 s3;
	_ =	sdelay $0x1  }
0xa1: {  	s23 =	simm.s32 $0x1B8B  }
0xa2: {  	_ =	swait.ge [sflag:s23], $0x1  }
0xa3: {  	[sflag:s23] =	ssyncset.done $0x0  }
0xa4: {  	s25 =	simm.s32 $0x1B8E;
	s24 =	sld [smem:$0x3FFE];
	[sflag:s23] =	ssyncadd.s32 $0xFFFFFFFF  }
0xa5: {  	s26 =	simm.s32 $execute0_lowered;
	[smem:$0x3FD2] =	sst s25  }
0xa6: {  	s4 =	sshll.u32 s26, $0x1;
	_ =	strace $0x8000004C;
	[dreg:$0x1] =	wrdreg $0xFFFFFFFF  }
0xa7: {  	s28 =	simm.s32 $_size_execute0_lowered;
	s2 =	sadd.s32 s2, s4;
	[dreg:$0x0] =	wrdreg $0x0  }
0xa8: {  	s4 =	sshll.u32 s28, $0x1;
	[dreg:$0x2] =	wrdreg s2  }
0xa9: {  	[dreg:$0x3] =	wrdreg s4  }
0xaa: {  	[dreg:$0x4] =	wrdreg $0xC0  }
0xab: {  	_ =	task [dreg:s6], $0x5FFFF  }
0xac: {  	[dreg:$0x1] =	wrdreg $0xFFFFFFFF  }
0xad: {  	[dreg:$0x0] =	wrdreg $0x60  }
0xae: {  	[dreg:$0x2] =	wrdreg s24  }
0xaf: {  	[dreg:$0x3] =	wrdreg $0x84000  }
0xb0: {  	[dreg:$0x4] =	wrdreg $0x9  }
0xb1: {  	_ =	task.clear_ibuf [dreg:s6], $0x5FFFF;
	_ =	strace $0x9000004C  }
0xb2: {  	s29 =	simm.s32 $0x9;
	_ =	strace $0x8000004E  }
0xb3: {  	_ =	swait.ge [sflag:s29], $0x1  }
0xb4: {  	[sflag:s29] =	ssyncadd.s32 $0xFFFFFFFF  }
0xb5: {  	_ =	strace $0x9000004E  }
0xb6: {  	_ =	sfence  }
0xb7: {  	s30 =	sld [smem:$0x0];
	_ =	sdelay $0x2  }
0xb8: {  	s31 =	sshll.u32 s1, $0xD;
	s1 =	sshrl.u32 s1, $0x2  }
0xb9: {  	s3 =	sand.u32 $0x4000, s31;
	s1 =	sadd.s32 s1, s30  }
0xba: {  	s0 =	sor.u32 s3, s0;
	s1 =	sshll.u32 s1, $0x11  }
0xbb: {  	s0 =	sor.u32 s1, s0  }
0xbc: {  	s0 =	sadd.s32 $0x8F2B, s0  }
0xbd: {  	[sflag:s0] =	ssyncadd.remote.s32 $0x1  }
0xbe: {  	_ =	sfence.sel $0xFFFF  }
0xbf: {  	[dreg:$0x0] =	wrdreg $0xFFFFFFFF;
	(pc) =	sbr.abs _section_cstart, $3  }
0xc0: {  	[dreg:$0x1] =	wrdreg $0xFFFFFFFF  }
0xc1: {  	_ =	task.clear_ibuf [dreg:s6], $0x2FFFF;
	_ =	strace $0x9FFFFFFF  }
0xc2: {  	(tm) =	ssettm $0x7FFFFFFF  }
0xc3: {  	_ =	shalt  }
tec
execute0_lowered:
.L_overlay_start_1:
0x0: {  	(tag) =	ssettag $0x1  }
0x1: {  	s0 =	rddreg [dreg:$0x0]  }
0x2: {  	s2 =	rddreg [dreg:$0x1]  }
0x3: {  	s1 =	srdreg.scid;
	s16 =	stileid.u32;
	s3 =	simm.s32 $0x0  }
0x4: {  	s28 =	simm.s32 $0x100;
	s29 =	simm.s32 $0x80;
	s30 =	simm.s32 $0x180  }
0x5: {  	s31 =	simm.s32 $0x4400;
	s1 =	sand.u32 $0x1, s1;
	s5 =	smul.u32 $0x280, s16  }
0x6: {  	[smem:$0x7FF] =	sst s3;
	s7 =	smul.u32 $0x50000, s16;
	s4 =	sadd.s32 $0x18800, s0  }
0x7: {  	s10 =	sadd.s32 $0xEA00, s0;
	s11 =	sadd.s32 $0x4C00, s0;
	s13 =	sshll.u32 s16, $0x5  }
0x8: {  	p0 =	sgt.u32 s16, $0x1;
	s16 =	simm.s32 $0x280;
	s6 =	smul.u32 $0x2800, s1  }
0x9: {  	_ =	strace $0x8000004D;
	s24 =	ssub.s32 $0x2, s1;
	s1 =	sshll.u32 s1, $0x4  }
0xa: {  	s7 =	sshrl.u32 s7, $0x2;
	s9 =	sshrl.u32 s24, $0x1;
	s14 =	sor.u32 s1, s13  }
0xb: {  	s5 =	sadd.s32 s5, s6;
	s12 =	ssub.s32 s24, s9;
	s9 =	sadd.s32 s10, s14  }
0xc: {  	s15 =	sadd.s32 s11, s14;
	s8 =	sshll.u32 s5, $0x4;
	[dreg:$0x5] =	wrdreg s9  }
0xd: {  	s5 =	sadd.s32 s7, s2;
	[dreg:$0x6] =	wrdreg s15;
	s15 =	sor.u32 $0x200, s14  }
0xe: {  	s14 =	sor.u32 $0x9C00, s14;
	s0 =	sadd.s32 s8, s0;
	s25 =	sadd.s32 $0xC000, s5  }
0xf: {  	s6 =	sadd.s32 $0x4000, s5;
	s26 =	sadd.s32 $0x10000, s5;
	[dreg:$0x3] =	wrdreg s25  }
0x10: {  	s7 =	sadd.s32 $0x8000, s5;
	s17 =	sadd.s32 s10, s15;
	[dreg:$0x4] =	wrdreg s26  }
0x11: {  	s18 =	sadd.s32 s11, s15;
	s19 =	sadd.s32 s10, s14;
	[dreg:$0x7] =	wrdreg s17  }
0x12: {  	s20 =	sadd.s32 s11, s14;
	s10 =	sadd.s32 s13, s10;
	[dreg:$0x8] =	wrdreg s18  }
0x13: {  	s14 =	simm.s32 $0x6;
	s15 =	simm.s32 $0x200;
	[dreg:$0x9] =	wrdreg s19  }
0x14: {  	[dreg:$0xa] =	wrdreg s20;
	s21 =	sadd.s32 $0xB9200, s0;
	s22 =	sadd.s32 $0xB9A00, s0  }
0x15: {  	s23 =	sadd.s32 $0xBA200, s0;
	s24 =	sadd.s32 $0xBAA00, s0;
	[dreg:$0xb] =	wrdreg s21  }
0x16: {  	s0 =	sadd.s32 $0xBB200, s0;
	s25 =	sadd.s32 s13, s11;
	[dreg:$0xc] =	wrdreg s22  }
0x17: {  	s26 =	smax.u32 s12, $0x1;
	s11 =	simm.s32 $0x3;
	[dreg:$0xd] =	wrdreg s23  }
.Ltmp0:
0x18: {  	s12 =	simm.s32 $0x5;
	[dreg:$0xe] =	wrdreg s24;
	(pc) =	sbr.rel .LBB2_1-.Ltmp0, $4  }
0x19: {  	s13 =	simm.s32 $0x4;
	s17 =	simm.s32 $0x0;
	[dreg:$0xf] =	wrdreg s0  }
0x1a: {  	[dreg:$0x10] =	wrdreg s26;
	s22 =	sadd.s32 s1, s25;
	s23 =	sadd.s32 s1, s10  }
0x1b: {  	s24 =	simm.s32 $0x400;
	s25 =	simm.s32 $0x1;
	s26 =	simm.s32 $0x7  }
0x1c: {  	v0 =	vimm.f32 $0.0e+00;
	s0 =	simm.s32 $0x300;
	s1 =	simm.s32 $0x2;
	s10 =	simm.s32 $0x380  }
.LBB2_10:
0x1d: {  	_ =	swait.ge [sflag:s11], $0x4000  }
0x1e: {  	[sflag:s11] =	ssyncset.done $0x0  }
0x1f: {  	[sflag:s11] =	ssyncadd.s32 $0xFFFFC000  }
0x20: {  	_ =	swait.ge [sflag:s13], $0x4000  }
0x21: {  	[sflag:s13] =	ssyncset.done $0x0  }
0x22: {  	[sflag:s13] =	ssyncadd.s32 $0xFFFFC000  }
.LBB2_11:
0x23: {  	s6 =	simm.s32 @!p0 $0x0;
	s7 =	rddreg [dreg:$0x9]  }
0x24: {  	[tilespmem:s6], [sflag:$0x7] =	stream.linear.gather @!p0 [hbm4b:s7+s6], $0x80, $0x38;
	[tilespmem:$0x1C400] =	vst v63  }
0x25: {  	s7 =	simm.s32 @!p0 $0x7  }
0x26: {  	_ =	swait.ge @!p0 [sflag:s7], $0x80  }
0x27: {  	[sflag:s7] =	ssyncset.done @!p0 $0x0  }
0x28: {  	s18 =	simm.s32 @!p0 $0x100;
	s19 =	rddreg [dreg:$0xa];
	[sflag:s7] =	ssyncadd.s32 @!p0 $0xFFFFFF80  }
0x29: {  	[tilespmem:s18], [sflag:$0x7] =	stream.linear.gather @!p0 [hbm4b:s19+s6], $0x80, $0x38;
	[tilespmem:$0x1C400] =	vst v63  }
0x2a: {  	_ =	swait.ge @!p0 [sflag:s7], $0x80  }
0x2b: {  	[sflag:s7] =	ssyncset.done @!p0 $0x0  }
0x2c: {  	s20 =	simm.s32 @!p0 $0x400;
	s19 =	simm.s32 @!p0 $0x80;
	[sflag:s7] =	ssyncadd.s32 @!p0 $0xFFFFFF80  }
0x2d: {  	[tilespmem:s20], [sflag:$0x1] =	stream.indirect.gather @!p0 [hbm4b:s4+s19], $0x80, s6, s19, $0xb8;
	[tilespmem:$0x1C400] =	vst v63  }
0x2e: {  	s6 =	simm.s32 @!p0 $0x1  }
0x2f: {  	_ =	swait.ge @!p0 [sflag:s6], $0x4000  }
0x30: {  	[sflag:s6] =	ssyncset.done @!p0 $0x0  }
0x31: {  	[sflag:s6] =	ssyncadd.s32 @!p0 $0xFFFFC000  }
0x32: {  	[spmem:s2] =	stream.indirect.scatter.add.f32 @!p0 [tilespmem:s20], [sflag:$0x7], $0x80, s18, s19, $0xb8;
	[tilespmem:$0x1C400] =	vst v63  }
0x33: {  	_ =	swait.ge @!p0 [sflag:s7], $0x4000  }
0x34: {  	[sflag:s7] =	ssyncset.done @!p0 $0x0  }
0x35: {  	[sflag:s7] =	ssyncadd.s32 @!p0 $0xFFFFC000  }
0x36: {  	[bflag:$0x0] =	sbarrier.arrive $0xFFFF  }
0x37: {  	[tilespmem:s24], [sflag:$0x1] =	stream.linear.gather [spmem:s5], $0x4000, $0x38;
	[tilespmem:$0x1C400] =	vst v63  }
0x38: {  	_ =	swait.ge [sflag:s25], $0x4000  }
0x39: {  	[sflag:s25] =	ssyncset.done $0x0  }
0x3a: {  	s19 =	rddreg [dreg:$0xb];
	[sflag:s25] =	ssyncadd.s32 $0xFFFFC000  }
0x3b: {  	[hbm4b:s19+s3] =	stream.linear.scatter [tilespmem:s24], [sflag:$0x3], $0x4000, $0x38;
	[tilespmem:$0x1C400] =	vst v63  }
0x3c: {  	_ = 	snop  }
0x3d: {  	[tilespmem:s31], [sflag:$0x2] =	stream.linear.gather [spmem:s8], $0x4000, $0x38;
	[tilespmem:$0x1C400] =	vst v63  }
0x3e: {  	_ =	swait.ge [sflag:s1], $0x4000  }
0x3f: {  	[sflag:s1] =	ssyncset.done $0x0  }
0x40: {  	s20 =	rddreg [dreg:$0xc];
	[sflag:s1] =	ssyncadd.s32 $0xFFFFC000  }
0x41: {  	[hbm4b:s20+s3] =	stream.linear.scatter [tilespmem:s31], [sflag:$0x4], $0x4000, $0x38;
	[tilespmem:$0x1C400] =	vst v63  }
0x42: {  	_ =	swait.ge [sflag:s11], $0x4000  }
0x43: {  	[sflag:s11] =	ssyncset.done $0x0  }
0x44: {  	[sflag:s11] =	ssyncadd.s32 $0xFFFFC000  }
0x45: {  	[tilespmem:s24], [sflag:$0x1] =	stream.linear.gather [spmem:s9], $0x4000, $0x38;
	[tilespmem:$0x1C400] =	vst v63  }
0x46: {  	_ =	swait.ge [sflag:s25], $0x4000  }
0x47: {  	[sflag:s25] =	ssyncset.done $0x0  }
0x48: {  	s21 =	rddreg [dreg:$0xd];
	[sflag:s25] =	ssyncadd.s32 $0xFFFFC000  }
0x49: {  	[hbm4b:s21+s3] =	stream.linear.scatter [tilespmem:s24], [sflag:$0x3], $0x4000, $0x38;
	[tilespmem:$0x1C400] =	vst v63  }
0x4a: {  	_ =	swait.ge [sflag:s13], $0x4000  }
0x4b: {  	[sflag:s13] =	ssyncset.done $0x0  }
0x4c: {  	s7 =	smov.u32 s9;
	s9 =	rddreg [dreg:$0x3];
	[sflag:s13] =	ssyncadd.s32 $0xFFFFC000  }
0x4d: {  	[tilespmem:s31], [sflag:$0x2] =	stream.linear.gather [spmem:s9], $0x4000, $0x38;
	[tilespmem:$0x1C400] =	vst v63  }
0x4e: {  	_ =	swait.ge [sflag:s1], $0x4000  }
0x4f: {  	[sflag:s1] =	ssyncset.done $0x0  }
0x50: {  	s18 =	rddreg [dreg:$0xe];
	[sflag:s1] =	ssyncadd.s32 $0xFFFFC000  }
0x51: {  	[hbm4b:s18+s3] =	stream.linear.scatter [tilespmem:s31], [sflag:$0x4], $0x4000, $0x38;
	[tilespmem:$0x1C400] =	vst v63  }
0x52: {  	_ =	swait.ge [sflag:s11], $0x4000  }
0x53: {  	[sflag:s11] =	ssyncset.done $0x0  }
0x54: {  	s19 =	rddreg [dreg:$0x4];
	[sflag:s11] =	ssyncadd.s32 $0xFFFFC000  }
0x55: {  	[tilespmem:s24], [sflag:$0x1] =	stream.linear.gather [spmem:s19], $0x4000, $0x38;
	[tilespmem:$0x1C400] =	vst v63  }
0x56: {  	_ =	swait.ge [sflag:s25], $0x4000  }
0x57: {  	[sflag:s25] =	ssyncset.done $0x0  }
0x58: {  	s20 =	rddreg [dreg:$0xf];
	[sflag:s25] =	ssyncadd.s32 $0xFFFFC000  }
0x59: {  	[hbm4b:s20+s3] =	stream.linear.scatter [tilespmem:s24], [sflag:$0x3], $0x4000, $0x38;
	[tilespmem:$0x1C400] =	vst v63  }
0x5a: {  	_ =	swait.ge [sflag:s11], $0x4000  }
0x5b: {  	[sflag:s11] =	ssyncset.done $0x0  }
0x5c: {  	[sflag:s11] =	ssyncadd.s32 $0xFFFFC000  }
0x5d: {  	_ =	swait.ge [sflag:s13], $0x4000  }
0x5e: {  	s17 =	sadd.s32 $0x1, s17;
	s21 =	rddreg [dreg:$0x10]  }
0x5f: {  	p1 =	sne.s32 s17, s21  }
.Ltmp1:
0x60: {  	_ = 	snop;
	(pc) =	sbr.rel @!p1 .LBB2_12-.Ltmp1, $3  }
0x61: {  	_ =	sdelay $0x1  }
0x62: {  	[sflag:s13] =	ssyncset.done $0x0  }
0x63: {  	s6 =	smov.u32 s8;
	[sflag:s13] =	ssyncadd.s32 $0xFFFFC000  }
.LBB2_1:
0x64: {  	s18 =	sand.u32 $0xFE00, s3  }
0x65: {  	s19 =	sand.u32 $0x70, s3;
	s20 =	sshrl.u32 s18, $0x2  }
0x66: {  	s18 =	simm.s32 $0x40;
	s20 =	sor.u32 s19, s20;
	s19 =	simm.s32 $0x0  }
.LBB2_2:
0x67: {  	p1 =	sne.s32 s18, $0xFFC0  }
0x68: {  	[tilespmem:s20+$0x400] =	vst v0;
	s19 =	sadd.s32 $0x10, s19;
	s20 =	smov.u32 s18;
	s18 =	sadd.s32 $0x40, s18  }
.Ltmp2:
0x69: {  	(pc) =	sbr.rel @p1 .LBB2_2-.Ltmp2, $4  }
0x6a: {  	_ = 	snop  }
0x6b: {  	s20 =	sand.u32 $0xFE00, s20  }
0x6c: {  	s21 =	sand.u32 $0x70, s19;
	s20 =	sshrl.u32 s20, $0x2  }
0x6d: {  	s20 =	sor.u32 s21, s20  }
0x6e: {  	[tilespmem:s20+$0x400] =	vst v0  }
0x6f: {  	[spmem:s5] =	stream.linear.scatter [tilespmem:s24], [sflag:$0x1], $0x4000, $0x38;
	[tilespmem:$0x1C400] =	vst v63  }
0x70: {  	_ = 	snop  }
0x71: {  	[spmem:s6] =	stream.linear.scatter [tilespmem:s24], [sflag:$0x1], $0x4000, $0x38;
	[tilespmem:$0x1C400] =	vst v63  }
0x72: {  	_ = 	snop  }
0x73: {  	[spmem:s7] =	stream.linear.scatter [tilespmem:s24], [sflag:$0x1], $0x4000, $0x38;
	[tilespmem:$0x1C400] =	vst v63  }
0x74: {  	s20 =	rddreg [dreg:$0x3]  }
0x75: {  	[spmem:s20] =	stream.linear.scatter [tilespmem:s24], [sflag:$0x1], $0x4000, $0x38;
	[tilespmem:$0x1C400] =	vst v63  }
0x76: {  	s21 =	rddreg [dreg:$0x4]  }
0x77: {  	[spmem:s21] =	stream.linear.scatter [tilespmem:s24], [sflag:$0x1], $0x4000, $0x38;
	[tilespmem:$0x1C400] =	vst v63  }
0x78: {  	_ =	swait.ge [sflag:s25], $0x4000  }
0x79: {  	[sflag:s25] =	ssyncset.done $0x0  }
0x7a: {  	[sflag:s25] =	ssyncadd.s32 $0xFFFFC000  }
0x7b: {  	_ =	swait.ge [sflag:s25], $0x4000  }
0x7c: {  	[sflag:s25] =	ssyncset.done $0x0  }
0x7d: {  	[sflag:s25] =	ssyncadd.s32 $0xFFFFC000  }
0x7e: {  	_ =	swait.ge [sflag:s25], $0x4000  }
0x7f: {  	[sflag:s25] =	ssyncset.done $0x0  }
0x80: {  	[sflag:s25] =	ssyncadd.s32 $0xFFFFC000  }
0x81: {  	_ =	swait.ge [sflag:s25], $0x4000  }
0x82: {  	[sflag:s25] =	ssyncset.done $0x0  }
0x83: {  	[sflag:s25] =	ssyncadd.s32 $0xFFFFC000  }
0x84: {  	_ =	swait.ge [sflag:s25], $0x4000  }
0x85: {  	[sflag:s25] =	ssyncset.done $0x0  }
0x86: {  	[sflag:s25] =	ssyncadd.s32 $0xFFFFC000  }
0x87: {  	[bflag:$0x0] =	sbarrier.arrive $0xFFFF  }
0x88: {  	s9 =	smov.u32 s7;
	s18 =	simm.s32 $0x0;
	s7 =	rddreg [dreg:$0x5]  }
0x89: {  	[tilespmem:s18], [sflag:$0x7] =	stream.linear.gather [hbm4b:s7+s18], $0x80, $0x38;
	[tilespmem:$0x1C400] =	vst v63  }
0x8a: {  	_ =	swait.ge [sflag:s26], $0x80  }
0x8b: {  	[sflag:s26] =	ssyncset.done $0x0  }
0x8c: {  	s19 =	rddreg [dreg:$0x6];
	[sflag:s26] =	ssyncadd.s32 $0xFFFFFF80  }
0x8d: {  	[tilespmem:s28], [sflag:$0x7] =	stream.linear.gather [hbm4b:s19+s18], $0x80, $0x38;
	[tilespmem:$0x1C400] =	vst v63  }
0x8e: {  	_ =	swait.ge [sflag:s26], $0x80  }
0x8f: {  	[sflag:s26] =	ssyncset.done $0x0  }
0x90: {  	[sflag:s26] =	ssyncadd.s32 $0xFFFFFF80  }
0x91: {  	[tilespmem:s24], [sflag:$0x1] =	stream.indirect.gather [hbm4b:s4+s29], $0x80, s18, s29, $0xb8;
	[tilespmem:$0x1C400] =	vst v63  }
0x92: {  	s20 =	rddreg [dreg:$0x7]  }
0x93: {  	[tilespmem:s29], [sflag:$0x7] =	stream.linear.gather [hbm4b:s20+s18], $0x80, $0x38;
	[tilespmem:$0x1C400] =	vst v63  }
0x94: {  	_ =	swait.ge [sflag:s26], $0x80  }
0x95: {  	[sflag:s26] =	ssyncset.done $0x0  }
0x96: {  	s21 =	rddreg [dreg:$0x8];
	[sflag:s26] =	ssyncadd.s32 $0xFFFFFF80  }
0x97: {  	[tilespmem:s30], [sflag:$0x7] =	stream.linear.gather [hbm4b:s21+s18], $0x80, $0x38;
	[tilespmem:$0x1C400] =	vst v63  }
.Ltmp3:
0x98: {  	_ = 	snop;
	(pc) =	sbr.rel .LBB2_4-.Ltmp3, $4  }
0x99: {  	_ =	swait.ge [sflag:s26], $0x80  }
0x9a: {  	[sflag:s26] =	ssyncset.done $0x0  }
0x9b: {  	s8 =	smov.u32 s6;
	s19 =	simm.s32 $0x0;
	[sflag:s26] =	ssyncadd.s32 $0xFFFFFF80  }
0x9c: {  	[tilespmem:s31], [sflag:$0x2] =	stream.indirect.gather [hbm4b:s4+s29], $0x80, s29, s29, $0xb8;
	[tilespmem:$0x1C400] =	vst v63  }
.LBB2_9:
0x9d: {  	s18 =	sadd.s32 $0x400, s18  }
0x9e: {  	p1 =	seq.s32 s18, $0x9C00  }
.Ltmp4:
0x9f: {  	_ = 	snop;
	(pc) =	sbr.rel @p1 .LBB2_11-.Ltmp4, $2  }
0xa0: {  	_ =	sdelay $0x2  }
0xa1: {  	s19 =	sadd.s32 $0x1, s19  }
.LBB2_4:
0xa2: {  	s20 =	sand.u32 $0x1, s19  }
0xa3: {  	p1 =	seq.s32 s20, $0x1  }
.Ltmp5:
0xa4: {  	_ = 	snop;
	(pc) =	sbr.rel @p1 .LBB2_7-.Ltmp5, $1  }
0xa5: {  	_ =	sdelay $0x3  }
0xa6: {  	_ =	swait.ge [sflag:s25], $0x4000  }
0xa7: {  	[sflag:s25] =	ssyncset.done $0x0  }
0xa8: {  	p1 =	seq.s32 s18, $0x9800;
	[sflag:s25] =	ssyncadd.s32 $0xFFFFC000  }
0xa9: {  	[spmem:s2] =	stream.indirect.scatter.add.f32 [tilespmem:s24], [sflag:$0x3], $0x80, s28, s29, $0xb8;
	[tilespmem:$0x1C400] =	vst v63  }
.Ltmp6:
0xaa: {  	_ = 	snop;
	(pc) =	sbr.rel @p1 .LBB2_10-.Ltmp6, $4  }
0xab: {  	_ =	swait.ge [sflag:s1], $0x4000  }
0xac: {  	[sflag:s1] =	ssyncset.done $0x0  }
0xad: {  	[sflag:s1] =	ssyncadd.s32 $0xFFFFC000  }
0xae: {  	[spmem:s2] =	stream.indirect.scatter.add.f32 [tilespmem:s31], [sflag:$0x4], $0x80, s30, s29, $0xb8;
	[tilespmem:$0x1C400] =	vst v63  }
0xaf: {  	s21 =	sadd.s32 s18, s23  }
0xb0: {  	s6 =	sadd.s32 $0x400, s21  }
0xb1: {  	[tilespmem:s15], [sflag:$0x5] =	stream.linear.gather [hbm4b:s6+s3], $0x80, $0x38;
	[tilespmem:$0x1C400] =	vst v63  }
0xb2: {  	s6 =	sadd.s32 s18, s22  }
0xb3: {  	s7 =	sadd.s32 $0x400, s6  }
0xb4: {  	[tilespmem:s0], [sflag:$0x5] =	stream.linear.gather [hbm4b:s7+s3], $0x80, $0x38;
	[tilespmem:$0x1C400] =	vst v63  }
0xb5: {  	s21 =	sadd.s32 $0x600, s21  }
0xb6: {  	[tilespmem:s16], [sflag:$0x6] =	stream.linear.gather [hbm4b:s21+s3], $0x80, $0x38;
	[tilespmem:$0x1C400] =	vst v63  }
0xb7: {  	s6 =	sadd.s32 $0x600, s6  }
0xb8: {  	[tilespmem:s10], [sflag:$0x6] =	stream.linear.gather [hbm4b:s6+s3], $0x80, $0x38;
	[tilespmem:$0x1C400] =	vst v63  }
0xb9: {  	_ =	swait.ge [sflag:s11], $0x4000  }
0xba: {  	[sflag:s11] =	ssyncset.done $0x0  }
0xbb: {  	[sflag:s11] =	ssyncadd.s32 $0xFFFFC000  }
0xbc: {  	_ =	swait.ge [sflag:s12], $0x80  }
0xbd: {  	[sflag:s12] =	ssyncset.done $0x0  }
0xbe: {  	[sflag:s12] =	ssyncadd.s32 $0xFFFFFF80  }
0xbf: {  	_ =	swait.ge [sflag:s12], $0x80  }
0xc0: {  	[sflag:s12] =	ssyncset.done $0x0  }
0xc1: {  	[sflag:s12] =	ssyncadd.s32 $0xFFFFFF80  }
0xc2: {  	[tilespmem:s24], [sflag:$0x1] =	stream.indirect.gather [hbm4b:s4+s29], $0x80, s15, s29, $0xb8;
	[tilespmem:$0x1C400] =	vst v63  }
0xc3: {  	_ =	swait.ge [sflag:s13], $0x4000  }
0xc4: {  	[sflag:s13] =	ssyncset.done $0x0  }
0xc5: {  	[sflag:s13] =	ssyncadd.s32 $0xFFFFC000  }
0xc6: {  	_ =	swait.ge [sflag:s14], $0x80  }
0xc7: {  	p1 =	seq.s32 s20, $0x0;
	[sflag:s14] =	ssyncset.done $0x0  }
.Ltmp7:
0xc8: {  	[sflag:s14] =	ssyncadd.s32 $0xFFFFFF80;
	(pc) =	sbr.rel @p1 .LBB2_9-.Ltmp7, $4  }
0xc9: {  	_ =	swait.ge [sflag:s14], $0x80  }
0xca: {  	[sflag:s14] =	ssyncset.done $0x0  }
0xcb: {  	[sflag:s14] =	ssyncadd.s32 $0xFFFFFF80  }
0xcc: {  	[tilespmem:s31], [sflag:$0x2] =	stream.indirect.gather [hbm4b:s4+s29], $0x80, s16, s29, $0xb8;
	[tilespmem:$0x1C400] =	vst v63  }
.LBB2_7:
0xcd: {  	_ =	swait.ge [sflag:s25], $0x4000  }
0xce: {  	[sflag:s25] =	ssyncset.done $0x0  }
0xcf: {  	p1 =	seq.s32 s18, $0x9800;
	[sflag:s25] =	ssyncadd.s32 $0xFFFFC000  }
0xd0: {  	[spmem:s2] =	stream.indirect.scatter.add.f32 [tilespmem:s24], [sflag:$0x3], $0x80, s0, s29, $0xb8;
	[tilespmem:$0x1C400] =	vst v63  }
.Ltmp8:
0xd1: {  	_ = 	snop;
	(pc) =	sbr.rel @p1 .LBB2_10-.Ltmp8, $4  }
0xd2: {  	_ =	swait.ge [sflag:s1], $0x4000  }
0xd3: {  	[sflag:s1] =	ssyncset.done $0x0  }
0xd4: {  	[sflag:s1] =	ssyncadd.s32 $0xFFFFC000  }
0xd5: {  	[spmem:s2] =	stream.indirect.scatter.add.f32 [tilespmem:s31], [sflag:$0x4], $0x80, s10, s29, $0xb8;
	[tilespmem:$0x1C400] =	vst v63  }
0xd6: {  	s6 =	sadd.s32 s18, s23  }
0xd7: {  	s21 =	sadd.s32 s18, s22;
	s7 =	sadd.s32 $0x400, s6  }
0xd8: {  	[tilespmem:s3], [sflag:$0x5] =	stream.linear.gather [hbm4b:s7+s3], $0x80, $0x38;
	[tilespmem:$0x1C400] =	vst v63  }
0xd9: {  	s20 =	sadd.s32 $0x400, s21  }
0xda: {  	[tilespmem:s28], [sflag:$0x5] =	stream.linear.gather [hbm4b:s20+s3], $0x80, $0x38;
	[tilespmem:$0x1C400] =	vst v63  }
0xdb: {  	s6 =	sadd.s32 $0x600, s6  }
0xdc: {  	[tilespmem:s29], [sflag:$0x6] =	stream.linear.gather [hbm4b:s6+s3], $0x80, $0x38;
	[tilespmem:$0x1C400] =	vst v63  }
0xdd: {  	s21 =	sadd.s32 $0x600, s21  }
0xde: {  	[tilespmem:s30], [sflag:$0x6] =	stream.linear.gather [hbm4b:s21+s3], $0x80, $0x38;
	[tilespmem:$0x1C400] =	vst v63  }
0xdf: {  	_ =	swait.ge [sflag:s11], $0x4000  }
0xe0: {  	[sflag:s11] =	ssyncset.done $0x0  }
0xe1: {  	[sflag:s11] =	ssyncadd.s32 $0xFFFFC000  }
0xe2: {  	_ =	swait.ge [sflag:s12], $0x80  }
0xe3: {  	[sflag:s12] =	ssyncset.done $0x0  }
0xe4: {  	[sflag:s12] =	ssyncadd.s32 $0xFFFFFF80  }
0xe5: {  	_ =	swait.ge [sflag:s12], $0x80  }
0xe6: {  	[sflag:s12] =	ssyncset.done $0x0  }
0xe7: {  	[sflag:s12] =	ssyncadd.s32 $0xFFFFFF80  }
0xe8: {  	[tilespmem:s24], [sflag:$0x1] =	stream.indirect.gather [hbm4b:s4+s29], $0x80, s3, s29, $0xb8;
	[tilespmem:$0x1C400] =	vst v63  }
0xe9: {  	_ =	swait.ge [sflag:s13], $0x4000  }
0xea: {  	[sflag:s13] =	ssyncset.done $0x0  }
0xeb: {  	[sflag:s13] =	ssyncadd.s32 $0xFFFFC000  }
0xec: {  	_ =	swait.ge [sflag:s14], $0x80  }
0xed: {  	[sflag:s14] =	ssyncset.done $0x0  }
.Ltmp9:
0xee: {  	[sflag:s14] =	ssyncadd.s32 $0xFFFFFF80;
	(pc) =	sbr.rel .LBB2_9-.Ltmp9, $4  }
0xef: {  	_ =	swait.ge [sflag:s14], $0x80  }
0xf0: {  	[sflag:s14] =	ssyncset.done $0x0  }
0xf1: {  	[sflag:s14] =	ssyncadd.s32 $0xFFFFFF80  }
0xf2: {  	[tilespmem:s31], [sflag:$0x2] =	stream.indirect.gather [hbm4b:s4+s29], $0x80, s29, s29, $0xb8;
	[tilespmem:$0x1C400] =	vst v63  }
.LBB2_12:
0xf3: {  	_ =	sfence.sel $0x180000  }
0xf4: {  	[bflag:$0x0] =	sbarrier.arrive $0xFFFF  }
0xf5: {  	_ =	strace $0x9000004D  }
0xf6: {  	s0 =	stileid.u32;
	[bflag:$0x2] =	sbarrier.arrive $0xFFFF  }
0xf7: {  	p0 =	sne.s32 s0, $0x0;
	s0 =	rddreg [dreg:$0x2]  }
0xf8: {  	s0 =	sadd.s32 @!p0 $0x100000, s0  }
0xf9: {  	[sflag:s0] =	ssyncadd.tile.s32 @!p0 $0x1;
	_ =	shalt  }
.Lfunc_end2:
_tile_overlayer_lowered:
.L_overlay_start_2:
0xfa: {  	(tag) =	ssettag $0x2  }
0xfb: {  	s0 =	rddreg [dreg:$0x0];
	s2 =	stileid.u32  }
0xfc: {  	s1 =	rddreg [dreg:$0x1];
	p0 =	sne.s32 s2, $0x0  }
0xfd: {  	s3 =	rddreg [dreg:$0x2];
	[bflag:$0x3] =	sbarrier.arrive $0xFFFF;
	s2 =	simm.s32 @!p0 $0x1C07  }
0xfe: {  	[timem:s3], [sflag:s2] =	dma.local @!p0 [hbm:s0], s1  }
0xff: {  	s0 =	simm.s32 @!p0 $0x7  }
0x100: {  	_ =	swait.ge @!p0 [sflag:s0], s1  }
0x101: {  	s1 =	ssub.s32 @!p0 $0x0, s1;
	[sflag:s0] =	ssyncset.done @!p0 $0x0  }
0x102: {  	[sflag:s0] =	ssyncadd.s32 @!p0 s1  }
0x103: {  	[bflag:$0x3] =	sbarrier.arrive $0xFFFF  }
0x104: {  	_ =	shalt  }

// kernel: kernel.19.cloned.1.call-start
scs
__scs_entry_jumppad:
0x0: {  	(pc) =	sbr.rel $0x88, $3  }
0x1: {  	(tag) =	ssettag $0x0;
	lr =	simm.s32 $0x1  }
0x2: {  	[smem:$0x3F8E] =	sst lr;
	_ =	strace $0xD0000000  }
0x3: {  	_ = 	snop  }
0x4: {  	_ = 	snop  }
0x5: {  	_ = 	snop  }
0x6: {  	_ = 	snop  }
0x7: {  	_ = 	snop  }
__scs_overlays_trampoline_lowered:
0x8: {  	[smem:$0x3F9D] =	sst s0  }
0x9: {  	[smem:$0x3F9E] =	sst s1  }
0xa: {  	[smem:$0x3F9F] =	sst s2  }
0xb: {  	[smem:$0x3FA0] =	sst s3  }
0xc: {  	[smem:$0x3FA1] =	sst s4  }
0xd: {  	[smem:$0x3FA2] =	sst s5  }
0xe: {  	[smem:$0x3FA3] =	sst s6  }
0xf: {  	[smem:$0x3FA4] =	sst s7  }
0x10: {  	[smem:$0x3FA5] =	sst s8  }
0x11: {  	[smem:$0x3FA6] =	sst s9;
	s0 =	simm.s32 @!p0 $0x0  }
0x12: {  	s1 =	sld [smem:$0x3F8C];
	s0 =	simm.s32 @p0 $0x1  }
0x13: {  	[smem:$0x3FA7] =	sst s0;
	s0 =	simm.s32 @!p1 $0x0  }
0x14: {  	s2 =	sld [smem:$0x3F8B];
	s0 =	simm.s32 @p1 $0x1  }
0x15: {  	[smem:$0x3FA8] =	sst s0;
	s0 =	simm.s32 @!p2 $0x0  }
0x16: {  	s3 =	sld [smem:$0x3FDB];
	s0 =	simm.s32 @p2 $0x1  }
0x17: {  	s4 =	simm.s32 $0x1BF5;
	[smem:$0x3FAA] =	sst s0  }
0x18: {  	s0 =	sld [smem:$0x3F8D];
	_ =	swait.ge [sflag:s4], $0x0  }
0x19: {  	s7 =	sld [smem:$0x3F8E]  }
0x1a: {  	s8 =	sadd.s32 $0xFFFFE003, lr  }
0x1b: {  	s9 =	sadd.s32 $0xFFFFFEF7, lr;
	s5 =	simm.s32 $0xFFFFFFFF;
	p2 =	slt.u32 s8, $0xFFFFF086  }
0x1c: {  	p1 =	slt.u32 s9, $0xF7A;
	s5 =	simm.s32 @!p2 $0x0  }
0x1d: {  	s5 =	simm.s32 @p1 $0x1;
	p0 =	seq.s32 s7, s2  }
0x1e: {  	s7 =	smul.u32 @!p0 $0xF7A, s2;
	p2 =	seq.s32 @!p0 s5, $0x0  }
0x1f: {  	s9 =	smul.u32 $0xF7A, s1;
	s8 =	simm.s32 @!p0 $0x1BF5;
	p2 =	por !p2, p0  }
0x20: {  	[sflag:s8] =	ssyncset.s32 @!p0 $0xFFFFF086;
	s6 =	sadd.s32 @!p0 s3, s7;
	s7 =	simm.s32 @!p0 $0x108  }
0x21: {  	s3 =	sadd.s32 s3, s9;
	s6 =	sadd.s32 @!p0 $0x88, s6;
	s7 =	simm.s32 @p2 $0x1082  }
0x22: {  	[simem:s7], [sflag:s8] =	dma.local @!p0 [hbm:s6], $0xF7A  }
0x23: {  	s9 =	sor.u32 $0xD0000000, s2;
	s6 =	simm.s32 $0x108;
	_ =	swait.ge @!p0 [sflag:s8], $0x0  }
0x24: {  	s3 =	sadd.s32 $0x88, s3;
	s6 =	simm.s32 @!p1 $0x1082;
	[sflag:s4] =	ssyncset.s32 $0xFFFFF086  }
0x25: {  	[simem:s6], [sflag:s4] =	dma.local [hbm:s3], $0xF7A  }
0x26: {  	[smem:$0x3F8E] =	sst s1;
	(tag) =	ssettag s2;
	_ =	strace s9  }
0x27: {  	s1 =	sld [smem:$0x3F9E]  }
0x28: {  	s2 =	sld [smem:$0x3F9F]  }
0x29: {  	s4 =	sld [smem:$0x3FA1]  }
0x2a: {  	p0 =	seq.s32 s5, $0x0;
	s5 =	sld [smem:$0x3FA2]  }
0x2b: {  	s6 =	sld [smem:$0x3FA3]  }
0x2c: {  	s7 =	sld [smem:$0x3FA4]  }
0x2d: {  	s3 =	simm.s32 $0x108;
	s8 =	sld [smem:$0x3FA5]  }
0x2e: {  	s3 =	simm.s32 @!p0 $0x1082;
	s9 =	sld [smem:$0x3FA6]  }
0x2f: {  	lr =	sadd.s32 s0, s3;
	s0 =	sld [smem:$0x3F9D]  }
0x30: {  	s3 =	sld [smem:$0x3FA0]  }
0x31: {  	[smem:$0x3FA9] =	sst s10  }
0x32: {  	s10 =	sld [smem:$0x3FA7];
	_ =	sdelay $0x3  }
0x33: {  	p0 =	seq.s32 s10, $0x1;
	s10 =	sld [smem:$0x3FA9];
	_ =	sdelay $0x3  }
0x34: {  	[smem:$0x3FA9] =	sst s10  }
0x35: {  	s10 =	sld [smem:$0x3FA8];
	_ =	sdelay $0x3  }
0x36: {  	p1 =	seq.s32 s10, $0x1;
	s10 =	sld [smem:$0x3FA9];
	_ =	sdelay $0x3  }
0x37: {  	[smem:$0x3FA9] =	sst s10  }
0x38: {  	s10 =	sld [smem:$0x3FAA]  }
0x39: {  	_ = 	snop;
	(pc) =	sbr.ind lr, $3  }
0x3a: {  	_ = 	snop  }
0x3b: {  	_ = 	snop  }
0x3c: {  	p2 =	seq.s32 s10, $0x1;
	s10 =	sld [smem:$0x3FA9]  }
0x3d: {  	_ =	shalt  }
0x3e: {  	_ =	shalt  }
0x3f: {  	_ =	shalt  }
0x40: {  	_ =	shalt  }
0x41: {  	_ =	shalt  }
0x42: {  	_ =	shalt  }
0x43: {  	_ =	shalt  }
0x44: {  	_ =	shalt  }
0x45: {  	_ =	shalt  }
0x46: {  	_ =	shalt  }
0x47: {  	_ =	shalt  }
0x48: {  	_ =	shalt  }
0x49: {  	_ =	shalt  }
0x4a: {  	_ =	shalt  }
0x4b: {  	_ =	shalt  }
0x4c: {  	_ =	shalt  }
0x4d: {  	_ =	shalt  }
0x4e: {  	_ =	shalt  }
0x4f: {  	_ =	shalt  }
0x50: {  	_ =	shalt  }
0x51: {  	_ =	shalt  }
0x52: {  	_ =	shalt  }
0x53: {  	_ =	shalt  }
0x54: {  	_ =	shalt  }
0x55: {  	_ =	shalt  }
0x56: {  	_ =	shalt  }
0x57: {  	_ =	shalt  }
0x58: {  	_ =	shalt  }
0x59: {  	_ =	shalt  }
0x5a: {  	_ =	shalt  }
0x5b: {  	_ =	shalt  }
0x5c: {  	_ =	shalt  }
0x5d: {  	_ =	shalt  }
0x5e: {  	_ =	shalt  }
0x5f: {  	_ =	shalt  }
0x60: {  	_ =	shalt  }
0x61: {  	_ =	shalt  }
0x62: {  	_ =	shalt  }
0x63: {  	_ =	shalt  }
0x64: {  	_ =	shalt  }
0x65: {  	_ =	shalt  }
0x66: {  	_ =	shalt  }
0x67: {  	_ =	shalt  }
0x68: {  	_ =	shalt  }
0x69: {  	_ =	shalt  }
0x6a: {  	_ =	shalt  }
0x6b: {  	_ =	shalt  }
0x6c: {  	_ =	shalt  }
0x6d: {  	_ =	shalt  }
0x6e: {  	_ =	shalt  }
0x6f: {  	_ =	shalt  }
0x70: {  	_ =	shalt  }
0x71: {  	_ =	shalt  }
0x72: {  	_ =	shalt  }
0x73: {  	_ =	shalt  }
0x74: {  	_ =	shalt  }
0x75: {  	_ =	shalt  }
0x76: {  	_ =	shalt  }
0x77: {  	_ =	shalt  }
0x78: {  	_ =	shalt  }
0x79: {  	_ =	shalt  }
0x7a: {  	_ =	shalt  }
0x7b: {  	_ =	shalt  }
0x7c: {  	_ =	shalt  }
0x7d: {  	_ =	shalt  }
0x7e: {  	_ =	shalt  }
0x7f: {  	_ =	shalt  }
0x80: {  	_ =	shalt  }
0x81: {  	_ =	shalt  }
0x82: {  	_ =	shalt  }
0x83: {  	_ =	shalt  }
0x84: {  	_ =	shalt  }
0x85: {  	_ =	shalt  }
0x86: {  	_ =	shalt  }
0x87: {  	_ =	shalt  }
.Lfunc_end0:
.L_simem_size_0:
called_computation.3_lowered:
.L_overlay_start_0:
0x88: {  	s2 =	sld [smem:$0x3FD9]  }
0x89: {  	s3 =	sld [smem:$0x3FFE];
	_ =	sdelay $0x1  }
0x8a: {  	s1 =	srdreg.scid  }
0x8b: {  	s0 =	sand.u32 $0x1, s1  }
0x8c: {  	s16 =	sshll.u32 s0, $0xA;
	s2 =	sadd.s32 s3, s2  }
0x8d: {  	s2 =	sadd.s32 s2, s16  }
0x8e: {  	[smem:$0x3FB5] =	sst s2  }
0x8f: {  	_ = 	snop  }
0x90: {  	(tm) =	ssettm $0x1  }
0x91: {  	s17 =	sld [smem:$0x3FFB];
	_ =	sdelay $0x3  }
0x92: {  	_ =	strace s17  }
0x93: {  	s2 =	sld [smem:$0x3FFC];
	_ =	sdelay $0x3  }
0x94: {  	_ =	strace s2  }
0x95: {  	s2 =	sld [smem:$0x3FFD];
	_ =	sdelay $0x3  }
0x96: {  	_ =	strace s2  }
0x97: {  	_ =	strace $0x8FFFFFFF  }
0x98: {  	s18 =	sld [smem:$0x3FDB];
	_ =	sdelay $0x1  }
0x99: {  	s19 =	simm.s32 $_scs_section_size  }
0x9a: {  	s4 =	simm.s32 $_size__tile_overlayer_lowered;
	s5 =	simm.s32 $_tile_overlayer_lowered  }
0x9b: {  	s22 =	simm.s32 $0x1BFF;
	s21 =	sshll.u32 s5, $0x1;
	s2 =	sadd.s32 s19, s18  }
0x9c: {  	s6 =	simm.s32 $0x0;
	s20 =	sshll.u32 s4, $0x1;
	s4 =	sadd.s32 s21, s2  }
0x9d: {  	[timem:s6], [sflag:s22] =	dma.local [hbm:s4], s20  }
0x9e: {  	_ =	swait.ge [sflag:s22], s20  }
0x9f: {  	s3 =	ssub.s32 $0x0, s20;
	[sflag:s22] =	ssyncset.done $0x0  }
0xa0: {  	[sflag:s22] =	ssyncadd.s32 s3;
	_ =	sdelay $0x1  }
0xa1: {  	s23 =	simm.s32 $0x1B8B  }
0xa2: {  	_ =	swait.ge [sflag:s23], $0x1  }
0xa3: {  	[sflag:s23] =	ssyncset.done $0x0  }
0xa4: {  	s25 =	simm.s32 $0x1B8E;
	s24 =	sld [smem:$0x3FFE];
	[sflag:s23] =	ssyncadd.s32 $0xFFFFFFFF  }
0xa5: {  	s26 =	simm.s32 $execute0_lowered;
	[smem:$0x3FD2] =	sst s25  }
0xa6: {  	s4 =	sshll.u32 s26, $0x1;
	_ =	strace $0x8000004F;
	[dreg:$0x1] =	wrdreg $0xFFFFFFFF  }
0xa7: {  	s28 =	simm.s32 $_size_execute0_lowered;
	s2 =	sadd.s32 s2, s4;
	[dreg:$0x0] =	wrdreg $0x0  }
0xa8: {  	s4 =	sshll.u32 s28, $0x1;
	[dreg:$0x2] =	wrdreg s2  }
0xa9: {  	[dreg:$0x3] =	wrdreg s4  }
0xaa: {  	[dreg:$0x4] =	wrdreg $0xC0  }
0xab: {  	_ =	task [dreg:s6], $0x5FFFF  }
0xac: {  	[dreg:$0x1] =	wrdreg $0xFFFFFFFF  }
0xad: {  	[dreg:$0x0] =	wrdreg $0x60  }
0xae: {  	[dreg:$0x2] =	wrdreg s24  }
0xaf: {  	[dreg:$0x3] =	wrdreg $0x9  }
0xb0: {  	_ =	task.clear_ibuf [dreg:s6], $0x4FFFF;
	_ =	strace $0x9000004F  }
0xb1: {  	s29 =	simm.s32 $0x9;
	_ =	strace $0x80000051  }
0xb2: {  	_ =	swait.ge [sflag:s29], $0x1  }
0xb3: {  	[sflag:s29] =	ssyncadd.s32 $0xFFFFFFFF  }
0xb4: {  	_ =	strace $0x90000051  }
0xb5: {  	_ =	sfence  }
0xb6: {  	s30 =	sld [smem:$0x0];
	_ =	sdelay $0x2  }
0xb7: {  	s31 =	sshll.u32 s1, $0xD;
	s1 =	sshrl.u32 s1, $0x2  }
0xb8: {  	s3 =	sand.u32 $0x4000, s31;
	s1 =	sadd.s32 s1, s30  }
0xb9: {  	s0 =	sor.u32 s3, s0;
	s1 =	sshll.u32 s1, $0x11  }
0xba: {  	s0 =	sor.u32 s1, s0  }
0xbb: {  	s0 =	sadd.s32 $0x8F2B, s0  }
0xbc: {  	[sflag:s0] =	ssyncadd.remote.s32 $0x1  }
0xbd: {  	_ =	sfence.sel $0xFFFF  }
0xbe: {  	[dreg:$0x0] =	wrdreg $0xFFFFFFFF;
	(pc) =	sbr.abs _section_cstart, $3  }
0xbf: {  	[dreg:$0x1] =	wrdreg $0xFFFFFFFF  }
0xc0: {  	_ =	task.clear_ibuf [dreg:s6], $0x2FFFF;
	_ =	strace $0x9FFFFFFF  }
0xc1: {  	(tm) =	ssettm $0x7FFFFFFF  }
tec
execute0_lowered:
.L_overlay_start_1:
0x0: {  	(tag) =	ssettag $0x1  }
0x1: {  	s4 =	rddreg [dreg:$0x0]  }
0x2: {  	s0 =	rddreg [dreg:$0x1]  }
0x3: {  	s2 =	simm.s32 $0x0;
	s3 =	srdreg.scid;
	s1 =	stileid.u32  }
0x4: {  	s10 =	simm.s32 $0x100;
	s11 =	simm.s32 $0x80;
	s12 =	simm.s32 $0x200  }
0x5: {  	s13 =	simm.s32 $0x8200;
	s14 =	simm.s32 $0x180;
	s15 =	simm.s32 $0x4200  }
0x6: {  	s16 =	simm.s32 $0xC200;
	s17 =	simm.s32 $0x1;
	s18 =	simm.s32 $0x2  }
0x7: {  	s19 =	simm.s32 $0x3;
	s20 =	simm.s32 $0x4;
	s21 =	simm.s32 $0x0  }
0x8: {  	[smem:$0x7FF] =	sst s2;
	s5 =	sand.u32 $0x1, s3;
	s3 =	sadd.s32 $0x4C00, s4  }
0x9: {  	s6 =	sshll.u32 s1, $0x8;
	s28 =	sshll.u32 s1, $0xF;
	_ =	strace $0x80000050  }
0xa: {  	s7 =	ssub.s32 $0x2, s5;
	s8 =	sadd.s32 s6, s4;
	s6 =	sadd.s32 s28, s4  }
0xb: {  	s30 =	sshll.u32 s5, $0xE;
	s31 =	sshll.u32 s5, $0x7;
	s9 =	sshrl.u32 s7, $0x1  }
0xc: {  	s6 =	sadd.s32 s30, s6;
	s8 =	sadd.s32 s31, s8;
	s29 =	ssub.s32 s7, s9  }
0xd: {  	s5 =	sadd.s32 $0xC1A00, s6;
	s6 =	sadd.s32 $0x41A00, s6;
	s7 =	sadd.s32 $0x3FA10, s8  }
0xe: {  	s8 =	sadd.s32 $0x40A10, s8;
	s9 =	simm.s32 $0x5;
	s4 =	smax.u32 s29, $0x1  }
.LBB2_1:
0xf: {  	p0 =	por $0x1, $0x1  }
0x10: {  	s22 =	simm.s32 @!p0 $0x3  }
0x11: {  	_ =	swait.ge @!p0 [sflag:s22], $0x4000  }
0x12: {  	[sflag:s22] =	ssyncset.done @!p0 $0x0  }
0x13: {  	[sflag:s22] =	ssyncadd.s32 @!p0 $0xFFFFC000  }
0x14: {  	_ =	swait.ge @!p0 [sflag:s22], $0x4000  }
0x15: {  	[sflag:s22] =	ssyncset.done @!p0 $0x0  }
0x16: {  	s29 =	sadd.s32 $0xFFFFFFF0, s8;
	[sflag:s22] =	ssyncadd.s32 @!p0 $0xFFFFC000  }
0x17: {  	[tilespmem:s2], [sflag:$0x5] =	stream.linear.gather [hbm4b:s29+s2], $0x80, $0x38;
	[tilespmem:$0x10200] =	vst v63  }
0x18: {  	_ =	swait.ge [sflag:s9], $0x80  }
0x19: {  	[sflag:s9] =	ssyncset.done $0x0  }
0x1a: {  	s30 =	sadd.s32 $0xFFFFFFF0, s7;
	[sflag:s9] =	ssyncadd.s32 $0xFFFFFF80  }
0x1b: {  	[tilespmem:s10], [sflag:$0x5] =	stream.linear.gather [hbm4b:s30+s2], $0x80, $0x38;
	[tilespmem:$0x10200] =	vst v63  }
0x1c: {  	_ =	swait.ge [sflag:s9], $0x80  }
0x1d: {  	[sflag:s9] =	ssyncset.done $0x0  }
0x1e: {  	[sflag:s9] =	ssyncadd.s32 $0xFFFFFF80  }
0x1f: {  	[tilespmem:s12], [sflag:$0x1] =	stream.indirect.gather [hbm4b:s3+s11], $0x80, s2, s11, $0xb8;
	[tilespmem:$0x10200] =	vst v63  }
0x20: {  	s22 =	simm.s32 @!p0 $0x4  }
0x21: {  	[tilespmem:s13], [sflag:$0x1] =	stream.indirect.gather [hbm4b:s3+s11], $0x80, s10, s11, $0xb8;
	[tilespmem:$0x10200] =	vst v63  }
0x22: {  	_ =	swait.ge @!p0 [sflag:s22], $0x4000  }
0x23: {  	[sflag:s22] =	ssyncset.done @!p0 $0x0  }
0x24: {  	[sflag:s22] =	ssyncadd.s32 @!p0 $0xFFFFC000  }
0x25: {  	_ =	swait.ge @!p0 [sflag:s22], $0x4000  }
0x26: {  	[sflag:s22] =	ssyncset.done @!p0 $0x0  }
0x27: {  	[sflag:s22] =	ssyncadd.s32 @!p0 $0xFFFFC000  }
0x28: {  	[tilespmem:s11], [sflag:$0x5] =	stream.linear.gather [hbm4b:s8+s2], $0x80, $0x38;
	[tilespmem:$0x10200] =	vst v63  }
0x29: {  	_ =	swait.ge [sflag:s9], $0x80  }
0x2a: {  	[sflag:s9] =	ssyncset.done $0x0  }
0x2b: {  	[sflag:s9] =	ssyncadd.s32 $0xFFFFFF80  }
0x2c: {  	[tilespmem:s14], [sflag:$0x5] =	stream.linear.gather [hbm4b:s7+s2], $0x80, $0x38;
	[tilespmem:$0x10200] =	vst v63  }
0x2d: {  	_ =	swait.ge [sflag:s9], $0x80  }
0x2e: {  	[sflag:s9] =	ssyncset.done $0x0  }
0x2f: {  	[sflag:s9] =	ssyncadd.s32 $0xFFFFFF80  }
0x30: {  	[tilespmem:s15], [sflag:$0x2] =	stream.indirect.gather [hbm4b:s3+s11], $0x80, s11, s11, $0xb8;
	[tilespmem:$0x10200] =	vst v63  }
0x31: {  	_ = 	snop  }
0x32: {  	[tilespmem:s16], [sflag:$0x2] =	stream.indirect.gather [hbm4b:s3+s11], $0x80, s14, s11, $0xb8;
	[tilespmem:$0x10200] =	vst v63  }
0x33: {  	_ =	swait.ge [sflag:s17], $0x4000  }
0x34: {  	[sflag:s17] =	ssyncset.done $0x0  }
0x35: {  	[sflag:s17] =	ssyncadd.s32 $0xFFFFC000  }
0x36: {  	_ =	swait.ge [sflag:s17], $0x4000  }
0x37: {  	[sflag:s17] =	ssyncset.done $0x0  }
0x38: {  	s31 =	sadd.s32 $0x0, s6;
	[sflag:s17] =	ssyncadd.s32 $0xFFFFC000  }
0x39: {  	[hbm4b:s31+s2] =	stream.linear.scatter [tilespmem:s12], [sflag:$0x3], $0x4000, $0x38;
	[tilespmem:$0x10200] =	vst v63  }
0x3a: {  	s23 =	sadd.s32 $0x0, s5  }
0x3b: {  	[hbm4b:s23+s2] =	stream.linear.scatter [tilespmem:s13], [sflag:$0x3], $0x4000, $0x38;
	[tilespmem:$0x10200] =	vst v63  }
0x3c: {  	_ =	swait.ge [sflag:s18], $0x4000  }
0x3d: {  	[sflag:s18] =	ssyncset.done $0x0  }
0x3e: {  	[sflag:s18] =	ssyncadd.s32 $0xFFFFC000  }
0x3f: {  	_ =	swait.ge [sflag:s18], $0x4000  }
0x40: {  	s25 =	simm.s32 $0x2000;
	p1 =	por $0x0, $0x0;
	[sflag:s18] =	ssyncset.done $0x0  }
0x41: {  	s24 =	smov.u32 s7;
	s22 =	sadd.s32 $0x800, s31;
	[sflag:s18] =	ssyncadd.s32 $0xFFFFC000  }
0x42: {  	[hbm4b:s22+s2] =	stream.linear.scatter [tilespmem:s15], [sflag:$0x4], $0x4000, $0x38;
	[tilespmem:$0x10200] =	vst v63  }
0x43: {  	s28 =	sadd.s32 $0x800, s23;
	s23 =	sadd.s32 $0x20, s8;
	s22 =	simm.s32 $0x1000  }
.LBB2_2:
0x44: {  	s29 =	simm.s32 @!p1 $0x3  }
0x45: {  	s24 =	sadd.s32 $0x20, s24;
	s26 =	smov.u32 s25;
	s25 =	sadd.s32 $0x1000, s25  }
0x46: {  	[hbm4b:s28+s2] =	stream.linear.scatter [tilespmem:s16], [sflag:$0x4], $0x4000, $0x38;
	[tilespmem:$0x10200] =	vst v63  }
0x47: {  	p0 =	sne.s32 s25, $0x4000;
	_ =	swait.ge @!p1 [sflag:s29], $0x4000  }
0x48: {  	[sflag:s29] =	ssyncset.done @!p1 $0x0  }
0x49: {  	[sflag:s29] =	ssyncadd.s32 @!p1 $0xFFFFC000  }
0x4a: {  	_ =	swait.ge @!p1 [sflag:s29], $0x4000  }
0x4b: {  	[sflag:s29] =	ssyncset.done @!p1 $0x0  }
0x4c: {  	s28 =	sadd.s32 $0xFFFFFFF0, s23;
	[sflag:s29] =	ssyncadd.s32 @!p1 $0xFFFFC000  }
0x4d: {  	[tilespmem:s2], [sflag:$0x5] =	stream.linear.gather [hbm4b:s28+s2], $0x80, $0x38;
	[tilespmem:$0x10200] =	vst v63  }
0x4e: {  	_ =	swait.ge [sflag:s9], $0x80  }
0x4f: {  	[sflag:s9] =	ssyncset.done $0x0  }
0x50: {  	s28 =	sadd.s32 $0xFFFFFFF0, s24;
	[sflag:s9] =	ssyncadd.s32 $0xFFFFFF80  }
0x51: {  	[tilespmem:s10], [sflag:$0x5] =	stream.linear.gather [hbm4b:s28+s2], $0x80, $0x38;
	[tilespmem:$0x10200] =	vst v63  }
0x52: {  	_ =	swait.ge [sflag:s9], $0x80  }
0x53: {  	[sflag:s9] =	ssyncset.done $0x0  }
0x54: {  	[sflag:s9] =	ssyncadd.s32 $0xFFFFFF80  }
0x55: {  	[tilespmem:s12], [sflag:$0x1] =	stream.indirect.gather [hbm4b:s3+s11], $0x80, s2, s11, $0xb8;
	[tilespmem:$0x10200] =	vst v63  }
0x56: {  	s28 =	simm.s32 @!p1 $0x4  }
0x57: {  	[tilespmem:s13], [sflag:$0x1] =	stream.indirect.gather [hbm4b:s3+s11], $0x80, s10, s11, $0xb8;
	[tilespmem:$0x10200] =	vst v63  }
0x58: {  	_ =	swait.ge @!p1 [sflag:s28], $0x4000  }
0x59: {  	[sflag:s28] =	ssyncset.done @!p1 $0x0  }
0x5a: {  	[sflag:s28] =	ssyncadd.s32 @!p1 $0xFFFFC000  }
0x5b: {  	_ =	swait.ge @!p1 [sflag:s28], $0x4000  }
0x5c: {  	[sflag:s28] =	ssyncset.done @!p1 $0x0  }
0x5d: {  	[sflag:s28] =	ssyncadd.s32 @!p1 $0xFFFFC000  }
0x5e: {  	[tilespmem:s11], [sflag:$0x5] =	stream.linear.gather [hbm4b:s23+s2], $0x80, $0x38;
	[tilespmem:$0x10200] =	vst v63  }
0x5f: {  	_ =	swait.ge [sflag:s9], $0x80  }
0x60: {  	[sflag:s9] =	ssyncset.done $0x0  }
0x61: {  	[sflag:s9] =	ssyncadd.s32 $0xFFFFFF80  }
0x62: {  	[tilespmem:s14], [sflag:$0x5] =	stream.linear.gather [hbm4b:s24+s2], $0x80, $0x38;
	[tilespmem:$0x10200] =	vst v63  }
0x63: {  	_ =	swait.ge [sflag:s9], $0x80  }
0x64: {  	[sflag:s9] =	ssyncset.done $0x0  }
0x65: {  	[sflag:s9] =	ssyncadd.s32 $0xFFFFFF80  }
0x66: {  	[tilespmem:s15], [sflag:$0x2] =	stream.indirect.gather [hbm4b:s3+s11], $0x80, s11, s11, $0xb8;
	[tilespmem:$0x10200] =	vst v63  }
0x67: {  	_ = 	snop  }
0x68: {  	[tilespmem:s16], [sflag:$0x2] =	stream.indirect.gather [hbm4b:s3+s11], $0x80, s14, s11, $0xb8;
	[tilespmem:$0x10200] =	vst v63  }
0x69: {  	_ =	swait.ge [sflag:s17], $0x4000  }
0x6a: {  	[sflag:s17] =	ssyncset.done $0x0  }
0x6b: {  	[sflag:s17] =	ssyncadd.s32 $0xFFFFC000  }
0x6c: {  	_ =	swait.ge [sflag:s17], $0x4000  }
0x6d: {  	[sflag:s17] =	ssyncset.done $0x0  }
0x6e: {  	s29 =	sadd.s32 s22, s6;
	[sflag:s17] =	ssyncadd.s32 $0xFFFFC000  }
0x6f: {  	[hbm4b:s29+s2] =	stream.linear.scatter [tilespmem:s12], [sflag:$0x3], $0x4000, $0x38;
	[tilespmem:$0x10200] =	vst v63  }
0x70: {  	s28 =	sadd.s32 s22, s5;
	s22 =	smov.u32 s26  }
0x71: {  	[hbm4b:s28+s2] =	stream.linear.scatter [tilespmem:s13], [sflag:$0x3], $0x4000, $0x38;
	[tilespmem:$0x10200] =	vst v63  }
0x72: {  	_ =	swait.ge [sflag:s18], $0x4000  }
0x73: {  	[sflag:s18] =	ssyncset.done $0x0  }
.Ltmp0:
0x74: {  	[sflag:s18] =	ssyncadd.s32 $0xFFFFC000;
	(pc) =	sbr.rel @p0 .LBB2_2-.Ltmp0, $4  }
0x75: {  	_ =	swait.ge [sflag:s18], $0x4000  }
0x76: {  	s23 =	sadd.s32 $0x20, s23;
	s28 =	sadd.s32 $0x800, s28;
	[sflag:s18] =	ssyncset.done $0x0  }
0x77: {  	s26 =	sadd.s32 $0x800, s29;
	p1 =	seq.s32 s22, $0x0;
	[sflag:s18] =	ssyncadd.s32 $0xFFFFC000  }
0x78: {  	[hbm4b:s26+s2] =	stream.linear.scatter [tilespmem:s15], [sflag:$0x4], $0x4000, $0x38;
	[tilespmem:$0x10200] =	vst v63  }
0x79: {  	s25 =	simm.s32 @!p1 $0x3  }
0x7a: {  	[hbm4b:s28+s2] =	stream.linear.scatter [tilespmem:s16], [sflag:$0x4], $0x4000, $0x38;
	[tilespmem:$0x10200] =	vst v63  }
0x7b: {  	_ =	swait.ge @!p1 [sflag:s25], $0x4000  }
0x7c: {  	[sflag:s25] =	ssyncset.done @!p1 $0x0  }
0x7d: {  	[sflag:s25] =	ssyncadd.s32 @!p1 $0xFFFFC000  }
0x7e: {  	_ =	swait.ge @!p1 [sflag:s25], $0x4000  }
0x7f: {  	[sflag:s25] =	ssyncset.done @!p1 $0x0  }
0x80: {  	s28 =	sadd.s32 $0xFFFFFFF0, s23;
	[sflag:s25] =	ssyncadd.s32 @!p1 $0xFFFFC000  }
0x81: {  	[tilespmem:s2], [sflag:$0x5] =	stream.linear.gather [hbm4b:s28+s2], $0x80, $0x38;
	[tilespmem:$0x10200] =	vst v63  }
0x82: {  	_ =	swait.ge [sflag:s9], $0x80  }
0x83: {  	s24 =	sadd.s32 $0x20, s24;
	[sflag:s9] =	ssyncset.done $0x0  }
0x84: {  	s29 =	sadd.s32 $0xFFFFFFF0, s24;
	[sflag:s9] =	ssyncadd.s32 $0xFFFFFF80  }
0x85: {  	[tilespmem:s10], [sflag:$0x5] =	stream.linear.gather [hbm4b:s29+s2], $0x80, $0x38;
	[tilespmem:$0x10200] =	vst v63  }
0x86: {  	_ =	swait.ge [sflag:s9], $0x80  }
0x87: {  	[sflag:s9] =	ssyncset.done $0x0  }
0x88: {  	[sflag:s9] =	ssyncadd.s32 $0xFFFFFF80  }
0x89: {  	[tilespmem:s12], [sflag:$0x1] =	stream.indirect.gather [hbm4b:s3+s11], $0x80, s2, s11, $0xb8;
	[tilespmem:$0x10200] =	vst v63  }
0x8a: {  	s25 =	simm.s32 @!p1 $0x4  }
0x8b: {  	[tilespmem:s13], [sflag:$0x1] =	stream.indirect.gather [hbm4b:s3+s11], $0x80, s10, s11, $0xb8;
	[tilespmem:$0x10200] =	vst v63  }
0x8c: {  	_ =	swait.ge @!p1 [sflag:s25], $0x4000  }
0x8d: {  	[sflag:s25] =	ssyncset.done @!p1 $0x0  }
0x8e: {  	[sflag:s25] =	ssyncadd.s32 @!p1 $0xFFFFC000  }
0x8f: {  	_ =	swait.ge @!p1 [sflag:s25], $0x4000  }
0x90: {  	[sflag:s25] =	ssyncset.done @!p1 $0x0  }
0x91: {  	[sflag:s25] =	ssyncadd.s32 @!p1 $0xFFFFC000  }
0x92: {  	[tilespmem:s11], [sflag:$0x5] =	stream.linear.gather [hbm4b:s23+s2], $0x80, $0x38;
	[tilespmem:$0x10200] =	vst v63  }
0x93: {  	_ =	swait.ge [sflag:s9], $0x80  }
0x94: {  	[sflag:s9] =	ssyncset.done $0x0  }
0x95: {  	[sflag:s9] =	ssyncadd.s32 $0xFFFFFF80  }
0x96: {  	[tilespmem:s14], [sflag:$0x5] =	stream.linear.gather [hbm4b:s24+s2], $0x80, $0x38;
	[tilespmem:$0x10200] =	vst v63  }
0x97: {  	_ =	swait.ge [sflag:s9], $0x80  }
0x98: {  	[sflag:s9] =	ssyncset.done $0x0  }
0x99: {  	[sflag:s9] =	ssyncadd.s32 $0xFFFFFF80  }
0x9a: {  	[tilespmem:s15], [sflag:$0x2] =	stream.indirect.gather [hbm4b:s3+s11], $0x80, s11, s11, $0xb8;
	[tilespmem:$0x10200] =	vst v63  }
0x9b: {  	_ = 	snop  }
0x9c: {  	[tilespmem:s16], [sflag:$0x2] =	stream.indirect.gather [hbm4b:s3+s11], $0x80, s14, s11, $0xb8;
	[tilespmem:$0x10200] =	vst v63  }
0x9d: {  	_ =	swait.ge [sflag:s17], $0x4000  }
0x9e: {  	[sflag:s17] =	ssyncset.done $0x0  }
0x9f: {  	[sflag:s17] =	ssyncadd.s32 $0xFFFFC000  }
0xa0: {  	_ =	swait.ge [sflag:s17], $0x4000  }
0xa1: {  	[sflag:s17] =	ssyncset.done $0x0  }
0xa2: {  	s30 =	sadd.s32 s22, s6;
	[sflag:s17] =	ssyncadd.s32 $0xFFFFC000  }
0xa3: {  	[hbm4b:s30+s2] =	stream.linear.scatter [tilespmem:s12], [sflag:$0x3], $0x4000, $0x38;
	[tilespmem:$0x10200] =	vst v63  }
0xa4: {  	s31 =	sadd.s32 s22, s5  }
0xa5: {  	[hbm4b:s31+s2] =	stream.linear.scatter [tilespmem:s13], [sflag:$0x3], $0x4000, $0x38;
	[tilespmem:$0x10200] =	vst v63  }
0xa6: {  	_ =	swait.ge [sflag:s18], $0x4000  }
0xa7: {  	[sflag:s18] =	ssyncset.done $0x0  }
0xa8: {  	[sflag:s18] =	ssyncadd.s32 $0xFFFFC000  }
0xa9: {  	_ =	swait.ge [sflag:s18], $0x4000  }
0xaa: {  	[sflag:s18] =	ssyncset.done $0x0  }
0xab: {  	s23 =	sadd.s32 $0x800, s30;
	[sflag:s18] =	ssyncadd.s32 $0xFFFFC000  }
0xac: {  	[hbm4b:s23+s2] =	stream.linear.scatter [tilespmem:s15], [sflag:$0x4], $0x4000, $0x38;
	[tilespmem:$0x10200] =	vst v63  }
0xad: {  	s22 =	sadd.s32 $0x800, s31  }
0xae: {  	[hbm4b:s22+s2] =	stream.linear.scatter [tilespmem:s16], [sflag:$0x4], $0x4000, $0x38;
	[tilespmem:$0x10200] =	vst v63  }
0xaf: {  	_ =	swait.ge [sflag:s19], $0x4000  }
0xb0: {  	[sflag:s19] =	ssyncset.done $0x0  }
0xb1: {  	[sflag:s19] =	ssyncadd.s32 $0xFFFFC000  }
0xb2: {  	_ =	swait.ge [sflag:s19], $0x4000  }
0xb3: {  	[sflag:s19] =	ssyncset.done $0x0  }
0xb4: {  	s21 =	sadd.s32 $0x1, s21;
	[sflag:s19] =	ssyncadd.s32 $0xFFFFC000  }
0xb5: {  	p0 =	sne.s32 s21, s4;
	_ =	swait.ge [sflag:s20], $0x4000  }
.Ltmp1:
0xb6: {  	[sflag:s20] =	ssyncset.done $0x0;
	(pc) =	sbr.rel @p0 .LBB2_1-.Ltmp1, $4  }
0xb7: {  	[sflag:s20] =	ssyncadd.s32 $0xFFFFC000  }
0xb8: {  	_ =	swait.ge [sflag:s20], $0x4000  }
0xb9: {  	[sflag:s20] =	ssyncset.done $0x0  }
0xba: {  	[sflag:s20] =	ssyncadd.s32 $0xFFFFC000  }
0xbb: {  	_ =	sfence.sel $0x180000  }
0xbc: {  	[bflag:$0x0] =	sbarrier.arrive $0xFFFF  }
0xbd: {  	p0 =	sne.s32 s1, $0x0;
	_ =	strace $0x90000050  }
0xbe: {  	s0 =	sadd.s32 @!p0 $0x100000, s0;
	[bflag:$0x2] =	sbarrier.arrive $0xFFFF  }
0xbf: {  	[sflag:s0] =	ssyncadd.tile.s32 @!p0 $0x1;
	_ =	shalt  }
.Lfunc_end2:
_tile_overlayer_lowered:
.L_overlay_start_2:
0xc0: {  	(tag) =	ssettag $0x2  }
0xc1: {  	s0 =	rddreg [dreg:$0x0];
	s2 =	stileid.u32  }
0xc2: {  	s1 =	rddreg [dreg:$0x1];
	p0 =	sne.s32 s2, $0x0  }
0xc3: {  	s3 =	rddreg [dreg:$0x2];
	[bflag:$0x3] =	sbarrier.arrive $0xFFFF;
	s2 =	simm.s32 @!p0 $0x1C05  }
0xc4: {  	[timem:s3], [sflag:s2] =	dma.local @!p0 [hbm:s0], s1  }
0xc5: {  	s0 =	simm.s32 @!p0 $0x5  }
0xc6: {  	_ =	swait.ge @!p0 [sflag:s0], s1  }
0xc7: {  	s1 =	ssub.s32 @!p0 $0x0, s1;
	[sflag:s0] =	ssyncset.done @!p0 $0x0  }
0xc8: {  	[sflag:s0] =	ssyncadd.s32 @!p0 s1  }
0xc9: {  	[bflag:$0x3] =	sbarrier.arrive $0xFFFF  }
0xca: {  	_ =	shalt  }

</sc_bundles>
